<compile_context>
chip_gen: v7x
topology: tpu7x:2x2x1
jax: 0.10.2.dev20260603
libtpu: 0.0.44.dev20260713+nightly
codegen_flags: <defaults>
</compile_context>

<pallas_src>
import functools

import jax
import jax.numpy as jnp
from jax import lax
from jax.experimental import pallas as pl
from jax.experimental.pallas import tpu as pltpu
from jax.experimental.pallas import tpu_sc as plsc

_N = 16384
_S = 1024
_K = 16
_C = 256
_EPS = 1e-5
_G = 128
_QB = 128
_RB = 512
_INF = float("inf")
_BIGI = 2**30



def _fps_body(pts_ref, idx_ref, coord_ref):
    px = pts_ref[0]
    py = pts_ref[1]
    pz = pts_ref[2]
    flat = (lax.broadcasted_iota(jnp.int32, (_G, _G), 0) * _G
            + lax.broadcasted_iota(jnp.int32, (_G, _G), 1))
    sub8 = lax.broadcasted_iota(jnp.int32, (8, _G), 0)
    lane8 = lax.broadcasted_iota(jnp.int32, (8, _G), 1)

    def red2(x, red):
        return red(red(x, axis=0, keepdims=True), axis=1, keepdims=True)

    lx = px[0:1, 0:1]
    ly = py[0:1, 0:1]
    lz = pz[0:1, 0:1]
    idx_ref[...] = jnp.zeros((8, _G), jnp.int32)
    c0 = jnp.where(sub8 + lane8 == 0, lx, 0.0)
    c1 = jnp.where(sub8 + lane8 == 0, ly, 0.0)
    c2 = jnp.where(sub8 + lane8 == 0, lz, 0.0)

    flat16 = flat << 16
    def halves(p):
        b = lax.bitcast_convert_type(p, jnp.int32)
        return (flat16 | lax.shift_right_logical(b, 16),
                flat16 | (b & 0xFFFF))
    pxh, pxl = halves(px)
    pyh, pyl = halves(py)
    pzh, pzl = halves(pz)

    def unpack(khi, klo):
        bits = ((khi & 0xFFFF) << 16) | (klo & 0xFFFF)
        return lax.bitcast_convert_type(bits, jnp.float32)

    def body(i, carry):
        dists, lx, ly, lz = carry
        dx = px - lx
        dy = py - ly
        dz = pz - lz
        d = dx * dx + dy * dy + dz * dz
        dists = jnp.minimum(dists, d)
        m = red2(dists, jnp.max)
        sel = dists == m
        kxh = red2(jnp.where(sel, pxh, _BIGI), jnp.min)
        kxl = red2(jnp.where(sel, pxl, _BIGI), jnp.min)
        kyh = red2(jnp.where(sel, pyh, _BIGI), jnp.min)
        kyl = red2(jnp.where(sel, pyl, _BIGI), jnp.min)
        kzh = red2(jnp.where(sel, pzh, _BIGI), jnp.min)
        kzl = red2(jnp.where(sel, pzl, _BIGI), jnp.min)
        idxv = lax.shift_right_logical(kxh, 16)
        nx = unpack(kxh, kxl)
        ny = unpack(kyh, kyl)
        nz = unpack(kzh, kzl)
        sel2 = (sub8 == i // _G) & (lane8 == i % _G)
        idx_ref[...] = jnp.where(sel2, idxv, idx_ref[...])
        coord_ref[0] = jnp.where(sel2, nx, coord_ref[0])
        coord_ref[1] = jnp.where(sel2, ny, coord_ref[1])
        coord_ref[2] = jnp.where(sel2, nz, coord_ref[2])
        return dists, nx, ny, nz

    coord_ref[0] = c0
    coord_ref[1] = c1
    coord_ref[2] = c2
    dists0 = jnp.full((_G, _G), _INF)
    lax.fori_loop(1, _S, body, (dists0, lx, ly, lz))


def _run_fps(pts3):
    return pl.pallas_call(
        _fps_body,
        out_shape=[
            jax.ShapeDtypeStruct((8, _G), jnp.int32),
            jax.ShapeDtypeStruct((3, 8, _G), jnp.float32),
        ],
    )(pts3)



def _topk_body(sq_ref, qb_ref, pts_ref, psq_ref, out_ref, s_ref):
    sq = sq_ref[:, 0:1]
    qb = qb_ref[...]

    def cbody(c, _):
        m = jnp.dot(qb, pts_ref[c], preferred_element_type=jnp.float32)
        s_ref[c] = (sq - 2.0 * m) + psq_ref[c]
        return 0

    lax.fori_loop(0, _N // _G, cbody, 0)

    _U, _A = 8, 4
    lane = lax.broadcasted_iota(jnp.int32, (_QB, _G), 1)
    lv = jnp.full((_QB, 1), -_INF)
    for j in range(_K):
        def fbody(t, st, lv=lv):
            bvs, bcs = list(st[0]), list(st[1])
            for u in range(_U):
                c = t * _U + u
                v = s_ref[c]
                vv = jnp.where(v > lv, v, _INF)
                a = u % _A
                take = vv < bvs[a]
                bvs[a] = jnp.minimum(bvs[a], vv)
                bcs[a] = jnp.where(take, c, bcs[a])
            return tuple(bvs), tuple(bcs)

        bvs, bcs = lax.fori_loop(
            0, _N // _G // _U, fbody,
            (tuple(jnp.full((_QB, _G), _INF) for _ in range(_A)),
             tuple(jnp.zeros((_QB, _G), jnp.int32) for _ in range(_A))))
        bv, bc = bvs[0], bcs[0]
        for a in range(1, _A):
            take = (bvs[a] < bv) | ((bvs[a] == bv) & (bcs[a] < bc))
            bv = jnp.minimum(bv, bvs[a])
            bc = jnp.where(take, bcs[a], bc)
        rv = jnp.min(bv, axis=1, keepdims=True)
        gi = bc * _G + lane
        ri = jnp.min(jnp.where(bv == rv, gi, _BIGI), axis=1, keepdims=True)
        out_ref[:, j:j + 1] = ri
        lv = rv


def _run_topk(sq, qb, ptsb3, psq3):
    return pl.pallas_call(
        _topk_body,
        grid=(_S // _QB,),
        in_specs=[
            pl.BlockSpec((_QB, 1), lambda i: (i, 0)),
            pl.BlockSpec((_QB, 8), lambda i: (i, 0)),
            pl.BlockSpec((_G, 8, _G), lambda i: (0, 0, 0)),
            pl.BlockSpec((_G, 1, _G), lambda i: (0, 0, 0)),
        ],
        out_specs=pl.BlockSpec((_QB, _K), lambda i: (i, 0)),
        out_shape=jax.ShapeDtypeStruct((_S, _K), jnp.int32),
        scratch_shapes=[pltpu.VMEM((_G, _QB, _G), jnp.float32)],
    )(sq, qb, ptsb3, psq3)



def _make_gather():
    info = plsc.get_sparse_core_info()
    nw = info.num_cores * info.num_subcores
    b_per_w = (_S * _K) // nw
    chunk = 128
    mesh = plsc.VectorSubcoreMesh(core_axis_name="c", subcore_axis_name="s")

    @functools.partial(
        pl.kernel, mesh=mesh,
        out_type=jax.ShapeDtypeStruct((_S * _K, _C), jnp.float32),
        scratch_types=[
            pltpu.VMEM((chunk,), jnp.int32),
            pltpu.VMEM((chunk, _C), jnp.float32),
            pltpu.SemaphoreType.DMA,
        ],
    )
    def gather(table_hbm, idx_hbm, out_hbm, idx_v, rows_v, sem):
        wid = lax.axis_index("s") * info.num_cores + lax.axis_index("c")
        base = wid * b_per_w
        for h in range(b_per_w // chunk):
            off = base + h * chunk
            pltpu.sync_copy(idx_hbm.at[pl.ds(off, chunk)], idx_v)
            pltpu.async_copy(table_hbm.at[idx_v], rows_v, sem).wait()
            pltpu.sync_copy(rows_v, out_hbm.at[pl.ds(off, chunk)])

    return gather


_gather = None


def _run_gather(features, idx_flat):
    global _gather
    if _gather is None:
        _gather = _make_gather()
    return _gather(features, idx_flat)



def _mm_stats_body(x_ref, w_ref, y_ref, st_ref):
    i = pl.program_id(0)
    y = jnp.dot(x_ref[...], w_ref[...], preferred_element_type=jnp.float32)
    y_ref[...] = y

    @pl.when(i == 0)
    def _():
        st_ref[...] = jnp.zeros((8, _C), jnp.float32)

    st_ref[0:1, :] = st_ref[0:1, :] + jnp.sum(y, axis=0, keepdims=True)
    st_ref[1:2, :] = st_ref[1:2, :] + jnp.sum(y * y, axis=0, keepdims=True)


def _run_mm_stats(x, wt):
    return pl.pallas_call(
        _mm_stats_body,
        grid=(_S * _K // _RB,),
        in_specs=[
            pl.BlockSpec((_RB, _C), lambda i: (i, 0)),
            pl.BlockSpec((_C, _C), lambda i: (0, 0)),
        ],
        out_specs=[
            pl.BlockSpec((_RB, _C), lambda i: (i, 0)),
            pl.BlockSpec((8, _C), lambda i: (0, 0)),
        ],
        out_shape=[
            jax.ShapeDtypeStruct((_S * _K, _C), jnp.float32),
            jax.ShapeDtypeStruct((8, _C), jnp.float32),
        ],
    )(x, wt)


def _bn(y, st_ref, g_ref, b_ref):
    inv_n = jnp.float32(1.0 / (_S * _K))
    mu = st_ref[0:1, :] * inv_n
    var = st_ref[1:2, :] * inv_n - mu * mu
    inv = 1.0 / jnp.sqrt(var + _EPS)
    return jnp.maximum((y - mu) * inv * g_ref[...] + b_ref[...], 0.0)


def _bn_mm_stats_body(y_ref, st_in_ref, g_ref, b_ref, w_ref, y2_ref, st_ref):
    i = pl.program_id(0)
    h = _bn(y_ref[...], st_in_ref, g_ref, b_ref)
    y2 = jnp.dot(h, w_ref[...], preferred_element_type=jnp.float32)
    y2_ref[...] = y2

    @pl.when(i == 0)
    def _():
        st_ref[...] = jnp.zeros((8, _C), jnp.float32)

    st_ref[0:1, :] = st_ref[0:1, :] + jnp.sum(y2, axis=0, keepdims=True)
    st_ref[1:2, :] = st_ref[1:2, :] + jnp.sum(y2 * y2, axis=0, keepdims=True)


def _run_bn_mm_stats(y1, st1, g1, b1, wt2):
    return pl.pallas_call(
        _bn_mm_stats_body,
        grid=(_S * _K // _RB,),
        in_specs=[
            pl.BlockSpec((_RB, _C), lambda i: (i, 0)),
            pl.BlockSpec((8, _C), lambda i: (0, 0)),
            pl.BlockSpec((1, _C), lambda i: (0, 0)),
            pl.BlockSpec((1, _C), lambda i: (0, 0)),
            pl.BlockSpec((_C, _C), lambda i: (0, 0)),
        ],
        out_specs=[
            pl.BlockSpec((_RB, _C), lambda i: (i, 0)),
            pl.BlockSpec((8, _C), lambda i: (0, 0)),
        ],
        out_shape=[
            jax.ShapeDtypeStruct((_S * _K, _C), jnp.float32),
            jax.ShapeDtypeStruct((8, _C), jnp.float32),
        ],
    )(y1, st1, g1, b1, wt2)


def _bn_maxpool_body(y_ref, st_ref, g_ref, b_ref, out_ref):
    j = pl.program_id(0)
    v = _bn(y_ref[...], st_ref, g_ref, b_ref)

    @pl.when(j == 0)
    def _():
        out_ref[...] = v

    @pl.when(j > 0)
    def _():
        out_ref[...] = jnp.maximum(out_ref[...], v)


def _run_bn_maxpool(y2, st2, g2, b2):
    return pl.pallas_call(
        _bn_maxpool_body,
        grid=(_K,),
        in_specs=[
            pl.BlockSpec((_S, _C), lambda j: (j, 0)),
            pl.BlockSpec((8, _C), lambda j: (0, 0)),
            pl.BlockSpec((1, _C), lambda j: (0, 0)),
            pl.BlockSpec((1, _C), lambda j: (0, 0)),
        ],
        out_specs=pl.BlockSpec((_S, _C), lambda j: (0, 0)),
        out_shape=jax.ShapeDtypeStruct((_S, _C), jnp.float32),
    )(y2, st2, g2, b2)



def kernel(points, features, W1, g1, b1, W2, g2, b2):
    ptsT = points.T
    pts3 = ptsT.reshape(3, _G, _G)
    idx_tile, coords = _run_fps(pts3)
    sampled_points = coords.reshape(3, _S).T

    psq = jnp.sum(points ** 2, axis=1)
    psq3 = psq.reshape(_G, 1, _G)
    pad = jnp.zeros((5, _N), jnp.float32)
    ptsb3 = (jnp.concatenate([ptsT, pad], axis=0).astype(jnp.bfloat16)
             .reshape(8, _G, _G).transpose(1, 0, 2))
    sq = jnp.sum(sampled_points ** 2, axis=1, keepdims=True)
    qb = jnp.concatenate(
        [sampled_points, jnp.zeros((_S, 5), jnp.float32)],
        axis=1).astype(jnp.bfloat16)
    knn = _run_topk(sq, qb, ptsb3, psq3)

    idx_flat = knn.T.reshape(-1)
    gathered = _run_gather(features, idx_flat)

    y1, st1 = _run_mm_stats(gathered, W1.T)
    y2, st2 = _run_bn_mm_stats(y1, st1, g1[None, :], b1[None, :], W2.T)
    out_features = _run_bn_maxpool(y2, st2, g2[None, :], b2[None, :])
    return (sampled_points, out_features)

# --- scband reference (transcript-rebuilt; emitter-appended) ---
"""Pipeline reference for scband-transition-down-15539191676963 (READ-ONLY COPY).

The authoritative reference and input builder live on the scoring server;
editing this copy changes nothing except your own understanding.
"""

import jax, jax.numpy as jnp
import numpy as np

N_POINTS = 16384
NUM_SAMPLES = 1024
K = 16
CHANNELS = 256
EPS = 1e-5


def fps(points, num_samples):
    # farthest point sampling, start from index 0
    n = points.shape[0]
    idxs = jnp.zeros((num_samples,), dtype=jnp.int32)
    dists = jnp.full((n,), jnp.inf, dtype=points.dtype)

    def body(i, state):
        dists, idxs = state
        last = idxs[i - 1]
        d = jnp.sum((points - points[last]) ** 2, axis=1)
        dists = jnp.minimum(dists, d)
        nxt = jnp.argmax(dists).astype(jnp.int32)
        idxs = idxs.at[i].set(nxt)
        return (dists, idxs)

    dists, idxs = jax.lax.fori_loop(1, num_samples, body, (dists, idxs))
    return idxs


def find_knn_general(query, points, k):
    # squared euclidean distance matrix [Q, N]
    d = (jnp.sum(query ** 2, axis=1, keepdims=True)
         - 2.0 * query @ points.T
         + jnp.sum(points ** 2, axis=1)[None, :])
    neg_d, idx = jax.lax.top_k(-d, k)
    return -neg_d, idx


def bn_relu(x, gamma, beta):
    # BatchNorm1d in training mode (batch statistics, biased variance) + ReLU
    mu = jnp.mean(x, axis=0)
    var = jnp.var(x, axis=0)
    xh = (x - mu) / jnp.sqrt(var + EPS)
    return jax.nn.relu(xh * gamma + beta)


def setup_inputs(seed: int = 0) -> dict:
    key = jax.random.key(seed)
    ks = jax.random.split(key, 6)
    points = jax.random.normal(ks[0], (N_POINTS, 3), dtype=jnp.float32)
    features = jax.random.normal(ks[1], (N_POINTS, CHANNELS), dtype=jnp.float32)
    scale = 1.0 / np.sqrt(CHANNELS)
    W1 = jax.random.normal(ks[2], (CHANNELS, CHANNELS), dtype=jnp.float32) * scale
    W2 = jax.random.normal(ks[3], (CHANNELS, CHANNELS), dtype=jnp.float32) * scale
    g1 = jnp.ones((CHANNELS,), dtype=jnp.float32)
    b1 = jnp.zeros((CHANNELS,), dtype=jnp.float32)
    g2 = jnp.ones((CHANNELS,), dtype=jnp.float32)
    b2 = jnp.zeros((CHANNELS,), dtype=jnp.float32)
    return {"points": points, "features": features, "W1": W1, "g1": g1, "b1": b1, "W2": W2, "g2": g2, "b2": b2}


def reference(points, features, W1, g1, b1, W2, g2, b2):
    sampled_indices = fps(points, NUM_SAMPLES)
    sampled_points = points[sampled_indices]
    knn_dist, knn_indices = find_knn_general(sampled_points, points, K)
    knn_features = features[knn_indices.reshape(-1)]
    h = bn_relu(knn_features @ W1.T, g1, b1)
    h = bn_relu(h @ W2.T, g2, b2)
    out_knn = h.reshape(NUM_SAMPLES, K, CHANNELS)
    out_features = jnp.max(out_knn, axis=1)
    return (sampled_points, out_features)

if __name__ == "__main__":
    import jax
    _d = setup_inputs()
    print(jax.jit(kernel)(*tuple(_d.values())))

</pallas_src>

<mosaic_0001>
#map = affine_map<(d0, d1) -> (0, 0)>
#map1 = affine_map<(d0, d1) -> (0)>
module attributes {stable_mosaic.version = 14 : i64} {
  func.func @gather(%arg0: i32, %arg1: i32, %arg2: memref<16384x256xf32, #tpu.memory_space<hbm>>, %arg3: memref<16384xi32, #tpu.memory_space<hbm>>, %arg4: memref<16384x256xf32, #tpu.memory_space<hbm>>, %arg5: memref<128xi32, #tpu.memory_space<vmem>>, %arg6: memref<128x256xf32, #tpu.memory_space<vmem>>, %arg7: memref<!tpu.dma_semaphore, #tpu.memory_space<semaphore_mem>>) attributes {dimension_semantics = [#tpu.dimension_semantics<core_parallel>, #tpu.dimension_semantics<subcore_parallel>], iteration_bounds = array<i64: 2, 16>, scalar_prefetch = 0 : i64, scratch_operands = 3 : i64, tpu.core_type = #tpu.core_type<sc_vector_subcore>, window_params = [{transform_indices = #map}, {transform_indices = #map1}, {transform_indices = #map}]} {
    %mul3A = arith.constant 2 : i32
    %mul3A_0 = arith.muli %arg1, %mul3A : i32
    %add3A = arith.addi %mul3A_0, %arg0 : i32
    %mul3A_1 = arith.constant 512 : i32
    %mul3A_2 = arith.muli %add3A, %mul3A_1 : i32
    %add3A_3 = arith.constant 0 : i32
    %add3A_4 = arith.addi %mul3A_2, %add3A_3 : i32
    "tpu.region"() ({
      %run_scoped3A = tpu.sem_alloc : memref<!tpu.dma_semaphore, #tpu.memory_space<semaphore_mem>>
      %dma_start3A_33 = tpu.memref_slice %arg3[%add3A_4] : memref<16384xi32, #tpu.memory_space<hbm>> -> memref<128xi32, #tpu.memory_space<hbm>>
      %dma_start3A_34 = tpu.memref_slice %arg3[%add3A_4] : memref<16384xi32, #tpu.memory_space<hbm>> -> memref<128xi32, #tpu.memory_space<hbm>>
      tpu.enqueue_dma source(%dma_start3A_34 : memref<128xi32, #tpu.memory_space<hbm>>) target(%arg5 : memref<128xi32, #tpu.memory_space<vmem>>) target_semaphore(%run_scoped3A : memref<!tpu.dma_semaphore, #tpu.memory_space<semaphore_mem>>)
      %dma_wait3A_35 = tpu.memref_slice %arg3[%add3A_4] : memref<16384xi32, #tpu.memory_space<hbm>> -> memref<128xi32, #tpu.memory_space<hbm>>
      %dma_wait3A_36 = tpu.memref_slice %arg3[%add3A_4] : memref<16384xi32, #tpu.memory_space<hbm>> -> memref<128xi32, #tpu.memory_space<hbm>>
      tpu.wait_dma2 semaphore(%run_scoped3A : memref<!tpu.dma_semaphore, #tpu.memory_space<semaphore_mem>>) src(%dma_wait3A_36 : memref<128xi32, #tpu.memory_space<hbm>>) dst(%arg5 : memref<128xi32, #tpu.memory_space<vmem>>)
      tpu.yield
    }) : () -> ()
    %dma_start3A = arith.constant 0 : i32
    %dma_start3A_5 = arith.constant 0 : i32
    %dma_start3A_6 = tpu.memref_slice %arg2[%dma_start3A, %dma_start3A_5] : memref<16384x256xf32, #tpu.memory_space<hbm>> -> memref<16384x256xf32, #tpu.memory_space<hbm>>
    tpu.enqueue_indirect_dma source(%dma_start3A_6 : memref<16384x256xf32, #tpu.memory_space<hbm>>) target(%arg6 : memref<128x256xf32, #tpu.memory_space<vmem>>) offsets(%arg5 : memref<128xi32, #tpu.memory_space<vmem>>) semaphore(%arg7 : memref<!tpu.dma_semaphore, #tpu.memory_space<semaphore_mem>>)
    %dma_wait3A = arith.constant 0 : i32
    %dma_wait3A_7 = arith.constant 0 : i32
    %dma_wait3A_8 = tpu.memref_slice %arg2[%dma_wait3A, %dma_wait3A_7] : memref<16384x256xf32, #tpu.memory_space<hbm>> -> memref<16384x256xf32, #tpu.memory_space<hbm>>
    tpu.wait_indirect_dma semaphore(%arg7 : memref<!tpu.dma_semaphore, #tpu.memory_space<semaphore_mem>>) src(%dma_wait3A_8 : memref<16384x256xf32, #tpu.memory_space<hbm>>) dst(%arg6 : memref<128x256xf32, #tpu.memory_space<vmem>>)
    "tpu.region"() ({
      %run_scoped3A = tpu.sem_alloc : memref<!tpu.dma_semaphore, #tpu.memory_space<semaphore_mem>>
      %dma_start3A_33 = arith.constant 0 : i32
      %dma_start3A_34 = tpu.memref_slice %arg4[%add3A_4, %dma_start3A_33] : memref<16384x256xf32, #tpu.memory_space<hbm>> -> memref<128x256xf32, #tpu.memory_space<hbm>>
      %dma_start3A_35 = arith.constant 0 : i32
      %dma_start3A_36 = tpu.memref_slice %arg4[%add3A_4, %dma_start3A_35] : memref<16384x256xf32, #tpu.memory_space<hbm>> -> memref<128x256xf32, #tpu.memory_space<hbm>>
      tpu.enqueue_dma source(%arg6 : memref<128x256xf32, #tpu.memory_space<vmem>>) target(%dma_start3A_36 : memref<128x256xf32, #tpu.memory_space<hbm>>) target_semaphore(%run_scoped3A : memref<!tpu.dma_semaphore, #tpu.memory_space<semaphore_mem>>)
      %dma_wait3A_37 = arith.constant 0 : i32
      %dma_wait3A_38 = tpu.memref_slice %arg4[%add3A_4, %dma_wait3A_37] : memref<16384x256xf32, #tpu.memory_space<hbm>> -> memref<128x256xf32, #tpu.memory_space<hbm>>
      %dma_wait3A_39 = arith.constant 0 : i32
      %dma_wait3A_40 = tpu.memref_slice %arg4[%add3A_4, %dma_wait3A_39] : memref<16384x256xf32, #tpu.memory_space<hbm>> -> memref<128x256xf32, #tpu.memory_space<hbm>>
      tpu.wait_dma2 semaphore(%run_scoped3A : memref<!tpu.dma_semaphore, #tpu.memory_space<semaphore_mem>>) src(%arg6 : memref<128x256xf32, #tpu.memory_space<vmem>>) dst(%dma_wait3A_40 : memref<128x256xf32, #tpu.memory_space<hbm>>)
      tpu.yield
    }) : () -> ()
    %add3A_9 = arith.constant 128 : i32
    %add3A_10 = arith.addi %mul3A_2, %add3A_9 : i32
    "tpu.region"() ({
      %run_scoped3A = tpu.sem_alloc : memref<!tpu.dma_semaphore, #tpu.memory_space<semaphore_mem>>
      %dma_start3A_33 = tpu.memref_slice %arg3[%add3A_10] : memref<16384xi32, #tpu.memory_space<hbm>> -> memref<128xi32, #tpu.memory_space<hbm>>
      %dma_start3A_34 = tpu.memref_slice %arg3[%add3A_10] : memref<16384xi32, #tpu.memory_space<hbm>> -> memref<128xi32, #tpu.memory_space<hbm>>
      tpu.enqueue_dma source(%dma_start3A_34 : memref<128xi32, #tpu.memory_space<hbm>>) target(%arg5 : memref<128xi32, #tpu.memory_space<vmem>>) target_semaphore(%run_scoped3A : memref<!tpu.dma_semaphore, #tpu.memory_space<semaphore_mem>>)
      %dma_wait3A_35 = tpu.memref_slice %arg3[%add3A_10] : memref<16384xi32, #tpu.memory_space<hbm>> -> memref<128xi32, #tpu.memory_space<hbm>>
      %dma_wait3A_36 = tpu.memref_slice %arg3[%add3A_10] : memref<16384xi32, #tpu.memory_space<hbm>> -> memref<128xi32, #tpu.memory_space<hbm>>
      tpu.wait_dma2 semaphore(%run_scoped3A : memref<!tpu.dma_semaphore, #tpu.memory_space<semaphore_mem>>) src(%dma_wait3A_36 : memref<128xi32, #tpu.memory_space<hbm>>) dst(%arg5 : memref<128xi32, #tpu.memory_space<vmem>>)
      tpu.yield
    }) : () -> ()
    %dma_start3A_11 = arith.constant 0 : i32
    %dma_start3A_12 = arith.constant 0 : i32
    %dma_start3A_13 = tpu.memref_slice %arg2[%dma_start3A_11, %dma_start3A_12] : memref<16384x256xf32, #tpu.memory_space<hbm>> -> memref<16384x256xf32, #tpu.memory_space<hbm>>
    tpu.enqueue_indirect_dma source(%dma_start3A_13 : memref<16384x256xf32, #tpu.memory_space<hbm>>) target(%arg6 : memref<128x256xf32, #tpu.memory_space<vmem>>) offsets(%arg5 : memref<128xi32, #tpu.memory_space<vmem>>) semaphore(%arg7 : memref<!tpu.dma_semaphore, #tpu.memory_space<semaphore_mem>>)
    %dma_wait3A_14 = arith.constant 0 : i32
    %dma_wait3A_15 = arith.constant 0 : i32
    %dma_wait3A_16 = tpu.memref_slice %arg2[%dma_wait3A_14, %dma_wait3A_15] : memref<16384x256xf32, #tpu.memory_space<hbm>> -> memref<16384x256xf32, #tpu.memory_space<hbm>>
    tpu.wait_indirect_dma semaphore(%arg7 : memref<!tpu.dma_semaphore, #tpu.memory_space<semaphore_mem>>) src(%dma_wait3A_16 : memref<16384x256xf32, #tpu.memory_space<hbm>>) dst(%arg6 : memref<128x256xf32, #tpu.memory_space<vmem>>)
    "tpu.region"() ({
      %run_scoped3A = tpu.sem_alloc : memref<!tpu.dma_semaphore, #tpu.memory_space<semaphore_mem>>
      %dma_start3A_33 = arith.constant 0 : i32
      %dma_start3A_34 = tpu.memref_slice %arg4[%add3A_10, %dma_start3A_33] : memref<16384x256xf32, #tpu.memory_space<hbm>> -> memref<128x256xf32, #tpu.memory_space<hbm>>
      %dma_start3A_35 = arith.constant 0 : i32
      %dma_start3A_36 = tpu.memref_slice %arg4[%add3A_10, %dma_start3A_35] : memref<16384x256xf32, #tpu.memory_space<hbm>> -> memref<128x256xf32, #tpu.memory_space<hbm>>
      tpu.enqueue_dma source(%arg6 : memref<128x256xf32, #tpu.memory_space<vmem>>) target(%dma_start3A_36 : memref<128x256xf32, #tpu.memory_space<hbm>>) target_semaphore(%run_scoped3A : memref<!tpu.dma_semaphore, #tpu.memory_space<semaphore_mem>>)
      %dma_wait3A_37 = arith.constant 0 : i32
      %dma_wait3A_38 = tpu.memref_slice %arg4[%add3A_10, %dma_wait3A_37] : memref<16384x256xf32, #tpu.memory_space<hbm>> -> memref<128x256xf32, #tpu.memory_space<hbm>>
      %dma_wait3A_39 = arith.constant 0 : i32
      %dma_wait3A_40 = tpu.memref_slice %arg4[%add3A_10, %dma_wait3A_39] : memref<16384x256xf32, #tpu.memory_space<hbm>> -> memref<128x256xf32, #tpu.memory_space<hbm>>
      tpu.wait_dma2 semaphore(%run_scoped3A : memref<!tpu.dma_semaphore, #tpu.memory_space<semaphore_mem>>) src(%arg6 : memref<128x256xf32, #tpu.memory_space<vmem>>) dst(%dma_wait3A_40 : memref<128x256xf32, #tpu.memory_space<hbm>>)
      tpu.yield
    }) : () -> ()
    %add3A_17 = arith.constant 256 : i32
    %add3A_18 = arith.addi %mul3A_2, %add3A_17 : i32
    "tpu.region"() ({
      %run_scoped3A = tpu.sem_alloc : memref<!tpu.dma_semaphore, #tpu.memory_space<semaphore_mem>>
      %dma_start3A_33 = tpu.memref_slice %arg3[%add3A_18] : memref<16384xi32, #tpu.memory_space<hbm>> -> memref<128xi32, #tpu.memory_space<hbm>>
      %dma_start3A_34 = tpu.memref_slice %arg3[%add3A_18] : memref<16384xi32, #tpu.memory_space<hbm>> -> memref<128xi32, #tpu.memory_space<hbm>>
      tpu.enqueue_dma source(%dma_start3A_34 : memref<128xi32, #tpu.memory_space<hbm>>) target(%arg5 : memref<128xi32, #tpu.memory_space<vmem>>) target_semaphore(%run_scoped3A : memref<!tpu.dma_semaphore, #tpu.memory_space<semaphore_mem>>)
      %dma_wait3A_35 = tpu.memref_slice %arg3[%add3A_18] : memref<16384xi32, #tpu.memory_space<hbm>> -> memref<128xi32, #tpu.memory_space<hbm>>
      %dma_wait3A_36 = tpu.memref_slice %arg3[%add3A_18] : memref<16384xi32, #tpu.memory_space<hbm>> -> memref<128xi32, #tpu.memory_space<hbm>>
      tpu.wait_dma2 semaphore(%run_scoped3A : memref<!tpu.dma_semaphore, #tpu.memory_space<semaphore_mem>>) src(%dma_wait3A_36 : memref<128xi32, #tpu.memory_space<hbm>>) dst(%arg5 : memref<128xi32, #tpu.memory_space<vmem>>)
      tpu.yield
    }) : () -> ()
    %dma_start3A_19 = arith.constant 0 : i32
    %dma_start3A_20 = arith.constant 0 : i32
    %dma_start3A_21 = tpu.memref_slice %arg2[%dma_start3A_19, %dma_start3A_20] : memref<16384x256xf32, #tpu.memory_space<hbm>> -> memref<16384x256xf32, #tpu.memory_space<hbm>>
    tpu.enqueue_indirect_dma source(%dma_start3A_21 : memref<16384x256xf32, #tpu.memory_space<hbm>>) target(%arg6 : memref<128x256xf32, #tpu.memory_space<vmem>>) offsets(%arg5 : memref<128xi32, #tpu.memory_space<vmem>>) semaphore(%arg7 : memref<!tpu.dma_semaphore, #tpu.memory_space<semaphore_mem>>)
    %dma_wait3A_22 = arith.constant 0 : i32
    %dma_wait3A_23 = arith.constant 0 : i32
    %dma_wait3A_24 = tpu.memref_slice %arg2[%dma_wait3A_22, %dma_wait3A_23] : memref<16384x256xf32, #tpu.memory_space<hbm>> -> memref<16384x256xf32, #tpu.memory_space<hbm>>
    tpu.wait_indirect_dma semaphore(%arg7 : memref<!tpu.dma_semaphore, #tpu.memory_space<semaphore_mem>>) src(%dma_wait3A_24 : memref<16384x256xf32, #tpu.memory_space<hbm>>) dst(%arg6 : memref<128x256xf32, #tpu.memory_space<vmem>>)
    "tpu.region"() ({
      %run_scoped3A = tpu.sem_alloc : memref<!tpu.dma_semaphore, #tpu.memory_space<semaphore_mem>>
      %dma_start3A_33 = arith.constant 0 : i32
      %dma_start3A_34 = tpu.memref_slice %arg4[%add3A_18, %dma_start3A_33] : memref<16384x256xf32, #tpu.memory_space<hbm>> -> memref<128x256xf32, #tpu.memory_space<hbm>>
      %dma_start3A_35 = arith.constant 0 : i32
      %dma_start3A_36 = tpu.memref_slice %arg4[%add3A_18, %dma_start3A_35] : memref<16384x256xf32, #tpu.memory_space<hbm>> -> memref<128x256xf32, #tpu.memory_space<hbm>>
      tpu.enqueue_dma source(%arg6 : memref<128x256xf32, #tpu.memory_space<vmem>>) target(%dma_start3A_36 : memref<128x256xf32, #tpu.memory_space<hbm>>) target_semaphore(%run_scoped3A : memref<!tpu.dma_semaphore, #tpu.memory_space<semaphore_mem>>)
      %dma_wait3A_37 = arith.constant 0 : i32
      %dma_wait3A_38 = tpu.memref_slice %arg4[%add3A_18, %dma_wait3A_37] : memref<16384x256xf32, #tpu.memory_space<hbm>> -> memref<128x256xf32, #tpu.memory_space<hbm>>
      %dma_wait3A_39 = arith.constant 0 : i32
      %dma_wait3A_40 = tpu.memref_slice %arg4[%add3A_18, %dma_wait3A_39] : memref<16384x256xf32, #tpu.memory_space<hbm>> -> memref<128x256xf32, #tpu.memory_space<hbm>>
      tpu.wait_dma2 semaphore(%run_scoped3A : memref<!tpu.dma_semaphore, #tpu.memory_space<semaphore_mem>>) src(%arg6 : memref<128x256xf32, #tpu.memory_space<vmem>>) dst(%dma_wait3A_40 : memref<128x256xf32, #tpu.memory_space<hbm>>)
      tpu.yield
    }) : () -> ()
    %add3A_25 = arith.constant 384 : i32
    %add3A_26 = arith.addi %mul3A_2, %add3A_25 : i32
    "tpu.region"() ({
      %run_scoped3A = tpu.sem_alloc : memref<!tpu.dma_semaphore, #tpu.memory_space<semaphore_mem>>
      %dma_start3A_33 = tpu.memref_slice %arg3[%add3A_26] : memref<16384xi32, #tpu.memory_space<hbm>> -> memref<128xi32, #tpu.memory_space<hbm>>
      %dma_start3A_34 = tpu.memref_slice %arg3[%add3A_26] : memref<16384xi32, #tpu.memory_space<hbm>> -> memref<128xi32, #tpu.memory_space<hbm>>
      tpu.enqueue_dma source(%dma_start3A_34 : memref<128xi32, #tpu.memory_space<hbm>>) target(%arg5 : memref<128xi32, #tpu.memory_space<vmem>>) target_semaphore(%run_scoped3A : memref<!tpu.dma_semaphore, #tpu.memory_space<semaphore_mem>>)
      %dma_wait3A_35 = tpu.memref_slice %arg3[%add3A_26] : memref<16384xi32, #tpu.memory_space<hbm>> -> memref<128xi32, #tpu.memory_space<hbm>>
      %dma_wait3A_36 = tpu.memref_slice %arg3[%add3A_26] : memref<16384xi32, #tpu.memory_space<hbm>> -> memref<128xi32, #tpu.memory_space<hbm>>
      tpu.wait_dma2 semaphore(%run_scoped3A : memref<!tpu.dma_semaphore, #tpu.memory_space<semaphore_mem>>) src(%dma_wait3A_36 : memref<128xi32, #tpu.memory_space<hbm>>) dst(%arg5 : memref<128xi32, #tpu.memory_space<vmem>>)
      tpu.yield
    }) : () -> ()
    %dma_start3A_27 = arith.constant 0 : i32
    %dma_start3A_28 = arith.constant 0 : i32
    %dma_start3A_29 = tpu.memref_slice %arg2[%dma_start3A_27, %dma_start3A_28] : memref<16384x256xf32, #tpu.memory_space<hbm>> -> memref<16384x256xf32, #tpu.memory_space<hbm>>
    tpu.enqueue_indirect_dma source(%dma_start3A_29 : memref<16384x256xf32, #tpu.memory_space<hbm>>) target(%arg6 : memref<128x256xf32, #tpu.memory_space<vmem>>) offsets(%arg5 : memref<128xi32, #tpu.memory_space<vmem>>) semaphore(%arg7 : memref<!tpu.dma_semaphore, #tpu.memory_space<semaphore_mem>>)
    %dma_wait3A_30 = arith.constant 0 : i32
    %dma_wait3A_31 = arith.constant 0 : i32
    %dma_wait3A_32 = tpu.memref_slice %arg2[%dma_wait3A_30, %dma_wait3A_31] : memref<16384x256xf32, #tpu.memory_space<hbm>> -> memref<16384x256xf32, #tpu.memory_space<hbm>>
    tpu.wait_indirect_dma semaphore(%arg7 : memref<!tpu.dma_semaphore, #tpu.memory_space<semaphore_mem>>) src(%dma_wait3A_32 : memref<16384x256xf32, #tpu.memory_space<hbm>>) dst(%arg6 : memref<128x256xf32, #tpu.memory_space<vmem>>)
    "tpu.region"() ({
      %run_scoped3A = tpu.sem_alloc : memref<!tpu.dma_semaphore, #tpu.memory_space<semaphore_mem>>
      %dma_start3A_33 = arith.constant 0 : i32
      %dma_start3A_34 = tpu.memref_slice %arg4[%add3A_26, %dma_start3A_33] : memref<16384x256xf32, #tpu.memory_space<hbm>> -> memref<128x256xf32, #tpu.memory_space<hbm>>
      %dma_start3A_35 = arith.constant 0 : i32
      %dma_start3A_36 = tpu.memref_slice %arg4[%add3A_26, %dma_start3A_35] : memref<16384x256xf32, #tpu.memory_space<hbm>> -> memref<128x256xf32, #tpu.memory_space<hbm>>
      tpu.enqueue_dma source(%arg6 : memref<128x256xf32, #tpu.memory_space<vmem>>) target(%dma_start3A_36 : memref<128x256xf32, #tpu.memory_space<hbm>>) target_semaphore(%run_scoped3A : memref<!tpu.dma_semaphore, #tpu.memory_space<semaphore_mem>>)
      %dma_wait3A_37 = arith.constant 0 : i32
      %dma_wait3A_38 = tpu.memref_slice %arg4[%add3A_26, %dma_wait3A_37] : memref<16384x256xf32, #tpu.memory_space<hbm>> -> memref<128x256xf32, #tpu.memory_space<hbm>>
      %dma_wait3A_39 = arith.constant 0 : i32
      %dma_wait3A_40 = tpu.memref_slice %arg4[%add3A_26, %dma_wait3A_39] : memref<16384x256xf32, #tpu.memory_space<hbm>> -> memref<128x256xf32, #tpu.memory_space<hbm>>
      tpu.wait_dma2 semaphore(%run_scoped3A : memref<!tpu.dma_semaphore, #tpu.memory_space<semaphore_mem>>) src(%arg6 : memref<128x256xf32, #tpu.memory_space<vmem>>) dst(%dma_wait3A_40 : memref<128x256xf32, #tpu.memory_space<hbm>>)
      tpu.yield
    }) : () -> ()
    return
  }
}

module attributes {stable_mosaic.version = 14 : i64} {
  func.func @_fps_body(%arg0: memref<3x128x128xf32, #tpu.memory_space<vmem>>, %arg1: memref<8x128xi32, #tpu.memory_space<vmem>>, %arg2: memref<3x8x128xf32, #tpu.memory_space<vmem>>) attributes {dimension_semantics = [], scalar_prefetch = 0 : i64, scratch_operands = 0 : i64, tpu.core_type = #tpu.core_type<tc>} {
    %get3A = arith.constant 0 : index
    %get3A_0 = arith.constant 0 : index
    %get3A_1 = arith.constant 0 : index
    %get3A_2 = vector.load %arg0[%get3A, %get3A_0, %get3A_1] : memref<3x128x128xf32, #tpu.memory_space<vmem>>, vector<1x128x128xf32>
    %get3A_3 = vector.shape_cast %get3A_2 : vector<1x128x128xf32> to vector<128x128xf32>
    %get3A_4 = arith.constant 1 : index
    %get3A_5 = arith.constant 0 : index
    %get3A_6 = arith.constant 0 : index
    %get3A_7 = vector.load %arg0[%get3A_4, %get3A_5, %get3A_6] : memref<3x128x128xf32, #tpu.memory_space<vmem>>, vector<1x128x128xf32>
    %get3A_8 = vector.shape_cast %get3A_7 : vector<1x128x128xf32> to vector<128x128xf32>
    %get3A_9 = arith.constant 2 : index
    %get3A_10 = arith.constant 0 : index
    %get3A_11 = arith.constant 0 : index
    %get3A_12 = vector.load %arg0[%get3A_9, %get3A_10, %get3A_11] : memref<3x128x128xf32, #tpu.memory_space<vmem>>, vector<1x128x128xf32>
    %get3A_13 = vector.shape_cast %get3A_12 : vector<1x128x128xf32> to vector<128x128xf32>
    %iota3A = tpu.iota {dimensions = array<i32: 0>} : vector<128x128xi32>
    %mul3A = arith.constant 128 : i32
    %mul3A_14 = vector.broadcast %mul3A : i32 to vector<128x128xi32>
    %mul3A_15 = arith.muli %iota3A, %mul3A_14 : vector<128x128xi32>
    %iota3A_16 = tpu.iota {dimensions = array<i32: 1>} : vector<128x128xi32>
    %add3A = arith.addi %mul3A_15, %iota3A_16 : vector<128x128xi32>
    %iota3A_17 = tpu.iota {dimensions = array<i32: 0>} : vector<8x128xi32>
    %iota3A_18 = tpu.iota {dimensions = array<i32: 1>} : vector<8x128xi32>
    %slice3A = vector.extract_strided_slice %get3A_3 {offsets = [0, 0], sizes = [1, 1], strides = [1, 1]} : vector<128x128xf32> to vector<1x1xf32>
    %slice3A_19 = vector.extract_strided_slice %get3A_8 {offsets = [0, 0], sizes = [1, 1], strides = [1, 1]} : vector<128x128xf32> to vector<1x1xf32>
    %slice3A_20 = vector.extract_strided_slice %get3A_13 {offsets = [0, 0], sizes = [1, 1], strides = [1, 1]} : vector<128x128xf32> to vector<1x1xf32>
    %broadcast_in_dim3A = arith.constant 0 : i32
    %broadcast_in_dim3A_21 = vector.broadcast %broadcast_in_dim3A : i32 to vector<8x128xi32>
    %swap3A = arith.constant 0 : index
    %swap3A_22 = arith.constant 0 : index
    %swap3A_23 = vector.load %arg1[%swap3A, %swap3A_22] : memref<8x128xi32, #tpu.memory_space<vmem>>, vector<8x128xi32>
    tpu.vector_store %arg1[%swap3A, %swap3A_22], %broadcast_in_dim3A_21 {strides = array<i32>} : memref<8x128xi32, #tpu.memory_space<vmem>>, vector<8x128xi32>,
    %add3A_24 = arith.addi %iota3A_17, %iota3A_18 : vector<8x128xi32>
    %eq3A = arith.constant 0 : i32
    %eq3A_25 = vector.broadcast %eq3A : i32 to vector<8x128xi32>
    %eq3A_26 = arith.cmpi eq, %add3A_24, %eq3A_25 : vector<8x128xi32>
    %jit3A = arith.constant 0.000000e+00 : f32
    %broadcast_in_dim3A_27 = vector.shape_cast %slice3A : vector<1x1xf32> to vector<1x1xf32>
    %broadcast_in_dim3A_28 = vector.broadcast %broadcast_in_dim3A_27 : vector<1x1xf32> to vector<8x128xf32>
    %broadcast_in_dim3A_29 = vector.broadcast %jit3A : f32 to vector<8x128xf32>
    %select_n3A = arith.select %eq3A_26, %broadcast_in_dim3A_28, %broadcast_in_dim3A_29 : vector<8x128xi1>, vector<8x128xf32>
    %add3A_30 = arith.addi %iota3A_17, %iota3A_18 : vector<8x128xi32>
    %eq3A_31 = arith.constant 0 : i32
    %eq3A_32 = vector.broadcast %eq3A_31 : i32 to vector<8x128xi32>
    %eq3A_33 = arith.cmpi eq, %add3A_30, %eq3A_32 : vector<8x128xi32>
    %jit3A_34 = arith.constant 0.000000e+00 : f32
    %broadcast_in_dim3A_35 = vector.shape_cast %slice3A_19 : vector<1x1xf32> to vector<1x1xf32>
    %broadcast_in_dim3A_36 = vector.broadcast %broadcast_in_dim3A_35 : vector<1x1xf32> to vector<8x128xf32>
    %broadcast_in_dim3A_37 = vector.broadcast %jit3A_34 : f32 to vector<8x128xf32>
    %select_n3A_38 = arith.select %eq3A_33, %broadcast_in_dim3A_36, %broadcast_in_dim3A_37 : vector<8x128xi1>, vector<8x128xf32>
    %add3A_39 = arith.addi %iota3A_17, %iota3A_18 : vector<8x128xi32>
    %eq3A_40 = arith.constant 0 : i32
    %eq3A_41 = vector.broadcast %eq3A_40 : i32 to vector<8x128xi32>
    %eq3A_42 = arith.cmpi eq, %add3A_39, %eq3A_41 : vector<8x128xi32>
    %jit3A_43 = arith.constant 0.000000e+00 : f32
    %broadcast_in_dim3A_44 = vector.shape_cast %slice3A_20 : vector<1x1xf32> to vector<1x1xf32>
    %broadcast_in_dim3A_45 = vector.broadcast %broadcast_in_dim3A_44 : vector<1x1xf32> to vector<8x128xf32>
    %broadcast_in_dim3A_46 = vector.broadcast %jit3A_43 : f32 to vector<8x128xf32>
    %select_n3A_47 = arith.select %eq3A_42, %broadcast_in_dim3A_45, %broadcast_in_dim3A_46 : vector<8x128xi1>, vector<8x128xf32>
    %shift_left3A = arith.constant 16 : i32
    %shift_left3A_48 = vector.broadcast %shift_left3A : i32 to vector<128x128xi32>
    %shift_left3A_49 = arith.shli %add3A, %shift_left3A_48 : vector<128x128xi32>
    %bitcast_convert_type3A = tpu.bitcast %get3A_3 : vector<128x128xf32> -> vector<128x128xi32>
    %shift_right_logical3A = arith.constant 16 : i32
    %shift_right_logical3A_50 = vector.broadcast %shift_right_logical3A : i32 to vector<128x128xi32>
    %shift_right_logical3A_51 = arith.shrui %bitcast_convert_type3A, %shift_right_logical3A_50 : vector<128x128xi32>
    %or3A = arith.ori %shift_left3A_49, %shift_right_logical3A_51 : vector<128x128xi32>
    %and3A = arith.constant 65535 : i32
    %and3A_52 = vector.broadcast %and3A : i32 to vector<128x128xi32>
    %and3A_53 = arith.andi %bitcast_convert_type3A, %and3A_52 : vector<128x128xi32>
    %or3A_54 = arith.ori %shift_left3A_49, %and3A_53 : vector<128x128xi32>
    %bitcast_convert_type3A_55 = tpu.bitcast %get3A_8 : vector<128x128xf32> -> vector<128x128xi32>
    %shift_right_logical3A_56 = arith.constant 16 : i32
    %shift_right_logical3A_57 = vector.broadcast %shift_right_logical3A_56 : i32 to vector<128x128xi32>
    %shift_right_logical3A_58 = arith.shrui %bitcast_convert_type3A_55, %shift_right_logical3A_57 : vector<128x128xi32>
    %or3A_59 = arith.ori %shift_left3A_49, %shift_right_logical3A_58 : vector<128x128xi32>
    %and3A_60 = arith.constant 65535 : i32
    %and3A_61 = vector.broadcast %and3A_60 : i32 to vector<128x128xi32>
    %and3A_62 = arith.andi %bitcast_convert_type3A_55, %and3A_61 : vector<128x128xi32>
    %or3A_63 = arith.ori %shift_left3A_49, %and3A_62 : vector<128x128xi32>
    %bitcast_convert_type3A_64 = tpu.bitcast %get3A_13 : vector<128x128xf32> -> vector<128x128xi32>
    %shift_right_logical3A_65 = arith.constant 16 : i32
    %shift_right_logical3A_66 = vector.broadcast %shift_right_logical3A_65 : i32 to vector<128x128xi32>
    %shift_right_logical3A_67 = arith.shrui %bitcast_convert_type3A_64, %shift_right_logical3A_66 : vector<128x128xi32>
    %or3A_68 = arith.ori %shift_left3A_49, %shift_right_logical3A_67 : vector<128x128xi32>
    %and3A_69 = arith.constant 65535 : i32
    %and3A_70 = vector.broadcast %and3A_69 : i32 to vector<128x128xi32>
    %and3A_71 = arith.andi %bitcast_convert_type3A_64, %and3A_70 : vector<128x128xi32>
    %or3A_72 = arith.ori %shift_left3A_49, %and3A_71 : vector<128x128xi32>
    %swap3A_73 = arith.constant 0 : index
    %swap3A_74 = arith.constant 0 : index
    %swap3A_75 = arith.constant 0 : index
    %swap3A_76 = vector.load %arg2[%swap3A_73, %swap3A_74, %swap3A_75] : memref<3x8x128xf32, #tpu.memory_space<vmem>>, vector<1x8x128xf32>
    %swap3A_77 = vector.shape_cast %swap3A_76 : vector<1x8x128xf32> to vector<8x128xf32>
    %swap3A_78 = vector.shape_cast %select_n3A : vector<8x128xf32> to vector<1x8x128xf32>
    tpu.vector_store %arg2[%swap3A_73, %swap3A_74, %swap3A_75], %swap3A_78 {strides = array<i32>} : memref<3x8x128xf32, #tpu.memory_space<vmem>>, vector<1x8x128xf32>,
    %swap3A_79 = arith.constant 1 : index
    %swap3A_80 = arith.constant 0 : index
    %swap3A_81 = arith.constant 0 : index
    %swap3A_82 = vector.load %arg2[%swap3A_79, %swap3A_80, %swap3A_81] : memref<3x8x128xf32, #tpu.memory_space<vmem>>, vector<1x8x128xf32>
    %swap3A_83 = vector.shape_cast %swap3A_82 : vector<1x8x128xf32> to vector<8x128xf32>
    %swap3A_84 = vector.shape_cast %select_n3A_38 : vector<8x128xf32> to vector<1x8x128xf32>
    tpu.vector_store %arg2[%swap3A_79, %swap3A_80, %swap3A_81], %swap3A_84 {strides = array<i32>} : memref<3x8x128xf32, #tpu.memory_space<vmem>>, vector<1x8x128xf32>,
    %swap3A_85 = arith.constant 2 : index
    %swap3A_86 = arith.constant 0 : index
    %swap3A_87 = arith.constant 0 : index
    %swap3A_88 = vector.load %arg2[%swap3A_85, %swap3A_86, %swap3A_87] : memref<3x8x128xf32, #tpu.memory_space<vmem>>, vector<1x8x128xf32>
    %swap3A_89 = vector.shape_cast %swap3A_88 : vector<1x8x128xf32> to vector<8x128xf32>
    %swap3A_90 = vector.shape_cast %select_n3A_47 : vector<8x128xf32> to vector<1x8x128xf32>
    tpu.vector_store %arg2[%swap3A_85, %swap3A_86, %swap3A_87], %swap3A_90 {strides = array<i32>} : memref<3x8x128xf32, #tpu.memory_space<vmem>>, vector<1x8x128xf32>,
    %broadcast_in_dim3A_91 = arith.constant 0x7F800000 : f32
    %broadcast_in_dim3A_92 = vector.broadcast %broadcast_in_dim3A_91 : f32 to vector<128x128xf32>
    %scan3A = arith.constant 1 : i32
    %scan3A_93 = arith.constant 1023 : i32
    %scan3A_94 = arith.addi %scan3A, %scan3A_93 : i32
    %scan3A_95 = arith.constant 1 : i32
    %scan3A_96:4 = scf.for %scan3A_98 = %scan3A to %scan3A_94 step %scan3A_95 iter_args(%scan3A_99 = %broadcast_in_dim3A_92, %scan3A_100 = %slice3A, %scan3A_101 = %slice3A_19, %scan3A_102 = %slice3A_20) -> (vector<128x128xf32>, vector<1x1xf32>, vector<1x1xf32>, vector<1x1xf32>)  : i32 {
      %sub3A = vector.broadcast %scan3A_100 : vector<1x1xf32> to vector<128x128xf32>
      %sub3A_103 = arith.subf %get3A_3, %sub3A : vector<128x128xf32>
      %sub3A_104 = vector.broadcast %scan3A_101 : vector<1x1xf32> to vector<128x128xf32>
      %sub3A_105 = arith.subf %get3A_8, %sub3A_104 : vector<128x128xf32>
      %sub3A_106 = vector.broadcast %scan3A_102 : vector<1x1xf32> to vector<128x128xf32>
      %sub3A_107 = arith.subf %get3A_13, %sub3A_106 : vector<128x128xf32>
      %mul3A_108 = arith.mulf %sub3A_103, %sub3A_103 : vector<128x128xf32>
      %mul3A_109 = arith.mulf %sub3A_105, %sub3A_105 : vector<128x128xf32>
      %add3A_110 = arith.addf %mul3A_108, %mul3A_109 : vector<128x128xf32>
      %mul3A_111 = arith.mulf %sub3A_107, %sub3A_107 : vector<128x128xf32>
      %add3A_112 = arith.addf %add3A_110, %mul3A_111 : vector<128x128xf32>
      %min3A = arith.minimumf %scan3A_99, %add3A_112 : vector<128x128xf32>
      %reduce_max3A = arith.constant dense<0xFF800000> : vector<128xf32>
      %reduce_max3A_113 = vector.multi_reduction <maximumf>, %min3A, %reduce_max3A [0] : vector<128x128xf32> to vector<128xf32>
      %broadcast_in_dim3A_114 = vector.shape_cast %reduce_max3A_113 : vector<128xf32> to vector<1x128xf32>
      %reduce_max3A_115 = arith.constant dense<0xFF800000> : vector<1xf32>
      %reduce_max3A_116 = vector.multi_reduction <maximumf>, %broadcast_in_dim3A_114, %reduce_max3A_115 [1] : vector<1x128xf32> to vector<1xf32>
      %broadcast_in_dim3A_117 = vector.shape_cast %reduce_max3A_116 : vector<1xf32> to vector<1x1xf32>
      %eq3A_118 = vector.broadcast %broadcast_in_dim3A_117 : vector<1x1xf32> to vector<128x128xf32>
      %eq3A_119 = arith.cmpf oeq, %min3A, %eq3A_118 : vector<128x128xf32>
      %jit3A_120 = arith.constant 1073741824 : i32
      %broadcast_in_dim3A_121 = vector.broadcast %jit3A_120 : i32 to vector<128x128xi32>
      %select_n3A_122 = arith.select %eq3A_119, %or3A, %broadcast_in_dim3A_121 : vector<128x128xi1>, vector<128x128xi32>
      %reduce_min3A = arith.constant dense<2147483647> : vector<128xi32>
      %reduce_min3A_123 = vector.multi_reduction <minsi>, %select_n3A_122, %reduce_min3A [0] : vector<128x128xi32> to vector<128xi32>
      %broadcast_in_dim3A_124 = vector.shape_cast %reduce_min3A_123 : vector<128xi32> to vector<1x128xi32>
      %reduce_min3A_125 = arith.constant dense<2147483647> : vector<1xi32>
      %reduce_min3A_126 = vector.multi_reduction <minsi>, %broadcast_in_dim3A_124, %reduce_min3A_125 [1] : vector<1x128xi32> to vector<1xi32>
      %broadcast_in_dim3A_127 = vector.shape_cast %reduce_min3A_126 : vector<1xi32> to vector<1x1xi32>
      %jit3A_128 = arith.constant 1073741824 : i32
      %broadcast_in_dim3A_129 = vector.broadcast %jit3A_128 : i32 to vector<128x128xi32>
      %select_n3A_130 = arith.select %eq3A_119, %or3A_54, %broadcast_in_dim3A_129 : vector<128x128xi1>, vector<128x128xi32>
      %reduce_min3A_131 = arith.constant dense<2147483647> : vector<128xi32>
      %reduce_min3A_132 = vector.multi_reduction <minsi>, %select_n3A_130, %reduce_min3A_131 [0] : vector<128x128xi32> to vector<128xi32>
      %broadcast_in_dim3A_133 = vector.shape_cast %reduce_min3A_132 : vector<128xi32> to vector<1x128xi32>
      %reduce_min3A_134 = arith.constant dense<2147483647> : vector<1xi32>
      %reduce_min3A_135 = vector.multi_reduction <minsi>, %broadcast_in_dim3A_133, %reduce_min3A_134 [1] : vector<1x128xi32> to vector<1xi32>
      %broadcast_in_dim3A_136 = vector.shape_cast %reduce_min3A_135 : vector<1xi32> to vector<1x1xi32>
      %jit3A_137 = arith.constant 1073741824 : i32
      %broadcast_in_dim3A_138 = vector.broadcast %jit3A_137 : i32 to vector<128x128xi32>
      %select_n3A_139 = arith.select %eq3A_119, %or3A_59, %broadcast_in_dim3A_138 : vector<128x128xi1>, vector<128x128xi32>
      %reduce_min3A_140 = arith.constant dense<2147483647> : vector<128xi32>
      %reduce_min3A_141 = vector.multi_reduction <minsi>, %select_n3A_139, %reduce_min3A_140 [0] : vector<128x128xi32> to vector<128xi32>
      %broadcast_in_dim3A_142 = vector.shape_cast %reduce_min3A_141 : vector<128xi32> to vector<1x128xi32>
      %reduce_min3A_143 = arith.constant dense<2147483647> : vector<1xi32>
      %reduce_min3A_144 = vector.multi_reduction <minsi>, %broadcast_in_dim3A_142, %reduce_min3A_143 [1] : vector<1x128xi32> to vector<1xi32>
      %broadcast_in_dim3A_145 = vector.shape_cast %reduce_min3A_144 : vector<1xi32> to vector<1x1xi32>
      %jit3A_146 = arith.constant 1073741824 : i32
      %broadcast_in_dim3A_147 = vector.broadcast %jit3A_146 : i32 to vector<128x128xi32>
      %select_n3A_148 = arith.select %eq3A_119, %or3A_63, %broadcast_in_dim3A_147 : vector<128x128xi1>, vector<128x128xi32>
      %reduce_min3A_149 = arith.constant dense<2147483647> : vector<128xi32>
      %reduce_min3A_150 = vector.multi_reduction <minsi>, %select_n3A_148, %reduce_min3A_149 [0] : vector<128x128xi32> to vector<128xi32>
      %broadcast_in_dim3A_151 = vector.shape_cast %reduce_min3A_150 : vector<128xi32> to vector<1x128xi32>
      %reduce_min3A_152 = arith.constant dense<2147483647> : vector<1xi32>
      %reduce_min3A_153 = vector.multi_reduction <minsi>, %broadcast_in_dim3A_151, %reduce_min3A_152 [1] : vector<1x128xi32> to vector<1xi32>
      %broadcast_in_dim3A_154 = vector.shape_cast %reduce_min3A_153 : vector<1xi32> to vector<1x1xi32>
      %jit3A_155 = arith.constant 1073741824 : i32
      %broadcast_in_dim3A_156 = vector.broadcast %jit3A_155 : i32 to vector<128x128xi32>
      %select_n3A_157 = arith.select %eq3A_119, %or3A_68, %broadcast_in_dim3A_156 : vector<128x128xi1>, vector<128x128xi32>
      %reduce_min3A_158 = arith.constant dense<2147483647> : vector<128xi32>
      %reduce_min3A_159 = vector.multi_reduction <minsi>, %select_n3A_157, %reduce_min3A_158 [0] : vector<128x128xi32> to vector<128xi32>
      %broadcast_in_dim3A_160 = vector.shape_cast %reduce_min3A_159 : vector<128xi32> to vector<1x128xi32>
      %reduce_min3A_161 = arith.constant dense<2147483647> : vector<1xi32>
      %reduce_min3A_162 = vector.multi_reduction <minsi>, %broadcast_in_dim3A_160, %reduce_min3A_161 [1] : vector<1x128xi32> to vector<1xi32>
      %broadcast_in_dim3A_163 = vector.shape_cast %reduce_min3A_162 : vector<1xi32> to vector<1x1xi32>
      %jit3A_164 = arith.constant 1073741824 : i32
      %broadcast_in_dim3A_165 = vector.broadcast %jit3A_164 : i32 to vector<128x128xi32>
      %select_n3A_166 = arith.select %eq3A_119, %or3A_72, %broadcast_in_dim3A_165 : vector<128x128xi1>, vector<128x128xi32>
      %reduce_min3A_167 = arith.constant dense<2147483647> : vector<128xi32>
      %reduce_min3A_168 = vector.multi_reduction <minsi>, %select_n3A_166, %reduce_min3A_167 [0] : vector<128x128xi32> to vector<128xi32>
      %broadcast_in_dim3A_169 = vector.shape_cast %reduce_min3A_168 : vector<128xi32> to vector<1x128xi32>
      %reduce_min3A_170 = arith.constant dense<2147483647> : vector<1xi32>
      %reduce_min3A_171 = vector.multi_reduction <minsi>, %broadcast_in_dim3A_169, %reduce_min3A_170 [1] : vector<1x128xi32> to vector<1xi32>
      %broadcast_in_dim3A_172 = vector.shape_cast %reduce_min3A_171 : vector<1xi32> to vector<1x1xi32>
      %shift_right_logical3A_173 = arith.constant 16 : i32
      %shift_right_logical3A_174 = vector.broadcast %shift_right_logical3A_173 : i32 to vector<1x1xi32>
      %shift_right_logical3A_175 = arith.shrui %broadcast_in_dim3A_127, %shift_right_logical3A_174 : vector<1x1xi32>
      %and3A_176 = arith.constant 65535 : i32
      %and3A_177 = vector.broadcast %and3A_176 : i32 to vector<1x1xi32>
      %and3A_178 = arith.andi %broadcast_in_dim3A_127, %and3A_177 : vector<1x1xi32>
      %shift_left3A_179 = arith.constant 16 : i32
      %shift_left3A_180 = vector.broadcast %shift_left3A_179 : i32 to vector<1x1xi32>
      %shift_left3A_181 = arith.shli %and3A_178, %shift_left3A_180 : vector<1x1xi32>
      %and3A_182 = arith.constant 65535 : i32
      %and3A_183 = vector.broadcast %and3A_182 : i32 to vector<1x1xi32>
      %and3A_184 = arith.andi %broadcast_in_dim3A_136, %and3A_183 : vector<1x1xi32>
      %or3A_185 = arith.ori %shift_left3A_181, %and3A_184 : vector<1x1xi32>
      %bitcast_convert_type3A_186 = tpu.bitcast %or3A_185 : vector<1x1xi32> -> vector<1x1xf32>
      %and3A_187 = arith.constant 65535 : i32
      %and3A_188 = vector.broadcast %and3A_187 : i32 to vector<1x1xi32>
      %and3A_189 = arith.andi %broadcast_in_dim3A_145, %and3A_188 : vector<1x1xi32>
      %shift_left3A_190 = arith.constant 16 : i32
      %shift_left3A_191 = vector.broadcast %shift_left3A_190 : i32 to vector<1x1xi32>
      %shift_left3A_192 = arith.shli %and3A_189, %shift_left3A_191 : vector<1x1xi32>
      %and3A_193 = arith.constant 65535 : i32
      %and3A_194 = vector.broadcast %and3A_193 : i32 to vector<1x1xi32>
      %and3A_195 = arith.andi %broadcast_in_dim3A_154, %and3A_194 : vector<1x1xi32>
      %or3A_196 = arith.ori %shift_left3A_192, %and3A_195 : vector<1x1xi32>
      %bitcast_convert_type3A_197 = tpu.bitcast %or3A_196 : vector<1x1xi32> -> vector<1x1xf32>
      %and3A_198 = arith.constant 65535 : i32
      %and3A_199 = vector.broadcast %and3A_198 : i32 to vector<1x1xi32>
      %and3A_200 = arith.andi %broadcast_in_dim3A_163, %and3A_199 : vector<1x1xi32>
      %shift_left3A_201 = arith.constant 16 : i32
      %shift_left3A_202 = vector.broadcast %shift_left3A_201 : i32 to vector<1x1xi32>
      %shift_left3A_203 = arith.shli %and3A_200, %shift_left3A_202 : vector<1x1xi32>
      %and3A_204 = arith.constant 65535 : i32
      %and3A_205 = vector.broadcast %and3A_204 : i32 to vector<1x1xi32>
      %and3A_206 = arith.andi %broadcast_in_dim3A_172, %and3A_205 : vector<1x1xi32>
      %or3A_207 = arith.ori %shift_left3A_203, %and3A_206 : vector<1x1xi32>
      %bitcast_convert_type3A_208 = tpu.bitcast %or3A_207 : vector<1x1xi32> -> vector<1x1xf32>
      %jit3A_209 = arith.constant 128 : i32
      %div3A = arith.divsi %scan3A_98, %jit3A_209 : i32
      %sign3A = arith.constant 0 : i32
      %sign3A_210 = arith.cmpi sgt, %scan3A_98, %sign3A : i32
      %sign3A_211 = arith.extui %sign3A_210 : i1 to i32
      %sign3A_212 = arith.constant 0 : i32
      %sign3A_213 = arith.cmpi slt, %scan3A_98, %sign3A_212 : i32
      %sign3A_214 = arith.extui %sign3A_213 : i1 to i32
      %sign3A_215 = arith.subi %sign3A_211, %sign3A_214 : i32
      %sign3A_216 = arith.constant 0 : i32
      %sign3A_217 = arith.cmpi sgt, %jit3A_209, %sign3A_216 : i32
      %sign3A_218 = arith.extui %sign3A_217 : i1 to i32
      %sign3A_219 = arith.constant 0 : i32
      %sign3A_220 = arith.cmpi slt, %jit3A_209, %sign3A_219 : i32
      %sign3A_221 = arith.extui %sign3A_220 : i1 to i32
      %sign3A_222 = arith.subi %sign3A_218, %sign3A_221 : i32
      %ne3A = arith.cmpi ne, %sign3A_215, %sign3A_222 : i32
      %rem3A = arith.remsi %scan3A_98, %jit3A_209 : i32
      %ne3A_223 = arith.constant 0 : i32
      %ne3A_224 = arith.cmpi ne, %rem3A, %ne3A_223 : i32
      %and3A_225 = arith.andi %ne3A, %ne3A_224 : i1
      %sub3A_226 = arith.constant 1 : i32
      %sub3A_227 = arith.subi %div3A, %sub3A_226 : i32
      %select_n3A_228 = arith.select %and3A_225, %sub3A_227, %div3A : i32
      %eq3A_229 = vector.broadcast %select_n3A_228 : i32 to vector<8x128xi32>
      %eq3A_230 = arith.cmpi eq, %iota3A_17, %eq3A_229 : vector<8x128xi32>
      %jit3A_231 = arith.constant 128 : i32
      %eq3A_232 = arith.constant 0 : i32
      %eq3A_233 = arith.cmpi eq, %jit3A_231, %eq3A_232 : i32
      %jit3A_234 = arith.constant 1 : i32
      %select_n3A_235 = arith.select %eq3A_233, %jit3A_234, %jit3A_231 : i32
      %rem3A_236 = arith.remsi %scan3A_98, %select_n3A_235 : i32
      %ne3A_237 = arith.constant 0 : i32
      %ne3A_238 = arith.cmpi ne, %rem3A_236, %ne3A_237 : i32
      %lt3A = arith.constant 0 : i32
      %lt3A_239 = arith.cmpi slt, %rem3A_236, %lt3A : i32
      %lt3A_240 = arith.constant 0 : i32
      %lt3A_241 = arith.cmpi slt, %select_n3A_235, %lt3A_240 : i32
      %ne3A_242 = arith.xori %lt3A_239, %lt3A_241 : i1
      %and3A_243 = arith.andi %ne3A_242, %ne3A_238 : i1
      %add3A_244 = arith.addi %rem3A_236, %select_n3A_235 : i32
      %select_n3A_245 = arith.select %and3A_243, %add3A_244, %rem3A_236 : i32
      %eq3A_246 = vector.broadcast %select_n3A_245 : i32 to vector<8x128xi32>
      %eq3A_247 = arith.cmpi eq, %iota3A_18, %eq3A_246 : vector<8x128xi32>
      %and3A_248 = arith.andi %eq3A_230, %eq3A_247 : vector<8x128xi1>
      %get3A_249 = arith.constant 0 : index
      %get3A_250 = arith.constant 0 : index
      %get3A_251 = vector.load %arg1[%get3A_249, %get3A_250] : memref<8x128xi32, #tpu.memory_space<vmem>>, vector<8x128xi32>
      %broadcast_in_dim3A_252 = vector.shape_cast %shift_right_logical3A_175 : vector<1x1xi32> to vector<1x1xi32>
      %broadcast_in_dim3A_253 = vector.broadcast %broadcast_in_dim3A_252 : vector<1x1xi32> to vector<8x128xi32>
      %select_n3A_254 = arith.select %and3A_248, %broadcast_in_dim3A_253, %get3A_251 : vector<8x128xi1>, vector<8x128xi32>
      %swap3A_255 = arith.constant 0 : index
      %swap3A_256 = arith.constant 0 : index
      %swap3A_257 = vector.load %arg1[%swap3A_255, %swap3A_256] : memref<8x128xi32, #tpu.memory_space<vmem>>, vector<8x128xi32>
      tpu.vector_store %arg1[%swap3A_255, %swap3A_256], %select_n3A_254 {strides = array<i32>} : memref<8x128xi32, #tpu.memory_space<vmem>>, vector<8x128xi32>,
      %get3A_258 = arith.constant 0 : index
      %get3A_259 = arith.constant 0 : index
      %get3A_260 = arith.constant 0 : index
      %get3A_261 = vector.load %arg2[%get3A_258, %get3A_259, %get3A_260] : memref<3x8x128xf32, #tpu.memory_space<vmem>>, vector<1x8x128xf32>
      %get3A_262 = vector.shape_cast %get3A_261 : vector<1x8x128xf32> to vector<8x128xf32>
      %broadcast_in_dim3A_263 = vector.shape_cast %bitcast_convert_type3A_186 : vector<1x1xf32> to vector<1x1xf32>
      %broadcast_in_dim3A_264 = vector.broadcast %broadcast_in_dim3A_263 : vector<1x1xf32> to vector<8x128xf32>
      %select_n3A_265 = arith.select %and3A_248, %broadcast_in_dim3A_264, %get3A_262 : vector<8x128xi1>, vector<8x128xf32>
      %swap3A_266 = arith.constant 0 : index
      %swap3A_267 = arith.constant 0 : index
      %swap3A_268 = arith.constant 0 : index
      %swap3A_269 = vector.load %arg2[%swap3A_266, %swap3A_267, %swap3A_268] : memref<3x8x128xf32, #tpu.memory_space<vmem>>, vector<1x8x128xf32>
      %swap3A_270 = vector.shape_cast %swap3A_269 : vector<1x8x128xf32> to vector<8x128xf32>
      %swap3A_271 = vector.shape_cast %select_n3A_265 : vector<8x128xf32> to vector<1x8x128xf32>
      tpu.vector_store %arg2[%swap3A_266, %swap3A_267, %swap3A_268], %swap3A_271 {strides = array<i32>} : memref<3x8x128xf32, #tpu.memory_space<vmem>>, vector<1x8x128xf32>,
      %get3A_272 = arith.constant 1 : index
      %get3A_273 = arith.constant 0 : index
      %get3A_274 = arith.constant 0 : index
      %get3A_275 = vector.load %arg2[%get3A_272, %get3A_273, %get3A_274] : memref<3x8x128xf32, #tpu.memory_space<vmem>>, vector<1x8x128xf32>
      %get3A_276 = vector.shape_cast %get3A_275 : vector<1x8x128xf32> to vector<8x128xf32>
      %broadcast_in_dim3A_277 = vector.shape_cast %bitcast_convert_type3A_197 : vector<1x1xf32> to vector<1x1xf32>
      %broadcast_in_dim3A_278 = vector.broadcast %broadcast_in_dim3A_277 : vector<1x1xf32> to vector<8x128xf32>
      %select_n3A_279 = arith.select %and3A_248, %broadcast_in_dim3A_278, %get3A_276 : vector<8x128xi1>, vector<8x128xf32>
      %swap3A_280 = arith.constant 1 : index
      %swap3A_281 = arith.constant 0 : index
      %swap3A_282 = arith.constant 0 : index
      %swap3A_283 = vector.load %arg2[%swap3A_280, %swap3A_281, %swap3A_282] : memref<3x8x128xf32, #tpu.memory_space<vmem>>, vector<1x8x128xf32>
      %swap3A_284 = vector.shape_cast %swap3A_283 : vector<1x8x128xf32> to vector<8x128xf32>
      %swap3A_285 = vector.shape_cast %select_n3A_279 : vector<8x128xf32> to vector<1x8x128xf32>
      tpu.vector_store %arg2[%swap3A_280, %swap3A_281, %swap3A_282], %swap3A_285 {strides = array<i32>} : memref<3x8x128xf32, #tpu.memory_space<vmem>>, vector<1x8x128xf32>,
      %get3A_286 = arith.constant 2 : index
      %get3A_287 = arith.constant 0 : index
      %get3A_288 = arith.constant 0 : index
      %get3A_289 = vector.load %arg2[%get3A_286, %get3A_287, %get3A_288] : memref<3x8x128xf32, #tpu.memory_space<vmem>>, vector<1x8x128xf32>
      %get3A_290 = vector.shape_cast %get3A_289 : vector<1x8x128xf32> to vector<8x128xf32>
      %broadcast_in_dim3A_291 = vector.shape_cast %bitcast_convert_type3A_208 : vector<1x1xf32> to vector<1x1xf32>
      %broadcast_in_dim3A_292 = vector.broadcast %broadcast_in_dim3A_291 : vector<1x1xf32> to vector<8x128xf32>
      %select_n3A_293 = arith.select %and3A_248, %broadcast_in_dim3A_292, %get3A_290 : vector<8x128xi1>, vector<8x128xf32>
      %swap3A_294 = arith.constant 2 : index
      %swap3A_295 = arith.constant 0 : index
      %swap3A_296 = arith.constant 0 : index
      %swap3A_297 = vector.load %arg2[%swap3A_294, %swap3A_295, %swap3A_296] : memref<3x8x128xf32, #tpu.memory_space<vmem>>, vector<1x8x128xf32>
      %swap3A_298 = vector.shape_cast %swap3A_297 : vector<1x8x128xf32> to vector<8x128xf32>
      %swap3A_299 = vector.shape_cast %select_n3A_293 : vector<8x128xf32> to vector<1x8x128xf32>
      tpu.vector_store %arg2[%swap3A_294, %swap3A_295, %swap3A_296], %swap3A_299 {strides = array<i32>} : memref<3x8x128xf32, #tpu.memory_space<vmem>>, vector<1x8x128xf32>,
      scf.yield %min3A, %bitcast_convert_type3A_186, %bitcast_convert_type3A_197, %bitcast_convert_type3A_208 : vector<128x128xf32>, vector<1x1xf32>, vector<1x1xf32>, vector<1x1xf32>
    }
    %scan3A_97 = arith.constant 1023 : i32
    return
  }
}

module attributes {stable_mosaic.version = 14 : i64} {
  func.func @_topk_body(%arg0: i32, %arg1: memref<128x1xf32, #tpu.memory_space<vmem>>, %arg2: memref<128x8xbf16, #tpu.memory_space<vmem>>, %arg3: memref<128x8x128xbf16, #tpu.memory_space<vmem>>, %arg4: memref<128x1x128xf32, #tpu.memory_space<vmem>>, %arg5: memref<128x16xi32, #tpu.memory_space<vmem>>, %arg6: memref<128x128x128xf32, #tpu.memory_space<vmem>>) attributes {dimension_semantics = [#tpu.dimension_semantics<arbitrary>], iteration_bounds = array<i64: 8>, scalar_prefetch = 0 : i64, scratch_operands = 1 : i64, tpu.core_type = #tpu.core_type<tc>, window_params = [{transform_indices = @transform_0, window_bounds = array<i64: 128, 1>}, {transform_indices = @transform_1, window_bounds = array<i64: 128, 8>}, {pipeline_mode = #tpu.pipeline_mode<synchronous>, transform_indices = @transform_2, window_bounds = array<i64: 128, 8, 128>}, {pipeline_mode = #tpu.pipeline_mode<synchronous>, transform_indices = @transform_3, window_bounds = array<i64: 128, 1, 128>}, {transform_indices = @transform_4, window_bounds = array<i64: 128, 16>}]} {
    %get3A = arith.constant 0 : index
    %get3A_0 = arith.constant 0 : index
    %get3A_1 = vector.load %arg1[%get3A, %get3A_0] : memref<128x1xf32, #tpu.memory_space<vmem>>, vector<128x1xf32>
    %get3A_2 = arith.constant 0 : index
    %get3A_3 = arith.constant 0 : index
    %get3A_4 = vector.load %arg2[%get3A_2, %get3A_3] : memref<128x8xbf16, #tpu.memory_space<vmem>>, vector<128x8xbf16>
    %scan3A = arith.constant 0 : i32
    %scan3A_5 = arith.constant 128 : i32
    %scan3A_6 = arith.addi %scan3A, %scan3A_5 : i32
    %scan3A_7 = arith.constant 1 : i32
    scf.for %scan3A_975 = %scan3A to %scan3A_6 step %scan3A_7  : i32 {
      %get3A_976 = arith.index_cast %scan3A_975 : i32 to index
      %get3A_977 = arith.constant 0 : index
      %get3A_978 = arith.constant 0 : index
      %get3A_979 = vector.load %arg3[%get3A_976, %get3A_977, %get3A_978] : memref<128x8x128xbf16, #tpu.memory_space<vmem>>, vector<1x8x128xbf16>
      %get3A_980 = vector.shape_cast %get3A_979 : vector<1x8x128xbf16> to vector<8x128xbf16>
      %dot_general3A = arith.constant dense<0.000000e+00> : vector<128x128xf32>
      %dot_general3A_981 = tpu.matmul %get3A_4, %get3A_980, %dot_general3A {dimension_numbers = #tpu.dot_dimension_numbers<[1], [0], [0], [1], [0, 0, 1, 1], [], []>, transpose_lhs_hint = false} : vector<128x8xbf16>, vector<8x128xbf16>, vector<128x128xf32> -> vector<128x128xf32>
      %mul3A_982 = arith.constant 2.000000e+00 : f32
      %mul3A_983 = vector.broadcast %mul3A_982 : f32 to vector<128x128xf32>
      %mul3A_984 = arith.mulf %mul3A_983, %dot_general3A_981 : vector<128x128xf32>
      %sub3A = vector.broadcast %get3A_1 : vector<128x1xf32> to vector<128x128xf32>
      %sub3A_985 = arith.subf %sub3A, %mul3A_984 : vector<128x128xf32>
      %get3A_986 = arith.index_cast %scan3A_975 : i32 to index
      %get3A_987 = arith.constant 0 : index
      %get3A_988 = arith.constant 0 : index
      %get3A_989 = vector.load %arg4[%get3A_986, %get3A_987, %get3A_988] : memref<128x1x128xf32, #tpu.memory_space<vmem>>, vector<1x1x128xf32>
      %get3A_990 = vector.shape_cast %get3A_989 : vector<1x1x128xf32> to vector<1x128xf32>
      %add3A_991 = vector.broadcast %get3A_990 : vector<1x128xf32> to vector<128x128xf32>
      %add3A_992 = arith.addf %sub3A_985, %add3A_991 : vector<128x128xf32>
      %swap3A_993 = arith.index_cast %scan3A_975 : i32 to index
      %swap3A_994 = arith.constant 0 : index
      %swap3A_995 = arith.constant 0 : index
      %swap3A_996 = vector.load %arg6[%swap3A_993, %swap3A_994, %swap3A_995] : memref<128x128x128xf32, #tpu.memory_space<vmem>>, vector<1x128x128xf32>
      %swap3A_997 = vector.shape_cast %swap3A_996 : vector<1x128x128xf32> to vector<128x128xf32>
      %swap3A_998 = vector.shape_cast %add3A_992 : vector<128x128xf32> to vector<1x128x128xf32>
      tpu.vector_store %arg6[%swap3A_993, %swap3A_994, %swap3A_995], %swap3A_998 {strides = array<i32>} : memref<128x128x128xf32, #tpu.memory_space<vmem>>, vector<1x128x128xf32>,
    }
    %scan3A_8 = arith.constant 128 : i32
    %iota3A = tpu.iota {dimensions = array<i32: 1>} : vector<128x128xi32>
    %broadcast_in_dim3A = arith.constant 0xFF800000 : f32
    %broadcast_in_dim3A_9 = vector.broadcast %broadcast_in_dim3A : f32 to vector<128x1xf32>
    %broadcast_in_dim3A_10 = arith.constant 0x7F800000 : f32
    %broadcast_in_dim3A_11 = vector.broadcast %broadcast_in_dim3A_10 : f32 to vector<128x128xf32>
    %broadcast_in_dim3A_12 = arith.constant 0x7F800000 : f32
    %broadcast_in_dim3A_13 = vector.broadcast %broadcast_in_dim3A_12 : f32 to vector<128x128xf32>
    %broadcast_in_dim3A_14 = arith.constant 0x7F800000 : f32
    %broadcast_in_dim3A_15 = vector.broadcast %broadcast_in_dim3A_14 : f32 to vector<128x128xf32>
    %broadcast_in_dim3A_16 = arith.constant 0x7F800000 : f32
    %broadcast_in_dim3A_17 = vector.broadcast %broadcast_in_dim3A_16 : f32 to vector<128x128xf32>
    %broadcast_in_dim3A_18 = arith.constant 0 : i32
    %broadcast_in_dim3A_19 = vector.broadcast %broadcast_in_dim3A_18 : i32 to vector<128x128xi32>
    %broadcast_in_dim3A_20 = arith.constant 0 : i32
    %broadcast_in_dim3A_21 = vector.broadcast %broadcast_in_dim3A_20 : i32 to vector<128x128xi32>
    %broadcast_in_dim3A_22 = arith.constant 0 : i32
    %broadcast_in_dim3A_23 = vector.broadcast %broadcast_in_dim3A_22 : i32 to vector<128x128xi32>
    %broadcast_in_dim3A_24 = arith.constant 0 : i32
    %broadcast_in_dim3A_25 = vector.broadcast %broadcast_in_dim3A_24 : i32 to vector<128x128xi32>
    %scan3A_26 = arith.constant 0 : i32
    %scan3A_27 = arith.constant 16 : i32
    %scan3A_28 = arith.addi %scan3A_26, %scan3A_27 : i32
    %scan3A_29 = arith.constant 1 : i32
    %scan3A_30:8 = scf.for %scan3A_975 = %scan3A_26 to %scan3A_28 step %scan3A_29 iter_args(%scan3A_976 = %broadcast_in_dim3A_11, %scan3A_977 = %broadcast_in_dim3A_13, %scan3A_978 = %broadcast_in_dim3A_15, %scan3A_979 = %broadcast_in_dim3A_17, %scan3A_980 = %broadcast_in_dim3A_19, %scan3A_981 = %broadcast_in_dim3A_21, %scan3A_982 = %broadcast_in_dim3A_23, %scan3A_983 = %broadcast_in_dim3A_25) -> (vector<128x128xf32>, vector<128x128xf32>, vector<128x128xf32>, vector<128x128xf32>, vector<128x128xi32>, vector<128x128xi32>, vector<128x128xi32>, vector<128x128xi32>)  : i32 {
      %mul3A_984 = arith.constant 8 : i32
      %mul3A_985 = arith.muli %scan3A_975, %mul3A_984 : i32
      %add3A_986 = arith.constant 0 : i32
      %add3A_987 = arith.addi %mul3A_985, %add3A_986 : i32
      %get3A_988 = arith.index_cast %add3A_987 : i32 to index
      %get3A_989 = arith.constant 0 : index
      %get3A_990 = arith.constant 0 : index
      %get3A_991 = vector.load %arg6[%get3A_988, %get3A_989, %get3A_990] : memref<128x128x128xf32, #tpu.memory_space<vmem>>, vector<1x128x128xf32>
      %get3A_992 = vector.shape_cast %get3A_991 : vector<1x128x128xf32> to vector<128x128xf32>
      %gt3A = vector.broadcast %broadcast_in_dim3A_9 : vector<128x1xf32> to vector<128x128xf32>
      %gt3A_993 = arith.cmpf ogt, %get3A_992, %gt3A : vector<128x128xf32>
      %jit3A_994 = arith.constant 0x7F800000 : f32
      %broadcast_in_dim3A_995 = vector.broadcast %jit3A_994 : f32 to vector<128x128xf32>
      %select_n3A_996 = arith.select %gt3A_993, %get3A_992, %broadcast_in_dim3A_995 : vector<128x128xi1>, vector<128x128xf32>
      %lt3A_997 = arith.cmpf olt, %select_n3A_996, %scan3A_976 : vector<128x128xf32>
      %min3A_998 = arith.minimumf %scan3A_976, %select_n3A_996 : vector<128x128xf32>
      %broadcast_in_dim3A_999 = vector.broadcast %add3A_987 : i32 to vector<128x128xi32>
      %select_n3A_1000 = arith.select %lt3A_997, %broadcast_in_dim3A_999, %scan3A_980 : vector<128x128xi1>, vector<128x128xi32>
      %mul3A_1001 = arith.constant 8 : i32
      %mul3A_1002 = arith.muli %scan3A_975, %mul3A_1001 : i32
      %add3A_1003 = arith.constant 1 : i32
      %add3A_1004 = arith.addi %mul3A_1002, %add3A_1003 : i32
      %get3A_1005 = arith.index_cast %add3A_1004 : i32 to index
      %get3A_1006 = arith.constant 0 : index
      %get3A_1007 = arith.constant 0 : index
      %get3A_1008 = vector.load %arg6[%get3A_1005, %get3A_1006, %get3A_1007] : memref<128x128x128xf32, #tpu.memory_space<vmem>>, vector<1x128x128xf32>
      %get3A_1009 = vector.shape_cast %get3A_1008 : vector<1x128x128xf32> to vector<128x128xf32>
      %gt3A_1010 = vector.broadcast %broadcast_in_dim3A_9 : vector<128x1xf32> to vector<128x128xf32>
      %gt3A_1011 = arith.cmpf ogt, %get3A_1009, %gt3A_1010 : vector<128x128xf32>
      %jit3A_1012 = arith.constant 0x7F800000 : f32
      %broadcast_in_dim3A_1013 = vector.broadcast %jit3A_1012 : f32 to vector<128x128xf32>
      %select_n3A_1014 = arith.select %gt3A_1011, %get3A_1009, %broadcast_in_dim3A_1013 : vector<128x128xi1>, vector<128x128xf32>
      %lt3A_1015 = arith.cmpf olt, %select_n3A_1014, %scan3A_977 : vector<128x128xf32>
      %min3A_1016 = arith.minimumf %scan3A_977, %select_n3A_1014 : vector<128x128xf32>
      %broadcast_in_dim3A_1017 = vector.broadcast %add3A_1004 : i32 to vector<128x128xi32>
      %select_n3A_1018 = arith.select %lt3A_1015, %broadcast_in_dim3A_1017, %scan3A_981 : vector<128x128xi1>, vector<128x128xi32>
      %mul3A_1019 = arith.constant 8 : i32
      %mul3A_1020 = arith.muli %scan3A_975, %mul3A_1019 : i32
      %add3A_1021 = arith.constant 2 : i32
      %add3A_1022 = arith.addi %mul3A_1020, %add3A_1021 : i32
      %get3A_1023 = arith.index_cast %add3A_1022 : i32 to index
      %get3A_1024 = arith.constant 0 : index
      %get3A_1025 = arith.constant 0 : index
      %get3A_1026 = vector.load %arg6[%get3A_1023, %get3A_1024, %get3A_1025] : memref<128x128x128xf32, #tpu.memory_space<vmem>>, vector<1x128x128xf32>
      %get3A_1027 = vector.shape_cast %get3A_1026 : vector<1x128x128xf32> to vector<128x128xf32>
      %gt3A_1028 = vector.broadcast %broadcast_in_dim3A_9 : vector<128x1xf32> to vector<128x128xf32>
      %gt3A_1029 = arith.cmpf ogt, %get3A_1027, %gt3A_1028 : vector<128x128xf32>
      %jit3A_1030 = arith.constant 0x7F800000 : f32
      %broadcast_in_dim3A_1031 = vector.broadcast %jit3A_1030 : f32 to vector<128x128xf32>
      %select_n3A_1032 = arith.select %gt3A_1029, %get3A_1027, %broadcast_in_dim3A_1031 : vector<128x128xi1>, vector<128x128xf32>
      %lt3A_1033 = arith.cmpf olt, %select_n3A_1032, %scan3A_978 : vector<128x128xf32>
      %min3A_1034 = arith.minimumf %scan3A_978, %select_n3A_1032 : vector<128x128xf32>
      %broadcast_in_dim3A_1035 = vector.broadcast %add3A_1022 : i32 to vector<128x128xi32>
      %select_n3A_1036 = arith.select %lt3A_1033, %broadcast_in_dim3A_1035, %scan3A_982 : vector<128x128xi1>, vector<128x128xi32>
      %mul3A_1037 = arith.constant 8 : i32
      %mul3A_1038 = arith.muli %scan3A_975, %mul3A_1037 : i32
      %add3A_1039 = arith.constant 3 : i32
      %add3A_1040 = arith.addi %mul3A_1038, %add3A_1039 : i32
      %get3A_1041 = arith.index_cast %add3A_1040 : i32 to index
      %get3A_1042 = arith.constant 0 : index
      %get3A_1043 = arith.constant 0 : index
      %get3A_1044 = vector.load %arg6[%get3A_1041, %get3A_1042, %get3A_1043] : memref<128x128x128xf32, #tpu.memory_space<vmem>>, vector<1x128x128xf32>
      %get3A_1045 = vector.shape_cast %get3A_1044 : vector<1x128x128xf32> to vector<128x128xf32>
      %gt3A_1046 = vector.broadcast %broadcast_in_dim3A_9 : vector<128x1xf32> to vector<128x128xf32>
      %gt3A_1047 = arith.cmpf ogt, %get3A_1045, %gt3A_1046 : vector<128x128xf32>
      %jit3A_1048 = arith.constant 0x7F800000 : f32
      %broadcast_in_dim3A_1049 = vector.broadcast %jit3A_1048 : f32 to vector<128x128xf32>
      %select_n3A_1050 = arith.select %gt3A_1047, %get3A_1045, %broadcast_in_dim3A_1049 : vector<128x128xi1>, vector<128x128xf32>
      %lt3A_1051 = arith.cmpf olt, %select_n3A_1050, %scan3A_979 : vector<128x128xf32>
      %min3A_1052 = arith.minimumf %scan3A_979, %select_n3A_1050 : vector<128x128xf32>
      %broadcast_in_dim3A_1053 = vector.broadcast %add3A_1040 : i32 to vector<128x128xi32>
      %select_n3A_1054 = arith.select %lt3A_1051, %broadcast_in_dim3A_1053, %scan3A_983 : vector<128x128xi1>, vector<128x128xi32>
      %mul3A_1055 = arith.constant 8 : i32
      %mul3A_1056 = arith.muli %scan3A_975, %mul3A_1055 : i32
      %add3A_1057 = arith.constant 4 : i32
      %add3A_1058 = arith.addi %mul3A_1056, %add3A_1057 : i32
      %get3A_1059 = arith.index_cast %add3A_1058 : i32 to index
      %get3A_1060 = arith.constant 0 : index
      %get3A_1061 = arith.constant 0 : index
      %get3A_1062 = vector.load %arg6[%get3A_1059, %get3A_1060, %get3A_1061] : memref<128x128x128xf32, #tpu.memory_space<vmem>>, vector<1x128x128xf32>
      %get3A_1063 = vector.shape_cast %get3A_1062 : vector<1x128x128xf32> to vector<128x128xf32>
      %gt3A_1064 = vector.broadcast %broadcast_in_dim3A_9 : vector<128x1xf32> to vector<128x128xf32>
      %gt3A_1065 = arith.cmpf ogt, %get3A_1063, %gt3A_1064 : vector<128x128xf32>
      %jit3A_1066 = arith.constant 0x7F800000 : f32
      %broadcast_in_dim3A_1067 = vector.broadcast %jit3A_1066 : f32 to vector<128x128xf32>
      %select_n3A_1068 = arith.select %gt3A_1065, %get3A_1063, %broadcast_in_dim3A_1067 : vector<128x128xi1>, vector<128x128xf32>
      %lt3A_1069 = arith.cmpf olt, %select_n3A_1068, %min3A_998 : vector<128x128xf32>
      %min3A_1070 = arith.minimumf %min3A_998, %select_n3A_1068 : vector<128x128xf32>
      %broadcast_in_dim3A_1071 = vector.broadcast %add3A_1058 : i32 to vector<128x128xi32>
      %select_n3A_1072 = arith.select %lt3A_1069, %broadcast_in_dim3A_1071, %select_n3A_1000 : vector<128x128xi1>, vector<128x128xi32>
      %mul3A_1073 = arith.constant 8 : i32
      %mul3A_1074 = arith.muli %scan3A_975, %mul3A_1073 : i32
      %add3A_1075 = arith.constant 5 : i32
      %add3A_1076 = arith.addi %mul3A_1074, %add3A_1075 : i32
      %get3A_1077 = arith.index_cast %add3A_1076 : i32 to index
      %get3A_1078 = arith.constant 0 : index
      %get3A_1079 = arith.constant 0 : index
      %get3A_1080 = vector.load %arg6[%get3A_1077, %get3A_1078, %get3A_1079] : memref<128x128x128xf32, #tpu.memory_space<vmem>>, vector<1x128x128xf32>
      %get3A_1081 = vector.shape_cast %get3A_1080 : vector<1x128x128xf32> to vector<128x128xf32>
      %gt3A_1082 = vector.broadcast %broadcast_in_dim3A_9 : vector<128x1xf32> to vector<128x128xf32>
      %gt3A_1083 = arith.cmpf ogt, %get3A_1081, %gt3A_1082 : vector<128x128xf32>
      %jit3A_1084 = arith.constant 0x7F800000 : f32
      %broadcast_in_dim3A_1085 = vector.broadcast %jit3A_1084 : f32 to vector<128x128xf32>
      %select_n3A_1086 = arith.select %gt3A_1083, %get3A_1081, %broadcast_in_dim3A_1085 : vector<128x128xi1>, vector<128x128xf32>
      %lt3A_1087 = arith.cmpf olt, %select_n3A_1086, %min3A_1016 : vector<128x128xf32>
      %min3A_1088 = arith.minimumf %min3A_1016, %select_n3A_1086 : vector<128x128xf32>
      %broadcast_in_dim3A_1089 = vector.broadcast %add3A_1076 : i32 to vector<128x128xi32>
      %select_n3A_1090 = arith.select %lt3A_1087, %broadcast_in_dim3A_1089, %select_n3A_1018 : vector<128x128xi1>, vector<128x128xi32>
      %mul3A_1091 = arith.constant 8 : i32
      %mul3A_1092 = arith.muli %scan3A_975, %mul3A_1091 : i32
      %add3A_1093 = arith.constant 6 : i32
      %add3A_1094 = arith.addi %mul3A_1092, %add3A_1093 : i32
      %get3A_1095 = arith.index_cast %add3A_1094 : i32 to index
      %get3A_1096 = arith.constant 0 : index
      %get3A_1097 = arith.constant 0 : index
      %get3A_1098 = vector.load %arg6[%get3A_1095, %get3A_1096, %get3A_1097] : memref<128x128x128xf32, #tpu.memory_space<vmem>>, vector<1x128x128xf32>
      %get3A_1099 = vector.shape_cast %get3A_1098 : vector<1x128x128xf32> to vector<128x128xf32>
      %gt3A_1100 = vector.broadcast %broadcast_in_dim3A_9 : vector<128x1xf32> to vector<128x128xf32>
      %gt3A_1101 = arith.cmpf ogt, %get3A_1099, %gt3A_1100 : vector<128x128xf32>
      %jit3A_1102 = arith.constant 0x7F800000 : f32
      %broadcast_in_dim3A_1103 = vector.broadcast %jit3A_1102 : f32 to vector<128x128xf32>
      %select_n3A_1104 = arith.select %gt3A_1101, %get3A_1099, %broadcast_in_dim3A_1103 : vector<128x128xi1>, vector<128x128xf32>
      %lt3A_1105 = arith.cmpf olt, %select_n3A_1104, %min3A_1034 : vector<128x128xf32>
      %min3A_1106 = arith.minimumf %min3A_1034, %select_n3A_1104 : vector<128x128xf32>
      %broadcast_in_dim3A_1107 = vector.broadcast %add3A_1094 : i32 to vector<128x128xi32>
      %select_n3A_1108 = arith.select %lt3A_1105, %broadcast_in_dim3A_1107, %select_n3A_1036 : vector<128x128xi1>, vector<128x128xi32>
      %mul3A_1109 = arith.constant 8 : i32
      %mul3A_1110 = arith.muli %scan3A_975, %mul3A_1109 : i32
      %add3A_1111 = arith.constant 7 : i32
      %add3A_1112 = arith.addi %mul3A_1110, %add3A_1111 : i32
      %get3A_1113 = arith.index_cast %add3A_1112 : i32 to index
      %get3A_1114 = arith.constant 0 : index
      %get3A_1115 = arith.constant 0 : index
      %get3A_1116 = vector.load %arg6[%get3A_1113, %get3A_1114, %get3A_1115] : memref<128x128x128xf32, #tpu.memory_space<vmem>>, vector<1x128x128xf32>
      %get3A_1117 = vector.shape_cast %get3A_1116 : vector<1x128x128xf32> to vector<128x128xf32>
      %gt3A_1118 = vector.broadcast %broadcast_in_dim3A_9 : vector<128x1xf32> to vector<128x128xf32>
      %gt3A_1119 = arith.cmpf ogt, %get3A_1117, %gt3A_1118 : vector<128x128xf32>
      %jit3A_1120 = arith.constant 0x7F800000 : f32
      %broadcast_in_dim3A_1121 = vector.broadcast %jit3A_1120 : f32 to vector<128x128xf32>
      %select_n3A_1122 = arith.select %gt3A_1119, %get3A_1117, %broadcast_in_dim3A_1121 : vector<128x128xi1>, vector<128x128xf32>
      %lt3A_1123 = arith.cmpf olt, %select_n3A_1122, %min3A_1052 : vector<128x128xf32>
      %min3A_1124 = arith.minimumf %min3A_1052, %select_n3A_1122 : vector<128x128xf32>
      %broadcast_in_dim3A_1125 = vector.broadcast %add3A_1112 : i32 to vector<128x128xi32>
      %select_n3A_1126 = arith.select %lt3A_1123, %broadcast_in_dim3A_1125, %select_n3A_1054 : vector<128x128xi1>, vector<128x128xi32>
      scf.yield %min3A_1070, %min3A_1088, %min3A_1106, %min3A_1124, %select_n3A_1072, %select_n3A_1090, %select_n3A_1108, %select_n3A_1126 : vector<128x128xf32>, vector<128x128xf32>, vector<128x128xf32>, vector<128x128xf32>, vector<128x128xi32>, vector<128x128xi32>, vector<128x128xi32>, vector<128x128xi32>
    }
    %scan3A_31 = arith.constant 16 : i32
    %lt3A = arith.cmpf olt, %scan3A_30#1, %scan3A_30#0 : vector<128x128xf32>
    %eq3A = arith.cmpf oeq, %scan3A_30#1, %scan3A_30#0 : vector<128x128xf32>
    %lt3A_32 = arith.cmpi slt, %scan3A_30#5, %scan3A_30#4 : vector<128x128xi32>
    %and3A = arith.andi %eq3A, %lt3A_32 : vector<128x128xi1>
    %or3A = arith.ori %lt3A, %and3A : vector<128x128xi1>
    %min3A = arith.minimumf %scan3A_30#0, %scan3A_30#1 : vector<128x128xf32>
    %select_n3A = arith.select %or3A, %scan3A_30#5, %scan3A_30#4 : vector<128x128xi1>, vector<128x128xi32>
    %lt3A_33 = arith.cmpf olt, %scan3A_30#2, %min3A : vector<128x128xf32>
    %eq3A_34 = arith.cmpf oeq, %scan3A_30#2, %min3A : vector<128x128xf32>
    %lt3A_35 = arith.cmpi slt, %scan3A_30#6, %select_n3A : vector<128x128xi32>
    %and3A_36 = arith.andi %eq3A_34, %lt3A_35 : vector<128x128xi1>
    %or3A_37 = arith.ori %lt3A_33, %and3A_36 : vector<128x128xi1>
    %min3A_38 = arith.minimumf %min3A, %scan3A_30#2 : vector<128x128xf32>
    %select_n3A_39 = arith.select %or3A_37, %scan3A_30#6, %select_n3A : vector<128x128xi1>, vector<128x128xi32>
    %lt3A_40 = arith.cmpf olt, %scan3A_30#3, %min3A_38 : vector<128x128xf32>
    %eq3A_41 = arith.cmpf oeq, %scan3A_30#3, %min3A_38 : vector<128x128xf32>
    %lt3A_42 = arith.cmpi slt, %scan3A_30#7, %select_n3A_39 : vector<128x128xi32>
    %and3A_43 = arith.andi %eq3A_41, %lt3A_42 : vector<128x128xi1>
    %or3A_44 = arith.ori %lt3A_40, %and3A_43 : vector<128x128xi1>
    %min3A_45 = arith.minimumf %min3A_38, %scan3A_30#3 : vector<128x128xf32>
    %select_n3A_46 = arith.select %or3A_44, %scan3A_30#7, %select_n3A_39 : vector<128x128xi1>, vector<128x128xi32>
    %reduce_min3A = arith.constant dense<0x7F800000> : vector<128xf32>
    %reduce_min3A_47 = vector.multi_reduction <minimumf>, %min3A_45, %reduce_min3A [1] : vector<128x128xf32> to vector<128xf32>
    %broadcast_in_dim3A_48 = vector.shape_cast %reduce_min3A_47 : vector<128xf32> to vector<128x1xf32>
    %mul3A = arith.constant 128 : i32
    %mul3A_49 = vector.broadcast %mul3A : i32 to vector<128x128xi32>
    %mul3A_50 = arith.muli %select_n3A_46, %mul3A_49 : vector<128x128xi32>
    %add3A = arith.addi %mul3A_50, %iota3A : vector<128x128xi32>
    %eq3A_51 = vector.broadcast %broadcast_in_dim3A_48 : vector<128x1xf32> to vector<128x128xf32>
    %eq3A_52 = arith.cmpf oeq, %min3A_45, %eq3A_51 : vector<128x128xf32>
    %jit3A = arith.constant 1073741824 : i32
    %broadcast_in_dim3A_53 = vector.broadcast %jit3A : i32 to vector<128x128xi32>
    %select_n3A_54 = arith.select %eq3A_52, %add3A, %broadcast_in_dim3A_53 : vector<128x128xi1>, vector<128x128xi32>
    %reduce_min3A_55 = arith.constant dense<2147483647> : vector<128xi32>
    %reduce_min3A_56 = vector.multi_reduction <minsi>, %select_n3A_54, %reduce_min3A_55 [1] : vector<128x128xi32> to vector<128xi32>
    %broadcast_in_dim3A_57 = vector.shape_cast %reduce_min3A_56 : vector<128xi32> to vector<128x1xi32>
    %swap3A = arith.constant 0 : index
    %swap3A_58 = arith.constant 0 : index
    %swap3A_59 = vector.load %arg5[%swap3A, %swap3A_58] : memref<128x16xi32, #tpu.memory_space<vmem>>, vector<128x1xi32>
    tpu.vector_store %arg5[%swap3A, %swap3A_58], %broadcast_in_dim3A_57 {strides = array<i32>} : memref<128x16xi32, #tpu.memory_space<vmem>>, vector<128x1xi32>,
    %broadcast_in_dim3A_60 = arith.constant 0x7F800000 : f32
    %broadcast_in_dim3A_61 = vector.broadcast %broadcast_in_dim3A_60 : f32 to vector<128x128xf32>
    %broadcast_in_dim3A_62 = arith.constant 0x7F800000 : f32
    %broadcast_in_dim3A_63 = vector.broadcast %broadcast_in_dim3A_62 : f32 to vector<128x128xf32>
    %broadcast_in_dim3A_64 = arith.constant 0x7F800000 : f32
    %broadcast_in_dim3A_65 = vector.broadcast %broadcast_in_dim3A_64 : f32 to vector<128x128xf32>
    %broadcast_in_dim3A_66 = arith.constant 0x7F800000 : f32
    %broadcast_in_dim3A_67 = vector.broadcast %broadcast_in_dim3A_66 : f32 to vector<128x128xf32>
    %broadcast_in_dim3A_68 = arith.constant 0 : i32
    %broadcast_in_dim3A_69 = vector.broadcast %broadcast_in_dim3A_68 : i32 to vector<128x128xi32>
    %broadcast_in_dim3A_70 = arith.constant 0 : i32
    %broadcast_in_dim3A_71 = vector.broadcast %broadcast_in_dim3A_70 : i32 to vector<128x128xi32>
    %broadcast_in_dim3A_72 = arith.constant 0 : i32
    %broadcast_in_dim3A_73 = vector.broadcast %broadcast_in_dim3A_72 : i32 to vector<128x128xi32>
    %broadcast_in_dim3A_74 = arith.constant 0 : i32
    %broadcast_in_dim3A_75 = vector.broadcast %broadcast_in_dim3A_74 : i32 to vector<128x128xi32>
    %scan3A_76 = arith.constant 0 : i32
    %scan3A_77 = arith.constant 16 : i32
    %scan3A_78 = arith.addi %scan3A_76, %scan3A_77 : i32
    %scan3A_79 = arith.constant 1 : i32
    %scan3A_80:8 = scf.for %scan3A_975 = %scan3A_76 to %scan3A_78 step %scan3A_79 iter_args(%scan3A_976 = %broadcast_in_dim3A_61, %scan3A_977 = %broadcast_in_dim3A_63, %scan3A_978 = %broadcast_in_dim3A_65, %scan3A_979 = %broadcast_in_dim3A_67, %scan3A_980 = %broadcast_in_dim3A_69, %scan3A_981 = %broadcast_in_dim3A_71, %scan3A_982 = %broadcast_in_dim3A_73, %scan3A_983 = %broadcast_in_dim3A_75) -> (vector<128x128xf32>, vector<128x128xf32>, vector<128x128xf32>, vector<128x128xf32>, vector<128x128xi32>, vector<128x128xi32>, vector<128x128xi32>, vector<128x128xi32>)  : i32 {
      %mul3A_984 = arith.constant 8 : i32
      %mul3A_985 = arith.muli %scan3A_975, %mul3A_984 : i32
      %add3A_986 = arith.constant 0 : i32
      %add3A_987 = arith.addi %mul3A_985, %add3A_986 : i32
      %get3A_988 = arith.index_cast %add3A_987 : i32 to index
      %get3A_989 = arith.constant 0 : index
      %get3A_990 = arith.constant 0 : index
      %get3A_991 = vector.load %arg6[%get3A_988, %get3A_989, %get3A_990] : memref<128x128x128xf32, #tpu.memory_space<vmem>>, vector<1x128x128xf32>
      %get3A_992 = vector.shape_cast %get3A_991 : vector<1x128x128xf32> to vector<128x128xf32>
      %gt3A = vector.broadcast %broadcast_in_dim3A_48 : vector<128x1xf32> to vector<128x128xf32>
      %gt3A_993 = arith.cmpf ogt, %get3A_992, %gt3A : vector<128x128xf32>
      %jit3A_994 = arith.constant 0x7F800000 : f32
      %broadcast_in_dim3A_995 = vector.broadcast %jit3A_994 : f32 to vector<128x128xf32>
      %select_n3A_996 = arith.select %gt3A_993, %get3A_992, %broadcast_in_dim3A_995 : vector<128x128xi1>, vector<128x128xf32>
      %lt3A_997 = arith.cmpf olt, %select_n3A_996, %scan3A_976 : vector<128x128xf32>
      %min3A_998 = arith.minimumf %scan3A_976, %select_n3A_996 : vector<128x128xf32>
      %broadcast_in_dim3A_999 = vector.broadcast %add3A_987 : i32 to vector<128x128xi32>
      %select_n3A_1000 = arith.select %lt3A_997, %broadcast_in_dim3A_999, %scan3A_980 : vector<128x128xi1>, vector<128x128xi32>
      %mul3A_1001 = arith.constant 8 : i32
      %mul3A_1002 = arith.muli %scan3A_975, %mul3A_1001 : i32
      %add3A_1003 = arith.constant 1 : i32
      %add3A_1004 = arith.addi %mul3A_1002, %add3A_1003 : i32
      %get3A_1005 = arith.index_cast %add3A_1004 : i32 to index
      %get3A_1006 = arith.constant 0 : index
      %get3A_1007 = arith.constant 0 : index
      %get3A_1008 = vector.load %arg6[%get3A_1005, %get3A_1006, %get3A_1007] : memref<128x128x128xf32, #tpu.memory_space<vmem>>, vector<1x128x128xf32>
      %get3A_1009 = vector.shape_cast %get3A_1008 : vector<1x128x128xf32> to vector<128x128xf32>
      %gt3A_1010 = vector.broadcast %broadcast_in_dim3A_48 : vector<128x1xf32> to vector<128x128xf32>
      %gt3A_1011 = arith.cmpf ogt, %get3A_1009, %gt3A_1010 : vector<128x128xf32>
      %jit3A_1012 = arith.constant 0x7F800000 : f32
      %broadcast_in_dim3A_1013 = vector.broadcast %jit3A_1012 : f32 to vector<128x128xf32>
      %select_n3A_1014 = arith.select %gt3A_1011, %get3A_1009, %broadcast_in_dim3A_1013 : vector<128x128xi1>, vector<128x128xf32>
      %lt3A_1015 = arith.cmpf olt, %select_n3A_1014, %scan3A_977 : vector<128x128xf32>
      %min3A_1016 = arith.minimumf %scan3A_977, %select_n3A_1014 : vector<128x128xf32>
      %broadcast_in_dim3A_1017 = vector.broadcast %add3A_1004 : i32 to vector<128x128xi32>
      %select_n3A_1018 = arith.select %lt3A_1015, %broadcast_in_dim3A_1017, %scan3A_981 : vector<128x128xi1>, vector<128x128xi32>
      %mul3A_1019 = arith.constant 8 : i32
      %mul3A_1020 = arith.muli %scan3A_975, %mul3A_1019 : i32
      %add3A_1021 = arith.constant 2 : i32
      %add3A_1022 = arith.addi %mul3A_1020, %add3A_1021 : i32
      %get3A_1023 = arith.index_cast %add3A_1022 : i32 to index
      %get3A_1024 = arith.constant 0 : index
      %get3A_1025 = arith.constant 0 : index
      %get3A_1026 = vector.load %arg6[%get3A_1023, %get3A_1024, %get3A_1025] : memref<128x128x128xf32, #tpu.memory_space<vmem>>, vector<1x128x128xf32>
      %get3A_1027 = vector.shape_cast %get3A_1026 : vector<1x128x128xf32> to vector<128x128xf32>
      %gt3A_1028 = vector.broadcast %broadcast_in_dim3A_48 : vector<128x1xf32> to vector<128x128xf32>
      %gt3A_1029 = arith.cmpf ogt, %get3A_1027, %gt3A_1028 : vector<128x128xf32>
      %jit3A_1030 = arith.constant 0x7F800000 : f32
      %broadcast_in_dim3A_1031 = vector.broadcast %jit3A_1030 : f32 to vector<128x128xf32>
      %select_n3A_1032 = arith.select %gt3A_1029, %get3A_1027, %broadcast_in_dim3A_1031 : vector<128x128xi1>, vector<128x128xf32>
      %lt3A_1033 = arith.cmpf olt, %select_n3A_1032, %scan3A_978 : vector<128x128xf32>
      %min3A_1034 = arith.minimumf %scan3A_978, %select_n3A_1032 : vector<128x128xf32>
      %broadcast_in_dim3A_1035 = vector.broadcast %add3A_1022 : i32 to vector<128x128xi32>
      %select_n3A_1036 = arith.select %lt3A_1033, %broadcast_in_dim3A_1035, %scan3A_982 : vector<128x128xi1>, vector<128x128xi32>
      %mul3A_1037 = arith.constant 8 : i32
      %mul3A_1038 = arith.muli %scan3A_975, %mul3A_1037 : i32
      %add3A_1039 = arith.constant 3 : i32
      %add3A_1040 = arith.addi %mul3A_1038, %add3A_1039 : i32
      %get3A_1041 = arith.index_cast %add3A_1040 : i32 to index
      %get3A_1042 = arith.constant 0 : index
      %get3A_1043 = arith.constant 0 : index
      %get3A_1044 = vector.load %arg6[%get3A_1041, %get3A_1042, %get3A_1043] : memref<128x128x128xf32, #tpu.memory_space<vmem>>, vector<1x128x128xf32>
      %get3A_1045 = vector.shape_cast %get3A_1044 : vector<1x128x128xf32> to vector<128x128xf32>
      %gt3A_1046 = vector.broadcast %broadcast_in_dim3A_48 : vector<128x1xf32> to vector<128x128xf32>
      %gt3A_1047 = arith.cmpf ogt, %get3A_1045, %gt3A_1046 : vector<128x128xf32>
      %jit3A_1048 = arith.constant 0x7F800000 : f32
      %broadcast_in_dim3A_1049 = vector.broadcast %jit3A_1048 : f32 to vector<128x128xf32>
      %select_n3A_1050 = arith.select %gt3A_1047, %get3A_1045, %broadcast_in_dim3A_1049 : vector<128x128xi1>, vector<128x128xf32>
      %lt3A_1051 = arith.cmpf olt, %select_n3A_1050, %scan3A_979 : vector<128x128xf32>
      %min3A_1052 = arith.minimumf %scan3A_979, %select_n3A_1050 : vector<128x128xf32>
      %broadcast_in_dim3A_1053 = vector.broadcast %add3A_1040 : i32 to vector<128x128xi32>
      %select_n3A_1054 = arith.select %lt3A_1051, %broadcast_in_dim3A_1053, %scan3A_983 : vector<128x128xi1>, vector<128x128xi32>
      %mul3A_1055 = arith.constant 8 : i32
      %mul3A_1056 = arith.muli %scan3A_975, %mul3A_1055 : i32
      %add3A_1057 = arith.constant 4 : i32
      %add3A_1058 = arith.addi %mul3A_1056, %add3A_1057 : i32
      %get3A_1059 = arith.index_cast %add3A_1058 : i32 to index
      %get3A_1060 = arith.constant 0 : index
      %get3A_1061 = arith.constant 0 : index
      %get3A_1062 = vector.load %arg6[%get3A_1059, %get3A_1060, %get3A_1061] : memref<128x128x128xf32, #tpu.memory_space<vmem>>, vector<1x128x128xf32>
      %get3A_1063 = vector.shape_cast %get3A_1062 : vector<1x128x128xf32> to vector<128x128xf32>
      %gt3A_1064 = vector.broadcast %broadcast_in_dim3A_48 : vector<128x1xf32> to vector<128x128xf32>
      %gt3A_1065 = arith.cmpf ogt, %get3A_1063, %gt3A_1064 : vector<128x128xf32>
      %jit3A_1066 = arith.constant 0x7F800000 : f32
      %broadcast_in_dim3A_1067 = vector.broadcast %jit3A_1066 : f32 to vector<128x128xf32>
      %select_n3A_1068 = arith.select %gt3A_1065, %get3A_1063, %broadcast_in_dim3A_1067 : vector<128x128xi1>, vector<128x128xf32>
      %lt3A_1069 = arith.cmpf olt, %select_n3A_1068, %min3A_998 : vector<128x128xf32>
      %min3A_1070 = arith.minimumf %min3A_998, %select_n3A_1068 : vector<128x128xf32>
      %broadcast_in_dim3A_1071 = vector.broadcast %add3A_1058 : i32 to vector<128x128xi32>
      %select_n3A_1072 = arith.select %lt3A_1069, %broadcast_in_dim3A_1071, %select_n3A_1000 : vector<128x128xi1>, vector<128x128xi32>
      %mul3A_1073 = arith.constant 8 : i32
      %mul3A_1074 = arith.muli %scan3A_975, %mul3A_1073 : i32
      %add3A_1075 = arith.constant 5 : i32
      %add3A_1076 = arith.addi %mul3A_1074, %add3A_1075 : i32
      %get3A_1077 = arith.index_cast %add3A_1076 : i32 to index
      %get3A_1078 = arith.constant 0 : index
      %get3A_1079 = arith.constant 0 : index
      %get3A_1080 = vector.load %arg6[%get3A_1077, %get3A_1078, %get3A_1079] : memref<128x128x128xf32, #tpu.memory_space<vmem>>, vector<1x128x128xf32>
      %get3A_1081 = vector.shape_cast %get3A_1080 : vector<1x128x128xf32> to vector<128x128xf32>
      %gt3A_1082 = vector.broadcast %broadcast_in_dim3A_48 : vector<128x1xf32> to vector<128x128xf32>
      %gt3A_1083 = arith.cmpf ogt, %get3A_1081, %gt3A_1082 : vector<128x128xf32>
      %jit3A_1084 = arith.constant 0x7F800000 : f32
      %broadcast_in_dim3A_1085 = vector.broadcast %jit3A_1084 : f32 to vector<128x128xf32>
      %select_n3A_1086 = arith.select %gt3A_1083, %get3A_1081, %broadcast_in_dim3A_1085 : vector<128x128xi1>, vector<128x128xf32>
      %lt3A_1087 = arith.cmpf olt, %select_n3A_1086, %min3A_1016 : vector<128x128xf32>
      %min3A_1088 = arith.minimumf %min3A_1016, %select_n3A_1086 : vector<128x128xf32>
      %broadcast_in_dim3A_1089 = vector.broadcast %add3A_1076 : i32 to vector<128x128xi32>
      %select_n3A_1090 = arith.select %lt3A_1087, %broadcast_in_dim3A_1089, %select_n3A_1018 : vector<128x128xi1>, vector<128x128xi32>
      %mul3A_1091 = arith.constant 8 : i32
      %mul3A_1092 = arith.muli %scan3A_975, %mul3A_1091 : i32
      %add3A_1093 = arith.constant 6 : i32
      %add3A_1094 = arith.addi %mul3A_1092, %add3A_1093 : i32
      %get3A_1095 = arith.index_cast %add3A_1094 : i32 to index
      %get3A_1096 = arith.constant 0 : index
      %get3A_1097 = arith.constant 0 : index
      %get3A_1098 = vector.load %arg6[%get3A_1095, %get3A_1096, %get3A_1097] : memref<128x128x128xf32, #tpu.memory_space<vmem>>, vector<1x128x128xf32>
      %get3A_1099 = vector.shape_cast %get3A_1098 : vector<1x128x128xf32> to vector<128x128xf32>
      %gt3A_1100 = vector.broadcast %broadcast_in_dim3A_48 : vector<128x1xf32> to vector<128x128xf32>
      %gt3A_1101 = arith.cmpf ogt, %get3A_1099, %gt3A_1100 : vector<128x128xf32>
      %jit3A_1102 = arith.constant 0x7F800000 : f32
      %broadcast_in_dim3A_1103 = vector.broadcast %jit3A_1102 : f32 to vector<128x128xf32>
      %select_n3A_1104 = arith.select %gt3A_1101, %get3A_1099, %broadcast_in_dim3A_1103 : vector<128x128xi1>, vector<128x128xf32>
      %lt3A_1105 = arith.cmpf olt, %select_n3A_1104, %min3A_1034 : vector<128x128xf32>
      %min3A_1106 = arith.minimumf %min3A_1034, %select_n3A_1104 : vector<128x128xf32>
      %broadcast_in_dim3A_1107 = vector.broadcast %add3A_1094 : i32 to vector<128x128xi32>
      %select_n3A_1108 = arith.select %lt3A_1105, %broadcast_in_dim3A_1107, %select_n3A_1036 : vector<128x128xi1>, vector<128x128xi32>
      %mul3A_1109 = arith.constant 8 : i32
      %mul3A_1110 = arith.muli %scan3A_975, %mul3A_1109 : i32
      %add3A_1111 = arith.constant 7 : i32
      %add3A_1112 = arith.addi %mul3A_1110, %add3A_1111 : i32
      %get3A_1113 = arith.index_cast %add3A_1112 : i32 to index
      %get3A_1114 = arith.constant 0 : index
      %get3A_1115 = arith.constant 0 : index
      %get3A_1116 = vector.load %arg6[%get3A_1113, %get3A_1114, %get3A_1115] : memref<128x128x128xf32, #tpu.memory_space<vmem>>, vector<1x128x128xf32>
      %get3A_1117 = vector.shape_cast %get3A_1116 : vector<1x128x128xf32> to vector<128x128xf32>
      %gt3A_1118 = vector.broadcast %broadcast_in_dim3A_48 : vector<128x1xf32> to vector<128x128xf32>
      %gt3A_1119 = arith.cmpf ogt, %get3A_1117, %gt3A_1118 : vector<128x128xf32>
      %jit3A_1120 = arith.constant 0x7F800000 : f32
      %broadcast_in_dim3A_1121 = vector.broadcast %jit3A_1120 : f32 to vector<128x128xf32>
      %select_n3A_1122 = arith.select %gt3A_1119, %get3A_1117, %broadcast_in_dim3A_1121 : vector<128x128xi1>, vector<128x128xf32>
      %lt3A_1123 = arith.cmpf olt, %select_n3A_1122, %min3A_1052 : vector<128x128xf32>
      %min3A_1124 = arith.minimumf %min3A_1052, %select_n3A_1122 : vector<128x128xf32>
      %broadcast_in_dim3A_1125 = vector.broadcast %add3A_1112 : i32 to vector<128x128xi32>
      %select_n3A_1126 = arith.select %lt3A_1123, %broadcast_in_dim3A_1125, %select_n3A_1054 : vector<128x128xi1>, vector<128x128xi32>
      scf.yield %min3A_1070, %min3A_1088, %min3A_1106, %min3A_1124, %select_n3A_1072, %select_n3A_1090, %select_n3A_1108, %select_n3A_1126 : vector<128x128xf32>, vector<128x128xf32>, vector<128x128xf32>, vector<128x128xf32>, vector<128x128xi32>, vector<128x128xi32>, vector<128x128xi32>, vector<128x128xi32>
    }
    %scan3A_81 = arith.constant 16 : i32
    %lt3A_82 = arith.cmpf olt, %scan3A_80#1, %scan3A_80#0 : vector<128x128xf32>
    %eq3A_83 = arith.cmpf oeq, %scan3A_80#1, %scan3A_80#0 : vector<128x128xf32>
    %lt3A_84 = arith.cmpi slt, %scan3A_80#5, %scan3A_80#4 : vector<128x128xi32>
    %and3A_85 = arith.andi %eq3A_83, %lt3A_84 : vector<128x128xi1>
    %or3A_86 = arith.ori %lt3A_82, %and3A_85 : vector<128x128xi1>
    %min3A_87 = arith.minimumf %scan3A_80#0, %scan3A_80#1 : vector<128x128xf32>
    %select_n3A_88 = arith.select %or3A_86, %scan3A_80#5, %scan3A_80#4 : vector<128x128xi1>, vector<128x128xi32>
    %lt3A_89 = arith.cmpf olt, %scan3A_80#2, %min3A_87 : vector<128x128xf32>
    %eq3A_90 = arith.cmpf oeq, %scan3A_80#2, %min3A_87 : vector<128x128xf32>
    %lt3A_91 = arith.cmpi slt, %scan3A_80#6, %select_n3A_88 : vector<128x128xi32>
    %and3A_92 = arith.andi %eq3A_90, %lt3A_91 : vector<128x128xi1>
    %or3A_93 = arith.ori %lt3A_89, %and3A_92 : vector<128x128xi1>
    %min3A_94 = arith.minimumf %min3A_87, %scan3A_80#2 : vector<128x128xf32>
    %select_n3A_95 = arith.select %or3A_93, %scan3A_80#6, %select_n3A_88 : vector<128x128xi1>, vector<128x128xi32>
    %lt3A_96 = arith.cmpf olt, %scan3A_80#3, %min3A_94 : vector<128x128xf32>
    %eq3A_97 = arith.cmpf oeq, %scan3A_80#3, %min3A_94 : vector<128x128xf32>
    %lt3A_98 = arith.cmpi slt, %scan3A_80#7, %select_n3A_95 : vector<128x128xi32>
    %and3A_99 = arith.andi %eq3A_97, %lt3A_98 : vector<128x128xi1>
    %or3A_100 = arith.ori %lt3A_96, %and3A_99 : vector<128x128xi1>
    %min3A_101 = arith.minimumf %min3A_94, %scan3A_80#3 : vector<128x128xf32>
    %select_n3A_102 = arith.select %or3A_100, %scan3A_80#7, %select_n3A_95 : vector<128x128xi1>, vector<128x128xi32>
    %reduce_min3A_103 = arith.constant dense<0x7F800000> : vector<128xf32>
    %reduce_min3A_104 = vector.multi_reduction <minimumf>, %min3A_101, %reduce_min3A_103 [1] : vector<128x128xf32> to vector<128xf32>
    %broadcast_in_dim3A_105 = vector.shape_cast %reduce_min3A_104 : vector<128xf32> to vector<128x1xf32>
    %mul3A_106 = arith.constant 128 : i32
    %mul3A_107 = vector.broadcast %mul3A_106 : i32 to vector<128x128xi32>
    %mul3A_108 = arith.muli %select_n3A_102, %mul3A_107 : vector<128x128xi32>
    %add3A_109 = arith.addi %mul3A_108, %iota3A : vector<128x128xi32>
    %eq3A_110 = vector.broadcast %broadcast_in_dim3A_105 : vector<128x1xf32> to vector<128x128xf32>
    %eq3A_111 = arith.cmpf oeq, %min3A_101, %eq3A_110 : vector<128x128xf32>
    %jit3A_112 = arith.constant 1073741824 : i32
    %broadcast_in_dim3A_113 = vector.broadcast %jit3A_112 : i32 to vector<128x128xi32>
    %select_n3A_114 = arith.select %eq3A_111, %add3A_109, %broadcast_in_dim3A_113 : vector<128x128xi1>, vector<128x128xi32>
    %reduce_min3A_115 = arith.constant dense<2147483647> : vector<128xi32>
    %reduce_min3A_116 = vector.multi_reduction <minsi>, %select_n3A_114, %reduce_min3A_115 [1] : vector<128x128xi32> to vector<128xi32>
    %broadcast_in_dim3A_117 = vector.shape_cast %reduce_min3A_116 : vector<128xi32> to vector<128x1xi32>
    %swap3A_118 = arith.constant 0 : index
    %swap3A_119 = arith.constant 1 : index
    %swap3A_120 = vector.load %arg5[%swap3A_118, %swap3A_119] : memref<128x16xi32, #tpu.memory_space<vmem>>, vector<128x1xi32>
    tpu.vector_store %arg5[%swap3A_118, %swap3A_119], %broadcast_in_dim3A_117 {strides = array<i32>} : memref<128x16xi32, #tpu.memory_space<vmem>>, vector<128x1xi32>,
    %broadcast_in_dim3A_121 = arith.constant 0x7F800000 : f32
    %broadcast_in_dim3A_122 = vector.broadcast %broadcast_in_dim3A_121 : f32 to vector<128x128xf32>
    %broadcast_in_dim3A_123 = arith.constant 0x7F800000 : f32
    %broadcast_in_dim3A_124 = vector.broadcast %broadcast_in_dim3A_123 : f32 to vector<128x128xf32>
    %broadcast_in_dim3A_125 = arith.constant 0x7F800000 : f32
    %broadcast_in_dim3A_126 = vector.broadcast %broadcast_in_dim3A_125 : f32 to vector<128x128xf32>
    %broadcast_in_dim3A_127 = arith.constant 0x7F800000 : f32
    %broadcast_in_dim3A_128 = vector.broadcast %broadcast_in_dim3A_127 : f32 to vector<128x128xf32>
    %broadcast_in_dim3A_129 = arith.constant 0 : i32
    %broadcast_in_dim3A_130 = vector.broadcast %broadcast_in_dim3A_129 : i32 to vector<128x128xi32>
    %broadcast_in_dim3A_131 = arith.constant 0 : i32
    %broadcast_in_dim3A_132 = vector.broadcast %broadcast_in_dim3A_131 : i32 to vector<128x128xi32>
    %broadcast_in_dim3A_133 = arith.constant 0 : i32
    %broadcast_in_dim3A_134 = vector.broadcast %broadcast_in_dim3A_133 : i32 to vector<128x128xi32>
    %broadcast_in_dim3A_135 = arith.constant 0 : i32
    %broadcast_in_dim3A_136 = vector.broadcast %broadcast_in_dim3A_135 : i32 to vector<128x128xi32>
    %scan3A_137 = arith.constant 0 : i32
    %scan3A_138 = arith.constant 16 : i32
    %scan3A_139 = arith.addi %scan3A_137, %scan3A_138 : i32
    %scan3A_140 = arith.constant 1 : i32
    %scan3A_141:8 = scf.for %scan3A_975 = %scan3A_137 to %scan3A_139 step %scan3A_140 iter_args(%scan3A_976 = %broadcast_in_dim3A_122, %scan3A_977 = %broadcast_in_dim3A_124, %scan3A_978 = %broadcast_in_dim3A_126, %scan3A_979 = %broadcast_in_dim3A_128, %scan3A_980 = %broadcast_in_dim3A_130, %scan3A_981 = %broadcast_in_dim3A_132, %scan3A_982 = %broadcast_in_dim3A_134, %scan3A_983 = %broadcast_in_dim3A_136) -> (vector<128x128xf32>, vector<128x128xf32>, vector<128x128xf32>, vector<128x128xf32>, vector<128x128xi32>, vector<128x128xi32>, vector<128x128xi32>, vector<128x128xi32>)  : i32 {
      %mul3A_984 = arith.constant 8 : i32
      %mul3A_985 = arith.muli %scan3A_975, %mul3A_984 : i32
      %add3A_986 = arith.constant 0 : i32
      %add3A_987 = arith.addi %mul3A_985, %add3A_986 : i32
      %get3A_988 = arith.index_cast %add3A_987 : i32 to index
      %get3A_989 = arith.constant 0 : index
      %get3A_990 = arith.constant 0 : index
      %get3A_991 = vector.load %arg6[%get3A_988, %get3A_989, %get3A_990] : memref<128x128x128xf32, #tpu.memory_space<vmem>>, vector<1x128x128xf32>
      %get3A_992 = vector.shape_cast %get3A_991 : vector<1x128x128xf32> to vector<128x128xf32>
      %gt3A = vector.broadcast %broadcast_in_dim3A_105 : vector<128x1xf32> to vector<128x128xf32>
      %gt3A_993 = arith.cmpf ogt, %get3A_992, %gt3A : vector<128x128xf32>
      %jit3A_994 = arith.constant 0x7F800000 : f32
      %broadcast_in_dim3A_995 = vector.broadcast %jit3A_994 : f32 to vector<128x128xf32>
      %select_n3A_996 = arith.select %gt3A_993, %get3A_992, %broadcast_in_dim3A_995 : vector<128x128xi1>, vector<128x128xf32>
      %lt3A_997 = arith.cmpf olt, %select_n3A_996, %scan3A_976 : vector<128x128xf32>
      %min3A_998 = arith.minimumf %scan3A_976, %select_n3A_996 : vector<128x128xf32>
      %broadcast_in_dim3A_999 = vector.broadcast %add3A_987 : i32 to vector<128x128xi32>
      %select_n3A_1000 = arith.select %lt3A_997, %broadcast_in_dim3A_999, %scan3A_980 : vector<128x128xi1>, vector<128x128xi32>
      %mul3A_1001 = arith.constant 8 : i32
      %mul3A_1002 = arith.muli %scan3A_975, %mul3A_1001 : i32
      %add3A_1003 = arith.constant 1 : i32
      %add3A_1004 = arith.addi %mul3A_1002, %add3A_1003 : i32
      %get3A_1005 = arith.index_cast %add3A_1004 : i32 to index
      %get3A_1006 = arith.constant 0 : index
      %get3A_1007 = arith.constant 0 : index
      %get3A_1008 = vector.load %arg6[%get3A_1005, %get3A_1006, %get3A_1007] : memref<128x128x128xf32, #tpu.memory_space<vmem>>, vector<1x128x128xf32>
      %get3A_1009 = vector.shape_cast %get3A_1008 : vector<1x128x128xf32> to vector<128x128xf32>
      %gt3A_1010 = vector.broadcast %broadcast_in_dim3A_105 : vector<128x1xf32> to vector<128x128xf32>
      %gt3A_1011 = arith.cmpf ogt, %get3A_1009, %gt3A_1010 : vector<128x128xf32>
      %jit3A_1012 = arith.constant 0x7F800000 : f32
      %broadcast_in_dim3A_1013 = vector.broadcast %jit3A_1012 : f32 to vector<128x128xf32>
      %select_n3A_1014 = arith.select %gt3A_1011, %get3A_1009, %broadcast_in_dim3A_1013 : vector<128x128xi1>, vector<128x128xf32>
      %lt3A_1015 = arith.cmpf olt, %select_n3A_1014, %scan3A_977 : vector<128x128xf32>
      %min3A_1016 = arith.minimumf %scan3A_977, %select_n3A_1014 : vector<128x128xf32>
      %broadcast_in_dim3A_1017 = vector.broadcast %add3A_1004 : i32 to vector<128x128xi32>
      %select_n3A_1018 = arith.select %lt3A_1015, %broadcast_in_dim3A_1017, %scan3A_981 : vector<128x128xi1>, vector<128x128xi32>
      %mul3A_1019 = arith.constant 8 : i32
      %mul3A_1020 = arith.muli %scan3A_975, %mul3A_1019 : i32
      %add3A_1021 = arith.constant 2 : i32
      %add3A_1022 = arith.addi %mul3A_1020, %add3A_1021 : i32
      %get3A_1023 = arith.index_cast %add3A_1022 : i32 to index
      %get3A_1024 = arith.constant 0 : index
      %get3A_1025 = arith.constant 0 : index
      %get3A_1026 = vector.load %arg6[%get3A_1023, %get3A_1024, %get3A_1025] : memref<128x128x128xf32, #tpu.memory_space<vmem>>, vector<1x128x128xf32>
      %get3A_1027 = vector.shape_cast %get3A_1026 : vector<1x128x128xf32> to vector<128x128xf32>
      %gt3A_1028 = vector.broadcast %broadcast_in_dim3A_105 : vector<128x1xf32> to vector<128x128xf32>
      %gt3A_1029 = arith.cmpf ogt, %get3A_1027, %gt3A_1028 : vector<128x128xf32>
      %jit3A_1030 = arith.constant 0x7F800000 : f32
      %broadcast_in_dim3A_1031 = vector.broadcast %jit3A_1030 : f32 to vector<128x128xf32>
      %select_n3A_1032 = arith.select %gt3A_1029, %get3A_1027, %broadcast_in_dim3A_1031 : vector<128x128xi1>, vector<128x128xf32>
      %lt3A_1033 = arith.cmpf olt, %select_n3A_1032, %scan3A_978 : vector<128x128xf32>
      %min3A_1034 = arith.minimumf %scan3A_978, %select_n3A_1032 : vector<128x128xf32>
      %broadcast_in_dim3A_1035 = vector.broadcast %add3A_1022 : i32 to vector<128x128xi32>
      %select_n3A_1036 = arith.select %lt3A_1033, %broadcast_in_dim3A_1035, %scan3A_982 : vector<128x128xi1>, vector<128x128xi32>
      %mul3A_1037 = arith.constant 8 : i32
      %mul3A_1038 = arith.muli %scan3A_975, %mul3A_1037 : i32
      %add3A_1039 = arith.constant 3 : i32
      %add3A_1040 = arith.addi %mul3A_1038, %add3A_1039 : i32
      %get3A_1041 = arith.index_cast %add3A_1040 : i32 to index
      %get3A_1042 = arith.constant 0 : index
      %get3A_1043 = arith.constant 0 : index
      %get3A_1044 = vector.load %arg6[%get3A_1041, %get3A_1042, %get3A_1043] : memref<128x128x128xf32, #tpu.memory_space<vmem>>, vector<1x128x128xf32>
      %get3A_1045 = vector.shape_cast %get3A_1044 : vector<1x128x128xf32> to vector<128x128xf32>
      %gt3A_1046 = vector.broadcast %broadcast_in_dim3A_105 : vector<128x1xf32> to vector<128x128xf32>
      %gt3A_1047 = arith.cmpf ogt, %get3A_1045, %gt3A_1046 : vector<128x128xf32>
      %jit3A_1048 = arith.constant 0x7F800000 : f32
      %broadcast_in_dim3A_1049 = vector.broadcast %jit3A_1048 : f32 to vector<128x128xf32>
      %select_n3A_1050 = arith.select %gt3A_1047, %get3A_1045, %broadcast_in_dim3A_1049 : vector<128x128xi1>, vector<128x128xf32>
      %lt3A_1051 = arith.cmpf olt, %select_n3A_1050, %scan3A_979 : vector<128x128xf32>
      %min3A_1052 = arith.minimumf %scan3A_979, %select_n3A_1050 : vector<128x128xf32>
      %broadcast_in_dim3A_1053 = vector.broadcast %add3A_1040 : i32 to vector<128x128xi32>
      %select_n3A_1054 = arith.select %lt3A_1051, %broadcast_in_dim3A_1053, %scan3A_983 : vector<128x128xi1>, vector<128x128xi32>
      %mul3A_1055 = arith.constant 8 : i32
      %mul3A_1056 = arith.muli %scan3A_975, %mul3A_1055 : i32
      %add3A_1057 = arith.constant 4 : i32
      %add3A_1058 = arith.addi %mul3A_1056, %add3A_1057 : i32
      %get3A_1059 = arith.index_cast %add3A_1058 : i32 to index
      %get3A_1060 = arith.constant 0 : index
      %get3A_1061 = arith.constant 0 : index
      %get3A_1062 = vector.load %arg6[%get3A_1059, %get3A_1060, %get3A_1061] : memref<128x128x128xf32, #tpu.memory_space<vmem>>, vector<1x128x128xf32>
      %get3A_1063 = vector.shape_cast %get3A_1062 : vector<1x128x128xf32> to vector<128x128xf32>
      %gt3A_1064 = vector.broadcast %broadcast_in_dim3A_105 : vector<128x1xf32> to vector<128x128xf32>
      %gt3A_1065 = arith.cmpf ogt, %get3A_1063, %gt3A_1064 : vector<128x128xf32>
      %jit3A_1066 = arith.constant 0x7F800000 : f32
      %broadcast_in_dim3A_1067 = vector.broadcast %jit3A_1066 : f32 to vector<128x128xf32>
      %select_n3A_1068 = arith.select %gt3A_1065, %get3A_1063, %broadcast_in_dim3A_1067 : vector<128x128xi1>, vector<128x128xf32>
      %lt3A_1069 = arith.cmpf olt, %select_n3A_1068, %min3A_998 : vector<128x128xf32>
      %min3A_1070 = arith.minimumf %min3A_998, %select_n3A_1068 : vector<128x128xf32>
      %broadcast_in_dim3A_1071 = vector.broadcast %add3A_1058 : i32 to vector<128x128xi32>
      %select_n3A_1072 = arith.select %lt3A_1069, %broadcast_in_dim3A_1071, %select_n3A_1000 : vector<128x128xi1>, vector<128x128xi32>
      %mul3A_1073 = arith.constant 8 : i32
      %mul3A_1074 = arith.muli %scan3A_975, %mul3A_1073 : i32
      %add3A_1075 = arith.constant 5 : i32
      %add3A_1076 = arith.addi %mul3A_1074, %add3A_1075 : i32
      %get3A_1077 = arith.index_cast %add3A_1076 : i32 to index
      %get3A_1078 = arith.constant 0 : index
      %get3A_1079 = arith.constant 0 : index
      %get3A_1080 = vector.load %arg6[%get3A_1077, %get3A_1078, %get3A_1079] : memref<128x128x128xf32, #tpu.memory_space<vmem>>, vector<1x128x128xf32>
      %get3A_1081 = vector.shape_cast %get3A_1080 : vector<1x128x128xf32> to vector<128x128xf32>
      %gt3A_1082 = vector.broadcast %broadcast_in_dim3A_105 : vector<128x1xf32> to vector<128x128xf32>
      %gt3A_1083 = arith.cmpf ogt, %get3A_1081, %gt3A_1082 : vector<128x128xf32>
      %jit3A_1084 = arith.constant 0x7F800000 : f32
      %broadcast_in_dim3A_1085 = vector.broadcast %jit3A_1084 : f32 to vector<128x128xf32>
      %select_n3A_1086 = arith.select %gt3A_1083, %get3A_1081, %broadcast_in_dim3A_1085 : vector<128x128xi1>, vector<128x128xf32>
      %lt3A_1087 = arith.cmpf olt, %select_n3A_1086, %min3A_1016 : vector<128x128xf32>
      %min3A_1088 = arith.minimumf %min3A_1016, %select_n3A_1086 : vector<128x128xf32>
      %broadcast_in_dim3A_1089 = vector.broadcast %add3A_1076 : i32 to vector<128x128xi32>
      %select_n3A_1090 = arith.select %lt3A_1087, %broadcast_in_dim3A_1089, %select_n3A_1018 : vector<128x128xi1>, vector<128x128xi32>
      %mul3A_1091 = arith.constant 8 : i32
      %mul3A_1092 = arith.muli %scan3A_975, %mul3A_1091 : i32
      %add3A_1093 = arith.constant 6 : i32
      %add3A_1094 = arith.addi %mul3A_1092, %add3A_1093 : i32
      %get3A_1095 = arith.index_cast %add3A_1094 : i32 to index
      %get3A_1096 = arith.constant 0 : index
      %get3A_1097 = arith.constant 0 : index
      %get3A_1098 = vector.load %arg6[%get3A_1095, %get3A_1096, %get3A_1097] : memref<128x128x128xf32, #tpu.memory_space<vmem>>, vector<1x128x128xf32>
      %get3A_1099 = vector.shape_cast %get3A_1098 : vector<1x128x128xf32> to vector<128x128xf32>
      %gt3A_1100 = vector.broadcast %broadcast_in_dim3A_105 : vector<128x1xf32> to vector<128x128xf32>
      %gt3A_1101 = arith.cmpf ogt, %get3A_1099, %gt3A_1100 : vector<128x128xf32>
      %jit3A_1102 = arith.constant 0x7F800000 : f32
      %broadcast_in_dim3A_1103 = vector.broadcast %jit3A_1102 : f32 to vector<128x128xf32>
      %select_n3A_1104 = arith.select %gt3A_1101, %get3A_1099, %broadcast_in_dim3A_1103 : vector<128x128xi1>, vector<128x128xf32>
      %lt3A_1105 = arith.cmpf olt, %select_n3A_1104, %min3A_1034 : vector<128x128xf32>
      %min3A_1106 = arith.minimumf %min3A_1034, %select_n3A_1104 : vector<128x128xf32>
      %broadcast_in_dim3A_1107 = vector.broadcast %add3A_1094 : i32 to vector<128x128xi32>
      %select_n3A_1108 = arith.select %lt3A_1105, %broadcast_in_dim3A_1107, %select_n3A_1036 : vector<128x128xi1>, vector<128x128xi32>
      %mul3A_1109 = arith.constant 8 : i32
      %mul3A_1110 = arith.muli %scan3A_975, %mul3A_1109 : i32
      %add3A_1111 = arith.constant 7 : i32
      %add3A_1112 = arith.addi %mul3A_1110, %add3A_1111 : i32
      %get3A_1113 = arith.index_cast %add3A_1112 : i32 to index
      %get3A_1114 = arith.constant 0 : index
      %get3A_1115 = arith.constant 0 : index
      %get3A_1116 = vector.load %arg6[%get3A_1113, %get3A_1114, %get3A_1115] : memref<128x128x128xf32, #tpu.memory_space<vmem>>, vector<1x128x128xf32>
      %get3A_1117 = vector.shape_cast %get3A_1116 : vector<1x128x128xf32> to vector<128x128xf32>
      %gt3A_1118 = vector.broadcast %broadcast_in_dim3A_105 : vector<128x1xf32> to vector<128x128xf32>
      %gt3A_1119 = arith.cmpf ogt, %get3A_1117, %gt3A_1118 : vector<128x128xf32>
      %jit3A_1120 = arith.constant 0x7F800000 : f32
      %broadcast_in_dim3A_1121 = vector.broadcast %jit3A_1120 : f32 to vector<128x128xf32>
      %select_n3A_1122 = arith.select %gt3A_1119, %get3A_1117, %broadcast_in_dim3A_1121 : vector<128x128xi1>, vector<128x128xf32>
      %lt3A_1123 = arith.cmpf olt, %select_n3A_1122, %min3A_1052 : vector<128x128xf32>
      %min3A_1124 = arith.minimumf %min3A_1052, %select_n3A_1122 : vector<128x128xf32>
      %broadcast_in_dim3A_1125 = vector.broadcast %add3A_1112 : i32 to vector<128x128xi32>
      %select_n3A_1126 = arith.select %lt3A_1123, %broadcast_in_dim3A_1125, %select_n3A_1054 : vector<128x128xi1>, vector<128x128xi32>
      scf.yield %min3A_1070, %min3A_1088, %min3A_1106, %min3A_1124, %select_n3A_1072, %select_n3A_1090, %select_n3A_1108, %select_n3A_1126 : vector<128x128xf32>, vector<128x128xf32>, vector<128x128xf32>, vector<128x128xf32>, vector<128x128xi32>, vector<128x128xi32>, vector<128x128xi32>, vector<128x128xi32>
    }
    %scan3A_142 = arith.constant 16 : i32
    %lt3A_143 = arith.cmpf olt, %scan3A_141#1, %scan3A_141#0 : vector<128x128xf32>
    %eq3A_144 = arith.cmpf oeq, %scan3A_141#1, %scan3A_141#0 : vector<128x128xf32>
    %lt3A_145 = arith.cmpi slt, %scan3A_141#5, %scan3A_141#4 : vector<128x128xi32>
    %and3A_146 = arith.andi %eq3A_144, %lt3A_145 : vector<128x128xi1>
    %or3A_147 = arith.ori %lt3A_143, %and3A_146 : vector<128x128xi1>
    %min3A_148 = arith.minimumf %scan3A_141#0, %scan3A_141#1 : vector<128x128xf32>
    %select_n3A_149 = arith.select %or3A_147, %scan3A_141#5, %scan3A_141#4 : vector<128x128xi1>, vector<128x128xi32>
    %lt3A_150 = arith.cmpf olt, %scan3A_141#2, %min3A_148 : vector<128x128xf32>
    %eq3A_151 = arith.cmpf oeq, %scan3A_141#2, %min3A_148 : vector<128x128xf32>
    %lt3A_152 = arith.cmpi slt, %scan3A_141#6, %select_n3A_149 : vector<128x128xi32>
    %and3A_153 = arith.andi %eq3A_151, %lt3A_152 : vector<128x128xi1>
    %or3A_154 = arith.ori %lt3A_150, %and3A_153 : vector<128x128xi1>
    %min3A_155 = arith.minimumf %min3A_148, %scan3A_141#2 : vector<128x128xf32>
    %select_n3A_156 = arith.select %or3A_154, %scan3A_141#6, %select_n3A_149 : vector<128x128xi1>, vector<128x128xi32>
    %lt3A_157 = arith.cmpf olt, %scan3A_141#3, %min3A_155 : vector<128x128xf32>
    %eq3A_158 = arith.cmpf oeq, %scan3A_141#3, %min3A_155 : vector<128x128xf32>
    %lt3A_159 = arith.cmpi slt, %scan3A_141#7, %select_n3A_156 : vector<128x128xi32>
    %and3A_160 = arith.andi %eq3A_158, %lt3A_159 : vector<128x128xi1>
    %or3A_161 = arith.ori %lt3A_157, %and3A_160 : vector<128x128xi1>
    %min3A_162 = arith.minimumf %min3A_155, %scan3A_141#3 : vector<128x128xf32>
    %select_n3A_163 = arith.select %or3A_161, %scan3A_141#7, %select_n3A_156 : vector<128x128xi1>, vector<128x128xi32>
    %reduce_min3A_164 = arith.constant dense<0x7F800000> : vector<128xf32>
    %reduce_min3A_165 = vector.multi_reduction <minimumf>, %min3A_162, %reduce_min3A_164 [1] : vector<128x128xf32> to vector<128xf32>
    %broadcast_in_dim3A_166 = vector.shape_cast %reduce_min3A_165 : vector<128xf32> to vector<128x1xf32>
    %mul3A_167 = arith.constant 128 : i32
    %mul3A_168 = vector.broadcast %mul3A_167 : i32 to vector<128x128xi32>
    %mul3A_169 = arith.muli %select_n3A_163, %mul3A_168 : vector<128x128xi32>
    %add3A_170 = arith.addi %mul3A_169, %iota3A : vector<128x128xi32>
    %eq3A_171 = vector.broadcast %broadcast_in_dim3A_166 : vector<128x1xf32> to vector<128x128xf32>
    %eq3A_172 = arith.cmpf oeq, %min3A_162, %eq3A_171 : vector<128x128xf32>
    %jit3A_173 = arith.constant 1073741824 : i32
    %broadcast_in_dim3A_174 = vector.broadcast %jit3A_173 : i32 to vector<128x128xi32>
    %select_n3A_175 = arith.select %eq3A_172, %add3A_170, %broadcast_in_dim3A_174 : vector<128x128xi1>, vector<128x128xi32>
    %reduce_min3A_176 = arith.constant dense<2147483647> : vector<128xi32>
    %reduce_min3A_177 = vector.multi_reduction <minsi>, %select_n3A_175, %reduce_min3A_176 [1] : vector<128x128xi32> to vector<128xi32>
    %broadcast_in_dim3A_178 = vector.shape_cast %reduce_min3A_177 : vector<128xi32> to vector<128x1xi32>
    %swap3A_179 = arith.constant 0 : index
    %swap3A_180 = arith.constant 2 : index
    %swap3A_181 = vector.load %arg5[%swap3A_179, %swap3A_180] : memref<128x16xi32, #tpu.memory_space<vmem>>, vector<128x1xi32>
    tpu.vector_store %arg5[%swap3A_179, %swap3A_180], %broadcast_in_dim3A_178 {strides = array<i32>} : memref<128x16xi32, #tpu.memory_space<vmem>>, vector<128x1xi32>,
    %broadcast_in_dim3A_182 = arith.constant 0x7F800000 : f32
    %broadcast_in_dim3A_183 = vector.broadcast %broadcast_in_dim3A_182 : f32 to vector<128x128xf32>
    %broadcast_in_dim3A_184 = arith.constant 0x7F800000 : f32
    %broadcast_in_dim3A_185 = vector.broadcast %broadcast_in_dim3A_184 : f32 to vector<128x128xf32>
    %broadcast_in_dim3A_186 = arith.constant 0x7F800000 : f32
    %broadcast_in_dim3A_187 = vector.broadcast %broadcast_in_dim3A_186 : f32 to vector<128x128xf32>
    %broadcast_in_dim3A_188 = arith.constant 0x7F800000 : f32
    %broadcast_in_dim3A_189 = vector.broadcast %broadcast_in_dim3A_188 : f32 to vector<128x128xf32>
    %broadcast_in_dim3A_190 = arith.constant 0 : i32
    %broadcast_in_dim3A_191 = vector.broadcast %broadcast_in_dim3A_190 : i32 to vector<128x128xi32>
    %broadcast_in_dim3A_192 = arith.constant 0 : i32
    %broadcast_in_dim3A_193 = vector.broadcast %broadcast_in_dim3A_192 : i32 to vector<128x128xi32>
    %broadcast_in_dim3A_194 = arith.constant 0 : i32
    %broadcast_in_dim3A_195 = vector.broadcast %broadcast_in_dim3A_194 : i32 to vector<128x128xi32>
    %broadcast_in_dim3A_196 = arith.constant 0 : i32
    %broadcast_in_dim3A_197 = vector.broadcast %broadcast_in_dim3A_196 : i32 to vector<128x128xi32>
    %scan3A_198 = arith.constant 0 : i32
    %scan3A_199 = arith.constant 16 : i32
    %scan3A_200 = arith.addi %scan3A_198, %scan3A_199 : i32
    %scan3A_201 = arith.constant 1 : i32
    %scan3A_202:8 = scf.for %scan3A_975 = %scan3A_198 to %scan3A_200 step %scan3A_201 iter_args(%scan3A_976 = %broadcast_in_dim3A_183, %scan3A_977 = %broadcast_in_dim3A_185, %scan3A_978 = %broadcast_in_dim3A_187, %scan3A_979 = %broadcast_in_dim3A_189, %scan3A_980 = %broadcast_in_dim3A_191, %scan3A_981 = %broadcast_in_dim3A_193, %scan3A_982 = %broadcast_in_dim3A_195, %scan3A_983 = %broadcast_in_dim3A_197) -> (vector<128x128xf32>, vector<128x128xf32>, vector<128x128xf32>, vector<128x128xf32>, vector<128x128xi32>, vector<128x128xi32>, vector<128x128xi32>, vector<128x128xi32>)  : i32 {
      %mul3A_984 = arith.constant 8 : i32
      %mul3A_985 = arith.muli %scan3A_975, %mul3A_984 : i32
      %add3A_986 = arith.constant 0 : i32
      %add3A_987 = arith.addi %mul3A_985, %add3A_986 : i32
      %get3A_988 = arith.index_cast %add3A_987 : i32 to index
      %get3A_989 = arith.constant 0 : index
      %get3A_990 = arith.constant 0 : index
      %get3A_991 = vector.load %arg6[%get3A_988, %get3A_989, %get3A_990] : memref<128x128x128xf32, #tpu.memory_space<vmem>>, vector<1x128x128xf32>
      %get3A_992 = vector.shape_cast %get3A_991 : vector<1x128x128xf32> to vector<128x128xf32>
      %gt3A = vector.broadcast %broadcast_in_dim3A_166 : vector<128x1xf32> to vector<128x128xf32>
      %gt3A_993 = arith.cmpf ogt, %get3A_992, %gt3A : vector<128x128xf32>
      %jit3A_994 = arith.constant 0x7F800000 : f32
      %broadcast_in_dim3A_995 = vector.broadcast %jit3A_994 : f32 to vector<128x128xf32>
      %select_n3A_996 = arith.select %gt3A_993, %get3A_992, %broadcast_in_dim3A_995 : vector<128x128xi1>, vector<128x128xf32>
      %lt3A_997 = arith.cmpf olt, %select_n3A_996, %scan3A_976 : vector<128x128xf32>
      %min3A_998 = arith.minimumf %scan3A_976, %select_n3A_996 : vector<128x128xf32>
      %broadcast_in_dim3A_999 = vector.broadcast %add3A_987 : i32 to vector<128x128xi32>
      %select_n3A_1000 = arith.select %lt3A_997, %broadcast_in_dim3A_999, %scan3A_980 : vector<128x128xi1>, vector<128x128xi32>
      %mul3A_1001 = arith.constant 8 : i32
      %mul3A_1002 = arith.muli %scan3A_975, %mul3A_1001 : i32
      %add3A_1003 = arith.constant 1 : i32
      %add3A_1004 = arith.addi %mul3A_1002, %add3A_1003 : i32
      %get3A_1005 = arith.index_cast %add3A_1004 : i32 to index
      %get3A_1006 = arith.constant 0 : index
      %get3A_1007 = arith.constant 0 : index
      %get3A_1008 = vector.load %arg6[%get3A_1005, %get3A_1006, %get3A_1007] : memref<128x128x128xf32, #tpu.memory_space<vmem>>, vector<1x128x128xf32>
      %get3A_1009 = vector.shape_cast %get3A_1008 : vector<1x128x128xf32> to vector<128x128xf32>
      %gt3A_1010 = vector.broadcast %broadcast_in_dim3A_166 : vector<128x1xf32> to vector<128x128xf32>
      %gt3A_1011 = arith.cmpf ogt, %get3A_1009, %gt3A_1010 : vector<128x128xf32>
      %jit3A_1012 = arith.constant 0x7F800000 : f32
      %broadcast_in_dim3A_1013 = vector.broadcast %jit3A_1012 : f32 to vector<128x128xf32>
      %select_n3A_1014 = arith.select %gt3A_1011, %get3A_1009, %broadcast_in_dim3A_1013 : vector<128x128xi1>, vector<128x128xf32>
      %lt3A_1015 = arith.cmpf olt, %select_n3A_1014, %scan3A_977 : vector<128x128xf32>
      %min3A_1016 = arith.minimumf %scan3A_977, %select_n3A_1014 : vector<128x128xf32>
      %broadcast_in_dim3A_1017 = vector.broadcast %add3A_1004 : i32 to vector<128x128xi32>
      %select_n3A_1018 = arith.select %lt3A_1015, %broadcast_in_dim3A_1017, %scan3A_981 : vector<128x128xi1>, vector<128x128xi32>
      %mul3A_1019 = arith.constant 8 : i32
      %mul3A_1020 = arith.muli %scan3A_975, %mul3A_1019 : i32
      %add3A_1021 = arith.constant 2 : i32
      %add3A_1022 = arith.addi %mul3A_1020, %add3A_1021 : i32
      %get3A_1023 = arith.index_cast %add3A_1022 : i32 to index
      %get3A_1024 = arith.constant 0 : index
      %get3A_1025 = arith.constant 0 : index
      %get3A_1026 = vector.load %arg6[%get3A_1023, %get3A_1024, %get3A_1025] : memref<128x128x128xf32, #tpu.memory_space<vmem>>, vector<1x128x128xf32>
      %get3A_1027 = vector.shape_cast %get3A_1026 : vector<1x128x128xf32> to vector<128x128xf32>
      %gt3A_1028 = vector.broadcast %broadcast_in_dim3A_166 : vector<128x1xf32> to vector<128x128xf32>
      %gt3A_1029 = arith.cmpf ogt, %get3A_1027, %gt3A_1028 : vector<128x128xf32>
      %jit3A_1030 = arith.constant 0x7F800000 : f32
      %broadcast_in_dim3A_1031 = vector.broadcast %jit3A_1030 : f32 to vector<128x128xf32>
      %select_n3A_1032 = arith.select %gt3A_1029, %get3A_1027, %broadcast_in_dim3A_1031 : vector<128x128xi1>, vector<128x128xf32>
      %lt3A_1033 = arith.cmpf olt, %select_n3A_1032, %scan3A_978 : vector<128x128xf32>
      %min3A_1034 = arith.minimumf %scan3A_978, %select_n3A_1032 : vector<128x128xf32>
      %broadcast_in_dim3A_1035 = vector.broadcast %add3A_1022 : i32 to vector<128x128xi32>
      %select_n3A_1036 = arith.select %lt3A_1033, %broadcast_in_dim3A_1035, %scan3A_982 : vector<128x128xi1>, vector<128x128xi32>
      %mul3A_1037 = arith.constant 8 : i32
      %mul3A_1038 = arith.muli %scan3A_975, %mul3A_1037 : i32
      %add3A_1039 = arith.constant 3 : i32
      %add3A_1040 = arith.addi %mul3A_1038, %add3A_1039 : i32
      %get3A_1041 = arith.index_cast %add3A_1040 : i32 to index
      %get3A_1042 = arith.constant 0 : index
      %get3A_1043 = arith.constant 0 : index
      %get3A_1044 = vector.load %arg6[%get3A_1041, %get3A_1042, %get3A_1043] : memref<128x128x128xf32, #tpu.memory_space<vmem>>, vector<1x128x128xf32>
      %get3A_1045 = vector.shape_cast %get3A_1044 : vector<1x128x128xf32> to vector<128x128xf32>
      %gt3A_1046 = vector.broadcast %broadcast_in_dim3A_166 : vector<128x1xf32> to vector<128x128xf32>
      %gt3A_1047 = arith.cmpf ogt, %get3A_1045, %gt3A_1046 : vector<128x128xf32>
      %jit3A_1048 = arith.constant 0x7F800000 : f32
      %broadcast_in_dim3A_1049 = vector.broadcast %jit3A_1048 : f32 to vector<128x128xf32>
      %select_n3A_1050 = arith.select %gt3A_1047, %get3A_1045, %broadcast_in_dim3A_1049 : vector<128x128xi1>, vector<128x128xf32>
      %lt3A_1051 = arith.cmpf olt, %select_n3A_1050, %scan3A_979 : vector<128x128xf32>
      %min3A_1052 = arith.minimumf %scan3A_979, %select_n3A_1050 : vector<128x128xf32>
      %broadcast_in_dim3A_1053 = vector.broadcast %add3A_1040 : i32 to vector<128x128xi32>
      %select_n3A_1054 = arith.select %lt3A_1051, %broadcast_in_dim3A_1053, %scan3A_983 : vector<128x128xi1>, vector<128x128xi32>
      %mul3A_1055 = arith.constant 8 : i32
      %mul3A_1056 = arith.muli %scan3A_975, %mul3A_1055 : i32
      %add3A_1057 = arith.constant 4 : i32
      %add3A_1058 = arith.addi %mul3A_1056, %add3A_1057 : i32
      %get3A_1059 = arith.index_cast %add3A_1058 : i32 to index
      %get3A_1060 = arith.constant 0 : index
      %get3A_1061 = arith.constant 0 : index
      %get3A_1062 = vector.load %arg6[%get3A_1059, %get3A_1060, %get3A_1061] : memref<128x128x128xf32, #tpu.memory_space<vmem>>, vector<1x128x128xf32>
      %get3A_1063 = vector.shape_cast %get3A_1062 : vector<1x128x128xf32> to vector<128x128xf32>
      %gt3A_1064 = vector.broadcast %broadcast_in_dim3A_166 : vector<128x1xf32> to vector<128x128xf32>
      %gt3A_1065 = arith.cmpf ogt, %get3A_1063, %gt3A_1064 : vector<128x128xf32>
      %jit3A_1066 = arith.constant 0x7F800000 : f32
      %broadcast_in_dim3A_1067 = vector.broadcast %jit3A_1066 : f32 to vector<128x128xf32>
      %select_n3A_1068 = arith.select %gt3A_1065, %get3A_1063, %broadcast_in_dim3A_1067 : vector<128x128xi1>, vector<128x128xf32>
      %lt3A_1069 = arith.cmpf olt, %select_n3A_1068, %min3A_998 : vector<128x128xf32>
      %min3A_1070 = arith.minimumf %min3A_998, %select_n3A_1068 : vector<128x128xf32>
      %broadcast_in_dim3A_1071 = vector.broadcast %add3A_1058 : i32 to vector<128x128xi32>
      %select_n3A_1072 = arith.select %lt3A_1069, %broadcast_in_dim3A_1071, %select_n3A_1000 : vector<128x128xi1>, vector<128x128xi32>
      %mul3A_1073 = arith.constant 8 : i32
      %mul3A_1074 = arith.muli %scan3A_975, %mul3A_1073 : i32
      %add3A_1075 = arith.constant 5 : i32
      %add3A_1076 = arith.addi %mul3A_1074, %add3A_1075 : i32
      %get3A_1077 = arith.index_cast %add3A_1076 : i32 to index
      %get3A_1078 = arith.constant 0 : index
      %get3A_1079 = arith.constant 0 : index
      %get3A_1080 = vector.load %arg6[%get3A_1077, %get3A_1078, %get3A_1079] : memref<128x128x128xf32, #tpu.memory_space<vmem>>, vector<1x128x128xf32>
      %get3A_1081 = vector.shape_cast %get3A_1080 : vector<1x128x128xf32> to vector<128x128xf32>
      %gt3A_1082 = vector.broadcast %broadcast_in_dim3A_166 : vector<128x1xf32> to vector<128x128xf32>
      %gt3A_1083 = arith.cmpf ogt, %get3A_1081, %gt3A_1082 : vector<128x128xf32>
      %jit3A_1084 = arith.constant 0x7F800000 : f32
      %broadcast_in_dim3A_1085 = vector.broadcast %jit3A_1084 : f32 to vector<128x128xf32>
      %select_n3A_1086 = arith.select %gt3A_1083, %get3A_1081, %broadcast_in_dim3A_1085 : vector<128x128xi1>, vector<128x128xf32>
      %lt3A_1087 = arith.cmpf olt, %select_n3A_1086, %min3A_1016 : vector<128x128xf32>
      %min3A_1088 = arith.minimumf %min3A_1016, %select_n3A_1086 : vector<128x128xf32>
      %broadcast_in_dim3A_1089 = vector.broadcast %add3A_1076 : i32 to vector<128x128xi32>
      %select_n3A_1090 = arith.select %lt3A_1087, %broadcast_in_dim3A_1089, %select_n3A_1018 : vector<128x128xi1>, vector<128x128xi32>
      %mul3A_1091 = arith.constant 8 : i32
      %mul3A_1092 = arith.muli %scan3A_975, %mul3A_1091 : i32
      %add3A_1093 = arith.constant 6 : i32
      %add3A_1094 = arith.addi %mul3A_1092, %add3A_1093 : i32
      %get3A_1095 = arith.index_cast %add3A_1094 : i32 to index
      %get3A_1096 = arith.constant 0 : index
      %get3A_1097 = arith.constant 0 : index
      %get3A_1098 = vector.load %arg6[%get3A_1095, %get3A_1096, %get3A_1097] : memref<128x128x128xf32, #tpu.memory_space<vmem>>, vector<1x128x128xf32>
      %get3A_1099 = vector.shape_cast %get3A_1098 : vector<1x128x128xf32> to vector<128x128xf32>
      %gt3A_1100 = vector.broadcast %broadcast_in_dim3A_166 : vector<128x1xf32> to vector<128x128xf32>
      %gt3A_1101 = arith.cmpf ogt, %get3A_1099, %gt3A_1100 : vector<128x128xf32>
      %jit3A_1102 = arith.constant 0x7F800000 : f32
      %broadcast_in_dim3A_1103 = vector.broadcast %jit3A_1102 : f32 to vector<128x128xf32>
      %select_n3A_1104 = arith.select %gt3A_1101, %get3A_1099, %broadcast_in_dim3A_1103 : vector<128x128xi1>, vector<128x128xf32>
      %lt3A_1105 = arith.cmpf olt, %select_n3A_1104, %min3A_1034 : vector<128x128xf32>
      %min3A_1106 = arith.minimumf %min3A_1034, %select_n3A_1104 : vector<128x128xf32>
      %broadcast_in_dim3A_1107 = vector.broadcast %add3A_1094 : i32 to vector<128x128xi32>
      %select_n3A_1108 = arith.select %lt3A_1105, %broadcast_in_dim3A_1107, %select_n3A_1036 : vector<128x128xi1>, vector<128x128xi32>
      %mul3A_1109 = arith.constant 8 : i32
      %mul3A_1110 = arith.muli %scan3A_975, %mul3A_1109 : i32
      %add3A_1111 = arith.constant 7 : i32
      %add3A_1112 = arith.addi %mul3A_1110, %add3A_1111 : i32
      %get3A_1113 = arith.index_cast %add3A_1112 : i32 to index
      %get3A_1114 = arith.constant 0 : index
      %get3A_1115 = arith.constant 0 : index
      %get3A_1116 = vector.load %arg6[%get3A_1113, %get3A_1114, %get3A_1115] : memref<128x128x128xf32, #tpu.memory_space<vmem>>, vector<1x128x128xf32>
      %get3A_1117 = vector.shape_cast %get3A_1116 : vector<1x128x128xf32> to vector<128x128xf32>
      %gt3A_1118 = vector.broadcast %broadcast_in_dim3A_166 : vector<128x1xf32> to vector<128x128xf32>
      %gt3A_1119 = arith.cmpf ogt, %get3A_1117, %gt3A_1118 : vector<128x128xf32>
      %jit3A_1120 = arith.constant 0x7F800000 : f32
      %broadcast_in_dim3A_1121 = vector.broadcast %jit3A_1120 : f32 to vector<128x128xf32>
      %select_n3A_1122 = arith.select %gt3A_1119, %get3A_1117, %broadcast_in_dim3A_1121 : vector<128x128xi1>, vector<128x128xf32>
      %lt3A_1123 = arith.cmpf olt, %select_n3A_1122, %min3A_1052 : vector<128x128xf32>
      %min3A_1124 = arith.minimumf %min3A_1052, %select_n3A_1122 : vector<128x128xf32>
      %broadcast_in_dim3A_1125 = vector.broadcast %add3A_1112 : i32 to vector<128x128xi32>
      %select_n3A_1126 = arith.select %lt3A_1123, %broadcast_in_dim3A_1125, %select_n3A_1054 : vector<128x128xi1>, vector<128x128xi32>
      scf.yield %min3A_1070, %min3A_1088, %min3A_1106, %min3A_1124, %select_n3A_1072, %select_n3A_1090, %select_n3A_1108, %select_n3A_1126 : vector<128x128xf32>, vector<128x128xf32>, vector<128x128xf32>, vector<128x128xf32>, vector<128x128xi32>, vector<128x128xi32>, vector<128x128xi32>, vector<128x128xi32>
    }
    %scan3A_203 = arith.constant 16 : i32
    %lt3A_204 = arith.cmpf olt, %scan3A_202#1, %scan3A_202#0 : vector<128x128xf32>
    %eq3A_205 = arith.cmpf oeq, %scan3A_202#1, %scan3A_202#0 : vector<128x128xf32>
    %lt3A_206 = arith.cmpi slt, %scan3A_202#5, %scan3A_202#4 : vector<128x128xi32>
    %and3A_207 = arith.andi %eq3A_205, %lt3A_206 : vector<128x128xi1>
    %or3A_208 = arith.ori %lt3A_204, %and3A_207 : vector<128x128xi1>
    %min3A_209 = arith.minimumf %scan3A_202#0, %scan3A_202#1 : vector<128x128xf32>
    %select_n3A_210 = arith.select %or3A_208, %scan3A_202#5, %scan3A_202#4 : vector<128x128xi1>, vector<128x128xi32>
    %lt3A_211 = arith.cmpf olt, %scan3A_202#2, %min3A_209 : vector<128x128xf32>
    %eq3A_212 = arith.cmpf oeq, %scan3A_202#2, %min3A_209 : vector<128x128xf32>
    %lt3A_213 = arith.cmpi slt, %scan3A_202#6, %select_n3A_210 : vector<128x128xi32>
    %and3A_214 = arith.andi %eq3A_212, %lt3A_213 : vector<128x128xi1>
    %or3A_215 = arith.ori %lt3A_211, %and3A_214 : vector<128x128xi1>
    %min3A_216 = arith.minimumf %min3A_209, %scan3A_202#2 : vector<128x128xf32>
    %select_n3A_217 = arith.select %or3A_215, %scan3A_202#6, %select_n3A_210 : vector<128x128xi1>, vector<128x128xi32>
    %lt3A_218 = arith.cmpf olt, %scan3A_202#3, %min3A_216 : vector<128x128xf32>
    %eq3A_219 = arith.cmpf oeq, %scan3A_202#3, %min3A_216 : vector<128x128xf32>
    %lt3A_220 = arith.cmpi slt, %scan3A_202#7, %select_n3A_217 : vector<128x128xi32>
    %and3A_221 = arith.andi %eq3A_219, %lt3A_220 : vector<128x128xi1>
    %or3A_222 = arith.ori %lt3A_218, %and3A_221 : vector<128x128xi1>
    %min3A_223 = arith.minimumf %min3A_216, %scan3A_202#3 : vector<128x128xf32>
    %select_n3A_224 = arith.select %or3A_222, %scan3A_202#7, %select_n3A_217 : vector<128x128xi1>, vector<128x128xi32>
    %reduce_min3A_225 = arith.constant dense<0x7F800000> : vector<128xf32>
    %reduce_min3A_226 = vector.multi_reduction <minimumf>, %min3A_223, %reduce_min3A_225 [1] : vector<128x128xf32> to vector<128xf32>
    %broadcast_in_dim3A_227 = vector.shape_cast %reduce_min3A_226 : vector<128xf32> to vector<128x1xf32>
    %mul3A_228 = arith.constant 128 : i32
    %mul3A_229 = vector.broadcast %mul3A_228 : i32 to vector<128x128xi32>
    %mul3A_230 = arith.muli %select_n3A_224, %mul3A_229 : vector<128x128xi32>
    %add3A_231 = arith.addi %mul3A_230, %iota3A : vector<128x128xi32>
    %eq3A_232 = vector.broadcast %broadcast_in_dim3A_227 : vector<128x1xf32> to vector<128x128xf32>
    %eq3A_233 = arith.cmpf oeq, %min3A_223, %eq3A_232 : vector<128x128xf32>
    %jit3A_234 = arith.constant 1073741824 : i32
    %broadcast_in_dim3A_235 = vector.broadcast %jit3A_234 : i32 to vector<128x128xi32>
    %select_n3A_236 = arith.select %eq3A_233, %add3A_231, %broadcast_in_dim3A_235 : vector<128x128xi1>, vector<128x128xi32>
    %reduce_min3A_237 = arith.constant dense<2147483647> : vector<128xi32>
    %reduce_min3A_238 = vector.multi_reduction <minsi>, %select_n3A_236, %reduce_min3A_237 [1] : vector<128x128xi32> to vector<128xi32>
    %broadcast_in_dim3A_239 = vector.shape_cast %reduce_min3A_238 : vector<128xi32> to vector<128x1xi32>
    %swap3A_240 = arith.constant 0 : index
    %swap3A_241 = arith.constant 3 : index
    %swap3A_242 = vector.load %arg5[%swap3A_240, %swap3A_241] : memref<128x16xi32, #tpu.memory_space<vmem>>, vector<128x1xi32>
    tpu.vector_store %arg5[%swap3A_240, %swap3A_241], %broadcast_in_dim3A_239 {strides = array<i32>} : memref<128x16xi32, #tpu.memory_space<vmem>>, vector<128x1xi32>,
    %broadcast_in_dim3A_243 = arith.constant 0x7F800000 : f32
    %broadcast_in_dim3A_244 = vector.broadcast %broadcast_in_dim3A_243 : f32 to vector<128x128xf32>
    %broadcast_in_dim3A_245 = arith.constant 0x7F800000 : f32
    %broadcast_in_dim3A_246 = vector.broadcast %broadcast_in_dim3A_245 : f32 to vector<128x128xf32>
    %broadcast_in_dim3A_247 = arith.constant 0x7F800000 : f32
    %broadcast_in_dim3A_248 = vector.broadcast %broadcast_in_dim3A_247 : f32 to vector<128x128xf32>
    %broadcast_in_dim3A_249 = arith.constant 0x7F800000 : f32
    %broadcast_in_dim3A_250 = vector.broadcast %broadcast_in_dim3A_249 : f32 to vector<128x128xf32>
    %broadcast_in_dim3A_251 = arith.constant 0 : i32
    %broadcast_in_dim3A_252 = vector.broadcast %broadcast_in_dim3A_251 : i32 to vector<128x128xi32>
    %broadcast_in_dim3A_253 = arith.constant 0 : i32
    %broadcast_in_dim3A_254 = vector.broadcast %broadcast_in_dim3A_253 : i32 to vector<128x128xi32>
    %broadcast_in_dim3A_255 = arith.constant 0 : i32
    %broadcast_in_dim3A_256 = vector.broadcast %broadcast_in_dim3A_255 : i32 to vector<128x128xi32>
    %broadcast_in_dim3A_257 = arith.constant 0 : i32
    %broadcast_in_dim3A_258 = vector.broadcast %broadcast_in_dim3A_257 : i32 to vector<128x128xi32>
    %scan3A_259 = arith.constant 0 : i32
    %scan3A_260 = arith.constant 16 : i32
    %scan3A_261 = arith.addi %scan3A_259, %scan3A_260 : i32
    %scan3A_262 = arith.constant 1 : i32
    %scan3A_263:8 = scf.for %scan3A_975 = %scan3A_259 to %scan3A_261 step %scan3A_262 iter_args(%scan3A_976 = %broadcast_in_dim3A_244, %scan3A_977 = %broadcast_in_dim3A_246, %scan3A_978 = %broadcast_in_dim3A_248, %scan3A_979 = %broadcast_in_dim3A_250, %scan3A_980 = %broadcast_in_dim3A_252, %scan3A_981 = %broadcast_in_dim3A_254, %scan3A_982 = %broadcast_in_dim3A_256, %scan3A_983 = %broadcast_in_dim3A_258) -> (vector<128x128xf32>, vector<128x128xf32>, vector<128x128xf32>, vector<128x128xf32>, vector<128x128xi32>, vector<128x128xi32>, vector<128x128xi32>, vector<128x128xi32>)  : i32 {
      %mul3A_984 = arith.constant 8 : i32
      %mul3A_985 = arith.muli %scan3A_975, %mul3A_984 : i32
      %add3A_986 = arith.constant 0 : i32
      %add3A_987 = arith.addi %mul3A_985, %add3A_986 : i32
      %get3A_988 = arith.index_cast %add3A_987 : i32 to index
      %get3A_989 = arith.constant 0 : index
      %get3A_990 = arith.constant 0 : index
      %get3A_991 = vector.load %arg6[%get3A_988, %get3A_989, %get3A_990] : memref<128x128x128xf32, #tpu.memory_space<vmem>>, vector<1x128x128xf32>
      %get3A_992 = vector.shape_cast %get3A_991 : vector<1x128x128xf32> to vector<128x128xf32>
      %gt3A = vector.broadcast %broadcast_in_dim3A_227 : vector<128x1xf32> to vector<128x128xf32>
      %gt3A_993 = arith.cmpf ogt, %get3A_992, %gt3A : vector<128x128xf32>
      %jit3A_994 = arith.constant 0x7F800000 : f32
      %broadcast_in_dim3A_995 = vector.broadcast %jit3A_994 : f32 to vector<128x128xf32>
      %select_n3A_996 = arith.select %gt3A_993, %get3A_992, %broadcast_in_dim3A_995 : vector<128x128xi1>, vector<128x128xf32>
      %lt3A_997 = arith.cmpf olt, %select_n3A_996, %scan3A_976 : vector<128x128xf32>
      %min3A_998 = arith.minimumf %scan3A_976, %select_n3A_996 : vector<128x128xf32>
      %broadcast_in_dim3A_999 = vector.broadcast %add3A_987 : i32 to vector<128x128xi32>
      %select_n3A_1000 = arith.select %lt3A_997, %broadcast_in_dim3A_999, %scan3A_980 : vector<128x128xi1>, vector<128x128xi32>
      %mul3A_1001 = arith.constant 8 : i32
      %mul3A_1002 = arith.muli %scan3A_975, %mul3A_1001 : i32
      %add3A_1003 = arith.constant 1 : i32
      %add3A_1004 = arith.addi %mul3A_1002, %add3A_1003 : i32
      %get3A_1005 = arith.index_cast %add3A_1004 : i32 to index
      %get3A_1006 = arith.constant 0 : index
      %get3A_1007 = arith.constant 0 : index
      %get3A_1008 = vector.load %arg6[%get3A_1005, %get3A_1006, %get3A_1007] : memref<128x128x128xf32, #tpu.memory_space<vmem>>, vector<1x128x128xf32>
      %get3A_1009 = vector.shape_cast %get3A_1008 : vector<1x128x128xf32> to vector<128x128xf32>
      %gt3A_1010 = vector.broadcast %broadcast_in_dim3A_227 : vector<128x1xf32> to vector<128x128xf32>
      %gt3A_1011 = arith.cmpf ogt, %get3A_1009, %gt3A_1010 : vector<128x128xf32>
      %jit3A_1012 = arith.constant 0x7F800000 : f32
      %broadcast_in_dim3A_1013 = vector.broadcast %jit3A_1012 : f32 to vector<128x128xf32>
      %select_n3A_1014 = arith.select %gt3A_1011, %get3A_1009, %broadcast_in_dim3A_1013 : vector<128x128xi1>, vector<128x128xf32>
      %lt3A_1015 = arith.cmpf olt, %select_n3A_1014, %scan3A_977 : vector<128x128xf32>
      %min3A_1016 = arith.minimumf %scan3A_977, %select_n3A_1014 : vector<128x128xf32>
      %broadcast_in_dim3A_1017 = vector.broadcast %add3A_1004 : i32 to vector<128x128xi32>
      %select_n3A_1018 = arith.select %lt3A_1015, %broadcast_in_dim3A_1017, %scan3A_981 : vector<128x128xi1>, vector<128x128xi32>
      %mul3A_1019 = arith.constant 8 : i32
      %mul3A_1020 = arith.muli %scan3A_975, %mul3A_1019 : i32
      %add3A_1021 = arith.constant 2 : i32
      %add3A_1022 = arith.addi %mul3A_1020, %add3A_1021 : i32
      %get3A_1023 = arith.index_cast %add3A_1022 : i32 to index
      %get3A_1024 = arith.constant 0 : index
      %get3A_1025 = arith.constant 0 : index
      %get3A_1026 = vector.load %arg6[%get3A_1023, %get3A_1024, %get3A_1025] : memref<128x128x128xf32, #tpu.memory_space<vmem>>, vector<1x128x128xf32>
      %get3A_1027 = vector.shape_cast %get3A_1026 : vector<1x128x128xf32> to vector<128x128xf32>
      %gt3A_1028 = vector.broadcast %broadcast_in_dim3A_227 : vector<128x1xf32> to vector<128x128xf32>
      %gt3A_1029 = arith.cmpf ogt, %get3A_1027, %gt3A_1028 : vector<128x128xf32>
      %jit3A_1030 = arith.constant 0x7F800000 : f32
      %broadcast_in_dim3A_1031 = vector.broadcast %jit3A_1030 : f32 to vector<128x128xf32>
      %select_n3A_1032 = arith.select %gt3A_1029, %get3A_1027, %broadcast_in_dim3A_1031 : vector<128x128xi1>, vector<128x128xf32>
      %lt3A_1033 = arith.cmpf olt, %select_n3A_1032, %scan3A_978 : vector<128x128xf32>
      %min3A_1034 = arith.minimumf %scan3A_978, %select_n3A_1032 : vector<128x128xf32>
      %broadcast_in_dim3A_1035 = vector.broadcast %add3A_1022 : i32 to vector<128x128xi32>
      %select_n3A_1036 = arith.select %lt3A_1033, %broadcast_in_dim3A_1035, %scan3A_982 : vector<128x128xi1>, vector<128x128xi32>
      %mul3A_1037 = arith.constant 8 : i32
      %mul3A_1038 = arith.muli %scan3A_975, %mul3A_1037 : i32
      %add3A_1039 = arith.constant 3 : i32
      %add3A_1040 = arith.addi %mul3A_1038, %add3A_1039 : i32
      %get3A_1041 = arith.index_cast %add3A_1040 : i32 to index
      %get3A_1042 = arith.constant 0 : index
      %get3A_1043 = arith.constant 0 : index
      %get3A_1044 = vector.load %arg6[%get3A_1041, %get3A_1042, %get3A_1043] : memref<128x128x128xf32, #tpu.memory_space<vmem>>, vector<1x128x128xf32>
      %get3A_1045 = vector.shape_cast %get3A_1044 : vector<1x128x128xf32> to vector<128x128xf32>
      %gt3A_1046 = vector.broadcast %broadcast_in_dim3A_227 : vector<128x1xf32> to vector<128x128xf32>
      %gt3A_1047 = arith.cmpf ogt, %get3A_1045, %gt3A_1046 : vector<128x128xf32>
      %jit3A_1048 = arith.constant 0x7F800000 : f32
      %broadcast_in_dim3A_1049 = vector.broadcast %jit3A_1048 : f32 to vector<128x128xf32>
      %select_n3A_1050 = arith.select %gt3A_1047, %get3A_1045, %broadcast_in_dim3A_1049 : vector<128x128xi1>, vector<128x128xf32>
      %lt3A_1051 = arith.cmpf olt, %select_n3A_1050, %scan3A_979 : vector<128x128xf32>
      %min3A_1052 = arith.minimumf %scan3A_979, %select_n3A_1050 : vector<128x128xf32>
      %broadcast_in_dim3A_1053 = vector.broadcast %add3A_1040 : i32 to vector<128x128xi32>
      %select_n3A_1054 = arith.select %lt3A_1051, %broadcast_in_dim3A_1053, %scan3A_983 : vector<128x128xi1>, vector<128x128xi32>
      %mul3A_1055 = arith.constant 8 : i32
      %mul3A_1056 = arith.muli %scan3A_975, %mul3A_1055 : i32
      %add3A_1057 = arith.constant 4 : i32
      %add3A_1058 = arith.addi %mul3A_1056, %add3A_1057 : i32
      %get3A_1059 = arith.index_cast %add3A_1058 : i32 to index
      %get3A_1060 = arith.constant 0 : index
      %get3A_1061 = arith.constant 0 : index
      %get3A_1062 = vector.load %arg6[%get3A_1059, %get3A_1060, %get3A_1061] : memref<128x128x128xf32, #tpu.memory_space<vmem>>, vector<1x128x128xf32>
      %get3A_1063 = vector.shape_cast %get3A_1062 : vector<1x128x128xf32> to vector<128x128xf32>
      %gt3A_1064 = vector.broadcast %broadcast_in_dim3A_227 : vector<128x1xf32> to vector<128x128xf32>
      %gt3A_1065 = arith.cmpf ogt, %get3A_1063, %gt3A_1064 : vector<128x128xf32>
      %jit3A_1066 = arith.constant 0x7F800000 : f32
      %broadcast_in_dim3A_1067 = vector.broadcast %jit3A_1066 : f32 to vector<128x128xf32>
      %select_n3A_1068 = arith.select %gt3A_1065, %get3A_1063, %broadcast_in_dim3A_1067 : vector<128x128xi1>, vector<128x128xf32>
      %lt3A_1069 = arith.cmpf olt, %select_n3A_1068, %min3A_998 : vector<128x128xf32>
      %min3A_1070 = arith.minimumf %min3A_998, %select_n3A_1068 : vector<128x128xf32>
      %broadcast_in_dim3A_1071 = vector.broadcast %add3A_1058 : i32 to vector<128x128xi32>
      %select_n3A_1072 = arith.select %lt3A_1069, %broadcast_in_dim3A_1071, %select_n3A_1000 : vector<128x128xi1>, vector<128x128xi32>
      %mul3A_1073 = arith.constant 8 : i32
      %mul3A_1074 = arith.muli %scan3A_975, %mul3A_1073 : i32
      %add3A_1075 = arith.constant 5 : i32
      %add3A_1076 = arith.addi %mul3A_1074, %add3A_1075 : i32
      %get3A_1077 = arith.index_cast %add3A_1076 : i32 to index
      %get3A_1078 = arith.constant 0 : index
      %get3A_1079 = arith.constant 0 : index
      %get3A_1080 = vector.load %arg6[%get3A_1077, %get3A_1078, %get3A_1079] : memref<128x128x128xf32, #tpu.memory_space<vmem>>, vector<1x128x128xf32>
      %get3A_1081 = vector.shape_cast %get3A_1080 : vector<1x128x128xf32> to vector<128x128xf32>
      %gt3A_1082 = vector.broadcast %broadcast_in_dim3A_227 : vector<128x1xf32> to vector<128x128xf32>
      %gt3A_1083 = arith.cmpf ogt, %get3A_1081, %gt3A_1082 : vector<128x128xf32>
      %jit3A_1084 = arith.constant 0x7F800000 : f32
      %broadcast_in_dim3A_1085 = vector.broadcast %jit3A_1084 : f32 to vector<128x128xf32>
      %select_n3A_1086 = arith.select %gt3A_1083, %get3A_1081, %broadcast_in_dim3A_1085 : vector<128x128xi1>, vector<128x128xf32>
      %lt3A_1087 = arith.cmpf olt, %select_n3A_1086, %min3A_1016 : vector<128x128xf32>
      %min3A_1088 = arith.minimumf %min3A_1016, %select_n3A_1086 : vector<128x128xf32>
      %broadcast_in_dim3A_1089 = vector.broadcast %add3A_1076 : i32 to vector<128x128xi32>
      %select_n3A_1090 = arith.select %lt3A_1087, %broadcast_in_dim3A_1089, %select_n3A_1018 : vector<128x128xi1>, vector<128x128xi32>
      %mul3A_1091 = arith.constant 8 : i32
      %mul3A_1092 = arith.muli %scan3A_975, %mul3A_1091 : i32
      %add3A_1093 = arith.constant 6 : i32
      %add3A_1094 = arith.addi %mul3A_1092, %add3A_1093 : i32
      %get3A_1095 = arith.index_cast %add3A_1094 : i32 to index
      %get3A_1096 = arith.constant 0 : index
      %get3A_1097 = arith.constant 0 : index
      %get3A_1098 = vector.load %arg6[%get3A_1095, %get3A_1096, %get3A_1097] : memref<128x128x128xf32, #tpu.memory_space<vmem>>, vector<1x128x128xf32>
      %get3A_1099 = vector.shape_cast %get3A_1098 : vector<1x128x128xf32> to vector<128x128xf32>
      %gt3A_1100 = vector.broadcast %broadcast_in_dim3A_227 : vector<128x1xf32> to vector<128x128xf32>
      %gt3A_1101 = arith.cmpf ogt, %get3A_1099, %gt3A_1100 : vector<128x128xf32>
      %jit3A_1102 = arith.constant 0x7F800000 : f32
      %broadcast_in_dim3A_1103 = vector.broadcast %jit3A_1102 : f32 to vector<128x128xf32>
      %select_n3A_1104 = arith.select %gt3A_1101, %get3A_1099, %broadcast_in_dim3A_1103 : vector<128x128xi1>, vector<128x128xf32>
      %lt3A_1105 = arith.cmpf olt, %select_n3A_1104, %min3A_1034 : vector<128x128xf32>
      %min3A_1106 = arith.minimumf %min3A_1034, %select_n3A_1104 : vector<128x128xf32>
      %broadcast_in_dim3A_1107 = vector.broadcast %add3A_1094 : i32 to vector<128x128xi32>
      %select_n3A_1108 = arith.select %lt3A_1105, %broadcast_in_dim3A_1107, %select_n3A_1036 : vector<128x128xi1>, vector<128x128xi32>
      %mul3A_1109 = arith.constant 8 : i32
      %mul3A_1110 = arith.muli %scan3A_975, %mul3A_1109 : i32
      %add3A_1111 = arith.constant 7 : i32
      %add3A_1112 = arith.addi %mul3A_1110, %add3A_1111 : i32
      %get3A_1113 = arith.index_cast %add3A_1112 : i32 to index
      %get3A_1114 = arith.constant 0 : index
      %get3A_1115 = arith.constant 0 : index
      %get3A_1116 = vector.load %arg6[%get3A_1113, %get3A_1114, %get3A_1115] : memref<128x128x128xf32, #tpu.memory_space<vmem>>, vector<1x128x128xf32>
      %get3A_1117 = vector.shape_cast %get3A_1116 : vector<1x128x128xf32> to vector<128x128xf32>
      %gt3A_1118 = vector.broadcast %broadcast_in_dim3A_227 : vector<128x1xf32> to vector<128x128xf32>
      %gt3A_1119 = arith.cmpf ogt, %get3A_1117, %gt3A_1118 : vector<128x128xf32>
      %jit3A_1120 = arith.constant 0x7F800000 : f32
      %broadcast_in_dim3A_1121 = vector.broadcast %jit3A_1120 : f32 to vector<128x128xf32>
      %select_n3A_1122 = arith.select %gt3A_1119, %get3A_1117, %broadcast_in_dim3A_1121 : vector<128x128xi1>, vector<128x128xf32>
      %lt3A_1123 = arith.cmpf olt, %select_n3A_1122, %min3A_1052 : vector<128x128xf32>
      %min3A_1124 = arith.minimumf %min3A_1052, %select_n3A_1122 : vector<128x128xf32>
      %broadcast_in_dim3A_1125 = vector.broadcast %add3A_1112 : i32 to vector<128x128xi32>
      %select_n3A_1126 = arith.select %lt3A_1123, %broadcast_in_dim3A_1125, %select_n3A_1054 : vector<128x128xi1>, vector<128x128xi32>
      scf.yield %min3A_1070, %min3A_1088, %min3A_1106, %min3A_1124, %select_n3A_1072, %select_n3A_1090, %select_n3A_1108, %select_n3A_1126 : vector<128x128xf32>, vector<128x128xf32>, vector<128x128xf32>, vector<128x128xf32>, vector<128x128xi32>, vector<128x128xi32>, vector<128x128xi32>, vector<128x128xi32>
    }
    %scan3A_264 = arith.constant 16 : i32
    %lt3A_265 = arith.cmpf olt, %scan3A_263#1, %scan3A_263#0 : vector<128x128xf32>
    %eq3A_266 = arith.cmpf oeq, %scan3A_263#1, %scan3A_263#0 : vector<128x128xf32>
    %lt3A_267 = arith.cmpi slt, %scan3A_263#5, %scan3A_263#4 : vector<128x128xi32>
    %and3A_268 = arith.andi %eq3A_266, %lt3A_267 : vector<128x128xi1>
    %or3A_269 = arith.ori %lt3A_265, %and3A_268 : vector<128x128xi1>
    %min3A_270 = arith.minimumf %scan3A_263#0, %scan3A_263#1 : vector<128x128xf32>
    %select_n3A_271 = arith.select %or3A_269, %scan3A_263#5, %scan3A_263#4 : vector<128x128xi1>, vector<128x128xi32>
    %lt3A_272 = arith.cmpf olt, %scan3A_263#2, %min3A_270 : vector<128x128xf32>
    %eq3A_273 = arith.cmpf oeq, %scan3A_263#2, %min3A_270 : vector<128x128xf32>
    %lt3A_274 = arith.cmpi slt, %scan3A_263#6, %select_n3A_271 : vector<128x128xi32>
    %and3A_275 = arith.andi %eq3A_273, %lt3A_274 : vector<128x128xi1>
    %or3A_276 = arith.ori %lt3A_272, %and3A_275 : vector<128x128xi1>
    %min3A_277 = arith.minimumf %min3A_270, %scan3A_263#2 : vector<128x128xf32>
    %select_n3A_278 = arith.select %or3A_276, %scan3A_263#6, %select_n3A_271 : vector<128x128xi1>, vector<128x128xi32>
    %lt3A_279 = arith.cmpf olt, %scan3A_263#3, %min3A_277 : vector<128x128xf32>
    %eq3A_280 = arith.cmpf oeq, %scan3A_263#3, %min3A_277 : vector<128x128xf32>
    %lt3A_281 = arith.cmpi slt, %scan3A_263#7, %select_n3A_278 : vector<128x128xi32>
    %and3A_282 = arith.andi %eq3A_280, %lt3A_281 : vector<128x128xi1>
    %or3A_283 = arith.ori %lt3A_279, %and3A_282 : vector<128x128xi1>
    %min3A_284 = arith.minimumf %min3A_277, %scan3A_263#3 : vector<128x128xf32>
    %select_n3A_285 = arith.select %or3A_283, %scan3A_263#7, %select_n3A_278 : vector<128x128xi1>, vector<128x128xi32>
    %reduce_min3A_286 = arith.constant dense<0x7F800000> : vector<128xf32>
    %reduce_min3A_287 = vector.multi_reduction <minimumf>, %min3A_284, %reduce_min3A_286 [1] : vector<128x128xf32> to vector<128xf32>
    %broadcast_in_dim3A_288 = vector.shape_cast %reduce_min3A_287 : vector<128xf32> to vector<128x1xf32>
    %mul3A_289 = arith.constant 128 : i32
    %mul3A_290 = vector.broadcast %mul3A_289 : i32 to vector<128x128xi32>
    %mul3A_291 = arith.muli %select_n3A_285, %mul3A_290 : vector<128x128xi32>
    %add3A_292 = arith.addi %mul3A_291, %iota3A : vector<128x128xi32>
    %eq3A_293 = vector.broadcast %broadcast_in_dim3A_288 : vector<128x1xf32> to vector<128x128xf32>
    %eq3A_294 = arith.cmpf oeq, %min3A_284, %eq3A_293 : vector<128x128xf32>
    %jit3A_295 = arith.constant 1073741824 : i32
    %broadcast_in_dim3A_296 = vector.broadcast %jit3A_295 : i32 to vector<128x128xi32>
    %select_n3A_297 = arith.select %eq3A_294, %add3A_292, %broadcast_in_dim3A_296 : vector<128x128xi1>, vector<128x128xi32>
    %reduce_min3A_298 = arith.constant dense<2147483647> : vector<128xi32>
    %reduce_min3A_299 = vector.multi_reduction <minsi>, %select_n3A_297, %reduce_min3A_298 [1] : vector<128x128xi32> to vector<128xi32>
    %broadcast_in_dim3A_300 = vector.shape_cast %reduce_min3A_299 : vector<128xi32> to vector<128x1xi32>
    %swap3A_301 = arith.constant 0 : index
    %swap3A_302 = arith.constant 4 : index
    %swap3A_303 = vector.load %arg5[%swap3A_301, %swap3A_302] : memref<128x16xi32, #tpu.memory_space<vmem>>, vector<128x1xi32>
    tpu.vector_store %arg5[%swap3A_301, %swap3A_302], %broadcast_in_dim3A_300 {strides = array<i32>} : memref<128x16xi32, #tpu.memory_space<vmem>>, vector<128x1xi32>,
    %broadcast_in_dim3A_304 = arith.constant 0x7F800000 : f32
    %broadcast_in_dim3A_305 = vector.broadcast %broadcast_in_dim3A_304 : f32 to vector<128x128xf32>
    %broadcast_in_dim3A_306 = arith.constant 0x7F800000 : f32
    %broadcast_in_dim3A_307 = vector.broadcast %broadcast_in_dim3A_306 : f32 to vector<128x128xf32>
    %broadcast_in_dim3A_308 = arith.constant 0x7F800000 : f32
    %broadcast_in_dim3A_309 = vector.broadcast %broadcast_in_dim3A_308 : f32 to vector<128x128xf32>
    %broadcast_in_dim3A_310 = arith.constant 0x7F800000 : f32
    %broadcast_in_dim3A_311 = vector.broadcast %broadcast_in_dim3A_310 : f32 to vector<128x128xf32>
    %broadcast_in_dim3A_312 = arith.constant 0 : i32
    %broadcast_in_dim3A_313 = vector.broadcast %broadcast_in_dim3A_312 : i32 to vector<128x128xi32>
    %broadcast_in_dim3A_314 = arith.constant 0 : i32
    %broadcast_in_dim3A_315 = vector.broadcast %broadcast_in_dim3A_314 : i32 to vector<128x128xi32>
    %broadcast_in_dim3A_316 = arith.constant 0 : i32
    %broadcast_in_dim3A_317 = vector.broadcast %broadcast_in_dim3A_316 : i32 to vector<128x128xi32>
    %broadcast_in_dim3A_318 = arith.constant 0 : i32
    %broadcast_in_dim3A_319 = vector.broadcast %broadcast_in_dim3A_318 : i32 to vector<128x128xi32>
    %scan3A_320 = arith.constant 0 : i32
    %scan3A_321 = arith.constant 16 : i32
    %scan3A_322 = arith.addi %scan3A_320, %scan3A_321 : i32
    %scan3A_323 = arith.constant 1 : i32
    %scan3A_324:8 = scf.for %scan3A_975 = %scan3A_320 to %scan3A_322 step %scan3A_323 iter_args(%scan3A_976 = %broadcast_in_dim3A_305, %scan3A_977 = %broadcast_in_dim3A_307, %scan3A_978 = %broadcast_in_dim3A_309, %scan3A_979 = %broadcast_in_dim3A_311, %scan3A_980 = %broadcast_in_dim3A_313, %scan3A_981 = %broadcast_in_dim3A_315, %scan3A_982 = %broadcast_in_dim3A_317, %scan3A_983 = %broadcast_in_dim3A_319) -> (vector<128x128xf32>, vector<128x128xf32>, vector<128x128xf32>, vector<128x128xf32>, vector<128x128xi32>, vector<128x128xi32>, vector<128x128xi32>, vector<128x128xi32>)  : i32 {
      %mul3A_984 = arith.constant 8 : i32
      %mul3A_985 = arith.muli %scan3A_975, %mul3A_984 : i32
      %add3A_986 = arith.constant 0 : i32
      %add3A_987 = arith.addi %mul3A_985, %add3A_986 : i32
      %get3A_988 = arith.index_cast %add3A_987 : i32 to index
      %get3A_989 = arith.constant 0 : index
      %get3A_990 = arith.constant 0 : index
      %get3A_991 = vector.load %arg6[%get3A_988, %get3A_989, %get3A_990] : memref<128x128x128xf32, #tpu.memory_space<vmem>>, vector<1x128x128xf32>
      %get3A_992 = vector.shape_cast %get3A_991 : vector<1x128x128xf32> to vector<128x128xf32>
      %gt3A = vector.broadcast %broadcast_in_dim3A_288 : vector<128x1xf32> to vector<128x128xf32>
      %gt3A_993 = arith.cmpf ogt, %get3A_992, %gt3A : vector<128x128xf32>
      %jit3A_994 = arith.constant 0x7F800000 : f32
      %broadcast_in_dim3A_995 = vector.broadcast %jit3A_994 : f32 to vector<128x128xf32>
      %select_n3A_996 = arith.select %gt3A_993, %get3A_992, %broadcast_in_dim3A_995 : vector<128x128xi1>, vector<128x128xf32>
      %lt3A_997 = arith.cmpf olt, %select_n3A_996, %scan3A_976 : vector<128x128xf32>
      %min3A_998 = arith.minimumf %scan3A_976, %select_n3A_996 : vector<128x128xf32>
      %broadcast_in_dim3A_999 = vector.broadcast %add3A_987 : i32 to vector<128x128xi32>
      %select_n3A_1000 = arith.select %lt3A_997, %broadcast_in_dim3A_999, %scan3A_980 : vector<128x128xi1>, vector<128x128xi32>
      %mul3A_1001 = arith.constant 8 : i32
      %mul3A_1002 = arith.muli %scan3A_975, %mul3A_1001 : i32
      %add3A_1003 = arith.constant 1 : i32
      %add3A_1004 = arith.addi %mul3A_1002, %add3A_1003 : i32
      %get3A_1005 = arith.index_cast %add3A_1004 : i32 to index
      %get3A_1006 = arith.constant 0 : index
      %get3A_1007 = arith.constant 0 : index
      %get3A_1008 = vector.load %arg6[%get3A_1005, %get3A_1006, %get3A_1007] : memref<128x128x128xf32, #tpu.memory_space<vmem>>, vector<1x128x128xf32>
      %get3A_1009 = vector.shape_cast %get3A_1008 : vector<1x128x128xf32> to vector<128x128xf32>
      %gt3A_1010 = vector.broadcast %broadcast_in_dim3A_288 : vector<128x1xf32> to vector<128x128xf32>
      %gt3A_1011 = arith.cmpf ogt, %get3A_1009, %gt3A_1010 : vector<128x128xf32>
      %jit3A_1012 = arith.constant 0x7F800000 : f32
      %broadcast_in_dim3A_1013 = vector.broadcast %jit3A_1012 : f32 to vector<128x128xf32>
      %select_n3A_1014 = arith.select %gt3A_1011, %get3A_1009, %broadcast_in_dim3A_1013 : vector<128x128xi1>, vector<128x128xf32>
      %lt3A_1015 = arith.cmpf olt, %select_n3A_1014, %scan3A_977 : vector<128x128xf32>
      %min3A_1016 = arith.minimumf %scan3A_977, %select_n3A_1014 : vector<128x128xf32>
      %broadcast_in_dim3A_1017 = vector.broadcast %add3A_1004 : i32 to vector<128x128xi32>
      %select_n3A_1018 = arith.select %lt3A_1015, %broadcast_in_dim3A_1017, %scan3A_981 : vector<128x128xi1>, vector<128x128xi32>
      %mul3A_1019 = arith.constant 8 : i32
      %mul3A_1020 = arith.muli %scan3A_975, %mul3A_1019 : i32
      %add3A_1021 = arith.constant 2 : i32
      %add3A_1022 = arith.addi %mul3A_1020, %add3A_1021 : i32
      %get3A_1023 = arith.index_cast %add3A_1022 : i32 to index
      %get3A_1024 = arith.constant 0 : index
      %get3A_1025 = arith.constant 0 : index
      %get3A_1026 = vector.load %arg6[%get3A_1023, %get3A_1024, %get3A_1025] : memref<128x128x128xf32, #tpu.memory_space<vmem>>, vector<1x128x128xf32>
      %get3A_1027 = vector.shape_cast %get3A_1026 : vector<1x128x128xf32> to vector<128x128xf32>
      %gt3A_1028 = vector.broadcast %broadcast_in_dim3A_288 : vector<128x1xf32> to vector<128x128xf32>
      %gt3A_1029 = arith.cmpf ogt, %get3A_1027, %gt3A_1028 : vector<128x128xf32>
      %jit3A_1030 = arith.constant 0x7F800000 : f32
      %broadcast_in_dim3A_1031 = vector.broadcast %jit3A_1030 : f32 to vector<128x128xf32>
      %select_n3A_1032 = arith.select %gt3A_1029, %get3A_1027, %broadcast_in_dim3A_1031 : vector<128x128xi1>, vector<128x128xf32>
      %lt3A_1033 = arith.cmpf olt, %select_n3A_1032, %scan3A_978 : vector<128x128xf32>
      %min3A_1034 = arith.minimumf %scan3A_978, %select_n3A_1032 : vector<128x128xf32>
      %broadcast_in_dim3A_1035 = vector.broadcast %add3A_1022 : i32 to vector<128x128xi32>
      %select_n3A_1036 = arith.select %lt3A_1033, %broadcast_in_dim3A_1035, %scan3A_982 : vector<128x128xi1>, vector<128x128xi32>
      %mul3A_1037 = arith.constant 8 : i32
      %mul3A_1038 = arith.muli %scan3A_975, %mul3A_1037 : i32
      %add3A_1039 = arith.constant 3 : i32
      %add3A_1040 = arith.addi %mul3A_1038, %add3A_1039 : i32
      %get3A_1041 = arith.index_cast %add3A_1040 : i32 to index
      %get3A_1042 = arith.constant 0 : index
      %get3A_1043 = arith.constant 0 : index
      %get3A_1044 = vector.load %arg6[%get3A_1041, %get3A_1042, %get3A_1043] : memref<128x128x128xf32, #tpu.memory_space<vmem>>, vector<1x128x128xf32>
      %get3A_1045 = vector.shape_cast %get3A_1044 : vector<1x128x128xf32> to vector<128x128xf32>
      %gt3A_1046 = vector.broadcast %broadcast_in_dim3A_288 : vector<128x1xf32> to vector<128x128xf32>
      %gt3A_1047 = arith.cmpf ogt, %get3A_1045, %gt3A_1046 : vector<128x128xf32>
      %jit3A_1048 = arith.constant 0x7F800000 : f32
      %broadcast_in_dim3A_1049 = vector.broadcast %jit3A_1048 : f32 to vector<128x128xf32>
      %select_n3A_1050 = arith.select %gt3A_1047, %get3A_1045, %broadcast_in_dim3A_1049 : vector<128x128xi1>, vector<128x128xf32>
      %lt3A_1051 = arith.cmpf olt, %select_n3A_1050, %scan3A_979 : vector<128x128xf32>
      %min3A_1052 = arith.minimumf %scan3A_979, %select_n3A_1050 : vector<128x128xf32>
      %broadcast_in_dim3A_1053 = vector.broadcast %add3A_1040 : i32 to vector<128x128xi32>
      %select_n3A_1054 = arith.select %lt3A_1051, %broadcast_in_dim3A_1053, %scan3A_983 : vector<128x128xi1>, vector<128x128xi32>
      %mul3A_1055 = arith.constant 8 : i32
      %mul3A_1056 = arith.muli %scan3A_975, %mul3A_1055 : i32
      %add3A_1057 = arith.constant 4 : i32
      %add3A_1058 = arith.addi %mul3A_1056, %add3A_1057 : i32
      %get3A_1059 = arith.index_cast %add3A_1058 : i32 to index
      %get3A_1060 = arith.constant 0 : index
      %get3A_1061 = arith.constant 0 : index
      %get3A_1062 = vector.load %arg6[%get3A_1059, %get3A_1060, %get3A_1061] : memref<128x128x128xf32, #tpu.memory_space<vmem>>, vector<1x128x128xf32>
      %get3A_1063 = vector.shape_cast %get3A_1062 : vector<1x128x128xf32> to vector<128x128xf32>
      %gt3A_1064 = vector.broadcast %broadcast_in_dim3A_288 : vector<128x1xf32> to vector<128x128xf32>
      %gt3A_1065 = arith.cmpf ogt, %get3A_1063, %gt3A_1064 : vector<128x128xf32>
      %jit3A_1066 = arith.constant 0x7F800000 : f32
      %broadcast_in_dim3A_1067 = vector.broadcast %jit3A_1066 : f32 to vector<128x128xf32>
      %select_n3A_1068 = arith.select %gt3A_1065, %get3A_1063, %broadcast_in_dim3A_1067 : vector<128x128xi1>, vector<128x128xf32>
      %lt3A_1069 = arith.cmpf olt, %select_n3A_1068, %min3A_998 : vector<128x128xf32>
      %min3A_1070 = arith.minimumf %min3A_998, %select_n3A_1068 : vector<128x128xf32>
      %broadcast_in_dim3A_1071 = vector.broadcast %add3A_1058 : i32 to vector<128x128xi32>
      %select_n3A_1072 = arith.select %lt3A_1069, %broadcast_in_dim3A_1071, %select_n3A_1000 : vector<128x128xi1>, vector<128x128xi32>
      %mul3A_1073 = arith.constant 8 : i32
      %mul3A_1074 = arith.muli %scan3A_975, %mul3A_1073 : i32
      %add3A_1075 = arith.constant 5 : i32
      %add3A_1076 = arith.addi %mul3A_1074, %add3A_1075 : i32
      %get3A_1077 = arith.index_cast %add3A_1076 : i32 to index
      %get3A_1078 = arith.constant 0 : index
      %get3A_1079 = arith.constant 0 : index
      %get3A_1080 = vector.load %arg6[%get3A_1077, %get3A_1078, %get3A_1079] : memref<128x128x128xf32, #tpu.memory_space<vmem>>, vector<1x128x128xf32>
      %get3A_1081 = vector.shape_cast %get3A_1080 : vector<1x128x128xf32> to vector<128x128xf32>
      %gt3A_1082 = vector.broadcast %broadcast_in_dim3A_288 : vector<128x1xf32> to vector<128x128xf32>
      %gt3A_1083 = arith.cmpf ogt, %get3A_1081, %gt3A_1082 : vector<128x128xf32>
      %jit3A_1084 = arith.constant 0x7F800000 : f32
      %broadcast_in_dim3A_1085 = vector.broadcast %jit3A_1084 : f32 to vector<128x128xf32>
      %select_n3A_1086 = arith.select %gt3A_1083, %get3A_1081, %broadcast_in_dim3A_1085 : vector<128x128xi1>, vector<128x128xf32>
      %lt3A_1087 = arith.cmpf olt, %select_n3A_1086, %min3A_1016 : vector<128x128xf32>
      %min3A_1088 = arith.minimumf %min3A_1016, %select_n3A_1086 : vector<128x128xf32>
      %broadcast_in_dim3A_1089 = vector.broadcast %add3A_1076 : i32 to vector<128x128xi32>
      %select_n3A_1090 = arith.select %lt3A_1087, %broadcast_in_dim3A_1089, %select_n3A_1018 : vector<128x128xi1>, vector<128x128xi32>
      %mul3A_1091 = arith.constant 8 : i32
      %mul3A_1092 = arith.muli %scan3A_975, %mul3A_1091 : i32
      %add3A_1093 = arith.constant 6 : i32
      %add3A_1094 = arith.addi %mul3A_1092, %add3A_1093 : i32
      %get3A_1095 = arith.index_cast %add3A_1094 : i32 to index
      %get3A_1096 = arith.constant 0 : index
      %get3A_1097 = arith.constant 0 : index
      %get3A_1098 = vector.load %arg6[%get3A_1095, %get3A_1096, %get3A_1097] : memref<128x128x128xf32, #tpu.memory_space<vmem>>, vector<1x128x128xf32>
      %get3A_1099 = vector.shape_cast %get3A_1098 : vector<1x128x128xf32> to vector<128x128xf32>
      %gt3A_1100 = vector.broadcast %broadcast_in_dim3A_288 : vector<128x1xf32> to vector<128x128xf32>
      %gt3A_1101 = arith.cmpf ogt, %get3A_1099, %gt3A_1100 : vector<128x128xf32>
      %jit3A_1102 = arith.constant 0x7F800000 : f32
      %broadcast_in_dim3A_1103 = vector.broadcast %jit3A_1102 : f32 to vector<128x128xf32>
      %select_n3A_1104 = arith.select %gt3A_1101, %get3A_1099, %broadcast_in_dim3A_1103 : vector<128x128xi1>, vector<128x128xf32>
      %lt3A_1105 = arith.cmpf olt, %select_n3A_1104, %min3A_1034 : vector<128x128xf32>
      %min3A_1106 = arith.minimumf %min3A_1034, %select_n3A_1104 : vector<128x128xf32>
      %broadcast_in_dim3A_1107 = vector.broadcast %add3A_1094 : i32 to vector<128x128xi32>
      %select_n3A_1108 = arith.select %lt3A_1105, %broadcast_in_dim3A_1107, %select_n3A_1036 : vector<128x128xi1>, vector<128x128xi32>
      %mul3A_1109 = arith.constant 8 : i32
      %mul3A_1110 = arith.muli %scan3A_975, %mul3A_1109 : i32
      %add3A_1111 = arith.constant 7 : i32
      %add3A_1112 = arith.addi %mul3A_1110, %add3A_1111 : i32
      %get3A_1113 = arith.index_cast %add3A_1112 : i32 to index
      %get3A_1114 = arith.constant 0 : index
      %get3A_1115 = arith.constant 0 : index
      %get3A_1116 = vector.load %arg6[%get3A_1113, %get3A_1114, %get3A_1115] : memref<128x128x128xf32, #tpu.memory_space<vmem>>, vector<1x128x128xf32>
      %get3A_1117 = vector.shape_cast %get3A_1116 : vector<1x128x128xf32> to vector<128x128xf32>
      %gt3A_1118 = vector.broadcast %broadcast_in_dim3A_288 : vector<128x1xf32> to vector<128x128xf32>
      %gt3A_1119 = arith.cmpf ogt, %get3A_1117, %gt3A_1118 : vector<128x128xf32>
      %jit3A_1120 = arith.constant 0x7F800000 : f32
      %broadcast_in_dim3A_1121 = vector.broadcast %jit3A_1120 : f32 to vector<128x128xf32>
      %select_n3A_1122 = arith.select %gt3A_1119, %get3A_1117, %broadcast_in_dim3A_1121 : vector<128x128xi1>, vector<128x128xf32>
      %lt3A_1123 = arith.cmpf olt, %select_n3A_1122, %min3A_1052 : vector<128x128xf32>
      %min3A_1124 = arith.minimumf %min3A_1052, %select_n3A_1122 : vector<128x128xf32>
      %broadcast_in_dim3A_1125 = vector.broadcast %add3A_1112 : i32 to vector<128x128xi32>
      %select_n3A_1126 = arith.select %lt3A_1123, %broadcast_in_dim3A_1125, %select_n3A_1054 : vector<128x128xi1>, vector<128x128xi32>
      scf.yield %min3A_1070, %min3A_1088, %min3A_1106, %min3A_1124, %select_n3A_1072, %select_n3A_1090, %select_n3A_1108, %select_n3A_1126 : vector<128x128xf32>, vector<128x128xf32>, vector<128x128xf32>, vector<128x128xf32>, vector<128x128xi32>, vector<128x128xi32>, vector<128x128xi32>, vector<128x128xi32>
    }
    %scan3A_325 = arith.constant 16 : i32
    %lt3A_326 = arith.cmpf olt, %scan3A_324#1, %scan3A_324#0 : vector<128x128xf32>
    %eq3A_327 = arith.cmpf oeq, %scan3A_324#1, %scan3A_324#0 : vector<128x128xf32>
    %lt3A_328 = arith.cmpi slt, %scan3A_324#5, %scan3A_324#4 : vector<128x128xi32>
    %and3A_329 = arith.andi %eq3A_327, %lt3A_328 : vector<128x128xi1>
    %or3A_330 = arith.ori %lt3A_326, %and3A_329 : vector<128x128xi1>
    %min3A_331 = arith.minimumf %scan3A_324#0, %scan3A_324#1 : vector<128x128xf32>
    %select_n3A_332 = arith.select %or3A_330, %scan3A_324#5, %scan3A_324#4 : vector<128x128xi1>, vector<128x128xi32>
    %lt3A_333 = arith.cmpf olt, %scan3A_324#2, %min3A_331 : vector<128x128xf32>
    %eq3A_334 = arith.cmpf oeq, %scan3A_324#2, %min3A_331 : vector<128x128xf32>
    %lt3A_335 = arith.cmpi slt, %scan3A_324#6, %select_n3A_332 : vector<128x128xi32>
    %and3A_336 = arith.andi %eq3A_334, %lt3A_335 : vector<128x128xi1>
    %or3A_337 = arith.ori %lt3A_333, %and3A_336 : vector<128x128xi1>
    %min3A_338 = arith.minimumf %min3A_331, %scan3A_324#2 : vector<128x128xf32>
    %select_n3A_339 = arith.select %or3A_337, %scan3A_324#6, %select_n3A_332 : vector<128x128xi1>, vector<128x128xi32>
    %lt3A_340 = arith.cmpf olt, %scan3A_324#3, %min3A_338 : vector<128x128xf32>
    %eq3A_341 = arith.cmpf oeq, %scan3A_324#3, %min3A_338 : vector<128x128xf32>
    %lt3A_342 = arith.cmpi slt, %scan3A_324#7, %select_n3A_339 : vector<128x128xi32>
    %and3A_343 = arith.andi %eq3A_341, %lt3A_342 : vector<128x128xi1>
    %or3A_344 = arith.ori %lt3A_340, %and3A_343 : vector<128x128xi1>
    %min3A_345 = arith.minimumf %min3A_338, %scan3A_324#3 : vector<128x128xf32>
    %select_n3A_346 = arith.select %or3A_344, %scan3A_324#7, %select_n3A_339 : vector<128x128xi1>, vector<128x128xi32>
    %reduce_min3A_347 = arith.constant dense<0x7F800000> : vector<128xf32>
    %reduce_min3A_348 = vector.multi_reduction <minimumf>, %min3A_345, %reduce_min3A_347 [1] : vector<128x128xf32> to vector<128xf32>
    %broadcast_in_dim3A_349 = vector.shape_cast %reduce_min3A_348 : vector<128xf32> to vector<128x1xf32>
    %mul3A_350 = arith.constant 128 : i32
    %mul3A_351 = vector.broadcast %mul3A_350 : i32 to vector<128x128xi32>
    %mul3A_352 = arith.muli %select_n3A_346, %mul3A_351 : vector<128x128xi32>
    %add3A_353 = arith.addi %mul3A_352, %iota3A : vector<128x128xi32>
    %eq3A_354 = vector.broadcast %broadcast_in_dim3A_349 : vector<128x1xf32> to vector<128x128xf32>
    %eq3A_355 = arith.cmpf oeq, %min3A_345, %eq3A_354 : vector<128x128xf32>
    %jit3A_356 = arith.constant 1073741824 : i32
    %broadcast_in_dim3A_357 = vector.broadcast %jit3A_356 : i32 to vector<128x128xi32>
    %select_n3A_358 = arith.select %eq3A_355, %add3A_353, %broadcast_in_dim3A_357 : vector<128x128xi1>, vector<128x128xi32>
    %reduce_min3A_359 = arith.constant dense<2147483647> : vector<128xi32>
    %reduce_min3A_360 = vector.multi_reduction <minsi>, %select_n3A_358, %reduce_min3A_359 [1] : vector<128x128xi32> to vector<128xi32>
    %broadcast_in_dim3A_361 = vector.shape_cast %reduce_min3A_360 : vector<128xi32> to vector<128x1xi32>
    %swap3A_362 = arith.constant 0 : index
    %swap3A_363 = arith.constant 5 : index
    %swap3A_364 = vector.load %arg5[%swap3A_362, %swap3A_363] : memref<128x16xi32, #tpu.memory_space<vmem>>, vector<128x1xi32>
    tpu.vector_store %arg5[%swap3A_362, %swap3A_363], %broadcast_in_dim3A_361 {strides = array<i32>} : memref<128x16xi32, #tpu.memory_space<vmem>>, vector<128x1xi32>,
    %broadcast_in_dim3A_365 = arith.constant 0x7F800000 : f32
    %broadcast_in_dim3A_366 = vector.broadcast %broadcast_in_dim3A_365 : f32 to vector<128x128xf32>
    %broadcast_in_dim3A_367 = arith.constant 0x7F800000 : f32
    %broadcast_in_dim3A_368 = vector.broadcast %broadcast_in_dim3A_367 : f32 to vector<128x128xf32>
    %broadcast_in_dim3A_369 = arith.constant 0x7F800000 : f32
    %broadcast_in_dim3A_370 = vector.broadcast %broadcast_in_dim3A_369 : f32 to vector<128x128xf32>
    %broadcast_in_dim3A_371 = arith.constant 0x7F800000 : f32
    %broadcast_in_dim3A_372 = vector.broadcast %broadcast_in_dim3A_371 : f32 to vector<128x128xf32>
    %broadcast_in_dim3A_373 = arith.constant 0 : i32
    %broadcast_in_dim3A_374 = vector.broadcast %broadcast_in_dim3A_373 : i32 to vector<128x128xi32>
    %broadcast_in_dim3A_375 = arith.constant 0 : i32
    %broadcast_in_dim3A_376 = vector.broadcast %broadcast_in_dim3A_375 : i32 to vector<128x128xi32>
    %broadcast_in_dim3A_377 = arith.constant 0 : i32
    %broadcast_in_dim3A_378 = vector.broadcast %broadcast_in_dim3A_377 : i32 to vector<128x128xi32>
    %broadcast_in_dim3A_379 = arith.constant 0 : i32
    %broadcast_in_dim3A_380 = vector.broadcast %broadcast_in_dim3A_379 : i32 to vector<128x128xi32>
    %scan3A_381 = arith.constant 0 : i32
    %scan3A_382 = arith.constant 16 : i32
    %scan3A_383 = arith.addi %scan3A_381, %scan3A_382 : i32
    %scan3A_384 = arith.constant 1 : i32
    %scan3A_385:8 = scf.for %scan3A_975 = %scan3A_381 to %scan3A_383 step %scan3A_384 iter_args(%scan3A_976 = %broadcast_in_dim3A_366, %scan3A_977 = %broadcast_in_dim3A_368, %scan3A_978 = %broadcast_in_dim3A_370, %scan3A_979 = %broadcast_in_dim3A_372, %scan3A_980 = %broadcast_in_dim3A_374, %scan3A_981 = %broadcast_in_dim3A_376, %scan3A_982 = %broadcast_in_dim3A_378, %scan3A_983 = %broadcast_in_dim3A_380) -> (vector<128x128xf32>, vector<128x128xf32>, vector<128x128xf32>, vector<128x128xf32>, vector<128x128xi32>, vector<128x128xi32>, vector<128x128xi32>, vector<128x128xi32>)  : i32 {
      %mul3A_984 = arith.constant 8 : i32
      %mul3A_985 = arith.muli %scan3A_975, %mul3A_984 : i32
      %add3A_986 = arith.constant 0 : i32
      %add3A_987 = arith.addi %mul3A_985, %add3A_986 : i32
      %get3A_988 = arith.index_cast %add3A_987 : i32 to index
      %get3A_989 = arith.constant 0 : index
      %get3A_990 = arith.constant 0 : index
      %get3A_991 = vector.load %arg6[%get3A_988, %get3A_989, %get3A_990] : memref<128x128x128xf32, #tpu.memory_space<vmem>>, vector<1x128x128xf32>
      %get3A_992 = vector.shape_cast %get3A_991 : vector<1x128x128xf32> to vector<128x128xf32>
      %gt3A = vector.broadcast %broadcast_in_dim3A_349 : vector<128x1xf32> to vector<128x128xf32>
      %gt3A_993 = arith.cmpf ogt, %get3A_992, %gt3A : vector<128x128xf32>
      %jit3A_994 = arith.constant 0x7F800000 : f32
      %broadcast_in_dim3A_995 = vector.broadcast %jit3A_994 : f32 to vector<128x128xf32>
      %select_n3A_996 = arith.select %gt3A_993, %get3A_992, %broadcast_in_dim3A_995 : vector<128x128xi1>, vector<128x128xf32>
      %lt3A_997 = arith.cmpf olt, %select_n3A_996, %scan3A_976 : vector<128x128xf32>
      %min3A_998 = arith.minimumf %scan3A_976, %select_n3A_996 : vector<128x128xf32>
      %broadcast_in_dim3A_999 = vector.broadcast %add3A_987 : i32 to vector<128x128xi32>
      %select_n3A_1000 = arith.select %lt3A_997, %broadcast_in_dim3A_999, %scan3A_980 : vector<128x128xi1>, vector<128x128xi32>
      %mul3A_1001 = arith.constant 8 : i32
      %mul3A_1002 = arith.muli %scan3A_975, %mul3A_1001 : i32
      %add3A_1003 = arith.constant 1 : i32
      %add3A_1004 = arith.addi %mul3A_1002, %add3A_1003 : i32
      %get3A_1005 = arith.index_cast %add3A_1004 : i32 to index
      %get3A_1006 = arith.constant 0 : index
      %get3A_1007 = arith.constant 0 : index
      %get3A_1008 = vector.load %arg6[%get3A_1005, %get3A_1006, %get3A_1007] : memref<128x128x128xf32, #tpu.memory_space<vmem>>, vector<1x128x128xf32>
      %get3A_1009 = vector.shape_cast %get3A_1008 : vector<1x128x128xf32> to vector<128x128xf32>
      %gt3A_1010 = vector.broadcast %broadcast_in_dim3A_349 : vector<128x1xf32> to vector<128x128xf32>
      %gt3A_1011 = arith.cmpf ogt, %get3A_1009, %gt3A_1010 : vector<128x128xf32>
      %jit3A_1012 = arith.constant 0x7F800000 : f32
      %broadcast_in_dim3A_1013 = vector.broadcast %jit3A_1012 : f32 to vector<128x128xf32>
      %select_n3A_1014 = arith.select %gt3A_1011, %get3A_1009, %broadcast_in_dim3A_1013 : vector<128x128xi1>, vector<128x128xf32>
      %lt3A_1015 = arith.cmpf olt, %select_n3A_1014, %scan3A_977 : vector<128x128xf32>
      %min3A_1016 = arith.minimumf %scan3A_977, %select_n3A_1014 : vector<128x128xf32>
      %broadcast_in_dim3A_1017 = vector.broadcast %add3A_1004 : i32 to vector<128x128xi32>
      %select_n3A_1018 = arith.select %lt3A_1015, %broadcast_in_dim3A_1017, %scan3A_981 : vector<128x128xi1>, vector<128x128xi32>
      %mul3A_1019 = arith.constant 8 : i32
      %mul3A_1020 = arith.muli %scan3A_975, %mul3A_1019 : i32
      %add3A_1021 = arith.constant 2 : i32
      %add3A_1022 = arith.addi %mul3A_1020, %add3A_1021 : i32
      %get3A_1023 = arith.index_cast %add3A_1022 : i32 to index
      %get3A_1024 = arith.constant 0 : index
      %get3A_1025 = arith.constant 0 : index
      %get3A_1026 = vector.load %arg6[%get3A_1023, %get3A_1024, %get3A_1025] : memref<128x128x128xf32, #tpu.memory_space<vmem>>, vector<1x128x128xf32>
      %get3A_1027 = vector.shape_cast %get3A_1026 : vector<1x128x128xf32> to vector<128x128xf32>
      %gt3A_1028 = vector.broadcast %broadcast_in_dim3A_349 : vector<128x1xf32> to vector<128x128xf32>
      %gt3A_1029 = arith.cmpf ogt, %get3A_1027, %gt3A_1028 : vector<128x128xf32>
      %jit3A_1030 = arith.constant 0x7F800000 : f32
      %broadcast_in_dim3A_1031 = vector.broadcast %jit3A_1030 : f32 to vector<128x128xf32>
      %select_n3A_1032 = arith.select %gt3A_1029, %get3A_1027, %broadcast_in_dim3A_1031 : vector<128x128xi1>, vector<128x128xf32>
      %lt3A_1033 = arith.cmpf olt, %select_n3A_1032, %scan3A_978 : vector<128x128xf32>
      %min3A_1034 = arith.minimumf %scan3A_978, %select_n3A_1032 : vector<128x128xf32>
      %broadcast_in_dim3A_1035 = vector.broadcast %add3A_1022 : i32 to vector<128x128xi32>
      %select_n3A_1036 = arith.select %lt3A_1033, %broadcast_in_dim3A_1035, %scan3A_982 : vector<128x128xi1>, vector<128x128xi32>
      %mul3A_1037 = arith.constant 8 : i32
      %mul3A_1038 = arith.muli %scan3A_975, %mul3A_1037 : i32
      %add3A_1039 = arith.constant 3 : i32
      %add3A_1040 = arith.addi %mul3A_1038, %add3A_1039 : i32
      %get3A_1041 = arith.index_cast %add3A_1040 : i32 to index
      %get3A_1042 = arith.constant 0 : index
      %get3A_1043 = arith.constant 0 : index
      %get3A_1044 = vector.load %arg6[%get3A_1041, %get3A_1042, %get3A_1043] : memref<128x128x128xf32, #tpu.memory_space<vmem>>, vector<1x128x128xf32>
      %get3A_1045 = vector.shape_cast %get3A_1044 : vector<1x128x128xf32> to vector<128x128xf32>
      %gt3A_1046 = vector.broadcast %broadcast_in_dim3A_349 : vector<128x1xf32> to vector<128x128xf32>
      %gt3A_1047 = arith.cmpf ogt, %get3A_1045, %gt3A_1046 : vector<128x128xf32>
      %jit3A_1048 = arith.constant 0x7F800000 : f32
      %broadcast_in_dim3A_1049 = vector.broadcast %jit3A_1048 : f32 to vector<128x128xf32>
      %select_n3A_1050 = arith.select %gt3A_1047, %get3A_1045, %broadcast_in_dim3A_1049 : vector<128x128xi1>, vector<128x128xf32>
      %lt3A_1051 = arith.cmpf olt, %select_n3A_1050, %scan3A_979 : vector<128x128xf32>
      %min3A_1052 = arith.minimumf %scan3A_979, %select_n3A_1050 : vector<128x128xf32>
      %broadcast_in_dim3A_1053 = vector.broadcast %add3A_1040 : i32 to vector<128x128xi32>
      %select_n3A_1054 = arith.select %lt3A_1051, %broadcast_in_dim3A_1053, %scan3A_983 : vector<128x128xi1>, vector<128x128xi32>
      %mul3A_1055 = arith.constant 8 : i32
      %mul3A_1056 = arith.muli %scan3A_975, %mul3A_1055 : i32
      %add3A_1057 = arith.constant 4 : i32
      %add3A_1058 = arith.addi %mul3A_1056, %add3A_1057 : i32
      %get3A_1059 = arith.index_cast %add3A_1058 : i32 to index
      %get3A_1060 = arith.constant 0 : index
      %get3A_1061 = arith.constant 0 : index
      %get3A_1062 = vector.load %arg6[%get3A_1059, %get3A_1060, %get3A_1061] : memref<128x128x128xf32, #tpu.memory_space<vmem>>, vector<1x128x128xf32>
      %get3A_1063 = vector.shape_cast %get3A_1062 : vector<1x128x128xf32> to vector<128x128xf32>
      %gt3A_1064 = vector.broadcast %broadcast_in_dim3A_349 : vector<128x1xf32> to vector<128x128xf32>
      %gt3A_1065 = arith.cmpf ogt, %get3A_1063, %gt3A_1064 : vector<128x128xf32>
      %jit3A_1066 = arith.constant 0x7F800000 : f32
      %broadcast_in_dim3A_1067 = vector.broadcast %jit3A_1066 : f32 to vector<128x128xf32>
      %select_n3A_1068 = arith.select %gt3A_1065, %get3A_1063, %broadcast_in_dim3A_1067 : vector<128x128xi1>, vector<128x128xf32>
      %lt3A_1069 = arith.cmpf olt, %select_n3A_1068, %min3A_998 : vector<128x128xf32>
      %min3A_1070 = arith.minimumf %min3A_998, %select_n3A_1068 : vector<128x128xf32>
      %broadcast_in_dim3A_1071 = vector.broadcast %add3A_1058 : i32 to vector<128x128xi32>
      %select_n3A_1072 = arith.select %lt3A_1069, %broadcast_in_dim3A_1071, %select_n3A_1000 : vector<128x128xi1>, vector<128x128xi32>
      %mul3A_1073 = arith.constant 8 : i32
      %mul3A_1074 = arith.muli %scan3A_975, %mul3A_1073 : i32
      %add3A_1075 = arith.constant 5 : i32
      %add3A_1076 = arith.addi %mul3A_1074, %add3A_1075 : i32
      %get3A_1077 = arith.index_cast %add3A_1076 : i32 to index
      %get3A_1078 = arith.constant 0 : index
      %get3A_1079 = arith.constant 0 : index
      %get3A_1080 = vector.load %arg6[%get3A_1077, %get3A_1078, %get3A_1079] : memref<128x128x128xf32, #tpu.memory_space<vmem>>, vector<1x128x128xf32>
      %get3A_1081 = vector.shape_cast %get3A_1080 : vector<1x128x128xf32> to vector<128x128xf32>
      %gt3A_1082 = vector.broadcast %broadcast_in_dim3A_349 : vector<128x1xf32> to vector<128x128xf32>
      %gt3A_1083 = arith.cmpf ogt, %get3A_1081, %gt3A_1082 : vector<128x128xf32>
      %jit3A_1084 = arith.constant 0x7F800000 : f32
      %broadcast_in_dim3A_1085 = vector.broadcast %jit3A_1084 : f32 to vector<128x128xf32>
      %select_n3A_1086 = arith.select %gt3A_1083, %get3A_1081, %broadcast_in_dim3A_1085 : vector<128x128xi1>, vector<128x128xf32>
      %lt3A_1087 = arith.cmpf olt, %select_n3A_1086, %min3A_1016 : vector<128x128xf32>
      %min3A_1088 = arith.minimumf %min3A_1016, %select_n3A_1086 : vector<128x128xf32>
      %broadcast_in_dim3A_1089 = vector.broadcast %add3A_1076 : i32 to vector<128x128xi32>
      %select_n3A_1090 = arith.select %lt3A_1087, %broadcast_in_dim3A_1089, %select_n3A_1018 : vector<128x128xi1>, vector<128x128xi32>
      %mul3A_1091 = arith.constant 8 : i32
      %mul3A_1092 = arith.muli %scan3A_975, %mul3A_1091 : i32
      %add3A_1093 = arith.constant 6 : i32
      %add3A_1094 = arith.addi %mul3A_1092, %add3A_1093 : i32
      %get3A_1095 = arith.index_cast %add3A_1094 : i32 to index
      %get3A_1096 = arith.constant 0 : index
      %get3A_1097 = arith.constant 0 : index
      %get3A_1098 = vector.load %arg6[%get3A_1095, %get3A_1096, %get3A_1097] : memref<128x128x128xf32, #tpu.memory_space<vmem>>, vector<1x128x128xf32>
      %get3A_1099 = vector.shape_cast %get3A_1098 : vector<1x128x128xf32> to vector<128x128xf32>
      %gt3A_1100 = vector.broadcast %broadcast_in_dim3A_349 : vector<128x1xf32> to vector<128x128xf32>
      %gt3A_1101 = arith.cmpf ogt, %get3A_1099, %gt3A_1100 : vector<128x128xf32>
      %jit3A_1102 = arith.constant 0x7F800000 : f32
      %broadcast_in_dim3A_1103 = vector.broadcast %jit3A_1102 : f32 to vector<128x128xf32>
      %select_n3A_1104 = arith.select %gt3A_1101, %get3A_1099, %broadcast_in_dim3A_1103 : vector<128x128xi1>, vector<128x128xf32>
      %lt3A_1105 = arith.cmpf olt, %select_n3A_1104, %min3A_1034 : vector<128x128xf32>
      %min3A_1106 = arith.minimumf %min3A_1034, %select_n3A_1104 : vector<128x128xf32>
      %broadcast_in_dim3A_1107 = vector.broadcast %add3A_1094 : i32 to vector<128x128xi32>
      %select_n3A_1108 = arith.select %lt3A_1105, %broadcast_in_dim3A_1107, %select_n3A_1036 : vector<128x128xi1>, vector<128x128xi32>
      %mul3A_1109 = arith.constant 8 : i32
      %mul3A_1110 = arith.muli %scan3A_975, %mul3A_1109 : i32
      %add3A_1111 = arith.constant 7 : i32
      %add3A_1112 = arith.addi %mul3A_1110, %add3A_1111 : i32
      %get3A_1113 = arith.index_cast %add3A_1112 : i32 to index
      %get3A_1114 = arith.constant 0 : index
      %get3A_1115 = arith.constant 0 : index
      %get3A_1116 = vector.load %arg6[%get3A_1113, %get3A_1114, %get3A_1115] : memref<128x128x128xf32, #tpu.memory_space<vmem>>, vector<1x128x128xf32>
      %get3A_1117 = vector.shape_cast %get3A_1116 : vector<1x128x128xf32> to vector<128x128xf32>
      %gt3A_1118 = vector.broadcast %broadcast_in_dim3A_349 : vector<128x1xf32> to vector<128x128xf32>
      %gt3A_1119 = arith.cmpf ogt, %get3A_1117, %gt3A_1118 : vector<128x128xf32>
      %jit3A_1120 = arith.constant 0x7F800000 : f32
      %broadcast_in_dim3A_1121 = vector.broadcast %jit3A_1120 : f32 to vector<128x128xf32>
      %select_n3A_1122 = arith.select %gt3A_1119, %get3A_1117, %broadcast_in_dim3A_1121 : vector<128x128xi1>, vector<128x128xf32>
      %lt3A_1123 = arith.cmpf olt, %select_n3A_1122, %min3A_1052 : vector<128x128xf32>
      %min3A_1124 = arith.minimumf %min3A_1052, %select_n3A_1122 : vector<128x128xf32>
      %broadcast_in_dim3A_1125 = vector.broadcast %add3A_1112 : i32 to vector<128x128xi32>
      %select_n3A_1126 = arith.select %lt3A_1123, %broadcast_in_dim3A_1125, %select_n3A_1054 : vector<128x128xi1>, vector<128x128xi32>
      scf.yield %min3A_1070, %min3A_1088, %min3A_1106, %min3A_1124, %select_n3A_1072, %select_n3A_1090, %select_n3A_1108, %select_n3A_1126 : vector<128x128xf32>, vector<128x128xf32>, vector<128x128xf32>, vector<128x128xf32>, vector<128x128xi32>, vector<128x128xi32>, vector<128x128xi32>, vector<128x128xi32>
    }
    %scan3A_386 = arith.constant 16 : i32
    %lt3A_387 = arith.cmpf olt, %scan3A_385#1, %scan3A_385#0 : vector<128x128xf32>
    %eq3A_388 = arith.cmpf oeq, %scan3A_385#1, %scan3A_385#0 : vector<128x128xf32>
    %lt3A_389 = arith.cmpi slt, %scan3A_385#5, %scan3A_385#4 : vector<128x128xi32>
    %and3A_390 = arith.andi %eq3A_388, %lt3A_389 : vector<128x128xi1>
    %or3A_391 = arith.ori %lt3A_387, %and3A_390 : vector<128x128xi1>
    %min3A_392 = arith.minimumf %scan3A_385#0, %scan3A_385#1 : vector<128x128xf32>
    %select_n3A_393 = arith.select %or3A_391, %scan3A_385#5, %scan3A_385#4 : vector<128x128xi1>, vector<128x128xi32>
    %lt3A_394 = arith.cmpf olt, %scan3A_385#2, %min3A_392 : vector<128x128xf32>
    %eq3A_395 = arith.cmpf oeq, %scan3A_385#2, %min3A_392 : vector<128x128xf32>
    %lt3A_396 = arith.cmpi slt, %scan3A_385#6, %select_n3A_393 : vector<128x128xi32>
    %and3A_397 = arith.andi %eq3A_395, %lt3A_396 : vector<128x128xi1>
    %or3A_398 = arith.ori %lt3A_394, %and3A_397 : vector<128x128xi1>
    %min3A_399 = arith.minimumf %min3A_392, %scan3A_385#2 : vector<128x128xf32>
    %select_n3A_400 = arith.select %or3A_398, %scan3A_385#6, %select_n3A_393 : vector<128x128xi1>, vector<128x128xi32>
    %lt3A_401 = arith.cmpf olt, %scan3A_385#3, %min3A_399 : vector<128x128xf32>
    %eq3A_402 = arith.cmpf oeq, %scan3A_385#3, %min3A_399 : vector<128x128xf32>
    %lt3A_403 = arith.cmpi slt, %scan3A_385#7, %select_n3A_400 : vector<128x128xi32>
    %and3A_404 = arith.andi %eq3A_402, %lt3A_403 : vector<128x128xi1>
    %or3A_405 = arith.ori %lt3A_401, %and3A_404 : vector<128x128xi1>
    %min3A_406 = arith.minimumf %min3A_399, %scan3A_385#3 : vector<128x128xf32>
    %select_n3A_407 = arith.select %or3A_405, %scan3A_385#7, %select_n3A_400 : vector<128x128xi1>, vector<128x128xi32>
    %reduce_min3A_408 = arith.constant dense<0x7F800000> : vector<128xf32>
    %reduce_min3A_409 = vector.multi_reduction <minimumf>, %min3A_406, %reduce_min3A_408 [1] : vector<128x128xf32> to vector<128xf32>
    %broadcast_in_dim3A_410 = vector.shape_cast %reduce_min3A_409 : vector<128xf32> to vector<128x1xf32>
    %mul3A_411 = arith.constant 128 : i32
    %mul3A_412 = vector.broadcast %mul3A_411 : i32 to vector<128x128xi32>
    %mul3A_413 = arith.muli %select_n3A_407, %mul3A_412 : vector<128x128xi32>
    %add3A_414 = arith.addi %mul3A_413, %iota3A : vector<128x128xi32>
    %eq3A_415 = vector.broadcast %broadcast_in_dim3A_410 : vector<128x1xf32> to vector<128x128xf32>
    %eq3A_416 = arith.cmpf oeq, %min3A_406, %eq3A_415 : vector<128x128xf32>
    %jit3A_417 = arith.constant 1073741824 : i32
    %broadcast_in_dim3A_418 = vector.broadcast %jit3A_417 : i32 to vector<128x128xi32>
    %select_n3A_419 = arith.select %eq3A_416, %add3A_414, %broadcast_in_dim3A_418 : vector<128x128xi1>, vector<128x128xi32>
    %reduce_min3A_420 = arith.constant dense<2147483647> : vector<128xi32>
    %reduce_min3A_421 = vector.multi_reduction <minsi>, %select_n3A_419, %reduce_min3A_420 [1] : vector<128x128xi32> to vector<128xi32>
    %broadcast_in_dim3A_422 = vector.shape_cast %reduce_min3A_421 : vector<128xi32> to vector<128x1xi32>
    %swap3A_423 = arith.constant 0 : index
    %swap3A_424 = arith.constant 6 : index
    %swap3A_425 = vector.load %arg5[%swap3A_423, %swap3A_424] : memref<128x16xi32, #tpu.memory_space<vmem>>, vector<128x1xi32>
    tpu.vector_store %arg5[%swap3A_423, %swap3A_424], %broadcast_in_dim3A_422 {strides = array<i32>} : memref<128x16xi32, #tpu.memory_space<vmem>>, vector<128x1xi32>,
    %broadcast_in_dim3A_426 = arith.constant 0x7F800000 : f32
    %broadcast_in_dim3A_427 = vector.broadcast %broadcast_in_dim3A_426 : f32 to vector<128x128xf32>
    %broadcast_in_dim3A_428 = arith.constant 0x7F800000 : f32
    %broadcast_in_dim3A_429 = vector.broadcast %broadcast_in_dim3A_428 : f32 to vector<128x128xf32>
    %broadcast_in_dim3A_430 = arith.constant 0x7F800000 : f32
    %broadcast_in_dim3A_431 = vector.broadcast %broadcast_in_dim3A_430 : f32 to vector<128x128xf32>
    %broadcast_in_dim3A_432 = arith.constant 0x7F800000 : f32
    %broadcast_in_dim3A_433 = vector.broadcast %broadcast_in_dim3A_432 : f32 to vector<128x128xf32>
    %broadcast_in_dim3A_434 = arith.constant 0 : i32
    %broadcast_in_dim3A_435 = vector.broadcast %broadcast_in_dim3A_434 : i32 to vector<128x128xi32>
    %broadcast_in_dim3A_436 = arith.constant 0 : i32
    %broadcast_in_dim3A_437 = vector.broadcast %broadcast_in_dim3A_436 : i32 to vector<128x128xi32>
    %broadcast_in_dim3A_438 = arith.constant 0 : i32
    %broadcast_in_dim3A_439 = vector.broadcast %broadcast_in_dim3A_438 : i32 to vector<128x128xi32>
    %broadcast_in_dim3A_440 = arith.constant 0 : i32
    %broadcast_in_dim3A_441 = vector.broadcast %broadcast_in_dim3A_440 : i32 to vector<128x128xi32>
    %scan3A_442 = arith.constant 0 : i32
    %scan3A_443 = arith.constant 16 : i32
    %scan3A_444 = arith.addi %scan3A_442, %scan3A_443 : i32
    %scan3A_445 = arith.constant 1 : i32
    %scan3A_446:8 = scf.for %scan3A_975 = %scan3A_442 to %scan3A_444 step %scan3A_445 iter_args(%scan3A_976 = %broadcast_in_dim3A_427, %scan3A_977 = %broadcast_in_dim3A_429, %scan3A_978 = %broadcast_in_dim3A_431, %scan3A_979 = %broadcast_in_dim3A_433, %scan3A_980 = %broadcast_in_dim3A_435, %scan3A_981 = %broadcast_in_dim3A_437, %scan3A_982 = %broadcast_in_dim3A_439, %scan3A_983 = %broadcast_in_dim3A_441) -> (vector<128x128xf32>, vector<128x128xf32>, vector<128x128xf32>, vector<128x128xf32>, vector<128x128xi32>, vector<128x128xi32>, vector<128x128xi32>, vector<128x128xi32>)  : i32 {
      %mul3A_984 = arith.constant 8 : i32
      %mul3A_985 = arith.muli %scan3A_975, %mul3A_984 : i32
      %add3A_986 = arith.constant 0 : i32
      %add3A_987 = arith.addi %mul3A_985, %add3A_986 : i32
      %get3A_988 = arith.index_cast %add3A_987 : i32 to index
      %get3A_989 = arith.constant 0 : index
      %get3A_990 = arith.constant 0 : index
      %get3A_991 = vector.load %arg6[%get3A_988, %get3A_989, %get3A_990] : memref<128x128x128xf32, #tpu.memory_space<vmem>>, vector<1x128x128xf32>
      %get3A_992 = vector.shape_cast %get3A_991 : vector<1x128x128xf32> to vector<128x128xf32>
      %gt3A = vector.broadcast %broadcast_in_dim3A_410 : vector<128x1xf32> to vector<128x128xf32>
      %gt3A_993 = arith.cmpf ogt, %get3A_992, %gt3A : vector<128x128xf32>
      %jit3A_994 = arith.constant 0x7F800000 : f32
      %broadcast_in_dim3A_995 = vector.broadcast %jit3A_994 : f32 to vector<128x128xf32>
      %select_n3A_996 = arith.select %gt3A_993, %get3A_992, %broadcast_in_dim3A_995 : vector<128x128xi1>, vector<128x128xf32>
      %lt3A_997 = arith.cmpf olt, %select_n3A_996, %scan3A_976 : vector<128x128xf32>
      %min3A_998 = arith.minimumf %scan3A_976, %select_n3A_996 : vector<128x128xf32>
      %broadcast_in_dim3A_999 = vector.broadcast %add3A_987 : i32 to vector<128x128xi32>
      %select_n3A_1000 = arith.select %lt3A_997, %broadcast_in_dim3A_999, %scan3A_980 : vector<128x128xi1>, vector<128x128xi32>
      %mul3A_1001 = arith.constant 8 : i32
      %mul3A_1002 = arith.muli %scan3A_975, %mul3A_1001 : i32
      %add3A_1003 = arith.constant 1 : i32
      %add3A_1004 = arith.addi %mul3A_1002, %add3A_1003 : i32
      %get3A_1005 = arith.index_cast %add3A_1004 : i32 to index
      %get3A_1006 = arith.constant 0 : index
      %get3A_1007 = arith.constant 0 : index
      %get3A_1008 = vector.load %arg6[%get3A_1005, %get3A_1006, %get3A_1007] : memref<128x128x128xf32, #tpu.memory_space<vmem>>, vector<1x128x128xf32>
      %get3A_1009 = vector.shape_cast %get3A_1008 : vector<1x128x128xf32> to vector<128x128xf32>
      %gt3A_1010 = vector.broadcast %broadcast_in_dim3A_410 : vector<128x1xf32> to vector<128x128xf32>
      %gt3A_1011 = arith.cmpf ogt, %get3A_1009, %gt3A_1010 : vector<128x128xf32>
      %jit3A_1012 = arith.constant 0x7F800000 : f32
      %broadcast_in_dim3A_1013 = vector.broadcast %jit3A_1012 : f32 to vector<128x128xf32>
      %select_n3A_1014 = arith.select %gt3A_1011, %get3A_1009, %broadcast_in_dim3A_1013 : vector<128x128xi1>, vector<128x128xf32>
      %lt3A_1015 = arith.cmpf olt, %select_n3A_1014, %scan3A_977 : vector<128x128xf32>
      %min3A_1016 = arith.minimumf %scan3A_977, %select_n3A_1014 : vector<128x128xf32>
      %broadcast_in_dim3A_1017 = vector.broadcast %add3A_1004 : i32 to vector<128x128xi32>
      %select_n3A_1018 = arith.select %lt3A_1015, %broadcast_in_dim3A_1017, %scan3A_981 : vector<128x128xi1>, vector<128x128xi32>
      %mul3A_1019 = arith.constant 8 : i32
      %mul3A_1020 = arith.muli %scan3A_975, %mul3A_1019 : i32
      %add3A_1021 = arith.constant 2 : i32
      %add3A_1022 = arith.addi %mul3A_1020, %add3A_1021 : i32
      %get3A_1023 = arith.index_cast %add3A_1022 : i32 to index
      %get3A_1024 = arith.constant 0 : index
      %get3A_1025 = arith.constant 0 : index
      %get3A_1026 = vector.load %arg6[%get3A_1023, %get3A_1024, %get3A_1025] : memref<128x128x128xf32, #tpu.memory_space<vmem>>, vector<1x128x128xf32>
      %get3A_1027 = vector.shape_cast %get3A_1026 : vector<1x128x128xf32> to vector<128x128xf32>
      %gt3A_1028 = vector.broadcast %broadcast_in_dim3A_410 : vector<128x1xf32> to vector<128x128xf32>
      %gt3A_1029 = arith.cmpf ogt, %get3A_1027, %gt3A_1028 : vector<128x128xf32>
      %jit3A_1030 = arith.constant 0x7F800000 : f32
      %broadcast_in_dim3A_1031 = vector.broadcast %jit3A_1030 : f32 to vector<128x128xf32>
      %select_n3A_1032 = arith.select %gt3A_1029, %get3A_1027, %broadcast_in_dim3A_1031 : vector<128x128xi1>, vector<128x128xf32>
      %lt3A_1033 = arith.cmpf olt, %select_n3A_1032, %scan3A_978 : vector<128x128xf32>
      %min3A_1034 = arith.minimumf %scan3A_978, %select_n3A_1032 : vector<128x128xf32>
      %broadcast_in_dim3A_1035 = vector.broadcast %add3A_1022 : i32 to vector<128x128xi32>
      %select_n3A_1036 = arith.select %lt3A_1033, %broadcast_in_dim3A_1035, %scan3A_982 : vector<128x128xi1>, vector<128x128xi32>
      %mul3A_1037 = arith.constant 8 : i32
      %mul3A_1038 = arith.muli %scan3A_975, %mul3A_1037 : i32
      %add3A_1039 = arith.constant 3 : i32
      %add3A_1040 = arith.addi %mul3A_1038, %add3A_1039 : i32
      %get3A_1041 = arith.index_cast %add3A_1040 : i32 to index
      %get3A_1042 = arith.constant 0 : index
      %get3A_1043 = arith.constant 0 : index
      %get3A_1044 = vector.load %arg6[%get3A_1041, %get3A_1042, %get3A_1043] : memref<128x128x128xf32, #tpu.memory_space<vmem>>, vector<1x128x128xf32>
      %get3A_1045 = vector.shape_cast %get3A_1044 : vector<1x128x128xf32> to vector<128x128xf32>
      %gt3A_1046 = vector.broadcast %broadcast_in_dim3A_410 : vector<128x1xf32> to vector<128x128xf32>
      %gt3A_1047 = arith.cmpf ogt, %get3A_1045, %gt3A_1046 : vector<128x128xf32>
      %jit3A_1048 = arith.constant 0x7F800000 : f32
      %broadcast_in_dim3A_1049 = vector.broadcast %jit3A_1048 : f32 to vector<128x128xf32>
      %select_n3A_1050 = arith.select %gt3A_1047, %get3A_1045, %broadcast_in_dim3A_1049 : vector<128x128xi1>, vector<128x128xf32>
      %lt3A_1051 = arith.cmpf olt, %select_n3A_1050, %scan3A_979 : vector<128x128xf32>
      %min3A_1052 = arith.minimumf %scan3A_979, %select_n3A_1050 : vector<128x128xf32>
      %broadcast_in_dim3A_1053 = vector.broadcast %add3A_1040 : i32 to vector<128x128xi32>
      %select_n3A_1054 = arith.select %lt3A_1051, %broadcast_in_dim3A_1053, %scan3A_983 : vector<128x128xi1>, vector<128x128xi32>
      %mul3A_1055 = arith.constant 8 : i32
      %mul3A_1056 = arith.muli %scan3A_975, %mul3A_1055 : i32
      %add3A_1057 = arith.constant 4 : i32
      %add3A_1058 = arith.addi %mul3A_1056, %add3A_1057 : i32
      %get3A_1059 = arith.index_cast %add3A_1058 : i32 to index
      %get3A_1060 = arith.constant 0 : index
      %get3A_1061 = arith.constant 0 : index
      %get3A_1062 = vector.load %arg6[%get3A_1059, %get3A_1060, %get3A_1061] : memref<128x128x128xf32, #tpu.memory_space<vmem>>, vector<1x128x128xf32>
      %get3A_1063 = vector.shape_cast %get3A_1062 : vector<1x128x128xf32> to vector<128x128xf32>
      %gt3A_1064 = vector.broadcast %broadcast_in_dim3A_410 : vector<128x1xf32> to vector<128x128xf32>
      %gt3A_1065 = arith.cmpf ogt, %get3A_1063, %gt3A_1064 : vector<128x128xf32>
      %jit3A_1066 = arith.constant 0x7F800000 : f32
      %broadcast_in_dim3A_1067 = vector.broadcast %jit3A_1066 : f32 to vector<128x128xf32>
      %select_n3A_1068 = arith.select %gt3A_1065, %get3A_1063, %broadcast_in_dim3A_1067 : vector<128x128xi1>, vector<128x128xf32>
      %lt3A_1069 = arith.cmpf olt, %select_n3A_1068, %min3A_998 : vector<128x128xf32>
      %min3A_1070 = arith.minimumf %min3A_998, %select_n3A_1068 : vector<128x128xf32>
      %broadcast_in_dim3A_1071 = vector.broadcast %add3A_1058 : i32 to vector<128x128xi32>
      %select_n3A_1072 = arith.select %lt3A_1069, %broadcast_in_dim3A_1071, %select_n3A_1000 : vector<128x128xi1>, vector<128x128xi32>
      %mul3A_1073 = arith.constant 8 : i32
      %mul3A_1074 = arith.muli %scan3A_975, %mul3A_1073 : i32
      %add3A_1075 = arith.constant 5 : i32
      %add3A_1076 = arith.addi %mul3A_1074, %add3A_1075 : i32
      %get3A_1077 = arith.index_cast %add3A_1076 : i32 to index
      %get3A_1078 = arith.constant 0 : index
      %get3A_1079 = arith.constant 0 : index
      %get3A_1080 = vector.load %arg6[%get3A_1077, %get3A_1078, %get3A_1079] : memref<128x128x128xf32, #tpu.memory_space<vmem>>, vector<1x128x128xf32>
      %get3A_1081 = vector.shape_cast %get3A_1080 : vector<1x128x128xf32> to vector<128x128xf32>
      %gt3A_1082 = vector.broadcast %broadcast_in_dim3A_410 : vector<128x1xf32> to vector<128x128xf32>
      %gt3A_1083 = arith.cmpf ogt, %get3A_1081, %gt3A_1082 : vector<128x128xf32>
      %jit3A_1084 = arith.constant 0x7F800000 : f32
      %broadcast_in_dim3A_1085 = vector.broadcast %jit3A_1084 : f32 to vector<128x128xf32>
      %select_n3A_1086 = arith.select %gt3A_1083, %get3A_1081, %broadcast_in_dim3A_1085 : vector<128x128xi1>, vector<128x128xf32>
      %lt3A_1087 = arith.cmpf olt, %select_n3A_1086, %min3A_1016 : vector<128x128xf32>
      %min3A_1088 = arith.minimumf %min3A_1016, %select_n3A_1086 : vector<128x128xf32>
      %broadcast_in_dim3A_1089 = vector.broadcast %add3A_1076 : i32 to vector<128x128xi32>
      %select_n3A_1090 = arith.select %lt3A_1087, %broadcast_in_dim3A_1089, %select_n3A_1018 : vector<128x128xi1>, vector<128x128xi32>
      %mul3A_1091 = arith.constant 8 : i32
      %mul3A_1092 = arith.muli %scan3A_975, %mul3A_1091 : i32
      %add3A_1093 = arith.constant 6 : i32
      %add3A_1094 = arith.addi %mul3A_1092, %add3A_1093 : i32
      %get3A_1095 = arith.index_cast %add3A_1094 : i32 to index
      %get3A_1096 = arith.constant 0 : index
      %get3A_1097 = arith.constant 0 : index
      %get3A_1098 = vector.load %arg6[%get3A_1095, %get3A_1096, %get3A_1097] : memref<128x128x128xf32, #tpu.memory_space<vmem>>, vector<1x128x128xf32>
      %get3A_1099 = vector.shape_cast %get3A_1098 : vector<1x128x128xf32> to vector<128x128xf32>
      %gt3A_1100 = vector.broadcast %broadcast_in_dim3A_410 : vector<128x1xf32> to vector<128x128xf32>
      %gt3A_1101 = arith.cmpf ogt, %get3A_1099, %gt3A_1100 : vector<128x128xf32>
      %jit3A_1102 = arith.constant 0x7F800000 : f32
      %broadcast_in_dim3A_1103 = vector.broadcast %jit3A_1102 : f32 to vector<128x128xf32>
      %select_n3A_1104 = arith.select %gt3A_1101, %get3A_1099, %broadcast_in_dim3A_1103 : vector<128x128xi1>, vector<128x128xf32>
      %lt3A_1105 = arith.cmpf olt, %select_n3A_1104, %min3A_1034 : vector<128x128xf32>
      %min3A_1106 = arith.minimumf %min3A_1034, %select_n3A_1104 : vector<128x128xf32>
      %broadcast_in_dim3A_1107 = vector.broadcast %add3A_1094 : i32 to vector<128x128xi32>
      %select_n3A_1108 = arith.select %lt3A_1105, %broadcast_in_dim3A_1107, %select_n3A_1036 : vector<128x128xi1>, vector<128x128xi32>
      %mul3A_1109 = arith.constant 8 : i32
      %mul3A_1110 = arith.muli %scan3A_975, %mul3A_1109 : i32
      %add3A_1111 = arith.constant 7 : i32
      %add3A_1112 = arith.addi %mul3A_1110, %add3A_1111 : i32
      %get3A_1113 = arith.index_cast %add3A_1112 : i32 to index
      %get3A_1114 = arith.constant 0 : index
      %get3A_1115 = arith.constant 0 : index
      %get3A_1116 = vector.load %arg6[%get3A_1113, %get3A_1114, %get3A_1115] : memref<128x128x128xf32, #tpu.memory_space<vmem>>, vector<1x128x128xf32>
      %get3A_1117 = vector.shape_cast %get3A_1116 : vector<1x128x128xf32> to vector<128x128xf32>
      %gt3A_1118 = vector.broadcast %broadcast_in_dim3A_410 : vector<128x1xf32> to vector<128x128xf32>
      %gt3A_1119 = arith.cmpf ogt, %get3A_1117, %gt3A_1118 : vector<128x128xf32>
      %jit3A_1120 = arith.constant 0x7F800000 : f32
      %broadcast_in_dim3A_1121 = vector.broadcast %jit3A_1120 : f32 to vector<128x128xf32>
      %select_n3A_1122 = arith.select %gt3A_1119, %get3A_1117, %broadcast_in_dim3A_1121 : vector<128x128xi1>, vector<128x128xf32>
      %lt3A_1123 = arith.cmpf olt, %select_n3A_1122, %min3A_1052 : vector<128x128xf32>
      %min3A_1124 = arith.minimumf %min3A_1052, %select_n3A_1122 : vector<128x128xf32>
      %broadcast_in_dim3A_1125 = vector.broadcast %add3A_1112 : i32 to vector<128x128xi32>
      %select_n3A_1126 = arith.select %lt3A_1123, %broadcast_in_dim3A_1125, %select_n3A_1054 : vector<128x128xi1>, vector<128x128xi32>
      scf.yield %min3A_1070, %min3A_1088, %min3A_1106, %min3A_1124, %select_n3A_1072, %select_n3A_1090, %select_n3A_1108, %select_n3A_1126 : vector<128x128xf32>, vector<128x128xf32>, vector<128x128xf32>, vector<128x128xf32>, vector<128x128xi32>, vector<128x128xi32>, vector<128x128xi32>, vector<128x128xi32>
    }
    %scan3A_447 = arith.constant 16 : i32
    %lt3A_448 = arith.cmpf olt, %scan3A_446#1, %scan3A_446#0 : vector<128x128xf32>
    %eq3A_449 = arith.cmpf oeq, %scan3A_446#1, %scan3A_446#0 : vector<128x128xf32>
    %lt3A_450 = arith.cmpi slt, %scan3A_446#5, %scan3A_446#4 : vector<128x128xi32>
    %and3A_451 = arith.andi %eq3A_449, %lt3A_450 : vector<128x128xi1>
    %or3A_452 = arith.ori %lt3A_448, %and3A_451 : vector<128x128xi1>
    %min3A_453 = arith.minimumf %scan3A_446#0, %scan3A_446#1 : vector<128x128xf32>
    %select_n3A_454 = arith.select %or3A_452, %scan3A_446#5, %scan3A_446#4 : vector<128x128xi1>, vector<128x128xi32>
    %lt3A_455 = arith.cmpf olt, %scan3A_446#2, %min3A_453 : vector<128x128xf32>
    %eq3A_456 = arith.cmpf oeq, %scan3A_446#2, %min3A_453 : vector<128x128xf32>
    %lt3A_457 = arith.cmpi slt, %scan3A_446#6, %select_n3A_454 : vector<128x128xi32>
    %and3A_458 = arith.andi %eq3A_456, %lt3A_457 : vector<128x128xi1>
    %or3A_459 = arith.ori %lt3A_455, %and3A_458 : vector<128x128xi1>
    %min3A_460 = arith.minimumf %min3A_453, %scan3A_446#2 : vector<128x128xf32>
    %select_n3A_461 = arith.select %or3A_459, %scan3A_446#6, %select_n3A_454 : vector<128x128xi1>, vector<128x128xi32>
    %lt3A_462 = arith.cmpf olt, %scan3A_446#3, %min3A_460 : vector<128x128xf32>
    %eq3A_463 = arith.cmpf oeq, %scan3A_446#3, %min3A_460 : vector<128x128xf32>
    %lt3A_464 = arith.cmpi slt, %scan3A_446#7, %select_n3A_461 : vector<128x128xi32>
    %and3A_465 = arith.andi %eq3A_463, %lt3A_464 : vector<128x128xi1>
    %or3A_466 = arith.ori %lt3A_462, %and3A_465 : vector<128x128xi1>
    %min3A_467 = arith.minimumf %min3A_460, %scan3A_446#3 : vector<128x128xf32>
    %select_n3A_468 = arith.select %or3A_466, %scan3A_446#7, %select_n3A_461 : vector<128x128xi1>, vector<128x128xi32>
    %reduce_min3A_469 = arith.constant dense<0x7F800000> : vector<128xf32>
    %reduce_min3A_470 = vector.multi_reduction <minimumf>, %min3A_467, %reduce_min3A_469 [1] : vector<128x128xf32> to vector<128xf32>
    %broadcast_in_dim3A_471 = vector.shape_cast %reduce_min3A_470 : vector<128xf32> to vector<128x1xf32>
    %mul3A_472 = arith.constant 128 : i32
    %mul3A_473 = vector.broadcast %mul3A_472 : i32 to vector<128x128xi32>
    %mul3A_474 = arith.muli %select_n3A_468, %mul3A_473 : vector<128x128xi32>
    %add3A_475 = arith.addi %mul3A_474, %iota3A : vector<128x128xi32>
    %eq3A_476 = vector.broadcast %broadcast_in_dim3A_471 : vector<128x1xf32> to vector<128x128xf32>
    %eq3A_477 = arith.cmpf oeq, %min3A_467, %eq3A_476 : vector<128x128xf32>
    %jit3A_478 = arith.constant 1073741824 : i32
    %broadcast_in_dim3A_479 = vector.broadcast %jit3A_478 : i32 to vector<128x128xi32>
    %select_n3A_480 = arith.select %eq3A_477, %add3A_475, %broadcast_in_dim3A_479 : vector<128x128xi1>, vector<128x128xi32>
    %reduce_min3A_481 = arith.constant dense<2147483647> : vector<128xi32>
    %reduce_min3A_482 = vector.multi_reduction <minsi>, %select_n3A_480, %reduce_min3A_481 [1] : vector<128x128xi32> to vector<128xi32>
    %broadcast_in_dim3A_483 = vector.shape_cast %reduce_min3A_482 : vector<128xi32> to vector<128x1xi32>
    %swap3A_484 = arith.constant 0 : index
    %swap3A_485 = arith.constant 7 : index
    %swap3A_486 = vector.load %arg5[%swap3A_484, %swap3A_485] : memref<128x16xi32, #tpu.memory_space<vmem>>, vector<128x1xi32>
    tpu.vector_store %arg5[%swap3A_484, %swap3A_485], %broadcast_in_dim3A_483 {strides = array<i32>} : memref<128x16xi32, #tpu.memory_space<vmem>>, vector<128x1xi32>,
    %broadcast_in_dim3A_487 = arith.constant 0x7F800000 : f32
    %broadcast_in_dim3A_488 = vector.broadcast %broadcast_in_dim3A_487 : f32 to vector<128x128xf32>
    %broadcast_in_dim3A_489 = arith.constant 0x7F800000 : f32
    %broadcast_in_dim3A_490 = vector.broadcast %broadcast_in_dim3A_489 : f32 to vector<128x128xf32>
    %broadcast_in_dim3A_491 = arith.constant 0x7F800000 : f32
    %broadcast_in_dim3A_492 = vector.broadcast %broadcast_in_dim3A_491 : f32 to vector<128x128xf32>
    %broadcast_in_dim3A_493 = arith.constant 0x7F800000 : f32
    %broadcast_in_dim3A_494 = vector.broadcast %broadcast_in_dim3A_493 : f32 to vector<128x128xf32>
    %broadcast_in_dim3A_495 = arith.constant 0 : i32
    %broadcast_in_dim3A_496 = vector.broadcast %broadcast_in_dim3A_495 : i32 to vector<128x128xi32>
    %broadcast_in_dim3A_497 = arith.constant 0 : i32
    %broadcast_in_dim3A_498 = vector.broadcast %broadcast_in_dim3A_497 : i32 to vector<128x128xi32>
    %broadcast_in_dim3A_499 = arith.constant 0 : i32
    %broadcast_in_dim3A_500 = vector.broadcast %broadcast_in_dim3A_499 : i32 to vector<128x128xi32>
    %broadcast_in_dim3A_501 = arith.constant 0 : i32
    %broadcast_in_dim3A_502 = vector.broadcast %broadcast_in_dim3A_501 : i32 to vector<128x128xi32>
    %scan3A_503 = arith.constant 0 : i32
    %scan3A_504 = arith.constant 16 : i32
    %scan3A_505 = arith.addi %scan3A_503, %scan3A_504 : i32
    %scan3A_506 = arith.constant 1 : i32
    %scan3A_507:8 = scf.for %scan3A_975 = %scan3A_503 to %scan3A_505 step %scan3A_506 iter_args(%scan3A_976 = %broadcast_in_dim3A_488, %scan3A_977 = %broadcast_in_dim3A_490, %scan3A_978 = %broadcast_in_dim3A_492, %scan3A_979 = %broadcast_in_dim3A_494, %scan3A_980 = %broadcast_in_dim3A_496, %scan3A_981 = %broadcast_in_dim3A_498, %scan3A_982 = %broadcast_in_dim3A_500, %scan3A_983 = %broadcast_in_dim3A_502) -> (vector<128x128xf32>, vector<128x128xf32>, vector<128x128xf32>, vector<128x128xf32>, vector<128x128xi32>, vector<128x128xi32>, vector<128x128xi32>, vector<128x128xi32>)  : i32 {
      %mul3A_984 = arith.constant 8 : i32
      %mul3A_985 = arith.muli %scan3A_975, %mul3A_984 : i32
      %add3A_986 = arith.constant 0 : i32
      %add3A_987 = arith.addi %mul3A_985, %add3A_986 : i32
      %get3A_988 = arith.index_cast %add3A_987 : i32 to index
      %get3A_989 = arith.constant 0 : index
      %get3A_990 = arith.constant 0 : index
      %get3A_991 = vector.load %arg6[%get3A_988, %get3A_989, %get3A_990] : memref<128x128x128xf32, #tpu.memory_space<vmem>>, vector<1x128x128xf32>
      %get3A_992 = vector.shape_cast %get3A_991 : vector<1x128x128xf32> to vector<128x128xf32>
      %gt3A = vector.broadcast %broadcast_in_dim3A_471 : vector<128x1xf32> to vector<128x128xf32>
      %gt3A_993 = arith.cmpf ogt, %get3A_992, %gt3A : vector<128x128xf32>
      %jit3A_994 = arith.constant 0x7F800000 : f32
      %broadcast_in_dim3A_995 = vector.broadcast %jit3A_994 : f32 to vector<128x128xf32>
      %select_n3A_996 = arith.select %gt3A_993, %get3A_992, %broadcast_in_dim3A_995 : vector<128x128xi1>, vector<128x128xf32>
      %lt3A_997 = arith.cmpf olt, %select_n3A_996, %scan3A_976 : vector<128x128xf32>
      %min3A_998 = arith.minimumf %scan3A_976, %select_n3A_996 : vector<128x128xf32>
      %broadcast_in_dim3A_999 = vector.broadcast %add3A_987 : i32 to vector<128x128xi32>
      %select_n3A_1000 = arith.select %lt3A_997, %broadcast_in_dim3A_999, %scan3A_980 : vector<128x128xi1>, vector<128x128xi32>
      %mul3A_1001 = arith.constant 8 : i32
      %mul3A_1002 = arith.muli %scan3A_975, %mul3A_1001 : i32
      %add3A_1003 = arith.constant 1 : i32
      %add3A_1004 = arith.addi %mul3A_1002, %add3A_1003 : i32
      %get3A_1005 = arith.index_cast %add3A_1004 : i32 to index
      %get3A_1006 = arith.constant 0 : index
      %get3A_1007 = arith.constant 0 : index
      %get3A_1008 = vector.load %arg6[%get3A_1005, %get3A_1006, %get3A_1007] : memref<128x128x128xf32, #tpu.memory_space<vmem>>, vector<1x128x128xf32>
      %get3A_1009 = vector.shape_cast %get3A_1008 : vector<1x128x128xf32> to vector<128x128xf32>
      %gt3A_1010 = vector.broadcast %broadcast_in_dim3A_471 : vector<128x1xf32> to vector<128x128xf32>
      %gt3A_1011 = arith.cmpf ogt, %get3A_1009, %gt3A_1010 : vector<128x128xf32>
      %jit3A_1012 = arith.constant 0x7F800000 : f32
      %broadcast_in_dim3A_1013 = vector.broadcast %jit3A_1012 : f32 to vector<128x128xf32>
      %select_n3A_1014 = arith.select %gt3A_1011, %get3A_1009, %broadcast_in_dim3A_1013 : vector<128x128xi1>, vector<128x128xf32>
      %lt3A_1015 = arith.cmpf olt, %select_n3A_1014, %scan3A_977 : vector<128x128xf32>
      %min3A_1016 = arith.minimumf %scan3A_977, %select_n3A_1014 : vector<128x128xf32>
      %broadcast_in_dim3A_1017 = vector.broadcast %add3A_1004 : i32 to vector<128x128xi32>
      %select_n3A_1018 = arith.select %lt3A_1015, %broadcast_in_dim3A_1017, %scan3A_981 : vector<128x128xi1>, vector<128x128xi32>
      %mul3A_1019 = arith.constant 8 : i32
      %mul3A_1020 = arith.muli %scan3A_975, %mul3A_1019 : i32
      %add3A_1021 = arith.constant 2 : i32
      %add3A_1022 = arith.addi %mul3A_1020, %add3A_1021 : i32
      %get3A_1023 = arith.index_cast %add3A_1022 : i32 to index
      %get3A_1024 = arith.constant 0 : index
      %get3A_1025 = arith.constant 0 : index
      %get3A_1026 = vector.load %arg6[%get3A_1023, %get3A_1024, %get3A_1025] : memref<128x128x128xf32, #tpu.memory_space<vmem>>, vector<1x128x128xf32>
      %get3A_1027 = vector.shape_cast %get3A_1026 : vector<1x128x128xf32> to vector<128x128xf32>
      %gt3A_1028 = vector.broadcast %broadcast_in_dim3A_471 : vector<128x1xf32> to vector<128x128xf32>
      %gt3A_1029 = arith.cmpf ogt, %get3A_1027, %gt3A_1028 : vector<128x128xf32>
      %jit3A_1030 = arith.constant 0x7F800000 : f32
      %broadcast_in_dim3A_1031 = vector.broadcast %jit3A_1030 : f32 to vector<128x128xf32>
      %select_n3A_1032 = arith.select %gt3A_1029, %get3A_1027, %broadcast_in_dim3A_1031 : vector<128x128xi1>, vector<128x128xf32>
      %lt3A_1033 = arith.cmpf olt, %select_n3A_1032, %scan3A_978 : vector<128x128xf32>
      %min3A_1034 = arith.minimumf %scan3A_978, %select_n3A_1032 : vector<128x128xf32>
      %broadcast_in_dim3A_1035 = vector.broadcast %add3A_1022 : i32 to vector<128x128xi32>
      %select_n3A_1036 = arith.select %lt3A_1033, %broadcast_in_dim3A_1035, %scan3A_982 : vector<128x128xi1>, vector<128x128xi32>
      %mul3A_1037 = arith.constant 8 : i32
      %mul3A_1038 = arith.muli %scan3A_975, %mul3A_1037 : i32
      %add3A_1039 = arith.constant 3 : i32
      %add3A_1040 = arith.addi %mul3A_1038, %add3A_1039 : i32
      %get3A_1041 = arith.index_cast %add3A_1040 : i32 to index
      %get3A_1042 = arith.constant 0 : index
      %get3A_1043 = arith.constant 0 : index
      %get3A_1044 = vector.load %arg6[%get3A_1041, %get3A_1042, %get3A_1043] : memref<128x128x128xf32, #tpu.memory_space<vmem>>, vector<1x128x128xf32>
      %get3A_1045 = vector.shape_cast %get3A_1044 : vector<1x128x128xf32> to vector<128x128xf32>
      %gt3A_1046 = vector.broadcast %broadcast_in_dim3A_471 : vector<128x1xf32> to vector<128x128xf32>
      %gt3A_1047 = arith.cmpf ogt, %get3A_1045, %gt3A_1046 : vector<128x128xf32>
      %jit3A_1048 = arith.constant 0x7F800000 : f32
      %broadcast_in_dim3A_1049 = vector.broadcast %jit3A_1048 : f32 to vector<128x128xf32>
      %select_n3A_1050 = arith.select %gt3A_1047, %get3A_1045, %broadcast_in_dim3A_1049 : vector<128x128xi1>, vector<128x128xf32>
      %lt3A_1051 = arith.cmpf olt, %select_n3A_1050, %scan3A_979 : vector<128x128xf32>
      %min3A_1052 = arith.minimumf %scan3A_979, %select_n3A_1050 : vector<128x128xf32>
      %broadcast_in_dim3A_1053 = vector.broadcast %add3A_1040 : i32 to vector<128x128xi32>
      %select_n3A_1054 = arith.select %lt3A_1051, %broadcast_in_dim3A_1053, %scan3A_983 : vector<128x128xi1>, vector<128x128xi32>
      %mul3A_1055 = arith.constant 8 : i32
      %mul3A_1056 = arith.muli %scan3A_975, %mul3A_1055 : i32
      %add3A_1057 = arith.constant 4 : i32
      %add3A_1058 = arith.addi %mul3A_1056, %add3A_1057 : i32
      %get3A_1059 = arith.index_cast %add3A_1058 : i32 to index
      %get3A_1060 = arith.constant 0 : index
      %get3A_1061 = arith.constant 0 : index
      %get3A_1062 = vector.load %arg6[%get3A_1059, %get3A_1060, %get3A_1061] : memref<128x128x128xf32, #tpu.memory_space<vmem>>, vector<1x128x128xf32>
      %get3A_1063 = vector.shape_cast %get3A_1062 : vector<1x128x128xf32> to vector<128x128xf32>
      %gt3A_1064 = vector.broadcast %broadcast_in_dim3A_471 : vector<128x1xf32> to vector<128x128xf32>
      %gt3A_1065 = arith.cmpf ogt, %get3A_1063, %gt3A_1064 : vector<128x128xf32>
      %jit3A_1066 = arith.constant 0x7F800000 : f32
      %broadcast_in_dim3A_1067 = vector.broadcast %jit3A_1066 : f32 to vector<128x128xf32>
      %select_n3A_1068 = arith.select %gt3A_1065, %get3A_1063, %broadcast_in_dim3A_1067 : vector<128x128xi1>, vector<128x128xf32>
      %lt3A_1069 = arith.cmpf olt, %select_n3A_1068, %min3A_998 : vector<128x128xf32>
      %min3A_1070 = arith.minimumf %min3A_998, %select_n3A_1068 : vector<128x128xf32>
      %broadcast_in_dim3A_1071 = vector.broadcast %add3A_1058 : i32 to vector<128x128xi32>
      %select_n3A_1072 = arith.select %lt3A_1069, %broadcast_in_dim3A_1071, %select_n3A_1000 : vector<128x128xi1>, vector<128x128xi32>
      %mul3A_1073 = arith.constant 8 : i32
      %mul3A_1074 = arith.muli %scan3A_975, %mul3A_1073 : i32
      %add3A_1075 = arith.constant 5 : i32
      %add3A_1076 = arith.addi %mul3A_1074, %add3A_1075 : i32
      %get3A_1077 = arith.index_cast %add3A_1076 : i32 to index
      %get3A_1078 = arith.constant 0 : index
      %get3A_1079 = arith.constant 0 : index
      %get3A_1080 = vector.load %arg6[%get3A_1077, %get3A_1078, %get3A_1079] : memref<128x128x128xf32, #tpu.memory_space<vmem>>, vector<1x128x128xf32>
      %get3A_1081 = vector.shape_cast %get3A_1080 : vector<1x128x128xf32> to vector<128x128xf32>
      %gt3A_1082 = vector.broadcast %broadcast_in_dim3A_471 : vector<128x1xf32> to vector<128x128xf32>
      %gt3A_1083 = arith.cmpf ogt, %get3A_1081, %gt3A_1082 : vector<128x128xf32>
      %jit3A_1084 = arith.constant 0x7F800000 : f32
      %broadcast_in_dim3A_1085 = vector.broadcast %jit3A_1084 : f32 to vector<128x128xf32>
      %select_n3A_1086 = arith.select %gt3A_1083, %get3A_1081, %broadcast_in_dim3A_1085 : vector<128x128xi1>, vector<128x128xf32>
      %lt3A_1087 = arith.cmpf olt, %select_n3A_1086, %min3A_1016 : vector<128x128xf32>
      %min3A_1088 = arith.minimumf %min3A_1016, %select_n3A_1086 : vector<128x128xf32>
      %broadcast_in_dim3A_1089 = vector.broadcast %add3A_1076 : i32 to vector<128x128xi32>
      %select_n3A_1090 = arith.select %lt3A_1087, %broadcast_in_dim3A_1089, %select_n3A_1018 : vector<128x128xi1>, vector<128x128xi32>
      %mul3A_1091 = arith.constant 8 : i32
      %mul3A_1092 = arith.muli %scan3A_975, %mul3A_1091 : i32
      %add3A_1093 = arith.constant 6 : i32
      %add3A_1094 = arith.addi %mul3A_1092, %add3A_1093 : i32
      %get3A_1095 = arith.index_cast %add3A_1094 : i32 to index
      %get3A_1096 = arith.constant 0 : index
      %get3A_1097 = arith.constant 0 : index
      %get3A_1098 = vector.load %arg6[%get3A_1095, %get3A_1096, %get3A_1097] : memref<128x128x128xf32, #tpu.memory_space<vmem>>, vector<1x128x128xf32>
      %get3A_1099 = vector.shape_cast %get3A_1098 : vector<1x128x128xf32> to vector<128x128xf32>
      %gt3A_1100 = vector.broadcast %broadcast_in_dim3A_471 : vector<128x1xf32> to vector<128x128xf32>
      %gt3A_1101 = arith.cmpf ogt, %get3A_1099, %gt3A_1100 : vector<128x128xf32>
      %jit3A_1102 = arith.constant 0x7F800000 : f32
      %broadcast_in_dim3A_1103 = vector.broadcast %jit3A_1102 : f32 to vector<128x128xf32>
      %select_n3A_1104 = arith.select %gt3A_1101, %get3A_1099, %broadcast_in_dim3A_1103 : vector<128x128xi1>, vector<128x128xf32>
      %lt3A_1105 = arith.cmpf olt, %select_n3A_1104, %min3A_1034 : vector<128x128xf32>
      %min3A_1106 = arith.minimumf %min3A_1034, %select_n3A_1104 : vector<128x128xf32>
      %broadcast_in_dim3A_1107 = vector.broadcast %add3A_1094 : i32 to vector<128x128xi32>
      %select_n3A_1108 = arith.select %lt3A_1105, %broadcast_in_dim3A_1107, %select_n3A_1036 : vector<128x128xi1>, vector<128x128xi32>
      %mul3A_1109 = arith.constant 8 : i32
      %mul3A_1110 = arith.muli %scan3A_975, %mul3A_1109 : i32
      %add3A_1111 = arith.constant 7 : i32
      %add3A_1112 = arith.addi %mul3A_1110, %add3A_1111 : i32
      %get3A_1113 = arith.index_cast %add3A_1112 : i32 to index
      %get3A_1114 = arith.constant 0 : index
      %get3A_1115 = arith.constant 0 : index
      %get3A_1116 = vector.load %arg6[%get3A_1113, %get3A_1114, %get3A_1115] : memref<128x128x128xf32, #tpu.memory_space<vmem>>, vector<1x128x128xf32>
      %get3A_1117 = vector.shape_cast %get3A_1116 : vector<1x128x128xf32> to vector<128x128xf32>
      %gt3A_1118 = vector.broadcast %broadcast_in_dim3A_471 : vector<128x1xf32> to vector<128x128xf32>
      %gt3A_1119 = arith.cmpf ogt, %get3A_1117, %gt3A_1118 : vector<128x128xf32>
      %jit3A_1120 = arith.constant 0x7F800000 : f32
      %broadcast_in_dim3A_1121 = vector.broadcast %jit3A_1120 : f32 to vector<128x128xf32>
      %select_n3A_1122 = arith.select %gt3A_1119, %get3A_1117, %broadcast_in_dim3A_1121 : vector<128x128xi1>, vector<128x128xf32>
      %lt3A_1123 = arith.cmpf olt, %select_n3A_1122, %min3A_1052 : vector<128x128xf32>
      %min3A_1124 = arith.minimumf %min3A_1052, %select_n3A_1122 : vector<128x128xf32>
      %broadcast_in_dim3A_1125 = vector.broadcast %add3A_1112 : i32 to vector<128x128xi32>
      %select_n3A_1126 = arith.select %lt3A_1123, %broadcast_in_dim3A_1125, %select_n3A_1054 : vector<128x128xi1>, vector<128x128xi32>
      scf.yield %min3A_1070, %min3A_1088, %min3A_1106, %min3A_1124, %select_n3A_1072, %select_n3A_1090, %select_n3A_1108, %select_n3A_1126 : vector<128x128xf32>, vector<128x128xf32>, vector<128x128xf32>, vector<128x128xf32>, vector<128x128xi32>, vector<128x128xi32>, vector<128x128xi32>, vector<128x128xi32>
    }
    %scan3A_508 = arith.constant 16 : i32
    %lt3A_509 = arith.cmpf olt, %scan3A_507#1, %scan3A_507#0 : vector<128x128xf32>
    %eq3A_510 = arith.cmpf oeq, %scan3A_507#1, %scan3A_507#0 : vector<128x128xf32>
    %lt3A_511 = arith.cmpi slt, %scan3A_507#5, %scan3A_507#4 : vector<128x128xi32>
    %and3A_512 = arith.andi %eq3A_510, %lt3A_511 : vector<128x128xi1>
    %or3A_513 = arith.ori %lt3A_509, %and3A_512 : vector<128x128xi1>
    %min3A_514 = arith.minimumf %scan3A_507#0, %scan3A_507#1 : vector<128x128xf32>
    %select_n3A_515 = arith.select %or3A_513, %scan3A_507#5, %scan3A_507#4 : vector<128x128xi1>, vector<128x128xi32>
    %lt3A_516 = arith.cmpf olt, %scan3A_507#2, %min3A_514 : vector<128x128xf32>
    %eq3A_517 = arith.cmpf oeq, %scan3A_507#2, %min3A_514 : vector<128x128xf32>
    %lt3A_518 = arith.cmpi slt, %scan3A_507#6, %select_n3A_515 : vector<128x128xi32>
    %and3A_519 = arith.andi %eq3A_517, %lt3A_518 : vector<128x128xi1>
    %or3A_520 = arith.ori %lt3A_516, %and3A_519 : vector<128x128xi1>
    %min3A_521 = arith.minimumf %min3A_514, %scan3A_507#2 : vector<128x128xf32>
    %select_n3A_522 = arith.select %or3A_520, %scan3A_507#6, %select_n3A_515 : vector<128x128xi1>, vector<128x128xi32>
    %lt3A_523 = arith.cmpf olt, %scan3A_507#3, %min3A_521 : vector<128x128xf32>
    %eq3A_524 = arith.cmpf oeq, %scan3A_507#3, %min3A_521 : vector<128x128xf32>
    %lt3A_525 = arith.cmpi slt, %scan3A_507#7, %select_n3A_522 : vector<128x128xi32>
    %and3A_526 = arith.andi %eq3A_524, %lt3A_525 : vector<128x128xi1>
    %or3A_527 = arith.ori %lt3A_523, %and3A_526 : vector<128x128xi1>
    %min3A_528 = arith.minimumf %min3A_521, %scan3A_507#3 : vector<128x128xf32>
    %select_n3A_529 = arith.select %or3A_527, %scan3A_507#7, %select_n3A_522 : vector<128x128xi1>, vector<128x128xi32>
    %reduce_min3A_530 = arith.constant dense<0x7F800000> : vector<128xf32>
    %reduce_min3A_531 = vector.multi_reduction <minimumf>, %min3A_528, %reduce_min3A_530 [1] : vector<128x128xf32> to vector<128xf32>
    %broadcast_in_dim3A_532 = vector.shape_cast %reduce_min3A_531 : vector<128xf32> to vector<128x1xf32>
    %mul3A_533 = arith.constant 128 : i32
    %mul3A_534 = vector.broadcast %mul3A_533 : i32 to vector<128x128xi32>
    %mul3A_535 = arith.muli %select_n3A_529, %mul3A_534 : vector<128x128xi32>
    %add3A_536 = arith.addi %mul3A_535, %iota3A : vector<128x128xi32>
    %eq3A_537 = vector.broadcast %broadcast_in_dim3A_532 : vector<128x1xf32> to vector<128x128xf32>
    %eq3A_538 = arith.cmpf oeq, %min3A_528, %eq3A_537 : vector<128x128xf32>
    %jit3A_539 = arith.constant 1073741824 : i32
    %broadcast_in_dim3A_540 = vector.broadcast %jit3A_539 : i32 to vector<128x128xi32>
    %select_n3A_541 = arith.select %eq3A_538, %add3A_536, %broadcast_in_dim3A_540 : vector<128x128xi1>, vector<128x128xi32>
    %reduce_min3A_542 = arith.constant dense<2147483647> : vector<128xi32>
    %reduce_min3A_543 = vector.multi_reduction <minsi>, %select_n3A_541, %reduce_min3A_542 [1] : vector<128x128xi32> to vector<128xi32>
    %broadcast_in_dim3A_544 = vector.shape_cast %reduce_min3A_543 : vector<128xi32> to vector<128x1xi32>
    %swap3A_545 = arith.constant 0 : index
    %swap3A_546 = arith.constant 8 : index
    %swap3A_547 = vector.load %arg5[%swap3A_545, %swap3A_546] : memref<128x16xi32, #tpu.memory_space<vmem>>, vector<128x1xi32>
    tpu.vector_store %arg5[%swap3A_545, %swap3A_546], %broadcast_in_dim3A_544 {strides = array<i32>} : memref<128x16xi32, #tpu.memory_space<vmem>>, vector<128x1xi32>,
    %broadcast_in_dim3A_548 = arith.constant 0x7F800000 : f32
    %broadcast_in_dim3A_549 = vector.broadcast %broadcast_in_dim3A_548 : f32 to vector<128x128xf32>
    %broadcast_in_dim3A_550 = arith.constant 0x7F800000 : f32
    %broadcast_in_dim3A_551 = vector.broadcast %broadcast_in_dim3A_550 : f32 to vector<128x128xf32>
    %broadcast_in_dim3A_552 = arith.constant 0x7F800000 : f32
    %broadcast_in_dim3A_553 = vector.broadcast %broadcast_in_dim3A_552 : f32 to vector<128x128xf32>
    %broadcast_in_dim3A_554 = arith.constant 0x7F800000 : f32
    %broadcast_in_dim3A_555 = vector.broadcast %broadcast_in_dim3A_554 : f32 to vector<128x128xf32>
    %broadcast_in_dim3A_556 = arith.constant 0 : i32
    %broadcast_in_dim3A_557 = vector.broadcast %broadcast_in_dim3A_556 : i32 to vector<128x128xi32>
    %broadcast_in_dim3A_558 = arith.constant 0 : i32
    %broadcast_in_dim3A_559 = vector.broadcast %broadcast_in_dim3A_558 : i32 to vector<128x128xi32>
    %broadcast_in_dim3A_560 = arith.constant 0 : i32
    %broadcast_in_dim3A_561 = vector.broadcast %broadcast_in_dim3A_560 : i32 to vector<128x128xi32>
    %broadcast_in_dim3A_562 = arith.constant 0 : i32
    %broadcast_in_dim3A_563 = vector.broadcast %broadcast_in_dim3A_562 : i32 to vector<128x128xi32>
    %scan3A_564 = arith.constant 0 : i32
    %scan3A_565 = arith.constant 16 : i32
    %scan3A_566 = arith.addi %scan3A_564, %scan3A_565 : i32
    %scan3A_567 = arith.constant 1 : i32
    %scan3A_568:8 = scf.for %scan3A_975 = %scan3A_564 to %scan3A_566 step %scan3A_567 iter_args(%scan3A_976 = %broadcast_in_dim3A_549, %scan3A_977 = %broadcast_in_dim3A_551, %scan3A_978 = %broadcast_in_dim3A_553, %scan3A_979 = %broadcast_in_dim3A_555, %scan3A_980 = %broadcast_in_dim3A_557, %scan3A_981 = %broadcast_in_dim3A_559, %scan3A_982 = %broadcast_in_dim3A_561, %scan3A_983 = %broadcast_in_dim3A_563) -> (vector<128x128xf32>, vector<128x128xf32>, vector<128x128xf32>, vector<128x128xf32>, vector<128x128xi32>, vector<128x128xi32>, vector<128x128xi32>, vector<128x128xi32>)  : i32 {
      %mul3A_984 = arith.constant 8 : i32
      %mul3A_985 = arith.muli %scan3A_975, %mul3A_984 : i32
      %add3A_986 = arith.constant 0 : i32
      %add3A_987 = arith.addi %mul3A_985, %add3A_986 : i32
      %get3A_988 = arith.index_cast %add3A_987 : i32 to index
      %get3A_989 = arith.constant 0 : index
      %get3A_990 = arith.constant 0 : index
      %get3A_991 = vector.load %arg6[%get3A_988, %get3A_989, %get3A_990] : memref<128x128x128xf32, #tpu.memory_space<vmem>>, vector<1x128x128xf32>
      %get3A_992 = vector.shape_cast %get3A_991 : vector<1x128x128xf32> to vector<128x128xf32>
      %gt3A = vector.broadcast %broadcast_in_dim3A_532 : vector<128x1xf32> to vector<128x128xf32>
      %gt3A_993 = arith.cmpf ogt, %get3A_992, %gt3A : vector<128x128xf32>
      %jit3A_994 = arith.constant 0x7F800000 : f32
      %broadcast_in_dim3A_995 = vector.broadcast %jit3A_994 : f32 to vector<128x128xf32>
      %select_n3A_996 = arith.select %gt3A_993, %get3A_992, %broadcast_in_dim3A_995 : vector<128x128xi1>, vector<128x128xf32>
      %lt3A_997 = arith.cmpf olt, %select_n3A_996, %scan3A_976 : vector<128x128xf32>
      %min3A_998 = arith.minimumf %scan3A_976, %select_n3A_996 : vector<128x128xf32>
      %broadcast_in_dim3A_999 = vector.broadcast %add3A_987 : i32 to vector<128x128xi32>
      %select_n3A_1000 = arith.select %lt3A_997, %broadcast_in_dim3A_999, %scan3A_980 : vector<128x128xi1>, vector<128x128xi32>
      %mul3A_1001 = arith.constant 8 : i32
      %mul3A_1002 = arith.muli %scan3A_975, %mul3A_1001 : i32
      %add3A_1003 = arith.constant 1 : i32
      %add3A_1004 = arith.addi %mul3A_1002, %add3A_1003 : i32
      %get3A_1005 = arith.index_cast %add3A_1004 : i32 to index
      %get3A_1006 = arith.constant 0 : index
      %get3A_1007 = arith.constant 0 : index
      %get3A_1008 = vector.load %arg6[%get3A_1005, %get3A_1006, %get3A_1007] : memref<128x128x128xf32, #tpu.memory_space<vmem>>, vector<1x128x128xf32>
      %get3A_1009 = vector.shape_cast %get3A_1008 : vector<1x128x128xf32> to vector<128x128xf32>
      %gt3A_1010 = vector.broadcast %broadcast_in_dim3A_532 : vector<128x1xf32> to vector<128x128xf32>
      %gt3A_1011 = arith.cmpf ogt, %get3A_1009, %gt3A_1010 : vector<128x128xf32>
      %jit3A_1012 = arith.constant 0x7F800000 : f32
      %broadcast_in_dim3A_1013 = vector.broadcast %jit3A_1012 : f32 to vector<128x128xf32>
      %select_n3A_1014 = arith.select %gt3A_1011, %get3A_1009, %broadcast_in_dim3A_1013 : vector<128x128xi1>, vector<128x128xf32>
      %lt3A_1015 = arith.cmpf olt, %select_n3A_1014, %scan3A_977 : vector<128x128xf32>
      %min3A_1016 = arith.minimumf %scan3A_977, %select_n3A_1014 : vector<128x128xf32>
      %broadcast_in_dim3A_1017 = vector.broadcast %add3A_1004 : i32 to vector<128x128xi32>
      %select_n3A_1018 = arith.select %lt3A_1015, %broadcast_in_dim3A_1017, %scan3A_981 : vector<128x128xi1>, vector<128x128xi32>
      %mul3A_1019 = arith.constant 8 : i32
      %mul3A_1020 = arith.muli %scan3A_975, %mul3A_1019 : i32
      %add3A_1021 = arith.constant 2 : i32
      %add3A_1022 = arith.addi %mul3A_1020, %add3A_1021 : i32
      %get3A_1023 = arith.index_cast %add3A_1022 : i32 to index
      %get3A_1024 = arith.constant 0 : index
      %get3A_1025 = arith.constant 0 : index
      %get3A_1026 = vector.load %arg6[%get3A_1023, %get3A_1024, %get3A_1025] : memref<128x128x128xf32, #tpu.memory_space<vmem>>, vector<1x128x128xf32>
      %get3A_1027 = vector.shape_cast %get3A_1026 : vector<1x128x128xf32> to vector<128x128xf32>
      %gt3A_1028 = vector.broadcast %broadcast_in_dim3A_532 : vector<128x1xf32> to vector<128x128xf32>
      %gt3A_1029 = arith.cmpf ogt, %get3A_1027, %gt3A_1028 : vector<128x128xf32>
      %jit3A_1030 = arith.constant 0x7F800000 : f32
      %broadcast_in_dim3A_1031 = vector.broadcast %jit3A_1030 : f32 to vector<128x128xf32>
      %select_n3A_1032 = arith.select %gt3A_1029, %get3A_1027, %broadcast_in_dim3A_1031 : vector<128x128xi1>, vector<128x128xf32>
      %lt3A_1033 = arith.cmpf olt, %select_n3A_1032, %scan3A_978 : vector<128x128xf32>
      %min3A_1034 = arith.minimumf %scan3A_978, %select_n3A_1032 : vector<128x128xf32>
      %broadcast_in_dim3A_1035 = vector.broadcast %add3A_1022 : i32 to vector<128x128xi32>
      %select_n3A_1036 = arith.select %lt3A_1033, %broadcast_in_dim3A_1035, %scan3A_982 : vector<128x128xi1>, vector<128x128xi32>
      %mul3A_1037 = arith.constant 8 : i32
      %mul3A_1038 = arith.muli %scan3A_975, %mul3A_1037 : i32
      %add3A_1039 = arith.constant 3 : i32
      %add3A_1040 = arith.addi %mul3A_1038, %add3A_1039 : i32
      %get3A_1041 = arith.index_cast %add3A_1040 : i32 to index
      %get3A_1042 = arith.constant 0 : index
      %get3A_1043 = arith.constant 0 : index
      %get3A_1044 = vector.load %arg6[%get3A_1041, %get3A_1042, %get3A_1043] : memref<128x128x128xf32, #tpu.memory_space<vmem>>, vector<1x128x128xf32>
      %get3A_1045 = vector.shape_cast %get3A_1044 : vector<1x128x128xf32> to vector<128x128xf32>
      %gt3A_1046 = vector.broadcast %broadcast_in_dim3A_532 : vector<128x1xf32> to vector<128x128xf32>
      %gt3A_1047 = arith.cmpf ogt, %get3A_1045, %gt3A_1046 : vector<128x128xf32>
      %jit3A_1048 = arith.constant 0x7F800000 : f32
      %broadcast_in_dim3A_1049 = vector.broadcast %jit3A_1048 : f32 to vector<128x128xf32>
      %select_n3A_1050 = arith.select %gt3A_1047, %get3A_1045, %broadcast_in_dim3A_1049 : vector<128x128xi1>, vector<128x128xf32>
      %lt3A_1051 = arith.cmpf olt, %select_n3A_1050, %scan3A_979 : vector<128x128xf32>
      %min3A_1052 = arith.minimumf %scan3A_979, %select_n3A_1050 : vector<128x128xf32>
      %broadcast_in_dim3A_1053 = vector.broadcast %add3A_1040 : i32 to vector<128x128xi32>
      %select_n3A_1054 = arith.select %lt3A_1051, %broadcast_in_dim3A_1053, %scan3A_983 : vector<128x128xi1>, vector<128x128xi32>
      %mul3A_1055 = arith.constant 8 : i32
      %mul3A_1056 = arith.muli %scan3A_975, %mul3A_1055 : i32
      %add3A_1057 = arith.constant 4 : i32
      %add3A_1058 = arith.addi %mul3A_1056, %add3A_1057 : i32
      %get3A_1059 = arith.index_cast %add3A_1058 : i32 to index
      %get3A_1060 = arith.constant 0 : index
      %get3A_1061 = arith.constant 0 : index
      %get3A_1062 = vector.load %arg6[%get3A_1059, %get3A_1060, %get3A_1061] : memref<128x128x128xf32, #tpu.memory_space<vmem>>, vector<1x128x128xf32>
      %get3A_1063 = vector.shape_cast %get3A_1062 : vector<1x128x128xf32> to vector<128x128xf32>
      %gt3A_1064 = vector.broadcast %broadcast_in_dim3A_532 : vector<128x1xf32> to vector<128x128xf32>
      %gt3A_1065 = arith.cmpf ogt, %get3A_1063, %gt3A_1064 : vector<128x128xf32>
      %jit3A_1066 = arith.constant 0x7F800000 : f32
      %broadcast_in_dim3A_1067 = vector.broadcast %jit3A_1066 : f32 to vector<128x128xf32>
      %select_n3A_1068 = arith.select %gt3A_1065, %get3A_1063, %broadcast_in_dim3A_1067 : vector<128x128xi1>, vector<128x128xf32>
      %lt3A_1069 = arith.cmpf olt, %select_n3A_1068, %min3A_998 : vector<128x128xf32>
      %min3A_1070 = arith.minimumf %min3A_998, %select_n3A_1068 : vector<128x128xf32>
      %broadcast_in_dim3A_1071 = vector.broadcast %add3A_1058 : i32 to vector<128x128xi32>
      %select_n3A_1072 = arith.select %lt3A_1069, %broadcast_in_dim3A_1071, %select_n3A_1000 : vector<128x128xi1>, vector<128x128xi32>
      %mul3A_1073 = arith.constant 8 : i32
      %mul3A_1074 = arith.muli %scan3A_975, %mul3A_1073 : i32
      %add3A_1075 = arith.constant 5 : i32
      %add3A_1076 = arith.addi %mul3A_1074, %add3A_1075 : i32
      %get3A_1077 = arith.index_cast %add3A_1076 : i32 to index
      %get3A_1078 = arith.constant 0 : index
      %get3A_1079 = arith.constant 0 : index
      %get3A_1080 = vector.load %arg6[%get3A_1077, %get3A_1078, %get3A_1079] : memref<128x128x128xf32, #tpu.memory_space<vmem>>, vector<1x128x128xf32>
      %get3A_1081 = vector.shape_cast %get3A_1080 : vector<1x128x128xf32> to vector<128x128xf32>
      %gt3A_1082 = vector.broadcast %broadcast_in_dim3A_532 : vector<128x1xf32> to vector<128x128xf32>
      %gt3A_1083 = arith.cmpf ogt, %get3A_1081, %gt3A_1082 : vector<128x128xf32>
      %jit3A_1084 = arith.constant 0x7F800000 : f32
      %broadcast_in_dim3A_1085 = vector.broadcast %jit3A_1084 : f32 to vector<128x128xf32>
      %select_n3A_1086 = arith.select %gt3A_1083, %get3A_1081, %broadcast_in_dim3A_1085 : vector<128x128xi1>, vector<128x128xf32>
      %lt3A_1087 = arith.cmpf olt, %select_n3A_1086, %min3A_1016 : vector<128x128xf32>
      %min3A_1088 = arith.minimumf %min3A_1016, %select_n3A_1086 : vector<128x128xf32>
      %broadcast_in_dim3A_1089 = vector.broadcast %add3A_1076 : i32 to vector<128x128xi32>
      %select_n3A_1090 = arith.select %lt3A_1087, %broadcast_in_dim3A_1089, %select_n3A_1018 : vector<128x128xi1>, vector<128x128xi32>
      %mul3A_1091 = arith.constant 8 : i32
      %mul3A_1092 = arith.muli %scan3A_975, %mul3A_1091 : i32
      %add3A_1093 = arith.constant 6 : i32
      %add3A_1094 = arith.addi %mul3A_1092, %add3A_1093 : i32
      %get3A_1095 = arith.index_cast %add3A_1094 : i32 to index
      %get3A_1096 = arith.constant 0 : index
      %get3A_1097 = arith.constant 0 : index
      %get3A_1098 = vector.load %arg6[%get3A_1095, %get3A_1096, %get3A_1097] : memref<128x128x128xf32, #tpu.memory_space<vmem>>, vector<1x128x128xf32>
      %get3A_1099 = vector.shape_cast %get3A_1098 : vector<1x128x128xf32> to vector<128x128xf32>
      %gt3A_1100 = vector.broadcast %broadcast_in_dim3A_532 : vector<128x1xf32> to vector<128x128xf32>
      %gt3A_1101 = arith.cmpf ogt, %get3A_1099, %gt3A_1100 : vector<128x128xf32>
      %jit3A_1102 = arith.constant 0x7F800000 : f32
      %broadcast_in_dim3A_1103 = vector.broadcast %jit3A_1102 : f32 to vector<128x128xf32>
      %select_n3A_1104 = arith.select %gt3A_1101, %get3A_1099, %broadcast_in_dim3A_1103 : vector<128x128xi1>, vector<128x128xf32>
      %lt3A_1105 = arith.cmpf olt, %select_n3A_1104, %min3A_1034 : vector<128x128xf32>
      %min3A_1106 = arith.minimumf %min3A_1034, %select_n3A_1104 : vector<128x128xf32>
      %broadcast_in_dim3A_1107 = vector.broadcast %add3A_1094 : i32 to vector<128x128xi32>
      %select_n3A_1108 = arith.select %lt3A_1105, %broadcast_in_dim3A_1107, %select_n3A_1036 : vector<128x128xi1>, vector<128x128xi32>
      %mul3A_1109 = arith.constant 8 : i32
      %mul3A_1110 = arith.muli %scan3A_975, %mul3A_1109 : i32
      %add3A_1111 = arith.constant 7 : i32
      %add3A_1112 = arith.addi %mul3A_1110, %add3A_1111 : i32
      %get3A_1113 = arith.index_cast %add3A_1112 : i32 to index
      %get3A_1114 = arith.constant 0 : index
      %get3A_1115 = arith.constant 0 : index
      %get3A_1116 = vector.load %arg6[%get3A_1113, %get3A_1114, %get3A_1115] : memref<128x128x128xf32, #tpu.memory_space<vmem>>, vector<1x128x128xf32>
      %get3A_1117 = vector.shape_cast %get3A_1116 : vector<1x128x128xf32> to vector<128x128xf32>
      %gt3A_1118 = vector.broadcast %broadcast_in_dim3A_532 : vector<128x1xf32> to vector<128x128xf32>
      %gt3A_1119 = arith.cmpf ogt, %get3A_1117, %gt3A_1118 : vector<128x128xf32>
      %jit3A_1120 = arith.constant 0x7F800000 : f32
      %broadcast_in_dim3A_1121 = vector.broadcast %jit3A_1120 : f32 to vector<128x128xf32>
      %select_n3A_1122 = arith.select %gt3A_1119, %get3A_1117, %broadcast_in_dim3A_1121 : vector<128x128xi1>, vector<128x128xf32>
      %lt3A_1123 = arith.cmpf olt, %select_n3A_1122, %min3A_1052 : vector<128x128xf32>
      %min3A_1124 = arith.minimumf %min3A_1052, %select_n3A_1122 : vector<128x128xf32>
      %broadcast_in_dim3A_1125 = vector.broadcast %add3A_1112 : i32 to vector<128x128xi32>
      %select_n3A_1126 = arith.select %lt3A_1123, %broadcast_in_dim3A_1125, %select_n3A_1054 : vector<128x128xi1>, vector<128x128xi32>
      scf.yield %min3A_1070, %min3A_1088, %min3A_1106, %min3A_1124, %select_n3A_1072, %select_n3A_1090, %select_n3A_1108, %select_n3A_1126 : vector<128x128xf32>, vector<128x128xf32>, vector<128x128xf32>, vector<128x128xf32>, vector<128x128xi32>, vector<128x128xi32>, vector<128x128xi32>, vector<128x128xi32>
    }
    %scan3A_569 = arith.constant 16 : i32
    %lt3A_570 = arith.cmpf olt, %scan3A_568#1, %scan3A_568#0 : vector<128x128xf32>
    %eq3A_571 = arith.cmpf oeq, %scan3A_568#1, %scan3A_568#0 : vector<128x128xf32>
    %lt3A_572 = arith.cmpi slt, %scan3A_568#5, %scan3A_568#4 : vector<128x128xi32>
    %and3A_573 = arith.andi %eq3A_571, %lt3A_572 : vector<128x128xi1>
    %or3A_574 = arith.ori %lt3A_570, %and3A_573 : vector<128x128xi1>
    %min3A_575 = arith.minimumf %scan3A_568#0, %scan3A_568#1 : vector<128x128xf32>
    %select_n3A_576 = arith.select %or3A_574, %scan3A_568#5, %scan3A_568#4 : vector<128x128xi1>, vector<128x128xi32>
    %lt3A_577 = arith.cmpf olt, %scan3A_568#2, %min3A_575 : vector<128x128xf32>
    %eq3A_578 = arith.cmpf oeq, %scan3A_568#2, %min3A_575 : vector<128x128xf32>
    %lt3A_579 = arith.cmpi slt, %scan3A_568#6, %select_n3A_576 : vector<128x128xi32>
    %and3A_580 = arith.andi %eq3A_578, %lt3A_579 : vector<128x128xi1>
    %or3A_581 = arith.ori %lt3A_577, %and3A_580 : vector<128x128xi1>
    %min3A_582 = arith.minimumf %min3A_575, %scan3A_568#2 : vector<128x128xf32>
    %select_n3A_583 = arith.select %or3A_581, %scan3A_568#6, %select_n3A_576 : vector<128x128xi1>, vector<128x128xi32>
    %lt3A_584 = arith.cmpf olt, %scan3A_568#3, %min3A_582 : vector<128x128xf32>
    %eq3A_585 = arith.cmpf oeq, %scan3A_568#3, %min3A_582 : vector<128x128xf32>
    %lt3A_586 = arith.cmpi slt, %scan3A_568#7, %select_n3A_583 : vector<128x128xi32>
    %and3A_587 = arith.andi %eq3A_585, %lt3A_586 : vector<128x128xi1>
    %or3A_588 = arith.ori %lt3A_584, %and3A_587 : vector<128x128xi1>
    %min3A_589 = arith.minimumf %min3A_582, %scan3A_568#3 : vector<128x128xf32>
    %select_n3A_590 = arith.select %or3A_588, %scan3A_568#7, %select_n3A_583 : vector<128x128xi1>, vector<128x128xi32>
    %reduce_min3A_591 = arith.constant dense<0x7F800000> : vector<128xf32>
    %reduce_min3A_592 = vector.multi_reduction <minimumf>, %min3A_589, %reduce_min3A_591 [1] : vector<128x128xf32> to vector<128xf32>
    %broadcast_in_dim3A_593 = vector.shape_cast %reduce_min3A_592 : vector<128xf32> to vector<128x1xf32>
    %mul3A_594 = arith.constant 128 : i32
    %mul3A_595 = vector.broadcast %mul3A_594 : i32 to vector<128x128xi32>
    %mul3A_596 = arith.muli %select_n3A_590, %mul3A_595 : vector<128x128xi32>
    %add3A_597 = arith.addi %mul3A_596, %iota3A : vector<128x128xi32>
    %eq3A_598 = vector.broadcast %broadcast_in_dim3A_593 : vector<128x1xf32> to vector<128x128xf32>
    %eq3A_599 = arith.cmpf oeq, %min3A_589, %eq3A_598 : vector<128x128xf32>
    %jit3A_600 = arith.constant 1073741824 : i32
    %broadcast_in_dim3A_601 = vector.broadcast %jit3A_600 : i32 to vector<128x128xi32>
    %select_n3A_602 = arith.select %eq3A_599, %add3A_597, %broadcast_in_dim3A_601 : vector<128x128xi1>, vector<128x128xi32>
    %reduce_min3A_603 = arith.constant dense<2147483647> : vector<128xi32>
    %reduce_min3A_604 = vector.multi_reduction <minsi>, %select_n3A_602, %reduce_min3A_603 [1] : vector<128x128xi32> to vector<128xi32>
    %broadcast_in_dim3A_605 = vector.shape_cast %reduce_min3A_604 : vector<128xi32> to vector<128x1xi32>
    %swap3A_606 = arith.constant 0 : index
    %swap3A_607 = arith.constant 9 : index
    %swap3A_608 = vector.load %arg5[%swap3A_606, %swap3A_607] : memref<128x16xi32, #tpu.memory_space<vmem>>, vector<128x1xi32>
    tpu.vector_store %arg5[%swap3A_606, %swap3A_607], %broadcast_in_dim3A_605 {strides = array<i32>} : memref<128x16xi32, #tpu.memory_space<vmem>>, vector<128x1xi32>,
    %broadcast_in_dim3A_609 = arith.constant 0x7F800000 : f32
    %broadcast_in_dim3A_610 = vector.broadcast %broadcast_in_dim3A_609 : f32 to vector<128x128xf32>
    %broadcast_in_dim3A_611 = arith.constant 0x7F800000 : f32
    %broadcast_in_dim3A_612 = vector.broadcast %broadcast_in_dim3A_611 : f32 to vector<128x128xf32>
    %broadcast_in_dim3A_613 = arith.constant 0x7F800000 : f32
    %broadcast_in_dim3A_614 = vector.broadcast %broadcast_in_dim3A_613 : f32 to vector<128x128xf32>
    %broadcast_in_dim3A_615 = arith.constant 0x7F800000 : f32
    %broadcast_in_dim3A_616 = vector.broadcast %broadcast_in_dim3A_615 : f32 to vector<128x128xf32>
    %broadcast_in_dim3A_617 = arith.constant 0 : i32
    %broadcast_in_dim3A_618 = vector.broadcast %broadcast_in_dim3A_617 : i32 to vector<128x128xi32>
    %broadcast_in_dim3A_619 = arith.constant 0 : i32
    %broadcast_in_dim3A_620 = vector.broadcast %broadcast_in_dim3A_619 : i32 to vector<128x128xi32>
    %broadcast_in_dim3A_621 = arith.constant 0 : i32
    %broadcast_in_dim3A_622 = vector.broadcast %broadcast_in_dim3A_621 : i32 to vector<128x128xi32>
    %broadcast_in_dim3A_623 = arith.constant 0 : i32
    %broadcast_in_dim3A_624 = vector.broadcast %broadcast_in_dim3A_623 : i32 to vector<128x128xi32>
    %scan3A_625 = arith.constant 0 : i32
    %scan3A_626 = arith.constant 16 : i32
    %scan3A_627 = arith.addi %scan3A_625, %scan3A_626 : i32
    %scan3A_628 = arith.constant 1 : i32
    %scan3A_629:8 = scf.for %scan3A_975 = %scan3A_625 to %scan3A_627 step %scan3A_628 iter_args(%scan3A_976 = %broadcast_in_dim3A_610, %scan3A_977 = %broadcast_in_dim3A_612, %scan3A_978 = %broadcast_in_dim3A_614, %scan3A_979 = %broadcast_in_dim3A_616, %scan3A_980 = %broadcast_in_dim3A_618, %scan3A_981 = %broadcast_in_dim3A_620, %scan3A_982 = %broadcast_in_dim3A_622, %scan3A_983 = %broadcast_in_dim3A_624) -> (vector<128x128xf32>, vector<128x128xf32>, vector<128x128xf32>, vector<128x128xf32>, vector<128x128xi32>, vector<128x128xi32>, vector<128x128xi32>, vector<128x128xi32>)  : i32 {
      %mul3A_984 = arith.constant 8 : i32
      %mul3A_985 = arith.muli %scan3A_975, %mul3A_984 : i32
      %add3A_986 = arith.constant 0 : i32
      %add3A_987 = arith.addi %mul3A_985, %add3A_986 : i32
      %get3A_988 = arith.index_cast %add3A_987 : i32 to index
      %get3A_989 = arith.constant 0 : index
      %get3A_990 = arith.constant 0 : index
      %get3A_991 = vector.load %arg6[%get3A_988, %get3A_989, %get3A_990] : memref<128x128x128xf32, #tpu.memory_space<vmem>>, vector<1x128x128xf32>
      %get3A_992 = vector.shape_cast %get3A_991 : vector<1x128x128xf32> to vector<128x128xf32>
      %gt3A = vector.broadcast %broadcast_in_dim3A_593 : vector<128x1xf32> to vector<128x128xf32>
      %gt3A_993 = arith.cmpf ogt, %get3A_992, %gt3A : vector<128x128xf32>
      %jit3A_994 = arith.constant 0x7F800000 : f32
      %broadcast_in_dim3A_995 = vector.broadcast %jit3A_994 : f32 to vector<128x128xf32>
      %select_n3A_996 = arith.select %gt3A_993, %get3A_992, %broadcast_in_dim3A_995 : vector<128x128xi1>, vector<128x128xf32>
      %lt3A_997 = arith.cmpf olt, %select_n3A_996, %scan3A_976 : vector<128x128xf32>
      %min3A_998 = arith.minimumf %scan3A_976, %select_n3A_996 : vector<128x128xf32>
      %broadcast_in_dim3A_999 = vector.broadcast %add3A_987 : i32 to vector<128x128xi32>
      %select_n3A_1000 = arith.select %lt3A_997, %broadcast_in_dim3A_999, %scan3A_980 : vector<128x128xi1>, vector<128x128xi32>
      %mul3A_1001 = arith.constant 8 : i32
      %mul3A_1002 = arith.muli %scan3A_975, %mul3A_1001 : i32
      %add3A_1003 = arith.constant 1 : i32
      %add3A_1004 = arith.addi %mul3A_1002, %add3A_1003 : i32
      %get3A_1005 = arith.index_cast %add3A_1004 : i32 to index
      %get3A_1006 = arith.constant 0 : index
      %get3A_1007 = arith.constant 0 : index
      %get3A_1008 = vector.load %arg6[%get3A_1005, %get3A_1006, %get3A_1007] : memref<128x128x128xf32, #tpu.memory_space<vmem>>, vector<1x128x128xf32>
      %get3A_1009 = vector.shape_cast %get3A_1008 : vector<1x128x128xf32> to vector<128x128xf32>
      %gt3A_1010 = vector.broadcast %broadcast_in_dim3A_593 : vector<128x1xf32> to vector<128x128xf32>
      %gt3A_1011 = arith.cmpf ogt, %get3A_1009, %gt3A_1010 : vector<128x128xf32>
      %jit3A_1012 = arith.constant 0x7F800000 : f32
      %broadcast_in_dim3A_1013 = vector.broadcast %jit3A_1012 : f32 to vector<128x128xf32>
      %select_n3A_1014 = arith.select %gt3A_1011, %get3A_1009, %broadcast_in_dim3A_1013 : vector<128x128xi1>, vector<128x128xf32>
      %lt3A_1015 = arith.cmpf olt, %select_n3A_1014, %scan3A_977 : vector<128x128xf32>
      %min3A_1016 = arith.minimumf %scan3A_977, %select_n3A_1014 : vector<128x128xf32>
      %broadcast_in_dim3A_1017 = vector.broadcast %add3A_1004 : i32 to vector<128x128xi32>
      %select_n3A_1018 = arith.select %lt3A_1015, %broadcast_in_dim3A_1017, %scan3A_981 : vector<128x128xi1>, vector<128x128xi32>
      %mul3A_1019 = arith.constant 8 : i32
      %mul3A_1020 = arith.muli %scan3A_975, %mul3A_1019 : i32
      %add3A_1021 = arith.constant 2 : i32
      %add3A_1022 = arith.addi %mul3A_1020, %add3A_1021 : i32
      %get3A_1023 = arith.index_cast %add3A_1022 : i32 to index
      %get3A_1024 = arith.constant 0 : index
      %get3A_1025 = arith.constant 0 : index
      %get3A_1026 = vector.load %arg6[%get3A_1023, %get3A_1024, %get3A_1025] : memref<128x128x128xf32, #tpu.memory_space<vmem>>, vector<1x128x128xf32>
      %get3A_1027 = vector.shape_cast %get3A_1026 : vector<1x128x128xf32> to vector<128x128xf32>
      %gt3A_1028 = vector.broadcast %broadcast_in_dim3A_593 : vector<128x1xf32> to vector<128x128xf32>
      %gt3A_1029 = arith.cmpf ogt, %get3A_1027, %gt3A_1028 : vector<128x128xf32>
      %jit3A_1030 = arith.constant 0x7F800000 : f32
      %broadcast_in_dim3A_1031 = vector.broadcast %jit3A_1030 : f32 to vector<128x128xf32>
      %select_n3A_1032 = arith.select %gt3A_1029, %get3A_1027, %broadcast_in_dim3A_1031 : vector<128x128xi1>, vector<128x128xf32>
      %lt3A_1033 = arith.cmpf olt, %select_n3A_1032, %scan3A_978 : vector<128x128xf32>
      %min3A_1034 = arith.minimumf %scan3A_978, %select_n3A_1032 : vector<128x128xf32>
      %broadcast_in_dim3A_1035 = vector.broadcast %add3A_1022 : i32 to vector<128x128xi32>
      %select_n3A_1036 = arith.select %lt3A_1033, %broadcast_in_dim3A_1035, %scan3A_982 : vector<128x128xi1>, vector<128x128xi32>
      %mul3A_1037 = arith.constant 8 : i32
      %mul3A_1038 = arith.muli %scan3A_975, %mul3A_1037 : i32
      %add3A_1039 = arith.constant 3 : i32
      %add3A_1040 = arith.addi %mul3A_1038, %add3A_1039 : i32
      %get3A_1041 = arith.index_cast %add3A_1040 : i32 to index
      %get3A_1042 = arith.constant 0 : index
      %get3A_1043 = arith.constant 0 : index
      %get3A_1044 = vector.load %arg6[%get3A_1041, %get3A_1042, %get3A_1043] : memref<128x128x128xf32, #tpu.memory_space<vmem>>, vector<1x128x128xf32>
      %get3A_1045 = vector.shape_cast %get3A_1044 : vector<1x128x128xf32> to vector<128x128xf32>
      %gt3A_1046 = vector.broadcast %broadcast_in_dim3A_593 : vector<128x1xf32> to vector<128x128xf32>
      %gt3A_1047 = arith.cmpf ogt, %get3A_1045, %gt3A_1046 : vector<128x128xf32>
      %jit3A_1048 = arith.constant 0x7F800000 : f32
      %broadcast_in_dim3A_1049 = vector.broadcast %jit3A_1048 : f32 to vector<128x128xf32>
      %select_n3A_1050 = arith.select %gt3A_1047, %get3A_1045, %broadcast_in_dim3A_1049 : vector<128x128xi1>, vector<128x128xf32>
      %lt3A_1051 = arith.cmpf olt, %select_n3A_1050, %scan3A_979 : vector<128x128xf32>
      %min3A_1052 = arith.minimumf %scan3A_979, %select_n3A_1050 : vector<128x128xf32>
      %broadcast_in_dim3A_1053 = vector.broadcast %add3A_1040 : i32 to vector<128x128xi32>
      %select_n3A_1054 = arith.select %lt3A_1051, %broadcast_in_dim3A_1053, %scan3A_983 : vector<128x128xi1>, vector<128x128xi32>
      %mul3A_1055 = arith.constant 8 : i32
      %mul3A_1056 = arith.muli %scan3A_975, %mul3A_1055 : i32
      %add3A_1057 = arith.constant 4 : i32
      %add3A_1058 = arith.addi %mul3A_1056, %add3A_1057 : i32
      %get3A_1059 = arith.index_cast %add3A_1058 : i32 to index
      %get3A_1060 = arith.constant 0 : index
      %get3A_1061 = arith.constant 0 : index
      %get3A_1062 = vector.load %arg6[%get3A_1059, %get3A_1060, %get3A_1061] : memref<128x128x128xf32, #tpu.memory_space<vmem>>, vector<1x128x128xf32>
      %get3A_1063 = vector.shape_cast %get3A_1062 : vector<1x128x128xf32> to vector<128x128xf32>
      %gt3A_1064 = vector.broadcast %broadcast_in_dim3A_593 : vector<128x1xf32> to vector<128x128xf32>
      %gt3A_1065 = arith.cmpf ogt, %get3A_1063, %gt3A_1064 : vector<128x128xf32>
      %jit3A_1066 = arith.constant 0x7F800000 : f32
      %broadcast_in_dim3A_1067 = vector.broadcast %jit3A_1066 : f32 to vector<128x128xf32>
      %select_n3A_1068 = arith.select %gt3A_1065, %get3A_1063, %broadcast_in_dim3A_1067 : vector<128x128xi1>, vector<128x128xf32>
      %lt3A_1069 = arith.cmpf olt, %select_n3A_1068, %min3A_998 : vector<128x128xf32>
      %min3A_1070 = arith.minimumf %min3A_998, %select_n3A_1068 : vector<128x128xf32>
      %broadcast_in_dim3A_1071 = vector.broadcast %add3A_1058 : i32 to vector<128x128xi32>
      %select_n3A_1072 = arith.select %lt3A_1069, %broadcast_in_dim3A_1071, %select_n3A_1000 : vector<128x128xi1>, vector<128x128xi32>
      %mul3A_1073 = arith.constant 8 : i32
      %mul3A_1074 = arith.muli %scan3A_975, %mul3A_1073 : i32
      %add3A_1075 = arith.constant 5 : i32
      %add3A_1076 = arith.addi %mul3A_1074, %add3A_1075 : i32
      %get3A_1077 = arith.index_cast %add3A_1076 : i32 to index
      %get3A_1078 = arith.constant 0 : index
      %get3A_1079 = arith.constant 0 : index
      %get3A_1080 = vector.load %arg6[%get3A_1077, %get3A_1078, %get3A_1079] : memref<128x128x128xf32, #tpu.memory_space<vmem>>, vector<1x128x128xf32>
      %get3A_1081 = vector.shape_cast %get3A_1080 : vector<1x128x128xf32> to vector<128x128xf32>
      %gt3A_1082 = vector.broadcast %broadcast_in_dim3A_593 : vector<128x1xf32> to vector<128x128xf32>
      %gt3A_1083 = arith.cmpf ogt, %get3A_1081, %gt3A_1082 : vector<128x128xf32>
      %jit3A_1084 = arith.constant 0x7F800000 : f32
      %broadcast_in_dim3A_1085 = vector.broadcast %jit3A_1084 : f32 to vector<128x128xf32>
      %select_n3A_1086 = arith.select %gt3A_1083, %get3A_1081, %broadcast_in_dim3A_1085 : vector<128x128xi1>, vector<128x128xf32>
      %lt3A_1087 = arith.cmpf olt, %select_n3A_1086, %min3A_1016 : vector<128x128xf32>
      %min3A_1088 = arith.minimumf %min3A_1016, %select_n3A_1086 : vector<128x128xf32>
      %broadcast_in_dim3A_1089 = vector.broadcast %add3A_1076 : i32 to vector<128x128xi32>
      %select_n3A_1090 = arith.select %lt3A_1087, %broadcast_in_dim3A_1089, %select_n3A_1018 : vector<128x128xi1>, vector<128x128xi32>
      %mul3A_1091 = arith.constant 8 : i32
      %mul3A_1092 = arith.muli %scan3A_975, %mul3A_1091 : i32
      %add3A_1093 = arith.constant 6 : i32
      %add3A_1094 = arith.addi %mul3A_1092, %add3A_1093 : i32
      %get3A_1095 = arith.index_cast %add3A_1094 : i32 to index
      %get3A_1096 = arith.constant 0 : index
      %get3A_1097 = arith.constant 0 : index
      %get3A_1098 = vector.load %arg6[%get3A_1095, %get3A_1096, %get3A_1097] : memref<128x128x128xf32, #tpu.memory_space<vmem>>, vector<1x128x128xf32>
      %get3A_1099 = vector.shape_cast %get3A_1098 : vector<1x128x128xf32> to vector<128x128xf32>
      %gt3A_1100 = vector.broadcast %broadcast_in_dim3A_593 : vector<128x1xf32> to vector<128x128xf32>
      %gt3A_1101 = arith.cmpf ogt, %get3A_1099, %gt3A_1100 : vector<128x128xf32>
      %jit3A_1102 = arith.constant 0x7F800000 : f32
      %broadcast_in_dim3A_1103 = vector.broadcast %jit3A_1102 : f32 to vector<128x128xf32>
      %select_n3A_1104 = arith.select %gt3A_1101, %get3A_1099, %broadcast_in_dim3A_1103 : vector<128x128xi1>, vector<128x128xf32>
      %lt3A_1105 = arith.cmpf olt, %select_n3A_1104, %min3A_1034 : vector<128x128xf32>
      %min3A_1106 = arith.minimumf %min3A_1034, %select_n3A_1104 : vector<128x128xf32>
      %broadcast_in_dim3A_1107 = vector.broadcast %add3A_1094 : i32 to vector<128x128xi32>
      %select_n3A_1108 = arith.select %lt3A_1105, %broadcast_in_dim3A_1107, %select_n3A_1036 : vector<128x128xi1>, vector<128x128xi32>
      %mul3A_1109 = arith.constant 8 : i32
      %mul3A_1110 = arith.muli %scan3A_975, %mul3A_1109 : i32
      %add3A_1111 = arith.constant 7 : i32
      %add3A_1112 = arith.addi %mul3A_1110, %add3A_1111 : i32
      %get3A_1113 = arith.index_cast %add3A_1112 : i32 to index
      %get3A_1114 = arith.constant 0 : index
      %get3A_1115 = arith.constant 0 : index
      %get3A_1116 = vector.load %arg6[%get3A_1113, %get3A_1114, %get3A_1115] : memref<128x128x128xf32, #tpu.memory_space<vmem>>, vector<1x128x128xf32>
      %get3A_1117 = vector.shape_cast %get3A_1116 : vector<1x128x128xf32> to vector<128x128xf32>
      %gt3A_1118 = vector.broadcast %broadcast_in_dim3A_593 : vector<128x1xf32> to vector<128x128xf32>
      %gt3A_1119 = arith.cmpf ogt, %get3A_1117, %gt3A_1118 : vector<128x128xf32>
      %jit3A_1120 = arith.constant 0x7F800000 : f32
      %broadcast_in_dim3A_1121 = vector.broadcast %jit3A_1120 : f32 to vector<128x128xf32>
      %select_n3A_1122 = arith.select %gt3A_1119, %get3A_1117, %broadcast_in_dim3A_1121 : vector<128x128xi1>, vector<128x128xf32>
      %lt3A_1123 = arith.cmpf olt, %select_n3A_1122, %min3A_1052 : vector<128x128xf32>
      %min3A_1124 = arith.minimumf %min3A_1052, %select_n3A_1122 : vector<128x128xf32>
      %broadcast_in_dim3A_1125 = vector.broadcast %add3A_1112 : i32 to vector<128x128xi32>
      %select_n3A_1126 = arith.select %lt3A_1123, %broadcast_in_dim3A_1125, %select_n3A_1054 : vector<128x128xi1>, vector<128x128xi32>
      scf.yield %min3A_1070, %min3A_1088, %min3A_1106, %min3A_1124, %select_n3A_1072, %select_n3A_1090, %select_n3A_1108, %select_n3A_1126 : vector<128x128xf32>, vector<128x128xf32>, vector<128x128xf32>, vector<128x128xf32>, vector<128x128xi32>, vector<128x128xi32>, vector<128x128xi32>, vector<128x128xi32>
    }
    %scan3A_630 = arith.constant 16 : i32
    %lt3A_631 = arith.cmpf olt, %scan3A_629#1, %scan3A_629#0 : vector<128x128xf32>
    %eq3A_632 = arith.cmpf oeq, %scan3A_629#1, %scan3A_629#0 : vector<128x128xf32>
    %lt3A_633 = arith.cmpi slt, %scan3A_629#5, %scan3A_629#4 : vector<128x128xi32>
    %and3A_634 = arith.andi %eq3A_632, %lt3A_633 : vector<128x128xi1>
    %or3A_635 = arith.ori %lt3A_631, %and3A_634 : vector<128x128xi1>
    %min3A_636 = arith.minimumf %scan3A_629#0, %scan3A_629#1 : vector<128x128xf32>
    %select_n3A_637 = arith.select %or3A_635, %scan3A_629#5, %scan3A_629#4 : vector<128x128xi1>, vector<128x128xi32>
    %lt3A_638 = arith.cmpf olt, %scan3A_629#2, %min3A_636 : vector<128x128xf32>
    %eq3A_639 = arith.cmpf oeq, %scan3A_629#2, %min3A_636 : vector<128x128xf32>
    %lt3A_640 = arith.cmpi slt, %scan3A_629#6, %select_n3A_637 : vector<128x128xi32>
    %and3A_641 = arith.andi %eq3A_639, %lt3A_640 : vector<128x128xi1>
    %or3A_642 = arith.ori %lt3A_638, %and3A_641 : vector<128x128xi1>
    %min3A_643 = arith.minimumf %min3A_636, %scan3A_629#2 : vector<128x128xf32>
    %select_n3A_644 = arith.select %or3A_642, %scan3A_629#6, %select_n3A_637 : vector<128x128xi1>, vector<128x128xi32>
    %lt3A_645 = arith.cmpf olt, %scan3A_629#3, %min3A_643 : vector<128x128xf32>
    %eq3A_646 = arith.cmpf oeq, %scan3A_629#3, %min3A_643 : vector<128x128xf32>
    %lt3A_647 = arith.cmpi slt, %scan3A_629#7, %select_n3A_644 : vector<128x128xi32>
    %and3A_648 = arith.andi %eq3A_646, %lt3A_647 : vector<128x128xi1>
    %or3A_649 = arith.ori %lt3A_645, %and3A_648 : vector<128x128xi1>
    %min3A_650 = arith.minimumf %min3A_643, %scan3A_629#3 : vector<128x128xf32>
    %select_n3A_651 = arith.select %or3A_649, %scan3A_629#7, %select_n3A_644 : vector<128x128xi1>, vector<128x128xi32>
    %reduce_min3A_652 = arith.constant dense<0x7F800000> : vector<128xf32>
    %reduce_min3A_653 = vector.multi_reduction <minimumf>, %min3A_650, %reduce_min3A_652 [1] : vector<128x128xf32> to vector<128xf32>
    %broadcast_in_dim3A_654 = vector.shape_cast %reduce_min3A_653 : vector<128xf32> to vector<128x1xf32>
    %mul3A_655 = arith.constant 128 : i32
    %mul3A_656 = vector.broadcast %mul3A_655 : i32 to vector<128x128xi32>
    %mul3A_657 = arith.muli %select_n3A_651, %mul3A_656 : vector<128x128xi32>
    %add3A_658 = arith.addi %mul3A_657, %iota3A : vector<128x128xi32>
    %eq3A_659 = vector.broadcast %broadcast_in_dim3A_654 : vector<128x1xf32> to vector<128x128xf32>
    %eq3A_660 = arith.cmpf oeq, %min3A_650, %eq3A_659 : vector<128x128xf32>
    %jit3A_661 = arith.constant 1073741824 : i32
    %broadcast_in_dim3A_662 = vector.broadcast %jit3A_661 : i32 to vector<128x128xi32>
    %select_n3A_663 = arith.select %eq3A_660, %add3A_658, %broadcast_in_dim3A_662 : vector<128x128xi1>, vector<128x128xi32>
    %reduce_min3A_664 = arith.constant dense<2147483647> : vector<128xi32>
    %reduce_min3A_665 = vector.multi_reduction <minsi>, %select_n3A_663, %reduce_min3A_664 [1] : vector<128x128xi32> to vector<128xi32>
    %broadcast_in_dim3A_666 = vector.shape_cast %reduce_min3A_665 : vector<128xi32> to vector<128x1xi32>
    %swap3A_667 = arith.constant 0 : index
    %swap3A_668 = arith.constant 10 : index
    %swap3A_669 = vector.load %arg5[%swap3A_667, %swap3A_668] : memref<128x16xi32, #tpu.memory_space<vmem>>, vector<128x1xi32>
    tpu.vector_store %arg5[%swap3A_667, %swap3A_668], %broadcast_in_dim3A_666 {strides = array<i32>} : memref<128x16xi32, #tpu.memory_space<vmem>>, vector<128x1xi32>,
    %broadcast_in_dim3A_670 = arith.constant 0x7F800000 : f32
    %broadcast_in_dim3A_671 = vector.broadcast %broadcast_in_dim3A_670 : f32 to vector<128x128xf32>
    %broadcast_in_dim3A_672 = arith.constant 0x7F800000 : f32
    %broadcast_in_dim3A_673 = vector.broadcast %broadcast_in_dim3A_672 : f32 to vector<128x128xf32>
    %broadcast_in_dim3A_674 = arith.constant 0x7F800000 : f32
    %broadcast_in_dim3A_675 = vector.broadcast %broadcast_in_dim3A_674 : f32 to vector<128x128xf32>
    %broadcast_in_dim3A_676 = arith.constant 0x7F800000 : f32
    %broadcast_in_dim3A_677 = vector.broadcast %broadcast_in_dim3A_676 : f32 to vector<128x128xf32>
    %broadcast_in_dim3A_678 = arith.constant 0 : i32
    %broadcast_in_dim3A_679 = vector.broadcast %broadcast_in_dim3A_678 : i32 to vector<128x128xi32>
    %broadcast_in_dim3A_680 = arith.constant 0 : i32
    %broadcast_in_dim3A_681 = vector.broadcast %broadcast_in_dim3A_680 : i32 to vector<128x128xi32>
    %broadcast_in_dim3A_682 = arith.constant 0 : i32
    %broadcast_in_dim3A_683 = vector.broadcast %broadcast_in_dim3A_682 : i32 to vector<128x128xi32>
    %broadcast_in_dim3A_684 = arith.constant 0 : i32
    %broadcast_in_dim3A_685 = vector.broadcast %broadcast_in_dim3A_684 : i32 to vector<128x128xi32>
    %scan3A_686 = arith.constant 0 : i32
    %scan3A_687 = arith.constant 16 : i32
    %scan3A_688 = arith.addi %scan3A_686, %scan3A_687 : i32
    %scan3A_689 = arith.constant 1 : i32
    %scan3A_690:8 = scf.for %scan3A_975 = %scan3A_686 to %scan3A_688 step %scan3A_689 iter_args(%scan3A_976 = %broadcast_in_dim3A_671, %scan3A_977 = %broadcast_in_dim3A_673, %scan3A_978 = %broadcast_in_dim3A_675, %scan3A_979 = %broadcast_in_dim3A_677, %scan3A_980 = %broadcast_in_dim3A_679, %scan3A_981 = %broadcast_in_dim3A_681, %scan3A_982 = %broadcast_in_dim3A_683, %scan3A_983 = %broadcast_in_dim3A_685) -> (vector<128x128xf32>, vector<128x128xf32>, vector<128x128xf32>, vector<128x128xf32>, vector<128x128xi32>, vector<128x128xi32>, vector<128x128xi32>, vector<128x128xi32>)  : i32 {
      %mul3A_984 = arith.constant 8 : i32
      %mul3A_985 = arith.muli %scan3A_975, %mul3A_984 : i32
      %add3A_986 = arith.constant 0 : i32
      %add3A_987 = arith.addi %mul3A_985, %add3A_986 : i32
      %get3A_988 = arith.index_cast %add3A_987 : i32 to index
      %get3A_989 = arith.constant 0 : index
      %get3A_990 = arith.constant 0 : index
      %get3A_991 = vector.load %arg6[%get3A_988, %get3A_989, %get3A_990] : memref<128x128x128xf32, #tpu.memory_space<vmem>>, vector<1x128x128xf32>
      %get3A_992 = vector.shape_cast %get3A_991 : vector<1x128x128xf32> to vector<128x128xf32>
      %gt3A = vector.broadcast %broadcast_in_dim3A_654 : vector<128x1xf32> to vector<128x128xf32>
      %gt3A_993 = arith.cmpf ogt, %get3A_992, %gt3A : vector<128x128xf32>
      %jit3A_994 = arith.constant 0x7F800000 : f32
      %broadcast_in_dim3A_995 = vector.broadcast %jit3A_994 : f32 to vector<128x128xf32>
      %select_n3A_996 = arith.select %gt3A_993, %get3A_992, %broadcast_in_dim3A_995 : vector<128x128xi1>, vector<128x128xf32>
      %lt3A_997 = arith.cmpf olt, %select_n3A_996, %scan3A_976 : vector<128x128xf32>
      %min3A_998 = arith.minimumf %scan3A_976, %select_n3A_996 : vector<128x128xf32>
      %broadcast_in_dim3A_999 = vector.broadcast %add3A_987 : i32 to vector<128x128xi32>
      %select_n3A_1000 = arith.select %lt3A_997, %broadcast_in_dim3A_999, %scan3A_980 : vector<128x128xi1>, vector<128x128xi32>
      %mul3A_1001 = arith.constant 8 : i32
      %mul3A_1002 = arith.muli %scan3A_975, %mul3A_1001 : i32
      %add3A_1003 = arith.constant 1 : i32
      %add3A_1004 = arith.addi %mul3A_1002, %add3A_1003 : i32
      %get3A_1005 = arith.index_cast %add3A_1004 : i32 to index
      %get3A_1006 = arith.constant 0 : index
      %get3A_1007 = arith.constant 0 : index
      %get3A_1008 = vector.load %arg6[%get3A_1005, %get3A_1006, %get3A_1007] : memref<128x128x128xf32, #tpu.memory_space<vmem>>, vector<1x128x128xf32>
      %get3A_1009 = vector.shape_cast %get3A_1008 : vector<1x128x128xf32> to vector<128x128xf32>
      %gt3A_1010 = vector.broadcast %broadcast_in_dim3A_654 : vector<128x1xf32> to vector<128x128xf32>
      %gt3A_1011 = arith.cmpf ogt, %get3A_1009, %gt3A_1010 : vector<128x128xf32>
      %jit3A_1012 = arith.constant 0x7F800000 : f32
      %broadcast_in_dim3A_1013 = vector.broadcast %jit3A_1012 : f32 to vector<128x128xf32>
      %select_n3A_1014 = arith.select %gt3A_1011, %get3A_1009, %broadcast_in_dim3A_1013 : vector<128x128xi1>, vector<128x128xf32>
      %lt3A_1015 = arith.cmpf olt, %select_n3A_1014, %scan3A_977 : vector<128x128xf32>
      %min3A_1016 = arith.minimumf %scan3A_977, %select_n3A_1014 : vector<128x128xf32>
      %broadcast_in_dim3A_1017 = vector.broadcast %add3A_1004 : i32 to vector<128x128xi32>
      %select_n3A_1018 = arith.select %lt3A_1015, %broadcast_in_dim3A_1017, %scan3A_981 : vector<128x128xi1>, vector<128x128xi32>
      %mul3A_1019 = arith.constant 8 : i32
      %mul3A_1020 = arith.muli %scan3A_975, %mul3A_1019 : i32
      %add3A_1021 = arith.constant 2 : i32
      %add3A_1022 = arith.addi %mul3A_1020, %add3A_1021 : i32
      %get3A_1023 = arith.index_cast %add3A_1022 : i32 to index
      %get3A_1024 = arith.constant 0 : index
      %get3A_1025 = arith.constant 0 : index
      %get3A_1026 = vector.load %arg6[%get3A_1023, %get3A_1024, %get3A_1025] : memref<128x128x128xf32, #tpu.memory_space<vmem>>, vector<1x128x128xf32>
      %get3A_1027 = vector.shape_cast %get3A_1026 : vector<1x128x128xf32> to vector<128x128xf32>
      %gt3A_1028 = vector.broadcast %broadcast_in_dim3A_654 : vector<128x1xf32> to vector<128x128xf32>
      %gt3A_1029 = arith.cmpf ogt, %get3A_1027, %gt3A_1028 : vector<128x128xf32>
      %jit3A_1030 = arith.constant 0x7F800000 : f32
      %broadcast_in_dim3A_1031 = vector.broadcast %jit3A_1030 : f32 to vector<128x128xf32>
      %select_n3A_1032 = arith.select %gt3A_1029, %get3A_1027, %broadcast_in_dim3A_1031 : vector<128x128xi1>, vector<128x128xf32>
      %lt3A_1033 = arith.cmpf olt, %select_n3A_1032, %scan3A_978 : vector<128x128xf32>
      %min3A_1034 = arith.minimumf %scan3A_978, %select_n3A_1032 : vector<128x128xf32>
      %broadcast_in_dim3A_1035 = vector.broadcast %add3A_1022 : i32 to vector<128x128xi32>
      %select_n3A_1036 = arith.select %lt3A_1033, %broadcast_in_dim3A_1035, %scan3A_982 : vector<128x128xi1>, vector<128x128xi32>
      %mul3A_1037 = arith.constant 8 : i32
      %mul3A_1038 = arith.muli %scan3A_975, %mul3A_1037 : i32
      %add3A_1039 = arith.constant 3 : i32
      %add3A_1040 = arith.addi %mul3A_1038, %add3A_1039 : i32
      %get3A_1041 = arith.index_cast %add3A_1040 : i32 to index
      %get3A_1042 = arith.constant 0 : index
      %get3A_1043 = arith.constant 0 : index
      %get3A_1044 = vector.load %arg6[%get3A_1041, %get3A_1042, %get3A_1043] : memref<128x128x128xf32, #tpu.memory_space<vmem>>, vector<1x128x128xf32>
      %get3A_1045 = vector.shape_cast %get3A_1044 : vector<1x128x128xf32> to vector<128x128xf32>
      %gt3A_1046 = vector.broadcast %broadcast_in_dim3A_654 : vector<128x1xf32> to vector<128x128xf32>
      %gt3A_1047 = arith.cmpf ogt, %get3A_1045, %gt3A_1046 : vector<128x128xf32>
      %jit3A_1048 = arith.constant 0x7F800000 : f32
      %broadcast_in_dim3A_1049 = vector.broadcast %jit3A_1048 : f32 to vector<128x128xf32>
      %select_n3A_1050 = arith.select %gt3A_1047, %get3A_1045, %broadcast_in_dim3A_1049 : vector<128x128xi1>, vector<128x128xf32>
      %lt3A_1051 = arith.cmpf olt, %select_n3A_1050, %scan3A_979 : vector<128x128xf32>
      %min3A_1052 = arith.minimumf %scan3A_979, %select_n3A_1050 : vector<128x128xf32>
      %broadcast_in_dim3A_1053 = vector.broadcast %add3A_1040 : i32 to vector<128x128xi32>
      %select_n3A_1054 = arith.select %lt3A_1051, %broadcast_in_dim3A_1053, %scan3A_983 : vector<128x128xi1>, vector<128x128xi32>
      %mul3A_1055 = arith.constant 8 : i32
      %mul3A_1056 = arith.muli %scan3A_975, %mul3A_1055 : i32
      %add3A_1057 = arith.constant 4 : i32
      %add3A_1058 = arith.addi %mul3A_1056, %add3A_1057 : i32
      %get3A_1059 = arith.index_cast %add3A_1058 : i32 to index
      %get3A_1060 = arith.constant 0 : index
      %get3A_1061 = arith.constant 0 : index
      %get3A_1062 = vector.load %arg6[%get3A_1059, %get3A_1060, %get3A_1061] : memref<128x128x128xf32, #tpu.memory_space<vmem>>, vector<1x128x128xf32>
      %get3A_1063 = vector.shape_cast %get3A_1062 : vector<1x128x128xf32> to vector<128x128xf32>
      %gt3A_1064 = vector.broadcast %broadcast_in_dim3A_654 : vector<128x1xf32> to vector<128x128xf32>
      %gt3A_1065 = arith.cmpf ogt, %get3A_1063, %gt3A_1064 : vector<128x128xf32>
      %jit3A_1066 = arith.constant 0x7F800000 : f32
      %broadcast_in_dim3A_1067 = vector.broadcast %jit3A_1066 : f32 to vector<128x128xf32>
      %select_n3A_1068 = arith.select %gt3A_1065, %get3A_1063, %broadcast_in_dim3A_1067 : vector<128x128xi1>, vector<128x128xf32>
      %lt3A_1069 = arith.cmpf olt, %select_n3A_1068, %min3A_998 : vector<128x128xf32>
      %min3A_1070 = arith.minimumf %min3A_998, %select_n3A_1068 : vector<128x128xf32>
      %broadcast_in_dim3A_1071 = vector.broadcast %add3A_1058 : i32 to vector<128x128xi32>
      %select_n3A_1072 = arith.select %lt3A_1069, %broadcast_in_dim3A_1071, %select_n3A_1000 : vector<128x128xi1>, vector<128x128xi32>
      %mul3A_1073 = arith.constant 8 : i32
      %mul3A_1074 = arith.muli %scan3A_975, %mul3A_1073 : i32
      %add3A_1075 = arith.constant 5 : i32
      %add3A_1076 = arith.addi %mul3A_1074, %add3A_1075 : i32
      %get3A_1077 = arith.index_cast %add3A_1076 : i32 to index
      %get3A_1078 = arith.constant 0 : index
      %get3A_1079 = arith.constant 0 : index
      %get3A_1080 = vector.load %arg6[%get3A_1077, %get3A_1078, %get3A_1079] : memref<128x128x128xf32, #tpu.memory_space<vmem>>, vector<1x128x128xf32>
      %get3A_1081 = vector.shape_cast %get3A_1080 : vector<1x128x128xf32> to vector<128x128xf32>
      %gt3A_1082 = vector.broadcast %broadcast_in_dim3A_654 : vector<128x1xf32> to vector<128x128xf32>
      %gt3A_1083 = arith.cmpf ogt, %get3A_1081, %gt3A_1082 : vector<128x128xf32>
      %jit3A_1084 = arith.constant 0x7F800000 : f32
      %broadcast_in_dim3A_1085 = vector.broadcast %jit3A_1084 : f32 to vector<128x128xf32>
      %select_n3A_1086 = arith.select %gt3A_1083, %get3A_1081, %broadcast_in_dim3A_1085 : vector<128x128xi1>, vector<128x128xf32>
      %lt3A_1087 = arith.cmpf olt, %select_n3A_1086, %min3A_1016 : vector<128x128xf32>
      %min3A_1088 = arith.minimumf %min3A_1016, %select_n3A_1086 : vector<128x128xf32>
      %broadcast_in_dim3A_1089 = vector.broadcast %add3A_1076 : i32 to vector<128x128xi32>
      %select_n3A_1090 = arith.select %lt3A_1087, %broadcast_in_dim3A_1089, %select_n3A_1018 : vector<128x128xi1>, vector<128x128xi32>
      %mul3A_1091 = arith.constant 8 : i32
      %mul3A_1092 = arith.muli %scan3A_975, %mul3A_1091 : i32
      %add3A_1093 = arith.constant 6 : i32
      %add3A_1094 = arith.addi %mul3A_1092, %add3A_1093 : i32
      %get3A_1095 = arith.index_cast %add3A_1094 : i32 to index
      %get3A_1096 = arith.constant 0 : index
      %get3A_1097 = arith.constant 0 : index
      %get3A_1098 = vector.load %arg6[%get3A_1095, %get3A_1096, %get3A_1097] : memref<128x128x128xf32, #tpu.memory_space<vmem>>, vector<1x128x128xf32>
      %get3A_1099 = vector.shape_cast %get3A_1098 : vector<1x128x128xf32> to vector<128x128xf32>
      %gt3A_1100 = vector.broadcast %broadcast_in_dim3A_654 : vector<128x1xf32> to vector<128x128xf32>
      %gt3A_1101 = arith.cmpf ogt, %get3A_1099, %gt3A_1100 : vector<128x128xf32>
      %jit3A_1102 = arith.constant 0x7F800000 : f32
      %broadcast_in_dim3A_1103 = vector.broadcast %jit3A_1102 : f32 to vector<128x128xf32>
      %select_n3A_1104 = arith.select %gt3A_1101, %get3A_1099, %broadcast_in_dim3A_1103 : vector<128x128xi1>, vector<128x128xf32>
      %lt3A_1105 = arith.cmpf olt, %select_n3A_1104, %min3A_1034 : vector<128x128xf32>
      %min3A_1106 = arith.minimumf %min3A_1034, %select_n3A_1104 : vector<128x128xf32>
      %broadcast_in_dim3A_1107 = vector.broadcast %add3A_1094 : i32 to vector<128x128xi32>
      %select_n3A_1108 = arith.select %lt3A_1105, %broadcast_in_dim3A_1107, %select_n3A_1036 : vector<128x128xi1>, vector<128x128xi32>
      %mul3A_1109 = arith.constant 8 : i32
      %mul3A_1110 = arith.muli %scan3A_975, %mul3A_1109 : i32
      %add3A_1111 = arith.constant 7 : i32
      %add3A_1112 = arith.addi %mul3A_1110, %add3A_1111 : i32
      %get3A_1113 = arith.index_cast %add3A_1112 : i32 to index
      %get3A_1114 = arith.constant 0 : index
      %get3A_1115 = arith.constant 0 : index
      %get3A_1116 = vector.load %arg6[%get3A_1113, %get3A_1114, %get3A_1115] : memref<128x128x128xf32, #tpu.memory_space<vmem>>, vector<1x128x128xf32>
      %get3A_1117 = vector.shape_cast %get3A_1116 : vector<1x128x128xf32> to vector<128x128xf32>
      %gt3A_1118 = vector.broadcast %broadcast_in_dim3A_654 : vector<128x1xf32> to vector<128x128xf32>
      %gt3A_1119 = arith.cmpf ogt, %get3A_1117, %gt3A_1118 : vector<128x128xf32>
      %jit3A_1120 = arith.constant 0x7F800000 : f32
      %broadcast_in_dim3A_1121 = vector.broadcast %jit3A_1120 : f32 to vector<128x128xf32>
      %select_n3A_1122 = arith.select %gt3A_1119, %get3A_1117, %broadcast_in_dim3A_1121 : vector<128x128xi1>, vector<128x128xf32>
      %lt3A_1123 = arith.cmpf olt, %select_n3A_1122, %min3A_1052 : vector<128x128xf32>
      %min3A_1124 = arith.minimumf %min3A_1052, %select_n3A_1122 : vector<128x128xf32>
      %broadcast_in_dim3A_1125 = vector.broadcast %add3A_1112 : i32 to vector<128x128xi32>
      %select_n3A_1126 = arith.select %lt3A_1123, %broadcast_in_dim3A_1125, %select_n3A_1054 : vector<128x128xi1>, vector<128x128xi32>
      scf.yield %min3A_1070, %min3A_1088, %min3A_1106, %min3A_1124, %select_n3A_1072, %select_n3A_1090, %select_n3A_1108, %select_n3A_1126 : vector<128x128xf32>, vector<128x128xf32>, vector<128x128xf32>, vector<128x128xf32>, vector<128x128xi32>, vector<128x128xi32>, vector<128x128xi32>, vector<128x128xi32>
    }
    %scan3A_691 = arith.constant 16 : i32
    %lt3A_692 = arith.cmpf olt, %scan3A_690#1, %scan3A_690#0 : vector<128x128xf32>
    %eq3A_693 = arith.cmpf oeq, %scan3A_690#1, %scan3A_690#0 : vector<128x128xf32>
    %lt3A_694 = arith.cmpi slt, %scan3A_690#5, %scan3A_690#4 : vector<128x128xi32>
    %and3A_695 = arith.andi %eq3A_693, %lt3A_694 : vector<128x128xi1>
    %or3A_696 = arith.ori %lt3A_692, %and3A_695 : vector<128x128xi1>
    %min3A_697 = arith.minimumf %scan3A_690#0, %scan3A_690#1 : vector<128x128xf32>
    %select_n3A_698 = arith.select %or3A_696, %scan3A_690#5, %scan3A_690#4 : vector<128x128xi1>, vector<128x128xi32>
    %lt3A_699 = arith.cmpf olt, %scan3A_690#2, %min3A_697 : vector<128x128xf32>
    %eq3A_700 = arith.cmpf oeq, %scan3A_690#2, %min3A_697 : vector<128x128xf32>
    %lt3A_701 = arith.cmpi slt, %scan3A_690#6, %select_n3A_698 : vector<128x128xi32>
    %and3A_702 = arith.andi %eq3A_700, %lt3A_701 : vector<128x128xi1>
    %or3A_703 = arith.ori %lt3A_699, %and3A_702 : vector<128x128xi1>
    %min3A_704 = arith.minimumf %min3A_697, %scan3A_690#2 : vector<128x128xf32>
    %select_n3A_705 = arith.select %or3A_703, %scan3A_690#6, %select_n3A_698 : vector<128x128xi1>, vector<128x128xi32>
    %lt3A_706 = arith.cmpf olt, %scan3A_690#3, %min3A_704 : vector<128x128xf32>
    %eq3A_707 = arith.cmpf oeq, %scan3A_690#3, %min3A_704 : vector<128x128xf32>
    %lt3A_708 = arith.cmpi slt, %scan3A_690#7, %select_n3A_705 : vector<128x128xi32>
    %and3A_709 = arith.andi %eq3A_707, %lt3A_708 : vector<128x128xi1>
    %or3A_710 = arith.ori %lt3A_706, %and3A_709 : vector<128x128xi1>
    %min3A_711 = arith.minimumf %min3A_704, %scan3A_690#3 : vector<128x128xf32>
    %select_n3A_712 = arith.select %or3A_710, %scan3A_690#7, %select_n3A_705 : vector<128x128xi1>, vector<128x128xi32>
    %reduce_min3A_713 = arith.constant dense<0x7F800000> : vector<128xf32>
    %reduce_min3A_714 = vector.multi_reduction <minimumf>, %min3A_711, %reduce_min3A_713 [1] : vector<128x128xf32> to vector<128xf32>
    %broadcast_in_dim3A_715 = vector.shape_cast %reduce_min3A_714 : vector<128xf32> to vector<128x1xf32>
    %mul3A_716 = arith.constant 128 : i32
    %mul3A_717 = vector.broadcast %mul3A_716 : i32 to vector<128x128xi32>
    %mul3A_718 = arith.muli %select_n3A_712, %mul3A_717 : vector<128x128xi32>
    %add3A_719 = arith.addi %mul3A_718, %iota3A : vector<128x128xi32>
    %eq3A_720 = vector.broadcast %broadcast_in_dim3A_715 : vector<128x1xf32> to vector<128x128xf32>
    %eq3A_721 = arith.cmpf oeq, %min3A_711, %eq3A_720 : vector<128x128xf32>
    %jit3A_722 = arith.constant 1073741824 : i32
    %broadcast_in_dim3A_723 = vector.broadcast %jit3A_722 : i32 to vector<128x128xi32>
    %select_n3A_724 = arith.select %eq3A_721, %add3A_719, %broadcast_in_dim3A_723 : vector<128x128xi1>, vector<128x128xi32>
    %reduce_min3A_725 = arith.constant dense<2147483647> : vector<128xi32>
    %reduce_min3A_726 = vector.multi_reduction <minsi>, %select_n3A_724, %reduce_min3A_725 [1] : vector<128x128xi32> to vector<128xi32>
    %broadcast_in_dim3A_727 = vector.shape_cast %reduce_min3A_726 : vector<128xi32> to vector<128x1xi32>
    %swap3A_728 = arith.constant 0 : index
    %swap3A_729 = arith.constant 11 : index
    %swap3A_730 = vector.load %arg5[%swap3A_728, %swap3A_729] : memref<128x16xi32, #tpu.memory_space<vmem>>, vector<128x1xi32>
    tpu.vector_store %arg5[%swap3A_728, %swap3A_729], %broadcast_in_dim3A_727 {strides = array<i32>} : memref<128x16xi32, #tpu.memory_space<vmem>>, vector<128x1xi32>,
    %broadcast_in_dim3A_731 = arith.constant 0x7F800000 : f32
    %broadcast_in_dim3A_732 = vector.broadcast %broadcast_in_dim3A_731 : f32 to vector<128x128xf32>
    %broadcast_in_dim3A_733 = arith.constant 0x7F800000 : f32
    %broadcast_in_dim3A_734 = vector.broadcast %broadcast_in_dim3A_733 : f32 to vector<128x128xf32>
    %broadcast_in_dim3A_735 = arith.constant 0x7F800000 : f32
    %broadcast_in_dim3A_736 = vector.broadcast %broadcast_in_dim3A_735 : f32 to vector<128x128xf32>
    %broadcast_in_dim3A_737 = arith.constant 0x7F800000 : f32
    %broadcast_in_dim3A_738 = vector.broadcast %broadcast_in_dim3A_737 : f32 to vector<128x128xf32>
    %broadcast_in_dim3A_739 = arith.constant 0 : i32
    %broadcast_in_dim3A_740 = vector.broadcast %broadcast_in_dim3A_739 : i32 to vector<128x128xi32>
    %broadcast_in_dim3A_741 = arith.constant 0 : i32
    %broadcast_in_dim3A_742 = vector.broadcast %broadcast_in_dim3A_741 : i32 to vector<128x128xi32>
    %broadcast_in_dim3A_743 = arith.constant 0 : i32
    %broadcast_in_dim3A_744 = vector.broadcast %broadcast_in_dim3A_743 : i32 to vector<128x128xi32>
    %broadcast_in_dim3A_745 = arith.constant 0 : i32
    %broadcast_in_dim3A_746 = vector.broadcast %broadcast_in_dim3A_745 : i32 to vector<128x128xi32>
    %scan3A_747 = arith.constant 0 : i32
    %scan3A_748 = arith.constant 16 : i32
    %scan3A_749 = arith.addi %scan3A_747, %scan3A_748 : i32
    %scan3A_750 = arith.constant 1 : i32
    %scan3A_751:8 = scf.for %scan3A_975 = %scan3A_747 to %scan3A_749 step %scan3A_750 iter_args(%scan3A_976 = %broadcast_in_dim3A_732, %scan3A_977 = %broadcast_in_dim3A_734, %scan3A_978 = %broadcast_in_dim3A_736, %scan3A_979 = %broadcast_in_dim3A_738, %scan3A_980 = %broadcast_in_dim3A_740, %scan3A_981 = %broadcast_in_dim3A_742, %scan3A_982 = %broadcast_in_dim3A_744, %scan3A_983 = %broadcast_in_dim3A_746) -> (vector<128x128xf32>, vector<128x128xf32>, vector<128x128xf32>, vector<128x128xf32>, vector<128x128xi32>, vector<128x128xi32>, vector<128x128xi32>, vector<128x128xi32>)  : i32 {
      %mul3A_984 = arith.constant 8 : i32
      %mul3A_985 = arith.muli %scan3A_975, %mul3A_984 : i32
      %add3A_986 = arith.constant 0 : i32
      %add3A_987 = arith.addi %mul3A_985, %add3A_986 : i32
      %get3A_988 = arith.index_cast %add3A_987 : i32 to index
      %get3A_989 = arith.constant 0 : index
      %get3A_990 = arith.constant 0 : index
      %get3A_991 = vector.load %arg6[%get3A_988, %get3A_989, %get3A_990] : memref<128x128x128xf32, #tpu.memory_space<vmem>>, vector<1x128x128xf32>
      %get3A_992 = vector.shape_cast %get3A_991 : vector<1x128x128xf32> to vector<128x128xf32>
      %gt3A = vector.broadcast %broadcast_in_dim3A_715 : vector<128x1xf32> to vector<128x128xf32>
      %gt3A_993 = arith.cmpf ogt, %get3A_992, %gt3A : vector<128x128xf32>
      %jit3A_994 = arith.constant 0x7F800000 : f32
      %broadcast_in_dim3A_995 = vector.broadcast %jit3A_994 : f32 to vector<128x128xf32>
      %select_n3A_996 = arith.select %gt3A_993, %get3A_992, %broadcast_in_dim3A_995 : vector<128x128xi1>, vector<128x128xf32>
      %lt3A_997 = arith.cmpf olt, %select_n3A_996, %scan3A_976 : vector<128x128xf32>
      %min3A_998 = arith.minimumf %scan3A_976, %select_n3A_996 : vector<128x128xf32>
      %broadcast_in_dim3A_999 = vector.broadcast %add3A_987 : i32 to vector<128x128xi32>
      %select_n3A_1000 = arith.select %lt3A_997, %broadcast_in_dim3A_999, %scan3A_980 : vector<128x128xi1>, vector<128x128xi32>
      %mul3A_1001 = arith.constant 8 : i32
      %mul3A_1002 = arith.muli %scan3A_975, %mul3A_1001 : i32
      %add3A_1003 = arith.constant 1 : i32
      %add3A_1004 = arith.addi %mul3A_1002, %add3A_1003 : i32
      %get3A_1005 = arith.index_cast %add3A_1004 : i32 to index
      %get3A_1006 = arith.constant 0 : index
      %get3A_1007 = arith.constant 0 : index
      %get3A_1008 = vector.load %arg6[%get3A_1005, %get3A_1006, %get3A_1007] : memref<128x128x128xf32, #tpu.memory_space<vmem>>, vector<1x128x128xf32>
      %get3A_1009 = vector.shape_cast %get3A_1008 : vector<1x128x128xf32> to vector<128x128xf32>
      %gt3A_1010 = vector.broadcast %broadcast_in_dim3A_715 : vector<128x1xf32> to vector<128x128xf32>
      %gt3A_1011 = arith.cmpf ogt, %get3A_1009, %gt3A_1010 : vector<128x128xf32>
      %jit3A_1012 = arith.constant 0x7F800000 : f32
      %broadcast_in_dim3A_1013 = vector.broadcast %jit3A_1012 : f32 to vector<128x128xf32>
      %select_n3A_1014 = arith.select %gt3A_1011, %get3A_1009, %broadcast_in_dim3A_1013 : vector<128x128xi1>, vector<128x128xf32>
      %lt3A_1015 = arith.cmpf olt, %select_n3A_1014, %scan3A_977 : vector<128x128xf32>
      %min3A_1016 = arith.minimumf %scan3A_977, %select_n3A_1014 : vector<128x128xf32>
      %broadcast_in_dim3A_1017 = vector.broadcast %add3A_1004 : i32 to vector<128x128xi32>
      %select_n3A_1018 = arith.select %lt3A_1015, %broadcast_in_dim3A_1017, %scan3A_981 : vector<128x128xi1>, vector<128x128xi32>
      %mul3A_1019 = arith.constant 8 : i32
      %mul3A_1020 = arith.muli %scan3A_975, %mul3A_1019 : i32
      %add3A_1021 = arith.constant 2 : i32
      %add3A_1022 = arith.addi %mul3A_1020, %add3A_1021 : i32
      %get3A_1023 = arith.index_cast %add3A_1022 : i32 to index
      %get3A_1024 = arith.constant 0 : index
      %get3A_1025 = arith.constant 0 : index
      %get3A_1026 = vector.load %arg6[%get3A_1023, %get3A_1024, %get3A_1025] : memref<128x128x128xf32, #tpu.memory_space<vmem>>, vector<1x128x128xf32>
      %get3A_1027 = vector.shape_cast %get3A_1026 : vector<1x128x128xf32> to vector<128x128xf32>
      %gt3A_1028 = vector.broadcast %broadcast_in_dim3A_715 : vector<128x1xf32> to vector<128x128xf32>
      %gt3A_1029 = arith.cmpf ogt, %get3A_1027, %gt3A_1028 : vector<128x128xf32>
      %jit3A_1030 = arith.constant 0x7F800000 : f32
      %broadcast_in_dim3A_1031 = vector.broadcast %jit3A_1030 : f32 to vector<128x128xf32>
      %select_n3A_1032 = arith.select %gt3A_1029, %get3A_1027, %broadcast_in_dim3A_1031 : vector<128x128xi1>, vector<128x128xf32>
      %lt3A_1033 = arith.cmpf olt, %select_n3A_1032, %scan3A_978 : vector<128x128xf32>
      %min3A_1034 = arith.minimumf %scan3A_978, %select_n3A_1032 : vector<128x128xf32>
      %broadcast_in_dim3A_1035 = vector.broadcast %add3A_1022 : i32 to vector<128x128xi32>
      %select_n3A_1036 = arith.select %lt3A_1033, %broadcast_in_dim3A_1035, %scan3A_982 : vector<128x128xi1>, vector<128x128xi32>
      %mul3A_1037 = arith.constant 8 : i32
      %mul3A_1038 = arith.muli %scan3A_975, %mul3A_1037 : i32
      %add3A_1039 = arith.constant 3 : i32
      %add3A_1040 = arith.addi %mul3A_1038, %add3A_1039 : i32
      %get3A_1041 = arith.index_cast %add3A_1040 : i32 to index
      %get3A_1042 = arith.constant 0 : index
      %get3A_1043 = arith.constant 0 : index
      %get3A_1044 = vector.load %arg6[%get3A_1041, %get3A_1042, %get3A_1043] : memref<128x128x128xf32, #tpu.memory_space<vmem>>, vector<1x128x128xf32>
      %get3A_1045 = vector.shape_cast %get3A_1044 : vector<1x128x128xf32> to vector<128x128xf32>
      %gt3A_1046 = vector.broadcast %broadcast_in_dim3A_715 : vector<128x1xf32> to vector<128x128xf32>
      %gt3A_1047 = arith.cmpf ogt, %get3A_1045, %gt3A_1046 : vector<128x128xf32>
      %jit3A_1048 = arith.constant 0x7F800000 : f32
      %broadcast_in_dim3A_1049 = vector.broadcast %jit3A_1048 : f32 to vector<128x128xf32>
      %select_n3A_1050 = arith.select %gt3A_1047, %get3A_1045, %broadcast_in_dim3A_1049 : vector<128x128xi1>, vector<128x128xf32>
      %lt3A_1051 = arith.cmpf olt, %select_n3A_1050, %scan3A_979 : vector<128x128xf32>
      %min3A_1052 = arith.minimumf %scan3A_979, %select_n3A_1050 : vector<128x128xf32>
      %broadcast_in_dim3A_1053 = vector.broadcast %add3A_1040 : i32 to vector<128x128xi32>
      %select_n3A_1054 = arith.select %lt3A_1051, %broadcast_in_dim3A_1053, %scan3A_983 : vector<128x128xi1>, vector<128x128xi32>
      %mul3A_1055 = arith.constant 8 : i32
      %mul3A_1056 = arith.muli %scan3A_975, %mul3A_1055 : i32
      %add3A_1057 = arith.constant 4 : i32
      %add3A_1058 = arith.addi %mul3A_1056, %add3A_1057 : i32
      %get3A_1059 = arith.index_cast %add3A_1058 : i32 to index
      %get3A_1060 = arith.constant 0 : index
      %get3A_1061 = arith.constant 0 : index
      %get3A_1062 = vector.load %arg6[%get3A_1059, %get3A_1060, %get3A_1061] : memref<128x128x128xf32, #tpu.memory_space<vmem>>, vector<1x128x128xf32>
      %get3A_1063 = vector.shape_cast %get3A_1062 : vector<1x128x128xf32> to vector<128x128xf32>
      %gt3A_1064 = vector.broadcast %broadcast_in_dim3A_715 : vector<128x1xf32> to vector<128x128xf32>
      %gt3A_1065 = arith.cmpf ogt, %get3A_1063, %gt3A_1064 : vector<128x128xf32>
      %jit3A_1066 = arith.constant 0x7F800000 : f32
      %broadcast_in_dim3A_1067 = vector.broadcast %jit3A_1066 : f32 to vector<128x128xf32>
      %select_n3A_1068 = arith.select %gt3A_1065, %get3A_1063, %broadcast_in_dim3A_1067 : vector<128x128xi1>, vector<128x128xf32>
      %lt3A_1069 = arith.cmpf olt, %select_n3A_1068, %min3A_998 : vector<128x128xf32>
      %min3A_1070 = arith.minimumf %min3A_998, %select_n3A_1068 : vector<128x128xf32>
      %broadcast_in_dim3A_1071 = vector.broadcast %add3A_1058 : i32 to vector<128x128xi32>
      %select_n3A_1072 = arith.select %lt3A_1069, %broadcast_in_dim3A_1071, %select_n3A_1000 : vector<128x128xi1>, vector<128x128xi32>
      %mul3A_1073 = arith.constant 8 : i32
      %mul3A_1074 = arith.muli %scan3A_975, %mul3A_1073 : i32
      %add3A_1075 = arith.constant 5 : i32
      %add3A_1076 = arith.addi %mul3A_1074, %add3A_1075 : i32
      %get3A_1077 = arith.index_cast %add3A_1076 : i32 to index
      %get3A_1078 = arith.constant 0 : index
      %get3A_1079 = arith.constant 0 : index
      %get3A_1080 = vector.load %arg6[%get3A_1077, %get3A_1078, %get3A_1079] : memref<128x128x128xf32, #tpu.memory_space<vmem>>, vector<1x128x128xf32>
      %get3A_1081 = vector.shape_cast %get3A_1080 : vector<1x128x128xf32> to vector<128x128xf32>
      %gt3A_1082 = vector.broadcast %broadcast_in_dim3A_715 : vector<128x1xf32> to vector<128x128xf32>
      %gt3A_1083 = arith.cmpf ogt, %get3A_1081, %gt3A_1082 : vector<128x128xf32>
      %jit3A_1084 = arith.constant 0x7F800000 : f32
      %broadcast_in_dim3A_1085 = vector.broadcast %jit3A_1084 : f32 to vector<128x128xf32>
      %select_n3A_1086 = arith.select %gt3A_1083, %get3A_1081, %broadcast_in_dim3A_1085 : vector<128x128xi1>, vector<128x128xf32>
      %lt3A_1087 = arith.cmpf olt, %select_n3A_1086, %min3A_1016 : vector<128x128xf32>
      %min3A_1088 = arith.minimumf %min3A_1016, %select_n3A_1086 : vector<128x128xf32>
      %broadcast_in_dim3A_1089 = vector.broadcast %add3A_1076 : i32 to vector<128x128xi32>
      %select_n3A_1090 = arith.select %lt3A_1087, %broadcast_in_dim3A_1089, %select_n3A_1018 : vector<128x128xi1>, vector<128x128xi32>
      %mul3A_1091 = arith.constant 8 : i32
      %mul3A_1092 = arith.muli %scan3A_975, %mul3A_1091 : i32
      %add3A_1093 = arith.constant 6 : i32
      %add3A_1094 = arith.addi %mul3A_1092, %add3A_1093 : i32
      %get3A_1095 = arith.index_cast %add3A_1094 : i32 to index
      %get3A_1096 = arith.constant 0 : index
      %get3A_1097 = arith.constant 0 : index
      %get3A_1098 = vector.load %arg6[%get3A_1095, %get3A_1096, %get3A_1097] : memref<128x128x128xf32, #tpu.memory_space<vmem>>, vector<1x128x128xf32>
      %get3A_1099 = vector.shape_cast %get3A_1098 : vector<1x128x128xf32> to vector<128x128xf32>
      %gt3A_1100 = vector.broadcast %broadcast_in_dim3A_715 : vector<128x1xf32> to vector<128x128xf32>
      %gt3A_1101 = arith.cmpf ogt, %get3A_1099, %gt3A_1100 : vector<128x128xf32>
      %jit3A_1102 = arith.constant 0x7F800000 : f32
      %broadcast_in_dim3A_1103 = vector.broadcast %jit3A_1102 : f32 to vector<128x128xf32>
      %select_n3A_1104 = arith.select %gt3A_1101, %get3A_1099, %broadcast_in_dim3A_1103 : vector<128x128xi1>, vector<128x128xf32>
      %lt3A_1105 = arith.cmpf olt, %select_n3A_1104, %min3A_1034 : vector<128x128xf32>
      %min3A_1106 = arith.minimumf %min3A_1034, %select_n3A_1104 : vector<128x128xf32>
      %broadcast_in_dim3A_1107 = vector.broadcast %add3A_1094 : i32 to vector<128x128xi32>
      %select_n3A_1108 = arith.select %lt3A_1105, %broadcast_in_dim3A_1107, %select_n3A_1036 : vector<128x128xi1>, vector<128x128xi32>
      %mul3A_1109 = arith.constant 8 : i32
      %mul3A_1110 = arith.muli %scan3A_975, %mul3A_1109 : i32
      %add3A_1111 = arith.constant 7 : i32
      %add3A_1112 = arith.addi %mul3A_1110, %add3A_1111 : i32
      %get3A_1113 = arith.index_cast %add3A_1112 : i32 to index
      %get3A_1114 = arith.constant 0 : index
      %get3A_1115 = arith.constant 0 : index
      %get3A_1116 = vector.load %arg6[%get3A_1113, %get3A_1114, %get3A_1115] : memref<128x128x128xf32, #tpu.memory_space<vmem>>, vector<1x128x128xf32>
      %get3A_1117 = vector.shape_cast %get3A_1116 : vector<1x128x128xf32> to vector<128x128xf32>
      %gt3A_1118 = vector.broadcast %broadcast_in_dim3A_715 : vector<128x1xf32> to vector<128x128xf32>
      %gt3A_1119 = arith.cmpf ogt, %get3A_1117, %gt3A_1118 : vector<128x128xf32>
      %jit3A_1120 = arith.constant 0x7F800000 : f32
      %broadcast_in_dim3A_1121 = vector.broadcast %jit3A_1120 : f32 to vector<128x128xf32>
      %select_n3A_1122 = arith.select %gt3A_1119, %get3A_1117, %broadcast_in_dim3A_1121 : vector<128x128xi1>, vector<128x128xf32>
      %lt3A_1123 = arith.cmpf olt, %select_n3A_1122, %min3A_1052 : vector<128x128xf32>
      %min3A_1124 = arith.minimumf %min3A_1052, %select_n3A_1122 : vector<128x128xf32>
      %broadcast_in_dim3A_1125 = vector.broadcast %add3A_1112 : i32 to vector<128x128xi32>
      %select_n3A_1126 = arith.select %lt3A_1123, %broadcast_in_dim3A_1125, %select_n3A_1054 : vector<128x128xi1>, vector<128x128xi32>
      scf.yield %min3A_1070, %min3A_1088, %min3A_1106, %min3A_1124, %select_n3A_1072, %select_n3A_1090, %select_n3A_1108, %select_n3A_1126 : vector<128x128xf32>, vector<128x128xf32>, vector<128x128xf32>, vector<128x128xf32>, vector<128x128xi32>, vector<128x128xi32>, vector<128x128xi32>, vector<128x128xi32>
    }
    %scan3A_752 = arith.constant 16 : i32
    %lt3A_753 = arith.cmpf olt, %scan3A_751#1, %scan3A_751#0 : vector<128x128xf32>
    %eq3A_754 = arith.cmpf oeq, %scan3A_751#1, %scan3A_751#0 : vector<128x128xf32>
    %lt3A_755 = arith.cmpi slt, %scan3A_751#5, %scan3A_751#4 : vector<128x128xi32>
    %and3A_756 = arith.andi %eq3A_754, %lt3A_755 : vector<128x128xi1>
    %or3A_757 = arith.ori %lt3A_753, %and3A_756 : vector<128x128xi1>
    %min3A_758 = arith.minimumf %scan3A_751#0, %scan3A_751#1 : vector<128x128xf32>
    %select_n3A_759 = arith.select %or3A_757, %scan3A_751#5, %scan3A_751#4 : vector<128x128xi1>, vector<128x128xi32>
    %lt3A_760 = arith.cmpf olt, %scan3A_751#2, %min3A_758 : vector<128x128xf32>
    %eq3A_761 = arith.cmpf oeq, %scan3A_751#2, %min3A_758 : vector<128x128xf32>
    %lt3A_762 = arith.cmpi slt, %scan3A_751#6, %select_n3A_759 : vector<128x128xi32>
    %and3A_763 = arith.andi %eq3A_761, %lt3A_762 : vector<128x128xi1>
    %or3A_764 = arith.ori %lt3A_760, %and3A_763 : vector<128x128xi1>
    %min3A_765 = arith.minimumf %min3A_758, %scan3A_751#2 : vector<128x128xf32>
    %select_n3A_766 = arith.select %or3A_764, %scan3A_751#6, %select_n3A_759 : vector<128x128xi1>, vector<128x128xi32>
    %lt3A_767 = arith.cmpf olt, %scan3A_751#3, %min3A_765 : vector<128x128xf32>
    %eq3A_768 = arith.cmpf oeq, %scan3A_751#3, %min3A_765 : vector<128x128xf32>
    %lt3A_769 = arith.cmpi slt, %scan3A_751#7, %select_n3A_766 : vector<128x128xi32>
    %and3A_770 = arith.andi %eq3A_768, %lt3A_769 : vector<128x128xi1>
    %or3A_771 = arith.ori %lt3A_767, %and3A_770 : vector<128x128xi1>
    %min3A_772 = arith.minimumf %min3A_765, %scan3A_751#3 : vector<128x128xf32>
    %select_n3A_773 = arith.select %or3A_771, %scan3A_751#7, %select_n3A_766 : vector<128x128xi1>, vector<128x128xi32>
    %reduce_min3A_774 = arith.constant dense<0x7F800000> : vector<128xf32>
    %reduce_min3A_775 = vector.multi_reduction <minimumf>, %min3A_772, %reduce_min3A_774 [1] : vector<128x128xf32> to vector<128xf32>
    %broadcast_in_dim3A_776 = vector.shape_cast %reduce_min3A_775 : vector<128xf32> to vector<128x1xf32>
    %mul3A_777 = arith.constant 128 : i32
    %mul3A_778 = vector.broadcast %mul3A_777 : i32 to vector<128x128xi32>
    %mul3A_779 = arith.muli %select_n3A_773, %mul3A_778 : vector<128x128xi32>
    %add3A_780 = arith.addi %mul3A_779, %iota3A : vector<128x128xi32>
    %eq3A_781 = vector.broadcast %broadcast_in_dim3A_776 : vector<128x1xf32> to vector<128x128xf32>
    %eq3A_782 = arith.cmpf oeq, %min3A_772, %eq3A_781 : vector<128x128xf32>
    %jit3A_783 = arith.constant 1073741824 : i32
    %broadcast_in_dim3A_784 = vector.broadcast %jit3A_783 : i32 to vector<128x128xi32>
    %select_n3A_785 = arith.select %eq3A_782, %add3A_780, %broadcast_in_dim3A_784 : vector<128x128xi1>, vector<128x128xi32>
    %reduce_min3A_786 = arith.constant dense<2147483647> : vector<128xi32>
    %reduce_min3A_787 = vector.multi_reduction <minsi>, %select_n3A_785, %reduce_min3A_786 [1] : vector<128x128xi32> to vector<128xi32>
    %broadcast_in_dim3A_788 = vector.shape_cast %reduce_min3A_787 : vector<128xi32> to vector<128x1xi32>
    %swap3A_789 = arith.constant 0 : index
    %swap3A_790 = arith.constant 12 : index
    %swap3A_791 = vector.load %arg5[%swap3A_789, %swap3A_790] : memref<128x16xi32, #tpu.memory_space<vmem>>, vector<128x1xi32>
    tpu.vector_store %arg5[%swap3A_789, %swap3A_790], %broadcast_in_dim3A_788 {strides = array<i32>} : memref<128x16xi32, #tpu.memory_space<vmem>>, vector<128x1xi32>,
    %broadcast_in_dim3A_792 = arith.constant 0x7F800000 : f32
    %broadcast_in_dim3A_793 = vector.broadcast %broadcast_in_dim3A_792 : f32 to vector<128x128xf32>
    %broadcast_in_dim3A_794 = arith.constant 0x7F800000 : f32
    %broadcast_in_dim3A_795 = vector.broadcast %broadcast_in_dim3A_794 : f32 to vector<128x128xf32>
    %broadcast_in_dim3A_796 = arith.constant 0x7F800000 : f32
    %broadcast_in_dim3A_797 = vector.broadcast %broadcast_in_dim3A_796 : f32 to vector<128x128xf32>
    %broadcast_in_dim3A_798 = arith.constant 0x7F800000 : f32
    %broadcast_in_dim3A_799 = vector.broadcast %broadcast_in_dim3A_798 : f32 to vector<128x128xf32>
    %broadcast_in_dim3A_800 = arith.constant 0 : i32
    %broadcast_in_dim3A_801 = vector.broadcast %broadcast_in_dim3A_800 : i32 to vector<128x128xi32>
    %broadcast_in_dim3A_802 = arith.constant 0 : i32
    %broadcast_in_dim3A_803 = vector.broadcast %broadcast_in_dim3A_802 : i32 to vector<128x128xi32>
    %broadcast_in_dim3A_804 = arith.constant 0 : i32
    %broadcast_in_dim3A_805 = vector.broadcast %broadcast_in_dim3A_804 : i32 to vector<128x128xi32>
    %broadcast_in_dim3A_806 = arith.constant 0 : i32
    %broadcast_in_dim3A_807 = vector.broadcast %broadcast_in_dim3A_806 : i32 to vector<128x128xi32>
    %scan3A_808 = arith.constant 0 : i32
    %scan3A_809 = arith.constant 16 : i32
    %scan3A_810 = arith.addi %scan3A_808, %scan3A_809 : i32
    %scan3A_811 = arith.constant 1 : i32
    %scan3A_812:8 = scf.for %scan3A_975 = %scan3A_808 to %scan3A_810 step %scan3A_811 iter_args(%scan3A_976 = %broadcast_in_dim3A_793, %scan3A_977 = %broadcast_in_dim3A_795, %scan3A_978 = %broadcast_in_dim3A_797, %scan3A_979 = %broadcast_in_dim3A_799, %scan3A_980 = %broadcast_in_dim3A_801, %scan3A_981 = %broadcast_in_dim3A_803, %scan3A_982 = %broadcast_in_dim3A_805, %scan3A_983 = %broadcast_in_dim3A_807) -> (vector<128x128xf32>, vector<128x128xf32>, vector<128x128xf32>, vector<128x128xf32>, vector<128x128xi32>, vector<128x128xi32>, vector<128x128xi32>, vector<128x128xi32>)  : i32 {
      %mul3A_984 = arith.constant 8 : i32
      %mul3A_985 = arith.muli %scan3A_975, %mul3A_984 : i32
      %add3A_986 = arith.constant 0 : i32
      %add3A_987 = arith.addi %mul3A_985, %add3A_986 : i32
      %get3A_988 = arith.index_cast %add3A_987 : i32 to index
      %get3A_989 = arith.constant 0 : index
      %get3A_990 = arith.constant 0 : index
      %get3A_991 = vector.load %arg6[%get3A_988, %get3A_989, %get3A_990] : memref<128x128x128xf32, #tpu.memory_space<vmem>>, vector<1x128x128xf32>
      %get3A_992 = vector.shape_cast %get3A_991 : vector<1x128x128xf32> to vector<128x128xf32>
      %gt3A = vector.broadcast %broadcast_in_dim3A_776 : vector<128x1xf32> to vector<128x128xf32>
      %gt3A_993 = arith.cmpf ogt, %get3A_992, %gt3A : vector<128x128xf32>
      %jit3A_994 = arith.constant 0x7F800000 : f32
      %broadcast_in_dim3A_995 = vector.broadcast %jit3A_994 : f32 to vector<128x128xf32>
      %select_n3A_996 = arith.select %gt3A_993, %get3A_992, %broadcast_in_dim3A_995 : vector<128x128xi1>, vector<128x128xf32>
      %lt3A_997 = arith.cmpf olt, %select_n3A_996, %scan3A_976 : vector<128x128xf32>
      %min3A_998 = arith.minimumf %scan3A_976, %select_n3A_996 : vector<128x128xf32>
      %broadcast_in_dim3A_999 = vector.broadcast %add3A_987 : i32 to vector<128x128xi32>
      %select_n3A_1000 = arith.select %lt3A_997, %broadcast_in_dim3A_999, %scan3A_980 : vector<128x128xi1>, vector<128x128xi32>
      %mul3A_1001 = arith.constant 8 : i32
      %mul3A_1002 = arith.muli %scan3A_975, %mul3A_1001 : i32
      %add3A_1003 = arith.constant 1 : i32
      %add3A_1004 = arith.addi %mul3A_1002, %add3A_1003 : i32
      %get3A_1005 = arith.index_cast %add3A_1004 : i32 to index
      %get3A_1006 = arith.constant 0 : index
      %get3A_1007 = arith.constant 0 : index
      %get3A_1008 = vector.load %arg6[%get3A_1005, %get3A_1006, %get3A_1007] : memref<128x128x128xf32, #tpu.memory_space<vmem>>, vector<1x128x128xf32>
      %get3A_1009 = vector.shape_cast %get3A_1008 : vector<1x128x128xf32> to vector<128x128xf32>
      %gt3A_1010 = vector.broadcast %broadcast_in_dim3A_776 : vector<128x1xf32> to vector<128x128xf32>
      %gt3A_1011 = arith.cmpf ogt, %get3A_1009, %gt3A_1010 : vector<128x128xf32>
      %jit3A_1012 = arith.constant 0x7F800000 : f32
      %broadcast_in_dim3A_1013 = vector.broadcast %jit3A_1012 : f32 to vector<128x128xf32>
      %select_n3A_1014 = arith.select %gt3A_1011, %get3A_1009, %broadcast_in_dim3A_1013 : vector<128x128xi1>, vector<128x128xf32>
      %lt3A_1015 = arith.cmpf olt, %select_n3A_1014, %scan3A_977 : vector<128x128xf32>
      %min3A_1016 = arith.minimumf %scan3A_977, %select_n3A_1014 : vector<128x128xf32>
      %broadcast_in_dim3A_1017 = vector.broadcast %add3A_1004 : i32 to vector<128x128xi32>
      %select_n3A_1018 = arith.select %lt3A_1015, %broadcast_in_dim3A_1017, %scan3A_981 : vector<128x128xi1>, vector<128x128xi32>
      %mul3A_1019 = arith.constant 8 : i32
      %mul3A_1020 = arith.muli %scan3A_975, %mul3A_1019 : i32
      %add3A_1021 = arith.constant 2 : i32
      %add3A_1022 = arith.addi %mul3A_1020, %add3A_1021 : i32
      %get3A_1023 = arith.index_cast %add3A_1022 : i32 to index
      %get3A_1024 = arith.constant 0 : index
      %get3A_1025 = arith.constant 0 : index
      %get3A_1026 = vector.load %arg6[%get3A_1023, %get3A_1024, %get3A_1025] : memref<128x128x128xf32, #tpu.memory_space<vmem>>, vector<1x128x128xf32>
      %get3A_1027 = vector.shape_cast %get3A_1026 : vector<1x128x128xf32> to vector<128x128xf32>
      %gt3A_1028 = vector.broadcast %broadcast_in_dim3A_776 : vector<128x1xf32> to vector<128x128xf32>
      %gt3A_1029 = arith.cmpf ogt, %get3A_1027, %gt3A_1028 : vector<128x128xf32>
      %jit3A_1030 = arith.constant 0x7F800000 : f32
      %broadcast_in_dim3A_1031 = vector.broadcast %jit3A_1030 : f32 to vector<128x128xf32>
      %select_n3A_1032 = arith.select %gt3A_1029, %get3A_1027, %broadcast_in_dim3A_1031 : vector<128x128xi1>, vector<128x128xf32>
      %lt3A_1033 = arith.cmpf olt, %select_n3A_1032, %scan3A_978 : vector<128x128xf32>
      %min3A_1034 = arith.minimumf %scan3A_978, %select_n3A_1032 : vector<128x128xf32>
      %broadcast_in_dim3A_1035 = vector.broadcast %add3A_1022 : i32 to vector<128x128xi32>
      %select_n3A_1036 = arith.select %lt3A_1033, %broadcast_in_dim3A_1035, %scan3A_982 : vector<128x128xi1>, vector<128x128xi32>
      %mul3A_1037 = arith.constant 8 : i32
      %mul3A_1038 = arith.muli %scan3A_975, %mul3A_1037 : i32
      %add3A_1039 = arith.constant 3 : i32
      %add3A_1040 = arith.addi %mul3A_1038, %add3A_1039 : i32
      %get3A_1041 = arith.index_cast %add3A_1040 : i32 to index
      %get3A_1042 = arith.constant 0 : index
      %get3A_1043 = arith.constant 0 : index
      %get3A_1044 = vector.load %arg6[%get3A_1041, %get3A_1042, %get3A_1043] : memref<128x128x128xf32, #tpu.memory_space<vmem>>, vector<1x128x128xf32>
      %get3A_1045 = vector.shape_cast %get3A_1044 : vector<1x128x128xf32> to vector<128x128xf32>
      %gt3A_1046 = vector.broadcast %broadcast_in_dim3A_776 : vector<128x1xf32> to vector<128x128xf32>
      %gt3A_1047 = arith.cmpf ogt, %get3A_1045, %gt3A_1046 : vector<128x128xf32>
      %jit3A_1048 = arith.constant 0x7F800000 : f32
      %broadcast_in_dim3A_1049 = vector.broadcast %jit3A_1048 : f32 to vector<128x128xf32>
      %select_n3A_1050 = arith.select %gt3A_1047, %get3A_1045, %broadcast_in_dim3A_1049 : vector<128x128xi1>, vector<128x128xf32>
      %lt3A_1051 = arith.cmpf olt, %select_n3A_1050, %scan3A_979 : vector<128x128xf32>
      %min3A_1052 = arith.minimumf %scan3A_979, %select_n3A_1050 : vector<128x128xf32>
      %broadcast_in_dim3A_1053 = vector.broadcast %add3A_1040 : i32 to vector<128x128xi32>
      %select_n3A_1054 = arith.select %lt3A_1051, %broadcast_in_dim3A_1053, %scan3A_983 : vector<128x128xi1>, vector<128x128xi32>
      %mul3A_1055 = arith.constant 8 : i32
      %mul3A_1056 = arith.muli %scan3A_975, %mul3A_1055 : i32
      %add3A_1057 = arith.constant 4 : i32
      %add3A_1058 = arith.addi %mul3A_1056, %add3A_1057 : i32
      %get3A_1059 = arith.index_cast %add3A_1058 : i32 to index
      %get3A_1060 = arith.constant 0 : index
      %get3A_1061 = arith.constant 0 : index
      %get3A_1062 = vector.load %arg6[%get3A_1059, %get3A_1060, %get3A_1061] : memref<128x128x128xf32, #tpu.memory_space<vmem>>, vector<1x128x128xf32>
      %get3A_1063 = vector.shape_cast %get3A_1062 : vector<1x128x128xf32> to vector<128x128xf32>
      %gt3A_1064 = vector.broadcast %broadcast_in_dim3A_776 : vector<128x1xf32> to vector<128x128xf32>
      %gt3A_1065 = arith.cmpf ogt, %get3A_1063, %gt3A_1064 : vector<128x128xf32>
      %jit3A_1066 = arith.constant 0x7F800000 : f32
      %broadcast_in_dim3A_1067 = vector.broadcast %jit3A_1066 : f32 to vector<128x128xf32>
      %select_n3A_1068 = arith.select %gt3A_1065, %get3A_1063, %broadcast_in_dim3A_1067 : vector<128x128xi1>, vector<128x128xf32>
      %lt3A_1069 = arith.cmpf olt, %select_n3A_1068, %min3A_998 : vector<128x128xf32>
      %min3A_1070 = arith.minimumf %min3A_998, %select_n3A_1068 : vector<128x128xf32>
      %broadcast_in_dim3A_1071 = vector.broadcast %add3A_1058 : i32 to vector<128x128xi32>
      %select_n3A_1072 = arith.select %lt3A_1069, %broadcast_in_dim3A_1071, %select_n3A_1000 : vector<128x128xi1>, vector<128x128xi32>
      %mul3A_1073 = arith.constant 8 : i32
      %mul3A_1074 = arith.muli %scan3A_975, %mul3A_1073 : i32
      %add3A_1075 = arith.constant 5 : i32
      %add3A_1076 = arith.addi %mul3A_1074, %add3A_1075 : i32
      %get3A_1077 = arith.index_cast %add3A_1076 : i32 to index
      %get3A_1078 = arith.constant 0 : index
      %get3A_1079 = arith.constant 0 : index
      %get3A_1080 = vector.load %arg6[%get3A_1077, %get3A_1078, %get3A_1079] : memref<128x128x128xf32, #tpu.memory_space<vmem>>, vector<1x128x128xf32>
      %get3A_1081 = vector.shape_cast %get3A_1080 : vector<1x128x128xf32> to vector<128x128xf32>
      %gt3A_1082 = vector.broadcast %broadcast_in_dim3A_776 : vector<128x1xf32> to vector<128x128xf32>
      %gt3A_1083 = arith.cmpf ogt, %get3A_1081, %gt3A_1082 : vector<128x128xf32>
      %jit3A_1084 = arith.constant 0x7F800000 : f32
      %broadcast_in_dim3A_1085 = vector.broadcast %jit3A_1084 : f32 to vector<128x128xf32>
      %select_n3A_1086 = arith.select %gt3A_1083, %get3A_1081, %broadcast_in_dim3A_1085 : vector<128x128xi1>, vector<128x128xf32>
      %lt3A_1087 = arith.cmpf olt, %select_n3A_1086, %min3A_1016 : vector<128x128xf32>
      %min3A_1088 = arith.minimumf %min3A_1016, %select_n3A_1086 : vector<128x128xf32>
      %broadcast_in_dim3A_1089 = vector.broadcast %add3A_1076 : i32 to vector<128x128xi32>
      %select_n3A_1090 = arith.select %lt3A_1087, %broadcast_in_dim3A_1089, %select_n3A_1018 : vector<128x128xi1>, vector<128x128xi32>
      %mul3A_1091 = arith.constant 8 : i32
      %mul3A_1092 = arith.muli %scan3A_975, %mul3A_1091 : i32
      %add3A_1093 = arith.constant 6 : i32
      %add3A_1094 = arith.addi %mul3A_1092, %add3A_1093 : i32
      %get3A_1095 = arith.index_cast %add3A_1094 : i32 to index
      %get3A_1096 = arith.constant 0 : index
      %get3A_1097 = arith.constant 0 : index
      %get3A_1098 = vector.load %arg6[%get3A_1095, %get3A_1096, %get3A_1097] : memref<128x128x128xf32, #tpu.memory_space<vmem>>, vector<1x128x128xf32>
      %get3A_1099 = vector.shape_cast %get3A_1098 : vector<1x128x128xf32> to vector<128x128xf32>
      %gt3A_1100 = vector.broadcast %broadcast_in_dim3A_776 : vector<128x1xf32> to vector<128x128xf32>
      %gt3A_1101 = arith.cmpf ogt, %get3A_1099, %gt3A_1100 : vector<128x128xf32>
      %jit3A_1102 = arith.constant 0x7F800000 : f32
      %broadcast_in_dim3A_1103 = vector.broadcast %jit3A_1102 : f32 to vector<128x128xf32>
      %select_n3A_1104 = arith.select %gt3A_1101, %get3A_1099, %broadcast_in_dim3A_1103 : vector<128x128xi1>, vector<128x128xf32>
      %lt3A_1105 = arith.cmpf olt, %select_n3A_1104, %min3A_1034 : vector<128x128xf32>
      %min3A_1106 = arith.minimumf %min3A_1034, %select_n3A_1104 : vector<128x128xf32>
      %broadcast_in_dim3A_1107 = vector.broadcast %add3A_1094 : i32 to vector<128x128xi32>
      %select_n3A_1108 = arith.select %lt3A_1105, %broadcast_in_dim3A_1107, %select_n3A_1036 : vector<128x128xi1>, vector<128x128xi32>
      %mul3A_1109 = arith.constant 8 : i32
      %mul3A_1110 = arith.muli %scan3A_975, %mul3A_1109 : i32
      %add3A_1111 = arith.constant 7 : i32
      %add3A_1112 = arith.addi %mul3A_1110, %add3A_1111 : i32
      %get3A_1113 = arith.index_cast %add3A_1112 : i32 to index
      %get3A_1114 = arith.constant 0 : index
      %get3A_1115 = arith.constant 0 : index
      %get3A_1116 = vector.load %arg6[%get3A_1113, %get3A_1114, %get3A_1115] : memref<128x128x128xf32, #tpu.memory_space<vmem>>, vector<1x128x128xf32>
      %get3A_1117 = vector.shape_cast %get3A_1116 : vector<1x128x128xf32> to vector<128x128xf32>
      %gt3A_1118 = vector.broadcast %broadcast_in_dim3A_776 : vector<128x1xf32> to vector<128x128xf32>
      %gt3A_1119 = arith.cmpf ogt, %get3A_1117, %gt3A_1118 : vector<128x128xf32>
      %jit3A_1120 = arith.constant 0x7F800000 : f32
      %broadcast_in_dim3A_1121 = vector.broadcast %jit3A_1120 : f32 to vector<128x128xf32>
      %select_n3A_1122 = arith.select %gt3A_1119, %get3A_1117, %broadcast_in_dim3A_1121 : vector<128x128xi1>, vector<128x128xf32>
      %lt3A_1123 = arith.cmpf olt, %select_n3A_1122, %min3A_1052 : vector<128x128xf32>
      %min3A_1124 = arith.minimumf %min3A_1052, %select_n3A_1122 : vector<128x128xf32>
      %broadcast_in_dim3A_1125 = vector.broadcast %add3A_1112 : i32 to vector<128x128xi32>
      %select_n3A_1126 = arith.select %lt3A_1123, %broadcast_in_dim3A_1125, %select_n3A_1054 : vector<128x128xi1>, vector<128x128xi32>
      scf.yield %min3A_1070, %min3A_1088, %min3A_1106, %min3A_1124, %select_n3A_1072, %select_n3A_1090, %select_n3A_1108, %select_n3A_1126 : vector<128x128xf32>, vector<128x128xf32>, vector<128x128xf32>, vector<128x128xf32>, vector<128x128xi32>, vector<128x128xi32>, vector<128x128xi32>, vector<128x128xi32>
    }
    %scan3A_813 = arith.constant 16 : i32
    %lt3A_814 = arith.cmpf olt, %scan3A_812#1, %scan3A_812#0 : vector<128x128xf32>
    %eq3A_815 = arith.cmpf oeq, %scan3A_812#1, %scan3A_812#0 : vector<128x128xf32>
    %lt3A_816 = arith.cmpi slt, %scan3A_812#5, %scan3A_812#4 : vector<128x128xi32>
    %and3A_817 = arith.andi %eq3A_815, %lt3A_816 : vector<128x128xi1>
    %or3A_818 = arith.ori %lt3A_814, %and3A_817 : vector<128x128xi1>
    %min3A_819 = arith.minimumf %scan3A_812#0, %scan3A_812#1 : vector<128x128xf32>
    %select_n3A_820 = arith.select %or3A_818, %scan3A_812#5, %scan3A_812#4 : vector<128x128xi1>, vector<128x128xi32>
    %lt3A_821 = arith.cmpf olt, %scan3A_812#2, %min3A_819 : vector<128x128xf32>
    %eq3A_822 = arith.cmpf oeq, %scan3A_812#2, %min3A_819 : vector<128x128xf32>
    %lt3A_823 = arith.cmpi slt, %scan3A_812#6, %select_n3A_820 : vector<128x128xi32>
    %and3A_824 = arith.andi %eq3A_822, %lt3A_823 : vector<128x128xi1>
    %or3A_825 = arith.ori %lt3A_821, %and3A_824 : vector<128x128xi1>
    %min3A_826 = arith.minimumf %min3A_819, %scan3A_812#2 : vector<128x128xf32>
    %select_n3A_827 = arith.select %or3A_825, %scan3A_812#6, %select_n3A_820 : vector<128x128xi1>, vector<128x128xi32>
    %lt3A_828 = arith.cmpf olt, %scan3A_812#3, %min3A_826 : vector<128x128xf32>
    %eq3A_829 = arith.cmpf oeq, %scan3A_812#3, %min3A_826 : vector<128x128xf32>
    %lt3A_830 = arith.cmpi slt, %scan3A_812#7, %select_n3A_827 : vector<128x128xi32>
    %and3A_831 = arith.andi %eq3A_829, %lt3A_830 : vector<128x128xi1>
    %or3A_832 = arith.ori %lt3A_828, %and3A_831 : vector<128x128xi1>
    %min3A_833 = arith.minimumf %min3A_826, %scan3A_812#3 : vector<128x128xf32>
    %select_n3A_834 = arith.select %or3A_832, %scan3A_812#7, %select_n3A_827 : vector<128x128xi1>, vector<128x128xi32>
    %reduce_min3A_835 = arith.constant dense<0x7F800000> : vector<128xf32>
    %reduce_min3A_836 = vector.multi_reduction <minimumf>, %min3A_833, %reduce_min3A_835 [1] : vector<128x128xf32> to vector<128xf32>
    %broadcast_in_dim3A_837 = vector.shape_cast %reduce_min3A_836 : vector<128xf32> to vector<128x1xf32>
    %mul3A_838 = arith.constant 128 : i32
    %mul3A_839 = vector.broadcast %mul3A_838 : i32 to vector<128x128xi32>
    %mul3A_840 = arith.muli %select_n3A_834, %mul3A_839 : vector<128x128xi32>
    %add3A_841 = arith.addi %mul3A_840, %iota3A : vector<128x128xi32>
    %eq3A_842 = vector.broadcast %broadcast_in_dim3A_837 : vector<128x1xf32> to vector<128x128xf32>
    %eq3A_843 = arith.cmpf oeq, %min3A_833, %eq3A_842 : vector<128x128xf32>
    %jit3A_844 = arith.constant 1073741824 : i32
    %broadcast_in_dim3A_845 = vector.broadcast %jit3A_844 : i32 to vector<128x128xi32>
    %select_n3A_846 = arith.select %eq3A_843, %add3A_841, %broadcast_in_dim3A_845 : vector<128x128xi1>, vector<128x128xi32>
    %reduce_min3A_847 = arith.constant dense<2147483647> : vector<128xi32>
    %reduce_min3A_848 = vector.multi_reduction <minsi>, %select_n3A_846, %reduce_min3A_847 [1] : vector<128x128xi32> to vector<128xi32>
    %broadcast_in_dim3A_849 = vector.shape_cast %reduce_min3A_848 : vector<128xi32> to vector<128x1xi32>
    %swap3A_850 = arith.constant 0 : index
    %swap3A_851 = arith.constant 13 : index
    %swap3A_852 = vector.load %arg5[%swap3A_850, %swap3A_851] : memref<128x16xi32, #tpu.memory_space<vmem>>, vector<128x1xi32>
    tpu.vector_store %arg5[%swap3A_850, %swap3A_851], %broadcast_in_dim3A_849 {strides = array<i32>} : memref<128x16xi32, #tpu.memory_space<vmem>>, vector<128x1xi32>,
    %broadcast_in_dim3A_853 = arith.constant 0x7F800000 : f32
    %broadcast_in_dim3A_854 = vector.broadcast %broadcast_in_dim3A_853 : f32 to vector<128x128xf32>
    %broadcast_in_dim3A_855 = arith.constant 0x7F800000 : f32
    %broadcast_in_dim3A_856 = vector.broadcast %broadcast_in_dim3A_855 : f32 to vector<128x128xf32>
    %broadcast_in_dim3A_857 = arith.constant 0x7F800000 : f32
    %broadcast_in_dim3A_858 = vector.broadcast %broadcast_in_dim3A_857 : f32 to vector<128x128xf32>
    %broadcast_in_dim3A_859 = arith.constant 0x7F800000 : f32
    %broadcast_in_dim3A_860 = vector.broadcast %broadcast_in_dim3A_859 : f32 to vector<128x128xf32>
    %broadcast_in_dim3A_861 = arith.constant 0 : i32
    %broadcast_in_dim3A_862 = vector.broadcast %broadcast_in_dim3A_861 : i32 to vector<128x128xi32>
    %broadcast_in_dim3A_863 = arith.constant 0 : i32
    %broadcast_in_dim3A_864 = vector.broadcast %broadcast_in_dim3A_863 : i32 to vector<128x128xi32>
    %broadcast_in_dim3A_865 = arith.constant 0 : i32
    %broadcast_in_dim3A_866 = vector.broadcast %broadcast_in_dim3A_865 : i32 to vector<128x128xi32>
    %broadcast_in_dim3A_867 = arith.constant 0 : i32
    %broadcast_in_dim3A_868 = vector.broadcast %broadcast_in_dim3A_867 : i32 to vector<128x128xi32>
    %scan3A_869 = arith.constant 0 : i32
    %scan3A_870 = arith.constant 16 : i32
    %scan3A_871 = arith.addi %scan3A_869, %scan3A_870 : i32
    %scan3A_872 = arith.constant 1 : i32
    %scan3A_873:8 = scf.for %scan3A_975 = %scan3A_869 to %scan3A_871 step %scan3A_872 iter_args(%scan3A_976 = %broadcast_in_dim3A_854, %scan3A_977 = %broadcast_in_dim3A_856, %scan3A_978 = %broadcast_in_dim3A_858, %scan3A_979 = %broadcast_in_dim3A_860, %scan3A_980 = %broadcast_in_dim3A_862, %scan3A_981 = %broadcast_in_dim3A_864, %scan3A_982 = %broadcast_in_dim3A_866, %scan3A_983 = %broadcast_in_dim3A_868) -> (vector<128x128xf32>, vector<128x128xf32>, vector<128x128xf32>, vector<128x128xf32>, vector<128x128xi32>, vector<128x128xi32>, vector<128x128xi32>, vector<128x128xi32>)  : i32 {
      %mul3A_984 = arith.constant 8 : i32
      %mul3A_985 = arith.muli %scan3A_975, %mul3A_984 : i32
      %add3A_986 = arith.constant 0 : i32
      %add3A_987 = arith.addi %mul3A_985, %add3A_986 : i32
      %get3A_988 = arith.index_cast %add3A_987 : i32 to index
      %get3A_989 = arith.constant 0 : index
      %get3A_990 = arith.constant 0 : index
      %get3A_991 = vector.load %arg6[%get3A_988, %get3A_989, %get3A_990] : memref<128x128x128xf32, #tpu.memory_space<vmem>>, vector<1x128x128xf32>
      %get3A_992 = vector.shape_cast %get3A_991 : vector<1x128x128xf32> to vector<128x128xf32>
      %gt3A = vector.broadcast %broadcast_in_dim3A_837 : vector<128x1xf32> to vector<128x128xf32>
      %gt3A_993 = arith.cmpf ogt, %get3A_992, %gt3A : vector<128x128xf32>
      %jit3A_994 = arith.constant 0x7F800000 : f32
      %broadcast_in_dim3A_995 = vector.broadcast %jit3A_994 : f32 to vector<128x128xf32>
      %select_n3A_996 = arith.select %gt3A_993, %get3A_992, %broadcast_in_dim3A_995 : vector<128x128xi1>, vector<128x128xf32>
      %lt3A_997 = arith.cmpf olt, %select_n3A_996, %scan3A_976 : vector<128x128xf32>
      %min3A_998 = arith.minimumf %scan3A_976, %select_n3A_996 : vector<128x128xf32>
      %broadcast_in_dim3A_999 = vector.broadcast %add3A_987 : i32 to vector<128x128xi32>
      %select_n3A_1000 = arith.select %lt3A_997, %broadcast_in_dim3A_999, %scan3A_980 : vector<128x128xi1>, vector<128x128xi32>
      %mul3A_1001 = arith.constant 8 : i32
      %mul3A_1002 = arith.muli %scan3A_975, %mul3A_1001 : i32
      %add3A_1003 = arith.constant 1 : i32
      %add3A_1004 = arith.addi %mul3A_1002, %add3A_1003 : i32
      %get3A_1005 = arith.index_cast %add3A_1004 : i32 to index
      %get3A_1006 = arith.constant 0 : index
      %get3A_1007 = arith.constant 0 : index
      %get3A_1008 = vector.load %arg6[%get3A_1005, %get3A_1006, %get3A_1007] : memref<128x128x128xf32, #tpu.memory_space<vmem>>, vector<1x128x128xf32>
      %get3A_1009 = vector.shape_cast %get3A_1008 : vector<1x128x128xf32> to vector<128x128xf32>
      %gt3A_1010 = vector.broadcast %broadcast_in_dim3A_837 : vector<128x1xf32> to vector<128x128xf32>
      %gt3A_1011 = arith.cmpf ogt, %get3A_1009, %gt3A_1010 : vector<128x128xf32>
      %jit3A_1012 = arith.constant 0x7F800000 : f32
      %broadcast_in_dim3A_1013 = vector.broadcast %jit3A_1012 : f32 to vector<128x128xf32>
      %select_n3A_1014 = arith.select %gt3A_1011, %get3A_1009, %broadcast_in_dim3A_1013 : vector<128x128xi1>, vector<128x128xf32>
      %lt3A_1015 = arith.cmpf olt, %select_n3A_1014, %scan3A_977 : vector<128x128xf32>
      %min3A_1016 = arith.minimumf %scan3A_977, %select_n3A_1014 : vector<128x128xf32>
      %broadcast_in_dim3A_1017 = vector.broadcast %add3A_1004 : i32 to vector<128x128xi32>
      %select_n3A_1018 = arith.select %lt3A_1015, %broadcast_in_dim3A_1017, %scan3A_981 : vector<128x128xi1>, vector<128x128xi32>
      %mul3A_1019 = arith.constant 8 : i32
      %mul3A_1020 = arith.muli %scan3A_975, %mul3A_1019 : i32
      %add3A_1021 = arith.constant 2 : i32
      %add3A_1022 = arith.addi %mul3A_1020, %add3A_1021 : i32
      %get3A_1023 = arith.index_cast %add3A_1022 : i32 to index
      %get3A_1024 = arith.constant 0 : index
      %get3A_1025 = arith.constant 0 : index
      %get3A_1026 = vector.load %arg6[%get3A_1023, %get3A_1024, %get3A_1025] : memref<128x128x128xf32, #tpu.memory_space<vmem>>, vector<1x128x128xf32>
      %get3A_1027 = vector.shape_cast %get3A_1026 : vector<1x128x128xf32> to vector<128x128xf32>
      %gt3A_1028 = vector.broadcast %broadcast_in_dim3A_837 : vector<128x1xf32> to vector<128x128xf32>
      %gt3A_1029 = arith.cmpf ogt, %get3A_1027, %gt3A_1028 : vector<128x128xf32>
      %jit3A_1030 = arith.constant 0x7F800000 : f32
      %broadcast_in_dim3A_1031 = vector.broadcast %jit3A_1030 : f32 to vector<128x128xf32>
      %select_n3A_1032 = arith.select %gt3A_1029, %get3A_1027, %broadcast_in_dim3A_1031 : vector<128x128xi1>, vector<128x128xf32>
      %lt3A_1033 = arith.cmpf olt, %select_n3A_1032, %scan3A_978 : vector<128x128xf32>
      %min3A_1034 = arith.minimumf %scan3A_978, %select_n3A_1032 : vector<128x128xf32>
      %broadcast_in_dim3A_1035 = vector.broadcast %add3A_1022 : i32 to vector<128x128xi32>
      %select_n3A_1036 = arith.select %lt3A_1033, %broadcast_in_dim3A_1035, %scan3A_982 : vector<128x128xi1>, vector<128x128xi32>
      %mul3A_1037 = arith.constant 8 : i32
      %mul3A_1038 = arith.muli %scan3A_975, %mul3A_1037 : i32
      %add3A_1039 = arith.constant 3 : i32
      %add3A_1040 = arith.addi %mul3A_1038, %add3A_1039 : i32
      %get3A_1041 = arith.index_cast %add3A_1040 : i32 to index
      %get3A_1042 = arith.constant 0 : index
      %get3A_1043 = arith.constant 0 : index
      %get3A_1044 = vector.load %arg6[%get3A_1041, %get3A_1042, %get3A_1043] : memref<128x128x128xf32, #tpu.memory_space<vmem>>, vector<1x128x128xf32>
      %get3A_1045 = vector.shape_cast %get3A_1044 : vector<1x128x128xf32> to vector<128x128xf32>
      %gt3A_1046 = vector.broadcast %broadcast_in_dim3A_837 : vector<128x1xf32> to vector<128x128xf32>
      %gt3A_1047 = arith.cmpf ogt, %get3A_1045, %gt3A_1046 : vector<128x128xf32>
      %jit3A_1048 = arith.constant 0x7F800000 : f32
      %broadcast_in_dim3A_1049 = vector.broadcast %jit3A_1048 : f32 to vector<128x128xf32>
      %select_n3A_1050 = arith.select %gt3A_1047, %get3A_1045, %broadcast_in_dim3A_1049 : vector<128x128xi1>, vector<128x128xf32>
      %lt3A_1051 = arith.cmpf olt, %select_n3A_1050, %scan3A_979 : vector<128x128xf32>
      %min3A_1052 = arith.minimumf %scan3A_979, %select_n3A_1050 : vector<128x128xf32>
      %broadcast_in_dim3A_1053 = vector.broadcast %add3A_1040 : i32 to vector<128x128xi32>
      %select_n3A_1054 = arith.select %lt3A_1051, %broadcast_in_dim3A_1053, %scan3A_983 : vector<128x128xi1>, vector<128x128xi32>
      %mul3A_1055 = arith.constant 8 : i32
      %mul3A_1056 = arith.muli %scan3A_975, %mul3A_1055 : i32
      %add3A_1057 = arith.constant 4 : i32
      %add3A_1058 = arith.addi %mul3A_1056, %add3A_1057 : i32
      %get3A_1059 = arith.index_cast %add3A_1058 : i32 to index
      %get3A_1060 = arith.constant 0 : index
      %get3A_1061 = arith.constant 0 : index
      %get3A_1062 = vector.load %arg6[%get3A_1059, %get3A_1060, %get3A_1061] : memref<128x128x128xf32, #tpu.memory_space<vmem>>, vector<1x128x128xf32>
      %get3A_1063 = vector.shape_cast %get3A_1062 : vector<1x128x128xf32> to vector<128x128xf32>
      %gt3A_1064 = vector.broadcast %broadcast_in_dim3A_837 : vector<128x1xf32> to vector<128x128xf32>
      %gt3A_1065 = arith.cmpf ogt, %get3A_1063, %gt3A_1064 : vector<128x128xf32>
      %jit3A_1066 = arith.constant 0x7F800000 : f32
      %broadcast_in_dim3A_1067 = vector.broadcast %jit3A_1066 : f32 to vector<128x128xf32>
      %select_n3A_1068 = arith.select %gt3A_1065, %get3A_1063, %broadcast_in_dim3A_1067 : vector<128x128xi1>, vector<128x128xf32>
      %lt3A_1069 = arith.cmpf olt, %select_n3A_1068, %min3A_998 : vector<128x128xf32>
      %min3A_1070 = arith.minimumf %min3A_998, %select_n3A_1068 : vector<128x128xf32>
      %broadcast_in_dim3A_1071 = vector.broadcast %add3A_1058 : i32 to vector<128x128xi32>
      %select_n3A_1072 = arith.select %lt3A_1069, %broadcast_in_dim3A_1071, %select_n3A_1000 : vector<128x128xi1>, vector<128x128xi32>
      %mul3A_1073 = arith.constant 8 : i32
      %mul3A_1074 = arith.muli %scan3A_975, %mul3A_1073 : i32
      %add3A_1075 = arith.constant 5 : i32
      %add3A_1076 = arith.addi %mul3A_1074, %add3A_1075 : i32
      %get3A_1077 = arith.index_cast %add3A_1076 : i32 to index
      %get3A_1078 = arith.constant 0 : index
      %get3A_1079 = arith.constant 0 : index
      %get3A_1080 = vector.load %arg6[%get3A_1077, %get3A_1078, %get3A_1079] : memref<128x128x128xf32, #tpu.memory_space<vmem>>, vector<1x128x128xf32>
      %get3A_1081 = vector.shape_cast %get3A_1080 : vector<1x128x128xf32> to vector<128x128xf32>
      %gt3A_1082 = vector.broadcast %broadcast_in_dim3A_837 : vector<128x1xf32> to vector<128x128xf32>
      %gt3A_1083 = arith.cmpf ogt, %get3A_1081, %gt3A_1082 : vector<128x128xf32>
      %jit3A_1084 = arith.constant 0x7F800000 : f32
      %broadcast_in_dim3A_1085 = vector.broadcast %jit3A_1084 : f32 to vector<128x128xf32>
      %select_n3A_1086 = arith.select %gt3A_1083, %get3A_1081, %broadcast_in_dim3A_1085 : vector<128x128xi1>, vector<128x128xf32>
      %lt3A_1087 = arith.cmpf olt, %select_n3A_1086, %min3A_1016 : vector<128x128xf32>
      %min3A_1088 = arith.minimumf %min3A_1016, %select_n3A_1086 : vector<128x128xf32>
      %broadcast_in_dim3A_1089 = vector.broadcast %add3A_1076 : i32 to vector<128x128xi32>
      %select_n3A_1090 = arith.select %lt3A_1087, %broadcast_in_dim3A_1089, %select_n3A_1018 : vector<128x128xi1>, vector<128x128xi32>
      %mul3A_1091 = arith.constant 8 : i32
      %mul3A_1092 = arith.muli %scan3A_975, %mul3A_1091 : i32
      %add3A_1093 = arith.constant 6 : i32
      %add3A_1094 = arith.addi %mul3A_1092, %add3A_1093 : i32
      %get3A_1095 = arith.index_cast %add3A_1094 : i32 to index
      %get3A_1096 = arith.constant 0 : index
      %get3A_1097 = arith.constant 0 : index
      %get3A_1098 = vector.load %arg6[%get3A_1095, %get3A_1096, %get3A_1097] : memref<128x128x128xf32, #tpu.memory_space<vmem>>, vector<1x128x128xf32>
      %get3A_1099 = vector.shape_cast %get3A_1098 : vector<1x128x128xf32> to vector<128x128xf32>
      %gt3A_1100 = vector.broadcast %broadcast_in_dim3A_837 : vector<128x1xf32> to vector<128x128xf32>
      %gt3A_1101 = arith.cmpf ogt, %get3A_1099, %gt3A_1100 : vector<128x128xf32>
      %jit3A_1102 = arith.constant 0x7F800000 : f32
      %broadcast_in_dim3A_1103 = vector.broadcast %jit3A_1102 : f32 to vector<128x128xf32>
      %select_n3A_1104 = arith.select %gt3A_1101, %get3A_1099, %broadcast_in_dim3A_1103 : vector<128x128xi1>, vector<128x128xf32>
      %lt3A_1105 = arith.cmpf olt, %select_n3A_1104, %min3A_1034 : vector<128x128xf32>
      %min3A_1106 = arith.minimumf %min3A_1034, %select_n3A_1104 : vector<128x128xf32>
      %broadcast_in_dim3A_1107 = vector.broadcast %add3A_1094 : i32 to vector<128x128xi32>
      %select_n3A_1108 = arith.select %lt3A_1105, %broadcast_in_dim3A_1107, %select_n3A_1036 : vector<128x128xi1>, vector<128x128xi32>
      %mul3A_1109 = arith.constant 8 : i32
      %mul3A_1110 = arith.muli %scan3A_975, %mul3A_1109 : i32
      %add3A_1111 = arith.constant 7 : i32
      %add3A_1112 = arith.addi %mul3A_1110, %add3A_1111 : i32
      %get3A_1113 = arith.index_cast %add3A_1112 : i32 to index
      %get3A_1114 = arith.constant 0 : index
      %get3A_1115 = arith.constant 0 : index
      %get3A_1116 = vector.load %arg6[%get3A_1113, %get3A_1114, %get3A_1115] : memref<128x128x128xf32, #tpu.memory_space<vmem>>, vector<1x128x128xf32>
      %get3A_1117 = vector.shape_cast %get3A_1116 : vector<1x128x128xf32> to vector<128x128xf32>
      %gt3A_1118 = vector.broadcast %broadcast_in_dim3A_837 : vector<128x1xf32> to vector<128x128xf32>
      %gt3A_1119 = arith.cmpf ogt, %get3A_1117, %gt3A_1118 : vector<128x128xf32>
      %jit3A_1120 = arith.constant 0x7F800000 : f32
      %broadcast_in_dim3A_1121 = vector.broadcast %jit3A_1120 : f32 to vector<128x128xf32>
      %select_n3A_1122 = arith.select %gt3A_1119, %get3A_1117, %broadcast_in_dim3A_1121 : vector<128x128xi1>, vector<128x128xf32>
      %lt3A_1123 = arith.cmpf olt, %select_n3A_1122, %min3A_1052 : vector<128x128xf32>
      %min3A_1124 = arith.minimumf %min3A_1052, %select_n3A_1122 : vector<128x128xf32>
      %broadcast_in_dim3A_1125 = vector.broadcast %add3A_1112 : i32 to vector<128x128xi32>
      %select_n3A_1126 = arith.select %lt3A_1123, %broadcast_in_dim3A_1125, %select_n3A_1054 : vector<128x128xi1>, vector<128x128xi32>
      scf.yield %min3A_1070, %min3A_1088, %min3A_1106, %min3A_1124, %select_n3A_1072, %select_n3A_1090, %select_n3A_1108, %select_n3A_1126 : vector<128x128xf32>, vector<128x128xf32>, vector<128x128xf32>, vector<128x128xf32>, vector<128x128xi32>, vector<128x128xi32>, vector<128x128xi32>, vector<128x128xi32>
    }
    %scan3A_874 = arith.constant 16 : i32
    %lt3A_875 = arith.cmpf olt, %scan3A_873#1, %scan3A_873#0 : vector<128x128xf32>
    %eq3A_876 = arith.cmpf oeq, %scan3A_873#1, %scan3A_873#0 : vector<128x128xf32>
    %lt3A_877 = arith.cmpi slt, %scan3A_873#5, %scan3A_873#4 : vector<128x128xi32>
    %and3A_878 = arith.andi %eq3A_876, %lt3A_877 : vector<128x128xi1>
    %or3A_879 = arith.ori %lt3A_875, %and3A_878 : vector<128x128xi1>
    %min3A_880 = arith.minimumf %scan3A_873#0, %scan3A_873#1 : vector<128x128xf32>
    %select_n3A_881 = arith.select %or3A_879, %scan3A_873#5, %scan3A_873#4 : vector<128x128xi1>, vector<128x128xi32>
    %lt3A_882 = arith.cmpf olt, %scan3A_873#2, %min3A_880 : vector<128x128xf32>
    %eq3A_883 = arith.cmpf oeq, %scan3A_873#2, %min3A_880 : vector<128x128xf32>
    %lt3A_884 = arith.cmpi slt, %scan3A_873#6, %select_n3A_881 : vector<128x128xi32>
    %and3A_885 = arith.andi %eq3A_883, %lt3A_884 : vector<128x128xi1>
    %or3A_886 = arith.ori %lt3A_882, %and3A_885 : vector<128x128xi1>
    %min3A_887 = arith.minimumf %min3A_880, %scan3A_873#2 : vector<128x128xf32>
    %select_n3A_888 = arith.select %or3A_886, %scan3A_873#6, %select_n3A_881 : vector<128x128xi1>, vector<128x128xi32>
    %lt3A_889 = arith.cmpf olt, %scan3A_873#3, %min3A_887 : vector<128x128xf32>
    %eq3A_890 = arith.cmpf oeq, %scan3A_873#3, %min3A_887 : vector<128x128xf32>
    %lt3A_891 = arith.cmpi slt, %scan3A_873#7, %select_n3A_888 : vector<128x128xi32>
    %and3A_892 = arith.andi %eq3A_890, %lt3A_891 : vector<128x128xi1>
    %or3A_893 = arith.ori %lt3A_889, %and3A_892 : vector<128x128xi1>
    %min3A_894 = arith.minimumf %min3A_887, %scan3A_873#3 : vector<128x128xf32>
    %select_n3A_895 = arith.select %or3A_893, %scan3A_873#7, %select_n3A_888 : vector<128x128xi1>, vector<128x128xi32>
    %reduce_min3A_896 = arith.constant dense<0x7F800000> : vector<128xf32>
    %reduce_min3A_897 = vector.multi_reduction <minimumf>, %min3A_894, %reduce_min3A_896 [1] : vector<128x128xf32> to vector<128xf32>
    %broadcast_in_dim3A_898 = vector.shape_cast %reduce_min3A_897 : vector<128xf32> to vector<128x1xf32>
    %mul3A_899 = arith.constant 128 : i32
    %mul3A_900 = vector.broadcast %mul3A_899 : i32 to vector<128x128xi32>
    %mul3A_901 = arith.muli %select_n3A_895, %mul3A_900 : vector<128x128xi32>
    %add3A_902 = arith.addi %mul3A_901, %iota3A : vector<128x128xi32>
    %eq3A_903 = vector.broadcast %broadcast_in_dim3A_898 : vector<128x1xf32> to vector<128x128xf32>
    %eq3A_904 = arith.cmpf oeq, %min3A_894, %eq3A_903 : vector<128x128xf32>
    %jit3A_905 = arith.constant 1073741824 : i32
    %broadcast_in_dim3A_906 = vector.broadcast %jit3A_905 : i32 to vector<128x128xi32>
    %select_n3A_907 = arith.select %eq3A_904, %add3A_902, %broadcast_in_dim3A_906 : vector<128x128xi1>, vector<128x128xi32>
    %reduce_min3A_908 = arith.constant dense<2147483647> : vector<128xi32>
    %reduce_min3A_909 = vector.multi_reduction <minsi>, %select_n3A_907, %reduce_min3A_908 [1] : vector<128x128xi32> to vector<128xi32>
    %broadcast_in_dim3A_910 = vector.shape_cast %reduce_min3A_909 : vector<128xi32> to vector<128x1xi32>
    %swap3A_911 = arith.constant 0 : index
    %swap3A_912 = arith.constant 14 : index
    %swap3A_913 = vector.load %arg5[%swap3A_911, %swap3A_912] : memref<128x16xi32, #tpu.memory_space<vmem>>, vector<128x1xi32>
    tpu.vector_store %arg5[%swap3A_911, %swap3A_912], %broadcast_in_dim3A_910 {strides = array<i32>} : memref<128x16xi32, #tpu.memory_space<vmem>>, vector<128x1xi32>,
    %broadcast_in_dim3A_914 = arith.constant 0x7F800000 : f32
    %broadcast_in_dim3A_915 = vector.broadcast %broadcast_in_dim3A_914 : f32 to vector<128x128xf32>
    %broadcast_in_dim3A_916 = arith.constant 0x7F800000 : f32
    %broadcast_in_dim3A_917 = vector.broadcast %broadcast_in_dim3A_916 : f32 to vector<128x128xf32>
    %broadcast_in_dim3A_918 = arith.constant 0x7F800000 : f32
    %broadcast_in_dim3A_919 = vector.broadcast %broadcast_in_dim3A_918 : f32 to vector<128x128xf32>
    %broadcast_in_dim3A_920 = arith.constant 0x7F800000 : f32
    %broadcast_in_dim3A_921 = vector.broadcast %broadcast_in_dim3A_920 : f32 to vector<128x128xf32>
    %broadcast_in_dim3A_922 = arith.constant 0 : i32
    %broadcast_in_dim3A_923 = vector.broadcast %broadcast_in_dim3A_922 : i32 to vector<128x128xi32>
    %broadcast_in_dim3A_924 = arith.constant 0 : i32
    %broadcast_in_dim3A_925 = vector.broadcast %broadcast_in_dim3A_924 : i32 to vector<128x128xi32>
    %broadcast_in_dim3A_926 = arith.constant 0 : i32
    %broadcast_in_dim3A_927 = vector.broadcast %broadcast_in_dim3A_926 : i32 to vector<128x128xi32>
    %broadcast_in_dim3A_928 = arith.constant 0 : i32
    %broadcast_in_dim3A_929 = vector.broadcast %broadcast_in_dim3A_928 : i32 to vector<128x128xi32>
    %scan3A_930 = arith.constant 0 : i32
    %scan3A_931 = arith.constant 16 : i32
    %scan3A_932 = arith.addi %scan3A_930, %scan3A_931 : i32
    %scan3A_933 = arith.constant 1 : i32
    %scan3A_934:8 = scf.for %scan3A_975 = %scan3A_930 to %scan3A_932 step %scan3A_933 iter_args(%scan3A_976 = %broadcast_in_dim3A_915, %scan3A_977 = %broadcast_in_dim3A_917, %scan3A_978 = %broadcast_in_dim3A_919, %scan3A_979 = %broadcast_in_dim3A_921, %scan3A_980 = %broadcast_in_dim3A_923, %scan3A_981 = %broadcast_in_dim3A_925, %scan3A_982 = %broadcast_in_dim3A_927, %scan3A_983 = %broadcast_in_dim3A_929) -> (vector<128x128xf32>, vector<128x128xf32>, vector<128x128xf32>, vector<128x128xf32>, vector<128x128xi32>, vector<128x128xi32>, vector<128x128xi32>, vector<128x128xi32>)  : i32 {
      %mul3A_984 = arith.constant 8 : i32
      %mul3A_985 = arith.muli %scan3A_975, %mul3A_984 : i32
      %add3A_986 = arith.constant 0 : i32
      %add3A_987 = arith.addi %mul3A_985, %add3A_986 : i32
      %get3A_988 = arith.index_cast %add3A_987 : i32 to index
      %get3A_989 = arith.constant 0 : index
      %get3A_990 = arith.constant 0 : index
      %get3A_991 = vector.load %arg6[%get3A_988, %get3A_989, %get3A_990] : memref<128x128x128xf32, #tpu.memory_space<vmem>>, vector<1x128x128xf32>
      %get3A_992 = vector.shape_cast %get3A_991 : vector<1x128x128xf32> to vector<128x128xf32>
      %gt3A = vector.broadcast %broadcast_in_dim3A_898 : vector<128x1xf32> to vector<128x128xf32>
      %gt3A_993 = arith.cmpf ogt, %get3A_992, %gt3A : vector<128x128xf32>
      %jit3A_994 = arith.constant 0x7F800000 : f32
      %broadcast_in_dim3A_995 = vector.broadcast %jit3A_994 : f32 to vector<128x128xf32>
      %select_n3A_996 = arith.select %gt3A_993, %get3A_992, %broadcast_in_dim3A_995 : vector<128x128xi1>, vector<128x128xf32>
      %lt3A_997 = arith.cmpf olt, %select_n3A_996, %scan3A_976 : vector<128x128xf32>
      %min3A_998 = arith.minimumf %scan3A_976, %select_n3A_996 : vector<128x128xf32>
      %broadcast_in_dim3A_999 = vector.broadcast %add3A_987 : i32 to vector<128x128xi32>
      %select_n3A_1000 = arith.select %lt3A_997, %broadcast_in_dim3A_999, %scan3A_980 : vector<128x128xi1>, vector<128x128xi32>
      %mul3A_1001 = arith.constant 8 : i32
      %mul3A_1002 = arith.muli %scan3A_975, %mul3A_1001 : i32
      %add3A_1003 = arith.constant 1 : i32
      %add3A_1004 = arith.addi %mul3A_1002, %add3A_1003 : i32
      %get3A_1005 = arith.index_cast %add3A_1004 : i32 to index
      %get3A_1006 = arith.constant 0 : index
      %get3A_1007 = arith.constant 0 : index
      %get3A_1008 = vector.load %arg6[%get3A_1005, %get3A_1006, %get3A_1007] : memref<128x128x128xf32, #tpu.memory_space<vmem>>, vector<1x128x128xf32>
      %get3A_1009 = vector.shape_cast %get3A_1008 : vector<1x128x128xf32> to vector<128x128xf32>
      %gt3A_1010 = vector.broadcast %broadcast_in_dim3A_898 : vector<128x1xf32> to vector<128x128xf32>
      %gt3A_1011 = arith.cmpf ogt, %get3A_1009, %gt3A_1010 : vector<128x128xf32>
      %jit3A_1012 = arith.constant 0x7F800000 : f32
      %broadcast_in_dim3A_1013 = vector.broadcast %jit3A_1012 : f32 to vector<128x128xf32>
      %select_n3A_1014 = arith.select %gt3A_1011, %get3A_1009, %broadcast_in_dim3A_1013 : vector<128x128xi1>, vector<128x128xf32>
      %lt3A_1015 = arith.cmpf olt, %select_n3A_1014, %scan3A_977 : vector<128x128xf32>
      %min3A_1016 = arith.minimumf %scan3A_977, %select_n3A_1014 : vector<128x128xf32>
      %broadcast_in_dim3A_1017 = vector.broadcast %add3A_1004 : i32 to vector<128x128xi32>
      %select_n3A_1018 = arith.select %lt3A_1015, %broadcast_in_dim3A_1017, %scan3A_981 : vector<128x128xi1>, vector<128x128xi32>
      %mul3A_1019 = arith.constant 8 : i32
      %mul3A_1020 = arith.muli %scan3A_975, %mul3A_1019 : i32
      %add3A_1021 = arith.constant 2 : i32
      %add3A_1022 = arith.addi %mul3A_1020, %add3A_1021 : i32
      %get3A_1023 = arith.index_cast %add3A_1022 : i32 to index
      %get3A_1024 = arith.constant 0 : index
      %get3A_1025 = arith.constant 0 : index
      %get3A_1026 = vector.load %arg6[%get3A_1023, %get3A_1024, %get3A_1025] : memref<128x128x128xf32, #tpu.memory_space<vmem>>, vector<1x128x128xf32>
      %get3A_1027 = vector.shape_cast %get3A_1026 : vector<1x128x128xf32> to vector<128x128xf32>
      %gt3A_1028 = vector.broadcast %broadcast_in_dim3A_898 : vector<128x1xf32> to vector<128x128xf32>
      %gt3A_1029 = arith.cmpf ogt, %get3A_1027, %gt3A_1028 : vector<128x128xf32>
      %jit3A_1030 = arith.constant 0x7F800000 : f32
      %broadcast_in_dim3A_1031 = vector.broadcast %jit3A_1030 : f32 to vector<128x128xf32>
      %select_n3A_1032 = arith.select %gt3A_1029, %get3A_1027, %broadcast_in_dim3A_1031 : vector<128x128xi1>, vector<128x128xf32>
      %lt3A_1033 = arith.cmpf olt, %select_n3A_1032, %scan3A_978 : vector<128x128xf32>
      %min3A_1034 = arith.minimumf %scan3A_978, %select_n3A_1032 : vector<128x128xf32>
      %broadcast_in_dim3A_1035 = vector.broadcast %add3A_1022 : i32 to vector<128x128xi32>
      %select_n3A_1036 = arith.select %lt3A_1033, %broadcast_in_dim3A_1035, %scan3A_982 : vector<128x128xi1>, vector<128x128xi32>
      %mul3A_1037 = arith.constant 8 : i32
      %mul3A_1038 = arith.muli %scan3A_975, %mul3A_1037 : i32
      %add3A_1039 = arith.constant 3 : i32
      %add3A_1040 = arith.addi %mul3A_1038, %add3A_1039 : i32
      %get3A_1041 = arith.index_cast %add3A_1040 : i32 to index
      %get3A_1042 = arith.constant 0 : index
      %get3A_1043 = arith.constant 0 : index
      %get3A_1044 = vector.load %arg6[%get3A_1041, %get3A_1042, %get3A_1043] : memref<128x128x128xf32, #tpu.memory_space<vmem>>, vector<1x128x128xf32>
      %get3A_1045 = vector.shape_cast %get3A_1044 : vector<1x128x128xf32> to vector<128x128xf32>
      %gt3A_1046 = vector.broadcast %broadcast_in_dim3A_898 : vector<128x1xf32> to vector<128x128xf32>
      %gt3A_1047 = arith.cmpf ogt, %get3A_1045, %gt3A_1046 : vector<128x128xf32>
      %jit3A_1048 = arith.constant 0x7F800000 : f32
      %broadcast_in_dim3A_1049 = vector.broadcast %jit3A_1048 : f32 to vector<128x128xf32>
      %select_n3A_1050 = arith.select %gt3A_1047, %get3A_1045, %broadcast_in_dim3A_1049 : vector<128x128xi1>, vector<128x128xf32>
      %lt3A_1051 = arith.cmpf olt, %select_n3A_1050, %scan3A_979 : vector<128x128xf32>
      %min3A_1052 = arith.minimumf %scan3A_979, %select_n3A_1050 : vector<128x128xf32>
      %broadcast_in_dim3A_1053 = vector.broadcast %add3A_1040 : i32 to vector<128x128xi32>
      %select_n3A_1054 = arith.select %lt3A_1051, %broadcast_in_dim3A_1053, %scan3A_983 : vector<128x128xi1>, vector<128x128xi32>
      %mul3A_1055 = arith.constant 8 : i32
      %mul3A_1056 = arith.muli %scan3A_975, %mul3A_1055 : i32
      %add3A_1057 = arith.constant 4 : i32
      %add3A_1058 = arith.addi %mul3A_1056, %add3A_1057 : i32
      %get3A_1059 = arith.index_cast %add3A_1058 : i32 to index
      %get3A_1060 = arith.constant 0 : index
      %get3A_1061 = arith.constant 0 : index
      %get3A_1062 = vector.load %arg6[%get3A_1059, %get3A_1060, %get3A_1061] : memref<128x128x128xf32, #tpu.memory_space<vmem>>, vector<1x128x128xf32>
      %get3A_1063 = vector.shape_cast %get3A_1062 : vector<1x128x128xf32> to vector<128x128xf32>
      %gt3A_1064 = vector.broadcast %broadcast_in_dim3A_898 : vector<128x1xf32> to vector<128x128xf32>
      %gt3A_1065 = arith.cmpf ogt, %get3A_1063, %gt3A_1064 : vector<128x128xf32>
      %jit3A_1066 = arith.constant 0x7F800000 : f32
      %broadcast_in_dim3A_1067 = vector.broadcast %jit3A_1066 : f32 to vector<128x128xf32>
      %select_n3A_1068 = arith.select %gt3A_1065, %get3A_1063, %broadcast_in_dim3A_1067 : vector<128x128xi1>, vector<128x128xf32>
      %lt3A_1069 = arith.cmpf olt, %select_n3A_1068, %min3A_998 : vector<128x128xf32>
      %min3A_1070 = arith.minimumf %min3A_998, %select_n3A_1068 : vector<128x128xf32>
      %broadcast_in_dim3A_1071 = vector.broadcast %add3A_1058 : i32 to vector<128x128xi32>
      %select_n3A_1072 = arith.select %lt3A_1069, %broadcast_in_dim3A_1071, %select_n3A_1000 : vector<128x128xi1>, vector<128x128xi32>
      %mul3A_1073 = arith.constant 8 : i32
      %mul3A_1074 = arith.muli %scan3A_975, %mul3A_1073 : i32
      %add3A_1075 = arith.constant 5 : i32
      %add3A_1076 = arith.addi %mul3A_1074, %add3A_1075 : i32
      %get3A_1077 = arith.index_cast %add3A_1076 : i32 to index
      %get3A_1078 = arith.constant 0 : index
      %get3A_1079 = arith.constant 0 : index
      %get3A_1080 = vector.load %arg6[%get3A_1077, %get3A_1078, %get3A_1079] : memref<128x128x128xf32, #tpu.memory_space<vmem>>, vector<1x128x128xf32>
      %get3A_1081 = vector.shape_cast %get3A_1080 : vector<1x128x128xf32> to vector<128x128xf32>
      %gt3A_1082 = vector.broadcast %broadcast_in_dim3A_898 : vector<128x1xf32> to vector<128x128xf32>
      %gt3A_1083 = arith.cmpf ogt, %get3A_1081, %gt3A_1082 : vector<128x128xf32>
      %jit3A_1084 = arith.constant 0x7F800000 : f32
      %broadcast_in_dim3A_1085 = vector.broadcast %jit3A_1084 : f32 to vector<128x128xf32>
      %select_n3A_1086 = arith.select %gt3A_1083, %get3A_1081, %broadcast_in_dim3A_1085 : vector<128x128xi1>, vector<128x128xf32>
      %lt3A_1087 = arith.cmpf olt, %select_n3A_1086, %min3A_1016 : vector<128x128xf32>
      %min3A_1088 = arith.minimumf %min3A_1016, %select_n3A_1086 : vector<128x128xf32>
      %broadcast_in_dim3A_1089 = vector.broadcast %add3A_1076 : i32 to vector<128x128xi32>
      %select_n3A_1090 = arith.select %lt3A_1087, %broadcast_in_dim3A_1089, %select_n3A_1018 : vector<128x128xi1>, vector<128x128xi32>
      %mul3A_1091 = arith.constant 8 : i32
      %mul3A_1092 = arith.muli %scan3A_975, %mul3A_1091 : i32
      %add3A_1093 = arith.constant 6 : i32
      %add3A_1094 = arith.addi %mul3A_1092, %add3A_1093 : i32
      %get3A_1095 = arith.index_cast %add3A_1094 : i32 to index
      %get3A_1096 = arith.constant 0 : index
      %get3A_1097 = arith.constant 0 : index
      %get3A_1098 = vector.load %arg6[%get3A_1095, %get3A_1096, %get3A_1097] : memref<128x128x128xf32, #tpu.memory_space<vmem>>, vector<1x128x128xf32>
      %get3A_1099 = vector.shape_cast %get3A_1098 : vector<1x128x128xf32> to vector<128x128xf32>
      %gt3A_1100 = vector.broadcast %broadcast_in_dim3A_898 : vector<128x1xf32> to vector<128x128xf32>
      %gt3A_1101 = arith.cmpf ogt, %get3A_1099, %gt3A_1100 : vector<128x128xf32>
      %jit3A_1102 = arith.constant 0x7F800000 : f32
      %broadcast_in_dim3A_1103 = vector.broadcast %jit3A_1102 : f32 to vector<128x128xf32>
      %select_n3A_1104 = arith.select %gt3A_1101, %get3A_1099, %broadcast_in_dim3A_1103 : vector<128x128xi1>, vector<128x128xf32>
      %lt3A_1105 = arith.cmpf olt, %select_n3A_1104, %min3A_1034 : vector<128x128xf32>
      %min3A_1106 = arith.minimumf %min3A_1034, %select_n3A_1104 : vector<128x128xf32>
      %broadcast_in_dim3A_1107 = vector.broadcast %add3A_1094 : i32 to vector<128x128xi32>
      %select_n3A_1108 = arith.select %lt3A_1105, %broadcast_in_dim3A_1107, %select_n3A_1036 : vector<128x128xi1>, vector<128x128xi32>
      %mul3A_1109 = arith.constant 8 : i32
      %mul3A_1110 = arith.muli %scan3A_975, %mul3A_1109 : i32
      %add3A_1111 = arith.constant 7 : i32
      %add3A_1112 = arith.addi %mul3A_1110, %add3A_1111 : i32
      %get3A_1113 = arith.index_cast %add3A_1112 : i32 to index
      %get3A_1114 = arith.constant 0 : index
      %get3A_1115 = arith.constant 0 : index
      %get3A_1116 = vector.load %arg6[%get3A_1113, %get3A_1114, %get3A_1115] : memref<128x128x128xf32, #tpu.memory_space<vmem>>, vector<1x128x128xf32>
      %get3A_1117 = vector.shape_cast %get3A_1116 : vector<1x128x128xf32> to vector<128x128xf32>
      %gt3A_1118 = vector.broadcast %broadcast_in_dim3A_898 : vector<128x1xf32> to vector<128x128xf32>
      %gt3A_1119 = arith.cmpf ogt, %get3A_1117, %gt3A_1118 : vector<128x128xf32>
      %jit3A_1120 = arith.constant 0x7F800000 : f32
      %broadcast_in_dim3A_1121 = vector.broadcast %jit3A_1120 : f32 to vector<128x128xf32>
      %select_n3A_1122 = arith.select %gt3A_1119, %get3A_1117, %broadcast_in_dim3A_1121 : vector<128x128xi1>, vector<128x128xf32>
      %lt3A_1123 = arith.cmpf olt, %select_n3A_1122, %min3A_1052 : vector<128x128xf32>
      %min3A_1124 = arith.minimumf %min3A_1052, %select_n3A_1122 : vector<128x128xf32>
      %broadcast_in_dim3A_1125 = vector.broadcast %add3A_1112 : i32 to vector<128x128xi32>
      %select_n3A_1126 = arith.select %lt3A_1123, %broadcast_in_dim3A_1125, %select_n3A_1054 : vector<128x128xi1>, vector<128x128xi32>
      scf.yield %min3A_1070, %min3A_1088, %min3A_1106, %min3A_1124, %select_n3A_1072, %select_n3A_1090, %select_n3A_1108, %select_n3A_1126 : vector<128x128xf32>, vector<128x128xf32>, vector<128x128xf32>, vector<128x128xf32>, vector<128x128xi32>, vector<128x128xi32>, vector<128x128xi32>, vector<128x128xi32>
    }
    %scan3A_935 = arith.constant 16 : i32
    %lt3A_936 = arith.cmpf olt, %scan3A_934#1, %scan3A_934#0 : vector<128x128xf32>
    %eq3A_937 = arith.cmpf oeq, %scan3A_934#1, %scan3A_934#0 : vector<128x128xf32>
    %lt3A_938 = arith.cmpi slt, %scan3A_934#5, %scan3A_934#4 : vector<128x128xi32>
    %and3A_939 = arith.andi %eq3A_937, %lt3A_938 : vector<128x128xi1>
    %or3A_940 = arith.ori %lt3A_936, %and3A_939 : vector<128x128xi1>
    %min3A_941 = arith.minimumf %scan3A_934#0, %scan3A_934#1 : vector<128x128xf32>
    %select_n3A_942 = arith.select %or3A_940, %scan3A_934#5, %scan3A_934#4 : vector<128x128xi1>, vector<128x128xi32>
    %lt3A_943 = arith.cmpf olt, %scan3A_934#2, %min3A_941 : vector<128x128xf32>
    %eq3A_944 = arith.cmpf oeq, %scan3A_934#2, %min3A_941 : vector<128x128xf32>
    %lt3A_945 = arith.cmpi slt, %scan3A_934#6, %select_n3A_942 : vector<128x128xi32>
    %and3A_946 = arith.andi %eq3A_944, %lt3A_945 : vector<128x128xi1>
    %or3A_947 = arith.ori %lt3A_943, %and3A_946 : vector<128x128xi1>
    %min3A_948 = arith.minimumf %min3A_941, %scan3A_934#2 : vector<128x128xf32>
    %select_n3A_949 = arith.select %or3A_947, %scan3A_934#6, %select_n3A_942 : vector<128x128xi1>, vector<128x128xi32>
    %lt3A_950 = arith.cmpf olt, %scan3A_934#3, %min3A_948 : vector<128x128xf32>
    %eq3A_951 = arith.cmpf oeq, %scan3A_934#3, %min3A_948 : vector<128x128xf32>
    %lt3A_952 = arith.cmpi slt, %scan3A_934#7, %select_n3A_949 : vector<128x128xi32>
    %and3A_953 = arith.andi %eq3A_951, %lt3A_952 : vector<128x128xi1>
    %or3A_954 = arith.ori %lt3A_950, %and3A_953 : vector<128x128xi1>
    %min3A_955 = arith.minimumf %min3A_948, %scan3A_934#3 : vector<128x128xf32>
    %select_n3A_956 = arith.select %or3A_954, %scan3A_934#7, %select_n3A_949 : vector<128x128xi1>, vector<128x128xi32>
    %reduce_min3A_957 = arith.constant dense<0x7F800000> : vector<128xf32>
    %reduce_min3A_958 = vector.multi_reduction <minimumf>, %min3A_955, %reduce_min3A_957 [1] : vector<128x128xf32> to vector<128xf32>
    %broadcast_in_dim3A_959 = vector.shape_cast %reduce_min3A_958 : vector<128xf32> to vector<128x1xf32>
    %mul3A_960 = arith.constant 128 : i32
    %mul3A_961 = vector.broadcast %mul3A_960 : i32 to vector<128x128xi32>
    %mul3A_962 = arith.muli %select_n3A_956, %mul3A_961 : vector<128x128xi32>
    %add3A_963 = arith.addi %mul3A_962, %iota3A : vector<128x128xi32>
    %eq3A_964 = vector.broadcast %broadcast_in_dim3A_959 : vector<128x1xf32> to vector<128x128xf32>
    %eq3A_965 = arith.cmpf oeq, %min3A_955, %eq3A_964 : vector<128x128xf32>
    %jit3A_966 = arith.constant 1073741824 : i32
    %broadcast_in_dim3A_967 = vector.broadcast %jit3A_966 : i32 to vector<128x128xi32>
    %select_n3A_968 = arith.select %eq3A_965, %add3A_963, %broadcast_in_dim3A_967 : vector<128x128xi1>, vector<128x128xi32>
    %reduce_min3A_969 = arith.constant dense<2147483647> : vector<128xi32>
    %reduce_min3A_970 = vector.multi_reduction <minsi>, %select_n3A_968, %reduce_min3A_969 [1] : vector<128x128xi32> to vector<128xi32>
    %broadcast_in_dim3A_971 = vector.shape_cast %reduce_min3A_970 : vector<128xi32> to vector<128x1xi32>
    %swap3A_972 = arith.constant 0 : index
    %swap3A_973 = arith.constant 15 : index
    %swap3A_974 = vector.load %arg5[%swap3A_972, %swap3A_973] : memref<128x16xi32, #tpu.memory_space<vmem>>, vector<128x1xi32>
    tpu.vector_store %arg5[%swap3A_972, %swap3A_973], %broadcast_in_dim3A_971 {strides = array<i32>} : memref<128x16xi32, #tpu.memory_space<vmem>>, vector<128x1xi32>,
    return
  }
  func.func @transform_0(%arg0: i32) -> (i32, i32) {
    %c0_i32 = arith.constant 0 : i32
    %c0_i32_0 = arith.constant 0 : i32
    return %arg0, %c0_i32 : i32, i32
  }
  func.func @transform_1(%arg0: i32) -> (i32, i32) {
    %c0_i32 = arith.constant 0 : i32
    %c0_i32_0 = arith.constant 0 : i32
    return %arg0, %c0_i32 : i32, i32
  }
  func.func @transform_2(%arg0: i32) -> (i32, i32, i32) {
    %c0_i32 = arith.constant 0 : i32
    %c0_i32_0 = arith.constant 0 : i32
    %c0_i32_1 = arith.constant 0 : i32
    %c0_i32_2 = arith.constant 0 : i32
    return %c0_i32, %c0_i32_0, %c0_i32_1 : i32, i32, i32
  }
  func.func @transform_3(%arg0: i32) -> (i32, i32, i32) {
    %c0_i32 = arith.constant 0 : i32
    %c0_i32_0 = arith.constant 0 : i32
    %c0_i32_1 = arith.constant 0 : i32
    %c0_i32_2 = arith.constant 0 : i32
    return %c0_i32, %c0_i32_0, %c0_i32_1 : i32, i32, i32
  }
  func.func @transform_4(%arg0: i32) -> (i32, i32) {
    %c0_i32 = arith.constant 0 : i32
    %c0_i32_0 = arith.constant 0 : i32
    return %arg0, %c0_i32 : i32, i32
  }
}

module attributes {stable_mosaic.version = 14 : i64} {
  func.func @_mm_stats_body(%arg0: i32, %arg1: memref<512x256xf32, #tpu.memory_space<vmem>>, %arg2: memref<256x256xf32, #tpu.memory_space<vmem>>, %arg3: memref<512x256xf32, #tpu.memory_space<vmem>>, %arg4: memref<8x256xf32, #tpu.memory_space<vmem>>) attributes {dimension_semantics = [#tpu.dimension_semantics<arbitrary>], iteration_bounds = array<i64: 32>, scalar_prefetch = 0 : i64, scratch_operands = 0 : i64, tpu.core_type = #tpu.core_type<tc>, window_params = [{transform_indices = @transform_0, window_bounds = array<i64: 512, 256>}, {pipeline_mode = #tpu.pipeline_mode<synchronous>, transform_indices = @transform_1, window_bounds = array<i64: 256, 256>}, {transform_indices = @transform_2, window_bounds = array<i64: 512, 256>}, {pipeline_mode = #tpu.pipeline_mode<synchronous>, transform_indices = @transform_3, window_bounds = array<i64: 8, 256>}]} {
    %get3A = arith.constant 0 : index
    %get3A_0 = arith.constant 0 : index
    %get3A_1 = vector.load %arg1[%get3A, %get3A_0] : memref<512x256xf32, #tpu.memory_space<vmem>>, vector<512x256xf32>
    %get3A_2 = arith.constant 0 : index
    %get3A_3 = arith.constant 0 : index
    %get3A_4 = vector.load %arg2[%get3A_2, %get3A_3] : memref<256x256xf32, #tpu.memory_space<vmem>>, vector<256x256xf32>
    %dot_general3A = arith.constant dense<0.000000e+00> : vector<512x256xf32>
    %dot_general3A_5 = tpu.matmul %get3A_1, %get3A_4, %dot_general3A {dimension_numbers = #tpu.dot_dimension_numbers<[1], [0], [0], [1], [0, 0, 1, 1], [], []>, transpose_lhs_hint = false} : vector<512x256xf32>, vector<256x256xf32>, vector<512x256xf32> -> vector<512x256xf32>
    %swap3A = arith.constant 0 : index
    %swap3A_6 = arith.constant 0 : index
    %swap3A_7 = vector.load %arg3[%swap3A, %swap3A_6] : memref<512x256xf32, #tpu.memory_space<vmem>>, vector<512x256xf32>
    tpu.vector_store %arg3[%swap3A, %swap3A_6], %dot_general3A_5 {strides = array<i32>} : memref<512x256xf32, #tpu.memory_space<vmem>>, vector<512x256xf32>,
    %eq3A = arith.constant 0 : i32
    %eq3A_8 = arith.cmpi eq, %arg0, %eq3A : i32
    %convert_element_type3A = arith.extui %eq3A_8 : i1 to i32
    %cond3A = arith.constant 0 : i32
    %cond3A_9 = arith.cmpi ne, %convert_element_type3A, %cond3A : i32
    scf.if %cond3A_9 {
      %broadcast_in_dim3A_27 = arith.constant 0.000000e+00 : f32
      %broadcast_in_dim3A_28 = vector.broadcast %broadcast_in_dim3A_27 : f32 to vector<8x256xf32>
      %swap3A_29 = arith.constant 0 : index
      %swap3A_30 = arith.constant 0 : index
      %swap3A_31 = vector.load %arg4[%swap3A_29, %swap3A_30] : memref<8x256xf32, #tpu.memory_space<vmem>>, vector<8x256xf32>
      tpu.vector_store %arg4[%swap3A_29, %swap3A_30], %broadcast_in_dim3A_28 {strides = array<i32>} : memref<8x256xf32, #tpu.memory_space<vmem>>, vector<8x256xf32>,
    } else {
    }
    %get3A_10 = arith.constant 0 : index
    %get3A_11 = arith.constant 0 : index
    %get3A_12 = vector.load %arg4[%get3A_10, %get3A_11] : memref<8x256xf32, #tpu.memory_space<vmem>>, vector<1x256xf32>
    %reduce_sum3A = arith.constant dense<0.000000e+00> : vector<256xf32>
    %reduce_sum3A_13 = vector.multi_reduction <add>, %dot_general3A_5, %reduce_sum3A [0] : vector<512x256xf32> to vector<256xf32>
    %broadcast_in_dim3A = vector.shape_cast %reduce_sum3A_13 : vector<256xf32> to vector<1x256xf32>
    %add3A = arith.addf %get3A_12, %broadcast_in_dim3A : vector<1x256xf32>
    %swap3A_14 = arith.constant 0 : index
    %swap3A_15 = arith.constant 0 : index
    %swap3A_16 = vector.load %arg4[%swap3A_14, %swap3A_15] : memref<8x256xf32, #tpu.memory_space<vmem>>, vector<1x256xf32>
    tpu.vector_store %arg4[%swap3A_14, %swap3A_15], %add3A {strides = array<i32>} : memref<8x256xf32, #tpu.memory_space<vmem>>, vector<1x256xf32>,
    %get3A_17 = arith.constant 1 : index
    %get3A_18 = arith.constant 0 : index
    %get3A_19 = vector.load %arg4[%get3A_17, %get3A_18] : memref<8x256xf32, #tpu.memory_space<vmem>>, vector<1x256xf32>
    %mul3A = arith.mulf %dot_general3A_5, %dot_general3A_5 : vector<512x256xf32>
    %reduce_sum3A_20 = arith.constant dense<0.000000e+00> : vector<256xf32>
    %reduce_sum3A_21 = vector.multi_reduction <add>, %mul3A, %reduce_sum3A_20 [0] : vector<512x256xf32> to vector<256xf32>
    %broadcast_in_dim3A_22 = vector.shape_cast %reduce_sum3A_21 : vector<256xf32> to vector<1x256xf32>
    %add3A_23 = arith.addf %get3A_19, %broadcast_in_dim3A_22 : vector<1x256xf32>
    %swap3A_24 = arith.constant 1 : index
    %swap3A_25 = arith.constant 0 : index
    %swap3A_26 = vector.load %arg4[%swap3A_24, %swap3A_25] : memref<8x256xf32, #tpu.memory_space<vmem>>, vector<1x256xf32>
    tpu.vector_store %arg4[%swap3A_24, %swap3A_25], %add3A_23 {strides = array<i32>} : memref<8x256xf32, #tpu.memory_space<vmem>>, vector<1x256xf32>,
    return
  }
  func.func @transform_0(%arg0: i32) -> (i32, i32) {
    %c0_i32 = arith.constant 0 : i32
    %c0_i32_0 = arith.constant 0 : i32
    return %arg0, %c0_i32 : i32, i32
  }
  func.func @transform_1(%arg0: i32) -> (i32, i32) {
    %c0_i32 = arith.constant 0 : i32
    %c0_i32_0 = arith.constant 0 : i32
    %c0_i32_1 = arith.constant 0 : i32
    return %c0_i32, %c0_i32_0 : i32, i32
  }
  func.func @transform_2(%arg0: i32) -> (i32, i32) {
    %c0_i32 = arith.constant 0 : i32
    %c0_i32_0 = arith.constant 0 : i32
    return %arg0, %c0_i32 : i32, i32
  }
  func.func @transform_3(%arg0: i32) -> (i32, i32) {
    %c0_i32 = arith.constant 0 : i32
    %c0_i32_0 = arith.constant 0 : i32
    %c0_i32_1 = arith.constant 0 : i32
    return %c0_i32, %c0_i32_0 : i32, i32
  }
}

module attributes {stable_mosaic.version = 14 : i64} {
  func.func @_bn_mm_stats_body(%arg0: i32, %arg1: memref<512x256xf32, #tpu.memory_space<vmem>>, %arg2: memref<8x256xf32, #tpu.memory_space<vmem>>, %arg3: memref<1x256xf32, #tpu.memory_space<vmem>>, %arg4: memref<1x256xf32, #tpu.memory_space<vmem>>, %arg5: memref<256x256xf32, #tpu.memory_space<vmem>>, %arg6: memref<512x256xf32, #tpu.memory_space<vmem>>, %arg7: memref<8x256xf32, #tpu.memory_space<vmem>>) attributes {dimension_semantics = [#tpu.dimension_semantics<arbitrary>], iteration_bounds = array<i64: 32>, scalar_prefetch = 0 : i64, scratch_operands = 0 : i64, tpu.core_type = #tpu.core_type<tc>, window_params = [{transform_indices = @transform_0, window_bounds = array<i64: 512, 256>}, {pipeline_mode = #tpu.pipeline_mode<synchronous>, transform_indices = @transform_1, window_bounds = array<i64: 8, 256>}, {pipeline_mode = #tpu.pipeline_mode<synchronous>, transform_indices = @transform_2, window_bounds = array<i64: 1, 256>}, {pipeline_mode = #tpu.pipeline_mode<synchronous>, transform_indices = @transform_3, window_bounds = array<i64: 1, 256>}, {pipeline_mode = #tpu.pipeline_mode<synchronous>, transform_indices = @transform_4, window_bounds = array<i64: 256, 256>}, {transform_indices = @transform_5, window_bounds = array<i64: 512, 256>}, {pipeline_mode = #tpu.pipeline_mode<synchronous>, transform_indices = @transform_6, window_bounds = array<i64: 8, 256>}]} {
    %get3A = arith.constant 0 : index
    %get3A_0 = arith.constant 0 : index
    %get3A_1 = vector.load %arg1[%get3A, %get3A_0] : memref<512x256xf32, #tpu.memory_space<vmem>>, vector<512x256xf32>
    %get3A_2 = arith.constant 0 : index
    %get3A_3 = arith.constant 0 : index
    %get3A_4 = vector.load %arg2[%get3A_2, %get3A_3] : memref<8x256xf32, #tpu.memory_space<vmem>>, vector<1x256xf32>
    %mul3A = arith.constant 6.10351563E-5 : f32
    %mul3A_5 = vector.broadcast %mul3A : f32 to vector<1x256xf32>
    %mul3A_6 = arith.mulf %get3A_4, %mul3A_5 : vector<1x256xf32>
    %get3A_7 = arith.constant 1 : index
    %get3A_8 = arith.constant 0 : index
    %get3A_9 = vector.load %arg2[%get3A_7, %get3A_8] : memref<8x256xf32, #tpu.memory_space<vmem>>, vector<1x256xf32>
    %mul3A_10 = arith.constant 6.10351563E-5 : f32
    %mul3A_11 = vector.broadcast %mul3A_10 : f32 to vector<1x256xf32>
    %mul3A_12 = arith.mulf %get3A_9, %mul3A_11 : vector<1x256xf32>
    %mul3A_13 = arith.mulf %mul3A_6, %mul3A_6 : vector<1x256xf32>
    %sub3A = arith.subf %mul3A_12, %mul3A_13 : vector<1x256xf32>
    %add3A = arith.constant 9.99999974E-6 : f32
    %add3A_14 = vector.broadcast %add3A : f32 to vector<1x256xf32>
    %add3A_15 = arith.addf %sub3A, %add3A_14 : vector<1x256xf32>
    %sqrt3A = math.sqrt %add3A_15 : vector<1x256xf32>
    %div3A = arith.constant 1.000000e+00 : f32
    %div3A_16 = vector.broadcast %div3A : f32 to vector<1x256xf32>
    %div3A_17 = arith.divf %div3A_16, %sqrt3A : vector<1x256xf32>
    %sub3A_18 = vector.broadcast %mul3A_6 : vector<1x256xf32> to vector<512x256xf32>
    %sub3A_19 = arith.subf %get3A_1, %sub3A_18 : vector<512x256xf32>
    %mul3A_20 = vector.broadcast %div3A_17 : vector<1x256xf32> to vector<512x256xf32>
    %mul3A_21 = arith.mulf %sub3A_19, %mul3A_20 : vector<512x256xf32>
    %get3A_22 = arith.constant 0 : index
    %get3A_23 = arith.constant 0 : index
    %get3A_24 = vector.load %arg3[%get3A_22, %get3A_23] : memref<1x256xf32, #tpu.memory_space<vmem>>, vector<1x256xf32>
    %mul3A_25 = vector.broadcast %get3A_24 : vector<1x256xf32> to vector<512x256xf32>
    %mul3A_26 = arith.mulf %mul3A_21, %mul3A_25 : vector<512x256xf32>
    %get3A_27 = arith.constant 0 : index
    %get3A_28 = arith.constant 0 : index
    %get3A_29 = vector.load %arg4[%get3A_27, %get3A_28] : memref<1x256xf32, #tpu.memory_space<vmem>>, vector<1x256xf32>
    %add3A_30 = vector.broadcast %get3A_29 : vector<1x256xf32> to vector<512x256xf32>
    %add3A_31 = arith.addf %mul3A_26, %add3A_30 : vector<512x256xf32>
    %max3A = arith.constant 0.000000e+00 : f32
    %max3A_32 = vector.broadcast %max3A : f32 to vector<512x256xf32>
    %max3A_33 = arith.maximumf %add3A_31, %max3A_32 : vector<512x256xf32>
    %get3A_34 = arith.constant 0 : index
    %get3A_35 = arith.constant 0 : index
    %get3A_36 = vector.load %arg5[%get3A_34, %get3A_35] : memref<256x256xf32, #tpu.memory_space<vmem>>, vector<256x256xf32>
    %dot_general3A = arith.constant dense<0.000000e+00> : vector<512x256xf32>
    %dot_general3A_37 = tpu.matmul %max3A_33, %get3A_36, %dot_general3A {dimension_numbers = #tpu.dot_dimension_numbers<[1], [0], [0], [1], [0, 0, 1, 1], [], []>, transpose_lhs_hint = false} : vector<512x256xf32>, vector<256x256xf32>, vector<512x256xf32> -> vector<512x256xf32>
    %swap3A = arith.constant 0 : index
    %swap3A_38 = arith.constant 0 : index
    %swap3A_39 = vector.load %arg6[%swap3A, %swap3A_38] : memref<512x256xf32, #tpu.memory_space<vmem>>, vector<512x256xf32>
    tpu.vector_store %arg6[%swap3A, %swap3A_38], %dot_general3A_37 {strides = array<i32>} : memref<512x256xf32, #tpu.memory_space<vmem>>, vector<512x256xf32>,
    %eq3A = arith.constant 0 : i32
    %eq3A_40 = arith.cmpi eq, %arg0, %eq3A : i32
    %convert_element_type3A = arith.extui %eq3A_40 : i1 to i32
    %cond3A = arith.constant 0 : i32
    %cond3A_41 = arith.cmpi ne, %convert_element_type3A, %cond3A : i32
    scf.if %cond3A_41 {
      %broadcast_in_dim3A_61 = arith.constant 0.000000e+00 : f32
      %broadcast_in_dim3A_62 = vector.broadcast %broadcast_in_dim3A_61 : f32 to vector<8x256xf32>
      %swap3A_63 = arith.constant 0 : index
      %swap3A_64 = arith.constant 0 : index
      %swap3A_65 = vector.load %arg7[%swap3A_63, %swap3A_64] : memref<8x256xf32, #tpu.memory_space<vmem>>, vector<8x256xf32>
      tpu.vector_store %arg7[%swap3A_63, %swap3A_64], %broadcast_in_dim3A_62 {strides = array<i32>} : memref<8x256xf32, #tpu.memory_space<vmem>>, vector<8x256xf32>,
    } else {
    }
    %get3A_42 = arith.constant 0 : index
    %get3A_43 = arith.constant 0 : index
    %get3A_44 = vector.load %arg7[%get3A_42, %get3A_43] : memref<8x256xf32, #tpu.memory_space<vmem>>, vector<1x256xf32>
    %reduce_sum3A = arith.constant dense<0.000000e+00> : vector<256xf32>
    %reduce_sum3A_45 = vector.multi_reduction <add>, %dot_general3A_37, %reduce_sum3A [0] : vector<512x256xf32> to vector<256xf32>
    %broadcast_in_dim3A = vector.shape_cast %reduce_sum3A_45 : vector<256xf32> to vector<1x256xf32>
    %add3A_46 = arith.addf %get3A_44, %broadcast_in_dim3A : vector<1x256xf32>
    %swap3A_47 = arith.constant 0 : index
    %swap3A_48 = arith.constant 0 : index
    %swap3A_49 = vector.load %arg7[%swap3A_47, %swap3A_48] : memref<8x256xf32, #tpu.memory_space<vmem>>, vector<1x256xf32>
    tpu.vector_store %arg7[%swap3A_47, %swap3A_48], %add3A_46 {strides = array<i32>} : memref<8x256xf32, #tpu.memory_space<vmem>>, vector<1x256xf32>,
    %get3A_50 = arith.constant 1 : index
    %get3A_51 = arith.constant 0 : index
    %get3A_52 = vector.load %arg7[%get3A_50, %get3A_51] : memref<8x256xf32, #tpu.memory_space<vmem>>, vector<1x256xf32>
    %mul3A_53 = arith.mulf %dot_general3A_37, %dot_general3A_37 : vector<512x256xf32>
    %reduce_sum3A_54 = arith.constant dense<0.000000e+00> : vector<256xf32>
    %reduce_sum3A_55 = vector.multi_reduction <add>, %mul3A_53, %reduce_sum3A_54 [0] : vector<512x256xf32> to vector<256xf32>
    %broadcast_in_dim3A_56 = vector.shape_cast %reduce_sum3A_55 : vector<256xf32> to vector<1x256xf32>
    %add3A_57 = arith.addf %get3A_52, %broadcast_in_dim3A_56 : vector<1x256xf32>
    %swap3A_58 = arith.constant 1 : index
    %swap3A_59 = arith.constant 0 : index
    %swap3A_60 = vector.load %arg7[%swap3A_58, %swap3A_59] : memref<8x256xf32, #tpu.memory_space<vmem>>, vector<1x256xf32>
    tpu.vector_store %arg7[%swap3A_58, %swap3A_59], %add3A_57 {strides = array<i32>} : memref<8x256xf32, #tpu.memory_space<vmem>>, vector<1x256xf32>,
    return
  }
  func.func @transform_0(%arg0: i32) -> (i32, i32) {
    %c0_i32 = arith.constant 0 : i32
    %c0_i32_0 = arith.constant 0 : i32
    return %arg0, %c0_i32 : i32, i32
  }
  func.func @transform_1(%arg0: i32) -> (i32, i32) {
    %c0_i32 = arith.constant 0 : i32
    %c0_i32_0 = arith.constant 0 : i32
    %c0_i32_1 = arith.constant 0 : i32
    return %c0_i32, %c0_i32_0 : i32, i32
  }
  func.func @transform_2(%arg0: i32) -> (i32, i32) {
    %c0_i32 = arith.constant 0 : i32
    %c0_i32_0 = arith.constant 0 : i32
    %c0_i32_1 = arith.constant 0 : i32
    return %c0_i32, %c0_i32_0 : i32, i32
  }
  func.func @transform_3(%arg0: i32) -> (i32, i32) {
    %c0_i32 = arith.constant 0 : i32
    %c0_i32_0 = arith.constant 0 : i32
    %c0_i32_1 = arith.constant 0 : i32
    return %c0_i32, %c0_i32_0 : i32, i32
  }
  func.func @transform_4(%arg0: i32) -> (i32, i32) {
    %c0_i32 = arith.constant 0 : i32
    %c0_i32_0 = arith.constant 0 : i32
    %c0_i32_1 = arith.constant 0 : i32
    return %c0_i32, %c0_i32_0 : i32, i32
  }
  func.func @transform_5(%arg0: i32) -> (i32, i32) {
    %c0_i32 = arith.constant 0 : i32
    %c0_i32_0 = arith.constant 0 : i32
    return %arg0, %c0_i32 : i32, i32
  }
  func.func @transform_6(%arg0: i32) -> (i32, i32) {
    %c0_i32 = arith.constant 0 : i32
    %c0_i32_0 = arith.constant 0 : i32
    %c0_i32_1 = arith.constant 0 : i32
    return %c0_i32, %c0_i32_0 : i32, i32
  }
}

module attributes {stable_mosaic.version = 14 : i64} {
  func.func @_bn_maxpool_body(%arg0: i32, %arg1: memref<1024x256xf32, #tpu.memory_space<vmem>>, %arg2: memref<8x256xf32, #tpu.memory_space<vmem>>, %arg3: memref<1x256xf32, #tpu.memory_space<vmem>>, %arg4: memref<1x256xf32, #tpu.memory_space<vmem>>, %arg5: memref<1024x256xf32, #tpu.memory_space<vmem>>) attributes {dimension_semantics = [#tpu.dimension_semantics<arbitrary>], iteration_bounds = array<i64: 16>, scalar_prefetch = 0 : i64, scratch_operands = 0 : i64, tpu.core_type = #tpu.core_type<tc>, window_params = [{transform_indices = @transform_0, window_bounds = array<i64: 1024, 256>}, {pipeline_mode = #tpu.pipeline_mode<synchronous>, transform_indices = @transform_1, window_bounds = array<i64: 8, 256>}, {pipeline_mode = #tpu.pipeline_mode<synchronous>, transform_indices = @transform_2, window_bounds = array<i64: 1, 256>}, {pipeline_mode = #tpu.pipeline_mode<synchronous>, transform_indices = @transform_3, window_bounds = array<i64: 1, 256>}, {pipeline_mode = #tpu.pipeline_mode<synchronous>, transform_indices = @transform_4, window_bounds = array<i64: 1024, 256>}]} {
    %get3A = arith.constant 0 : index
    %get3A_0 = arith.constant 0 : index
    %get3A_1 = vector.load %arg1[%get3A, %get3A_0] : memref<1024x256xf32, #tpu.memory_space<vmem>>, vector<1024x256xf32>
    %get3A_2 = arith.constant 0 : index
    %get3A_3 = arith.constant 0 : index
    %get3A_4 = vector.load %arg2[%get3A_2, %get3A_3] : memref<8x256xf32, #tpu.memory_space<vmem>>, vector<1x256xf32>
    %mul3A = arith.constant 6.10351563E-5 : f32
    %mul3A_5 = vector.broadcast %mul3A : f32 to vector<1x256xf32>
    %mul3A_6 = arith.mulf %get3A_4, %mul3A_5 : vector<1x256xf32>
    %get3A_7 = arith.constant 1 : index
    %get3A_8 = arith.constant 0 : index
    %get3A_9 = vector.load %arg2[%get3A_7, %get3A_8] : memref<8x256xf32, #tpu.memory_space<vmem>>, vector<1x256xf32>
    %mul3A_10 = arith.constant 6.10351563E-5 : f32
    %mul3A_11 = vector.broadcast %mul3A_10 : f32 to vector<1x256xf32>
    %mul3A_12 = arith.mulf %get3A_9, %mul3A_11 : vector<1x256xf32>
    %mul3A_13 = arith.mulf %mul3A_6, %mul3A_6 : vector<1x256xf32>
    %sub3A = arith.subf %mul3A_12, %mul3A_13 : vector<1x256xf32>
    %add3A = arith.constant 9.99999974E-6 : f32
    %add3A_14 = vector.broadcast %add3A : f32 to vector<1x256xf32>
    %add3A_15 = arith.addf %sub3A, %add3A_14 : vector<1x256xf32>
    %sqrt3A = math.sqrt %add3A_15 : vector<1x256xf32>
    %div3A = arith.constant 1.000000e+00 : f32
    %div3A_16 = vector.broadcast %div3A : f32 to vector<1x256xf32>
    %div3A_17 = arith.divf %div3A_16, %sqrt3A : vector<1x256xf32>
    %sub3A_18 = vector.broadcast %mul3A_6 : vector<1x256xf32> to vector<1024x256xf32>
    %sub3A_19 = arith.subf %get3A_1, %sub3A_18 : vector<1024x256xf32>
    %mul3A_20 = vector.broadcast %div3A_17 : vector<1x256xf32> to vector<1024x256xf32>
    %mul3A_21 = arith.mulf %sub3A_19, %mul3A_20 : vector<1024x256xf32>
    %get3A_22 = arith.constant 0 : index
    %get3A_23 = arith.constant 0 : index
    %get3A_24 = vector.load %arg3[%get3A_22, %get3A_23] : memref<1x256xf32, #tpu.memory_space<vmem>>, vector<1x256xf32>
    %mul3A_25 = vector.broadcast %get3A_24 : vector<1x256xf32> to vector<1024x256xf32>
    %mul3A_26 = arith.mulf %mul3A_21, %mul3A_25 : vector<1024x256xf32>
    %get3A_27 = arith.constant 0 : index
    %get3A_28 = arith.constant 0 : index
    %get3A_29 = vector.load %arg4[%get3A_27, %get3A_28] : memref<1x256xf32, #tpu.memory_space<vmem>>, vector<1x256xf32>
    %add3A_30 = vector.broadcast %get3A_29 : vector<1x256xf32> to vector<1024x256xf32>
    %add3A_31 = arith.addf %mul3A_26, %add3A_30 : vector<1024x256xf32>
    %max3A = arith.constant 0.000000e+00 : f32
    %max3A_32 = vector.broadcast %max3A : f32 to vector<1024x256xf32>
    %max3A_33 = arith.maximumf %add3A_31, %max3A_32 : vector<1024x256xf32>
    %eq3A = arith.constant 0 : i32
    %eq3A_34 = arith.cmpi eq, %arg0, %eq3A : i32
    %convert_element_type3A = arith.extui %eq3A_34 : i1 to i32
    %cond3A = arith.constant 0 : i32
    %cond3A_35 = arith.cmpi ne, %convert_element_type3A, %cond3A : i32
    scf.if %cond3A_35 {
      %swap3A = arith.constant 0 : index
      %swap3A_40 = arith.constant 0 : index
      %swap3A_41 = vector.load %arg5[%swap3A, %swap3A_40] : memref<1024x256xf32, #tpu.memory_space<vmem>>, vector<1024x256xf32>
      tpu.vector_store %arg5[%swap3A, %swap3A_40], %max3A_33 {strides = array<i32>} : memref<1024x256xf32, #tpu.memory_space<vmem>>, vector<1024x256xf32>,
    } else {
    }
    %gt3A = arith.constant 0 : i32
    %gt3A_36 = arith.cmpi sgt, %arg0, %gt3A : i32
    %convert_element_type3A_37 = arith.extui %gt3A_36 : i1 to i32
    %cond3A_38 = arith.constant 0 : i32
    %cond3A_39 = arith.cmpi ne, %convert_element_type3A_37, %cond3A_38 : i32
    scf.if %cond3A_39 {
      %get3A_40 = arith.constant 0 : index
      %get3A_41 = arith.constant 0 : index
      %get3A_42 = vector.load %arg5[%get3A_40, %get3A_41] : memref<1024x256xf32, #tpu.memory_space<vmem>>, vector<1024x256xf32>
      %max3A_43 = arith.maximumf %get3A_42, %max3A_33 : vector<1024x256xf32>
      %swap3A = arith.constant 0 : index
      %swap3A_44 = arith.constant 0 : index
      %swap3A_45 = vector.load %arg5[%swap3A, %swap3A_44] : memref<1024x256xf32, #tpu.memory_space<vmem>>, vector<1024x256xf32>
      tpu.vector_store %arg5[%swap3A, %swap3A_44], %max3A_43 {strides = array<i32>} : memref<1024x256xf32, #tpu.memory_space<vmem>>, vector<1024x256xf32>,
    } else {
    }
    return
  }
  func.func @transform_0(%arg0: i32) -> (i32, i32) {
    %c0_i32 = arith.constant 0 : i32
    %c0_i32_0 = arith.constant 0 : i32
    return %arg0, %c0_i32 : i32, i32
  }
  func.func @transform_1(%arg0: i32) -> (i32, i32) {
    %c0_i32 = arith.constant 0 : i32
    %c0_i32_0 = arith.constant 0 : i32
    %c0_i32_1 = arith.constant 0 : i32
    return %c0_i32, %c0_i32_0 : i32, i32
  }
  func.func @transform_2(%arg0: i32) -> (i32, i32) {
    %c0_i32 = arith.constant 0 : i32
    %c0_i32_0 = arith.constant 0 : i32
    %c0_i32_1 = arith.constant 0 : i32
    return %c0_i32, %c0_i32_0 : i32, i32
  }
  func.func @transform_3(%arg0: i32) -> (i32, i32) {
    %c0_i32 = arith.constant 0 : i32
    %c0_i32_0 = arith.constant 0 : i32
    %c0_i32_1 = arith.constant 0 : i32
    return %c0_i32, %c0_i32_0 : i32, i32
  }
  func.func @transform_4(%arg0: i32) -> (i32, i32) {
    %c0_i32 = arith.constant 0 : i32
    %c0_i32_0 = arith.constant 0 : i32
    %c0_i32_1 = arith.constant 0 : i32
    return %c0_i32, %c0_i32_0 : i32, i32
  }
}

</mosaic_0001>

<sc_bundles>
// kernel: kernel.8.cloned.1.call-start
scs
__scs_entry_jumppad:
0x0: {  	(pc) =	sbr.rel $0x88, $3  }
0x1: {  	(tag) =	ssettag $0x0;
	lr =	simm.s32 $0x1  }
0x2: {  	[smem:$0x3F99] =	sst lr;
	_ =	strace $0xD0000000  }
0x3: {  	_ = 	snop  }
0x4: {  	_ = 	snop  }
0x5: {  	_ = 	snop  }
0x6: {  	_ = 	snop  }
0x7: {  	_ = 	snop  }
__scs_overlays_trampoline_lowered:
0x8: {  	[smem:$0x3FA8] =	sst s0  }
0x9: {  	[smem:$0x3FA9] =	sst s1  }
0xa: {  	[smem:$0x3FAA] =	sst s2  }
0xb: {  	[smem:$0x3FAB] =	sst s3  }
0xc: {  	[smem:$0x3FAC] =	sst s4  }
0xd: {  	[smem:$0x3FAD] =	sst s5  }
0xe: {  	[smem:$0x3FAE] =	sst s6  }
0xf: {  	[smem:$0x3FAF] =	sst s7  }
0x10: {  	[smem:$0x3FB0] =	sst s8  }
0x11: {  	[smem:$0x3FB1] =	sst s9;
	s0 =	simm.s32 @!p0 $0x0  }
0x12: {  	s1 =	sld [smem:$0x3F97];
	s0 =	simm.s32 @p0 $0x1  }
0x13: {  	[smem:$0x3FB2] =	sst s0;
	s0 =	simm.s32 @!p1 $0x0  }
0x14: {  	s2 =	sld [smem:$0x3F96];
	s0 =	simm.s32 @p1 $0x1  }
0x15: {  	[smem:$0x3FB3] =	sst s0;
	s0 =	simm.s32 @!p2 $0x0  }
0x16: {  	s3 =	sld [smem:$0x3FDB];
	s0 =	simm.s32 @p2 $0x1  }
0x17: {  	s4 =	simm.s32 $0x1BF5;
	[smem:$0x3FB5] =	sst s0  }
0x18: {  	s0 =	sld [smem:$0x3F98];
	_ =	swait.ge [sflag:s4], $0x0  }
0x19: {  	s7 =	sld [smem:$0x3F99]  }
0x1a: {  	s8 =	sadd.s32 $0xFFFFE003, lr  }
0x1b: {  	s9 =	sadd.s32 $0xFFFFFEF7, lr;
	s5 =	simm.s32 $0xFFFFFFFF;
	p2 =	slt.u32 s8, $0xFFFFF086  }
0x1c: {  	p1 =	slt.u32 s9, $0xF7A;
	s5 =	simm.s32 @!p2 $0x0  }
0x1d: {  	s5 =	simm.s32 @p1 $0x1;
	p0 =	seq.s32 s7, s2  }
0x1e: {  	s7 =	smul.u32 @!p0 $0xF7A, s2;
	p2 =	seq.s32 @!p0 s5, $0x0  }
0x1f: {  	s9 =	smul.u32 $0xF7A, s1;
	s8 =	simm.s32 @!p0 $0x1BF5;
	p2 =	por !p2, p0  }
0x20: {  	[sflag:s8] =	ssyncset.s32 @!p0 $0xFFFFF086;
	s6 =	sadd.s32 @!p0 s3, s7;
	s7 =	simm.s32 @!p0 $0x108  }
0x21: {  	s3 =	sadd.s32 s3, s9;
	s6 =	sadd.s32 @!p0 $0x88, s6;
	s7 =	simm.s32 @p2 $0x1082  }
0x22: {  	[simem:s7], [sflag:s8] =	dma.local @!p0 [hbm:s6], $0xF7A  }
0x23: {  	s9 =	sor.u32 $0xD0000000, s2;
	s6 =	simm.s32 $0x108;
	_ =	swait.ge @!p0 [sflag:s8], $0x0  }
0x24: {  	s3 =	sadd.s32 $0x88, s3;
	s6 =	simm.s32 @!p1 $0x1082;
	[sflag:s4] =	ssyncset.s32 $0xFFFFF086  }
0x25: {  	[simem:s6], [sflag:s4] =	dma.local [hbm:s3], $0xF7A  }
0x26: {  	[smem:$0x3F99] =	sst s1;
	(tag) =	ssettag s2;
	_ =	strace s9  }
0x27: {  	s1 =	sld [smem:$0x3FA9]  }
0x28: {  	s2 =	sld [smem:$0x3FAA]  }
0x29: {  	s4 =	sld [smem:$0x3FAC]  }
0x2a: {  	p0 =	seq.s32 s5, $0x0;
	s5 =	sld [smem:$0x3FAD]  }
0x2b: {  	s6 =	sld [smem:$0x3FAE]  }
0x2c: {  	s7 =	sld [smem:$0x3FAF]  }
0x2d: {  	s3 =	simm.s32 $0x108;
	s8 =	sld [smem:$0x3FB0]  }
0x2e: {  	s3 =	simm.s32 @!p0 $0x1082;
	s9 =	sld [smem:$0x3FB1]  }
0x2f: {  	lr =	sadd.s32 s0, s3;
	s0 =	sld [smem:$0x3FA8]  }
0x30: {  	s3 =	sld [smem:$0x3FAB]  }
0x31: {  	[smem:$0x3FB4] =	sst s10  }
0x32: {  	s10 =	sld [smem:$0x3FB2];
	_ =	sdelay $0x3  }
0x33: {  	p0 =	seq.s32 s10, $0x1;
	s10 =	sld [smem:$0x3FB4];
	_ =	sdelay $0x3  }
0x34: {  	[smem:$0x3FB4] =	sst s10  }
0x35: {  	s10 =	sld [smem:$0x3FB3];
	_ =	sdelay $0x3  }
0x36: {  	p1 =	seq.s32 s10, $0x1;
	s10 =	sld [smem:$0x3FB4];
	_ =	sdelay $0x3  }
0x37: {  	[smem:$0x3FB4] =	sst s10  }
0x38: {  	s10 =	sld [smem:$0x3FB5]  }
0x39: {  	_ = 	snop;
	(pc) =	sbr.ind lr, $3  }
0x3a: {  	_ = 	snop  }
0x3b: {  	_ = 	snop  }
0x3c: {  	p2 =	seq.s32 s10, $0x1;
	s10 =	sld [smem:$0x3FB4]  }
0x3d: {  	_ =	shalt  }
0x3e: {  	_ =	shalt  }
0x3f: {  	_ =	shalt  }
0x40: {  	_ =	shalt  }
0x41: {  	_ =	shalt  }
0x42: {  	_ =	shalt  }
0x43: {  	_ =	shalt  }
0x44: {  	_ =	shalt  }
0x45: {  	_ =	shalt  }
0x46: {  	_ =	shalt  }
0x47: {  	_ =	shalt  }
0x48: {  	_ =	shalt  }
0x49: {  	_ =	shalt  }
0x4a: {  	_ =	shalt  }
0x4b: {  	_ =	shalt  }
0x4c: {  	_ =	shalt  }
0x4d: {  	_ =	shalt  }
0x4e: {  	_ =	shalt  }
0x4f: {  	_ =	shalt  }
0x50: {  	_ =	shalt  }
0x51: {  	_ =	shalt  }
0x52: {  	_ =	shalt  }
0x53: {  	_ =	shalt  }
0x54: {  	_ =	shalt  }
0x55: {  	_ =	shalt  }
0x56: {  	_ =	shalt  }
0x57: {  	_ =	shalt  }
0x58: {  	_ =	shalt  }
0x59: {  	_ =	shalt  }
0x5a: {  	_ =	shalt  }
0x5b: {  	_ =	shalt  }
0x5c: {  	_ =	shalt  }
0x5d: {  	_ =	shalt  }
0x5e: {  	_ =	shalt  }
0x5f: {  	_ =	shalt  }
0x60: {  	_ =	shalt  }
0x61: {  	_ =	shalt  }
0x62: {  	_ =	shalt  }
0x63: {  	_ =	shalt  }
0x64: {  	_ =	shalt  }
0x65: {  	_ =	shalt  }
0x66: {  	_ =	shalt  }
0x67: {  	_ =	shalt  }
0x68: {  	_ =	shalt  }
0x69: {  	_ =	shalt  }
0x6a: {  	_ =	shalt  }
0x6b: {  	_ =	shalt  }
0x6c: {  	_ =	shalt  }
0x6d: {  	_ =	shalt  }
0x6e: {  	_ =	shalt  }
0x6f: {  	_ =	shalt  }
0x70: {  	_ =	shalt  }
0x71: {  	_ =	shalt  }
0x72: {  	_ =	shalt  }
0x73: {  	_ =	shalt  }
0x74: {  	_ =	shalt  }
0x75: {  	_ =	shalt  }
0x76: {  	_ =	shalt  }
0x77: {  	_ =	shalt  }
0x78: {  	_ =	shalt  }
0x79: {  	_ =	shalt  }
0x7a: {  	_ =	shalt  }
0x7b: {  	_ =	shalt  }
0x7c: {  	_ =	shalt  }
0x7d: {  	_ =	shalt  }
0x7e: {  	_ =	shalt  }
0x7f: {  	_ =	shalt  }
0x80: {  	_ =	shalt  }
0x81: {  	_ =	shalt  }
0x82: {  	_ =	shalt  }
0x83: {  	_ =	shalt  }
0x84: {  	_ =	shalt  }
0x85: {  	_ =	shalt  }
0x86: {  	_ =	shalt  }
0x87: {  	_ =	shalt  }
.Lfunc_end0:
.L_simem_size_0:
called_computation_lowered:
.L_overlay_start_0:
0x88: {  	s2 =	sld [smem:$0x3FD9]  }
0x89: {  	s3 =	sld [smem:$0x3FFE];
	_ =	sdelay $0x1  }
0x8a: {  	s1 =	srdreg.scid  }
0x8b: {  	s0 =	sand.u32 $0x1, s1  }
0x8c: {  	s14 =	sshll.u32 s0, $0xA;
	s2 =	sadd.s32 s3, s2  }
0x8d: {  	s2 =	sadd.s32 s2, s14  }
0x8e: {  	[smem:$0x3FC0] =	sst s2  }
0x8f: {  	_ = 	snop  }
0x90: {  	s2 =	sld [smem:$0x3FD0];
	_ =	sdelay $0x2  }
0x91: {  	s4 =	simm.s32 $0xA;
	s5 =	simm.s32 $0x10;
	s15 =	sld [smem:$0x3FC8]  }
0x92: {  	[smem:s5], [sflag:s4] =	dma.local [hbm:s2], $0x1  }
0x93: {  	_ =	swait.eq [sflag:s4], $0x1  }
0x94: {  	[sflag:s4] =	ssyncset.done $0x0  }
0x95: {  	[sflag:s4] =	ssyncadd.s32 $0xFFFFFFFF  }
0x96: {  	s16 =	sld [smem:$0x11];
	(tm) =	ssettm $0x1  }
0x97: {  	s17 =	sld [smem:$0x3FFB];
	_ =	sdelay $0x3  }
0x98: {  	_ =	strace s17  }
0x99: {  	s4 =	sld [smem:$0x3FFC];
	_ =	sdelay $0x3  }
0x9a: {  	_ =	strace s4  }
0x9b: {  	s4 =	sld [smem:$0x3FFD];
	_ =	sdelay $0x3  }
0x9c: {  	_ =	strace s4  }
0x9d: {  	_ =	strace $0x8FFFFFFF  }
0x9e: {  	s18 =	sld [smem:$0x3FDB];
	_ =	sdelay $0x1  }
0x9f: {  	s19 =	simm.s32 $_scs_section_size  }
0xa0: {  	s6 =	simm.s32 $_size__tile_overlayer_lowered;
	s7 =	simm.s32 $_tile_overlayer_lowered  }
0xa1: {  	s22 =	simm.s32 $0x1BFF;
	s21 =	sshll.u32 s7, $0x1;
	s4 =	sadd.s32 s19, s18  }
0xa2: {  	s8 =	simm.s32 $0x0;
	s20 =	sshll.u32 s6, $0x1;
	s6 =	sadd.s32 s21, s4  }
0xa3: {  	[timem:s8], [sflag:s22] =	dma.local [hbm:s6], s20  }
0xa4: {  	_ =	swait.ge [sflag:s22], s20  }
0xa5: {  	s5 =	ssub.s32 $0x0, s20;
	[sflag:s22] =	ssyncset.done $0x0  }
0xa6: {  	[sflag:s22] =	ssyncadd.s32 s5;
	_ =	sdelay $0x1  }
0xa7: {  	s23 =	simm.s32 $0x1B8B  }
0xa8: {  	_ =	swait.ge [sflag:s23], $0x1  }
0xa9: {  	[sflag:s23] =	ssyncset.done $0x0  }
0xaa: {  	s25 =	simm.s32 $0x1B8E;
	s24 =	sld [smem:$0x3FFE];
	[sflag:s23] =	ssyncadd.s32 $0xFFFFFFFF  }
0xab: {  	s26 =	simm.s32 $execute0_lowered;
	[smem:$0x3FD2] =	sst s25  }
0xac: {  	s6 =	sshll.u32 s26, $0x1;
	_ =	strace $0x80000046;
	[dreg:$0x1] =	wrdreg $0xFFFFFFFF  }
0xad: {  	s28 =	simm.s32 $_size_execute0_lowered;
	s4 =	sadd.s32 s4, s6;
	[dreg:$0x0] =	wrdreg $0x0  }
0xae: {  	s6 =	sshll.u32 s28, $0x1;
	[dreg:$0x2] =	wrdreg s4  }
0xaf: {  	[dreg:$0x3] =	wrdreg s6  }
0xb0: {  	[dreg:$0x4] =	wrdreg $0xC0  }
0xb1: {  	_ =	task [dreg:s8], $0x5FFFF  }
0xb2: {  	[dreg:$0x1] =	wrdreg $0xFFFFFFFF  }
0xb3: {  	[dreg:$0x0] =	wrdreg $0x60  }
0xb4: {  	[dreg:$0x2] =	wrdreg s15  }
0xb5: {  	[dreg:$0x3] =	wrdreg s16  }
0xb6: {  	[dreg:$0x4] =	wrdreg s24  }
0xb7: {  	[dreg:$0x5] =	wrdreg $0x9  }
0xb8: {  	_ =	task.clear_ibuf [dreg:s8], $0x6FFFF;
	_ =	strace $0x90000046  }
0xb9: {  	s29 =	simm.s32 $0x9;
	_ =	strace $0x80000048  }
0xba: {  	_ =	swait.ge [sflag:s29], $0x1  }
0xbb: {  	[sflag:s29] =	ssyncadd.s32 $0xFFFFFFFF  }
0xbc: {  	_ =	strace $0x90000048  }
0xbd: {  	_ =	sfence  }
0xbe: {  	s30 =	sld [smem:$0x0];
	_ =	sdelay $0x2  }
0xbf: {  	s31 =	sshll.u32 s1, $0xD;
	s1 =	sshrl.u32 s1, $0x2  }
0xc0: {  	s3 =	sand.u32 $0x4000, s31;
	s1 =	sadd.s32 s1, s30  }
0xc1: {  	s0 =	sor.u32 s3, s0;
	s1 =	sshll.u32 s1, $0x11  }
0xc2: {  	s0 =	sor.u32 s1, s0  }
0xc3: {  	s0 =	sadd.s32 $0x8F2B, s0  }
0xc4: {  	[sflag:s0] =	ssyncadd.remote.s32 $0x1  }
0xc5: {  	_ =	sfence.sel $0xFFFF  }
0xc6: {  	[dreg:$0x0] =	wrdreg $0xFFFFFFFF;
	(pc) =	sbr.abs _section_cstart, $3  }
0xc7: {  	[dreg:$0x1] =	wrdreg $0xFFFFFFFF  }
0xc8: {  	_ =	task.clear_ibuf [dreg:s8], $0x2FFFF;
	_ =	strace $0x9FFFFFFF  }
0xc9: {  	(tm) =	ssettm $0x7FFFFFFF  }
tec
execute0_lowered:
.L_overlay_start_1:
0x0: {  	(tag) =	ssettag $0x1  }
0x1: {  	s1 =	rddreg [dreg:$0x0]  }
0x2: {  	s10 =	rddreg [dreg:$0x1]  }
0x3: {  	s4 =	rddreg [dreg:$0x2]  }
0x4: {  	s0 =	rddreg [dreg:$0x3]  }
0x5: {  	s3 =	simm.s32 $0x0;
	s5 =	srdreg.scid;
	s2 =	stileid.u32  }
0x6: {  	s15 =	simm.s32 $0x880;
	s16 =	simm.s32 $0x1080;
	s17 =	simm.s32 $0x1880  }
0x7: {  	s18 =	simm.s32 $0x2080;
	s19 =	simm.s32 $0x2880;
	s20 =	simm.s32 $0x3080  }
0x8: {  	s28 =	simm.s32 $0x6880;
	s29 =	simm.s32 $0x7080;
	s30 =	simm.s32 $0x7880  }
0x9: {  	s31 =	simm.s32 $0x1;
	[smem:$0x7FF] =	sst s3;
	s5 =	sand.u32 $0x1, s5  }
0xa: {  	s7 =	sshll.u32 s2, $0xA;
	s6 =	ssub.s32 $0x2, s5;
	s5 =	sshll.u32 s5, $0x9  }
0xb: {  	s11 =	sadd.s32 $0x1400, s4;
	s21 =	sshrl.u32 s6, $0x1;
	s9 =	sor.u32 s5, s7  }
0xc: {  	_ =	strace $0x80000047;
	s12 =	ssub.s32 s6, s21;
	s22 =	sshrl.u32 s9, $0x3  }
0xd: {  	s5 =	sshll.u32 s9, $0x5;
	s23 =	sor.u32 $0x80, s9;
	s13 =	sor.u32 $0x100, s9  }
0xe: {  	s14 =	sor.u32 $0x180, s9;
	s21 =	simm.s32 $0x3880;
	s4 =	sadd.s32 s10, s22  }
0xf: {  	s5 =	sadd.s32 s11, s5;
	s24 =	sshrl.u32 s23, $0x3;
	s8 =	sshll.u32 s23, $0x5  }
0x10: {  	s25 =	sshrl.u32 s13, $0x3;
	s13 =	sshll.u32 s13, $0x5;
	s26 =	sshrl.u32 s14, $0x3  }
0x11: {  	s14 =	sshll.u32 s14, $0x5;
	s12 =	smax.u32 s12, $0x1;
	s22 =	simm.s32 $0x4080  }
0x12: {  	s23 =	simm.s32 $0x4880;
	s6 =	sadd.s32 s10, s24;
	s7 =	sadd.s32 s11, s8  }
0x13: {  	v2 =	vlaneseq.u32;
	s8 =	sadd.s32 s10, s25;
	s9 =	sadd.s32 s11, s13;
	s10 =	sadd.s32 s10, s26  }
0x14: {  	vm0 =	vmmov $0xffff;
	v1 =	vshrl.u32 v2, $0x3;
	s11 =	sadd.s32 s11, s14;
	s13 =	simm.s32 $0x2;
	s14 =	simm.s32 $0x80  }
0x15: {  	v0 =	vand.u32 $0x7, v2;
	v2 =	vor.u32 $0x8, v2;
	v1 =	vmul.u32 $0x8, v1;
	s24 =	simm.s32 $0x5080;
	s25 =	simm.s32 $0x5880;
	s26 =	simm.s32 $0x6080  }
.LBB2_1:
0x16: {  	[tilespmem:s3], [sflag:$0x2] =	stream.linear.gather [hbm4b:s4+s3], $0x80, $0x38;
	[tilespmem:$0x8080] =	vst v63  }
0x17: {  	_ =	swait.ge [sflag:s13], $0x80  }
0x18: {  	[sflag:s13] =	ssyncset.done $0x0  }
0x19: {  	[sflag:s13] =	ssyncadd.s32 $0xFFFFFF80  }
0x1a: {  	v3 =	vld [tilespmem:$0x0];
	_ =	sdelay $0x4  }
0x1b: {  	v4 =	vshll.u32 v3, $0x1  }
0x1c: {  	v3 =	vand.u32 $0x7, v3;
	v4 =	vand.u32 $0xFFFFFFF0, v4  }
0x1d: {  	v3 =	vor.u32 v3, v4  }
0x1e: {  	v4 =	vperm.xlane v3, v0;
	_ =	sdelay $0x1  }
0x1f: {  	v3 =	vperm.xlane v3, v2;
	v4 =	vadd.s32 v1, v4;
	_ =	sdelay $0x1  }
0x20: {  	v3 =	vadd.s32 v1, v3;
	_ =	sdelay $0x2  }
0x21: {  	[tilespmem:s14], [sflag:$0x1] =	stream.indirect_vreg.gather [hbm4b:s1+s3], $0x80, v4, vm0, $0xb8;
	[tilespmem:$0x8080] =	vst v63  }
0x22: {  	_ = 	snop  }
0x23: {  	[tilespmem:s15], [sflag:$0x1] =	stream.indirect_vreg.gather [hbm4b:s1+s3], $0x80, v3, vm0, $0xb8;
	[tilespmem:$0x8080] =	vst v63  }
0x24: {  	v3 =	vld [tilespmem:$0x10];
	_ =	sdelay $0x4  }
0x25: {  	v33 =	vshll.u32 v3, $0x1  }
0x26: {  	v3 =	vand.u32 $0x7, v3;
	v4 =	vand.u32 $0xFFFFFFF0, v33  }
0x27: {  	v3 =	vor.u32 v3, v4  }
0x28: {  	v4 =	vperm.xlane v3, v0;
	_ =	sdelay $0x1  }
0x29: {  	v3 =	vperm.xlane v3, v2;
	v4 =	vadd.s32 v1, v4;
	_ =	sdelay $0x1  }
0x2a: {  	v3 =	vadd.s32 v1, v3;
	_ =	sdelay $0x2  }
0x2b: {  	[tilespmem:s16], [sflag:$0x1] =	stream.indirect_vreg.gather [hbm4b:s1+s3], $0x80, v4, vm0, $0xb8;
	[tilespmem:$0x8080] =	vst v63  }
0x2c: {  	_ = 	snop  }
0x2d: {  	[tilespmem:s17], [sflag:$0x1] =	stream.indirect_vreg.gather [hbm4b:s1+s3], $0x80, v3, vm0, $0xb8;
	[tilespmem:$0x8080] =	vst v63  }
0x2e: {  	v3 =	vld [tilespmem:$0x20];
	_ =	sdelay $0x4  }
0x2f: {  	v34 =	vshll.u32 v3, $0x1  }
0x30: {  	v3 =	vand.u32 $0x7, v3;
	v4 =	vand.u32 $0xFFFFFFF0, v34  }
0x31: {  	v3 =	vor.u32 v3, v4  }
0x32: {  	v4 =	vperm.xlane v3, v0;
	_ =	sdelay $0x1  }
0x33: {  	v3 =	vperm.xlane v3, v2;
	v4 =	vadd.s32 v1, v4;
	_ =	sdelay $0x1  }
0x34: {  	v3 =	vadd.s32 v1, v3;
	_ =	sdelay $0x2  }
0x35: {  	[tilespmem:s18], [sflag:$0x1] =	stream.indirect_vreg.gather [hbm4b:s1+s3], $0x80, v4, vm0, $0xb8;
	[tilespmem:$0x8080] =	vst v63  }
0x36: {  	_ = 	snop  }
0x37: {  	[tilespmem:s19], [sflag:$0x1] =	stream.indirect_vreg.gather [hbm4b:s1+s3], $0x80, v3, vm0, $0xb8;
	[tilespmem:$0x8080] =	vst v63  }
0x38: {  	v3 =	vld [tilespmem:$0x30];
	_ =	sdelay $0x4  }
0x39: {  	v35 =	vshll.u32 v3, $0x1  }
0x3a: {  	v3 =	vand.u32 $0x7, v3;
	v4 =	vand.u32 $0xFFFFFFF0, v35  }
0x3b: {  	v3 =	vor.u32 v3, v4  }
0x3c: {  	v4 =	vperm.xlane v3, v0;
	_ =	sdelay $0x1  }
0x3d: {  	v3 =	vperm.xlane v3, v2;
	v4 =	vadd.s32 v1, v4;
	_ =	sdelay $0x1  }
0x3e: {  	v3 =	vadd.s32 v1, v3;
	_ =	sdelay $0x2  }
0x3f: {  	[tilespmem:s20], [sflag:$0x1] =	stream.indirect_vreg.gather [hbm4b:s1+s3], $0x80, v4, vm0, $0xb8;
	[tilespmem:$0x8080] =	vst v63  }
0x40: {  	_ = 	snop  }
0x41: {  	[tilespmem:s21], [sflag:$0x1] =	stream.indirect_vreg.gather [hbm4b:s1+s3], $0x80, v3, vm0, $0xb8;
	[tilespmem:$0x8080] =	vst v63  }
0x42: {  	v3 =	vld [tilespmem:$0x40];
	_ =	sdelay $0x4  }
0x43: {  	v36 =	vshll.u32 v3, $0x1  }
0x44: {  	v3 =	vand.u32 $0x7, v3;
	v4 =	vand.u32 $0xFFFFFFF0, v36  }
0x45: {  	v3 =	vor.u32 v3, v4  }
0x46: {  	v4 =	vperm.xlane v3, v0;
	_ =	sdelay $0x1  }
0x47: {  	v3 =	vperm.xlane v3, v2;
	v4 =	vadd.s32 v1, v4;
	_ =	sdelay $0x1  }
0x48: {  	v3 =	vadd.s32 v1, v3;
	_ =	sdelay $0x2  }
0x49: {  	[tilespmem:s22], [sflag:$0x1] =	stream.indirect_vreg.gather [hbm4b:s1+s3], $0x80, v4, vm0, $0xb8;
	[tilespmem:$0x8080] =	vst v63  }
0x4a: {  	_ = 	snop  }
0x4b: {  	[tilespmem:s23], [sflag:$0x1] =	stream.indirect_vreg.gather [hbm4b:s1+s3], $0x80, v3, vm0, $0xb8;
	[tilespmem:$0x8080] =	vst v63  }
0x4c: {  	v3 =	vld [tilespmem:$0x50];
	_ =	sdelay $0x4  }
0x4d: {  	v37 =	vshll.u32 v3, $0x1  }
0x4e: {  	v3 =	vand.u32 $0x7, v3;
	v4 =	vand.u32 $0xFFFFFFF0, v37  }
0x4f: {  	v3 =	vor.u32 v3, v4  }
0x50: {  	v4 =	vperm.xlane v3, v0;
	_ =	sdelay $0x1  }
0x51: {  	v3 =	vperm.xlane v3, v2;
	v4 =	vadd.s32 v1, v4;
	_ =	sdelay $0x1  }
0x52: {  	v3 =	vadd.s32 v1, v3;
	_ =	sdelay $0x2  }
0x53: {  	[tilespmem:s24], [sflag:$0x1] =	stream.indirect_vreg.gather [hbm4b:s1+s3], $0x80, v4, vm0, $0xb8;
	[tilespmem:$0x8080] =	vst v63  }
0x54: {  	_ = 	snop  }
0x55: {  	[tilespmem:s25], [sflag:$0x1] =	stream.indirect_vreg.gather [hbm4b:s1+s3], $0x80, v3, vm0, $0xb8;
	[tilespmem:$0x8080] =	vst v63  }
0x56: {  	v3 =	vld [tilespmem:$0x60];
	_ =	sdelay $0x4  }
0x57: {  	v38 =	vshll.u32 v3, $0x1  }
0x58: {  	v3 =	vand.u32 $0x7, v3;
	v4 =	vand.u32 $0xFFFFFFF0, v38  }
0x59: {  	v3 =	vor.u32 v3, v4  }
0x5a: {  	v4 =	vperm.xlane v3, v0;
	_ =	sdelay $0x1  }
0x5b: {  	v3 =	vperm.xlane v3, v2;
	v4 =	vadd.s32 v1, v4;
	_ =	sdelay $0x1  }
0x5c: {  	v3 =	vadd.s32 v1, v3;
	_ =	sdelay $0x2  }
0x5d: {  	[tilespmem:s26], [sflag:$0x1] =	stream.indirect_vreg.gather [hbm4b:s1+s3], $0x80, v4, vm0, $0xb8;
	[tilespmem:$0x8080] =	vst v63  }
0x5e: {  	_ = 	snop  }
0x5f: {  	[tilespmem:s28], [sflag:$0x1] =	stream.indirect_vreg.gather [hbm4b:s1+s3], $0x80, v3, vm0, $0xb8;
	[tilespmem:$0x8080] =	vst v63  }
0x60: {  	v3 =	vld [tilespmem:$0x70];
	_ =	sdelay $0x4  }
0x61: {  	v39 =	vshll.u32 v3, $0x1  }
0x62: {  	v3 =	vand.u32 $0x7, v3;
	v4 =	vand.u32 $0xFFFFFFF0, v39  }
0x63: {  	v3 =	vor.u32 v3, v4  }
0x64: {  	v4 =	vperm.xlane v3, v0;
	_ =	sdelay $0x1  }
0x65: {  	v3 =	vperm.xlane v3, v2;
	v4 =	vadd.s32 v1, v4;
	_ =	sdelay $0x1  }
0x66: {  	v3 =	vadd.s32 v1, v3;
	_ =	sdelay $0x2  }
0x67: {  	[tilespmem:s29], [sflag:$0x1] =	stream.indirect_vreg.gather [hbm4b:s1+s3], $0x80, v4, vm0, $0xb8;
	[tilespmem:$0x8080] =	vst v63  }
0x68: {  	_ = 	snop  }
0x69: {  	[tilespmem:s30], [sflag:$0x1] =	stream.indirect_vreg.gather [hbm4b:s1+s3], $0x80, v3, vm0, $0xb8;
	[tilespmem:$0x8080] =	vst v63  }
0x6a: {  	_ =	swait.ge [sflag:s31], $0x8000  }
0x6b: {  	[sflag:s31] =	ssyncset.done $0x0  }
0x6c: {  	[sflag:s31] =	ssyncadd.s32 $0xFFFF8000  }
0x6d: {  	[hbm4b:s5+s3] =	stream.linear.scatter [tilespmem:s14], [sflag:$0x2], $0x8000, $0x38;
	[tilespmem:$0x8080] =	vst v63  }
0x6e: {  	_ =	swait.ge [sflag:s13], $0x8000  }
0x6f: {  	[sflag:s13] =	ssyncset.done $0x0  }
0x70: {  	[sflag:s13] =	ssyncadd.s32 $0xFFFF8000  }
0x71: {  	[tilespmem:s3], [sflag:$0x2] =	stream.linear.gather [hbm4b:s6+s3], $0x80, $0x38;
	[tilespmem:$0x8080] =	vst v63  }
0x72: {  	_ =	swait.ge [sflag:s13], $0x80  }
0x73: {  	[sflag:s13] =	ssyncset.done $0x0  }
0x74: {  	[sflag:s13] =	ssyncadd.s32 $0xFFFFFF80  }
0x75: {  	v3 =	vld [tilespmem:$0x0];
	_ =	sdelay $0x4  }
0x76: {  	v40 =	vshll.u32 v3, $0x1  }
0x77: {  	v3 =	vand.u32 $0x7, v3;
	v4 =	vand.u32 $0xFFFFFFF0, v40  }
0x78: {  	v3 =	vor.u32 v3, v4  }
0x79: {  	v4 =	vperm.xlane v3, v0;
	_ =	sdelay $0x1  }
0x7a: {  	v3 =	vperm.xlane v3, v2;
	v4 =	vadd.s32 v1, v4;
	_ =	sdelay $0x1  }
0x7b: {  	v3 =	vadd.s32 v1, v3;
	_ =	sdelay $0x2  }
0x7c: {  	[tilespmem:s14], [sflag:$0x1] =	stream.indirect_vreg.gather [hbm4b:s1+s3], $0x80, v4, vm0, $0xb8;
	[tilespmem:$0x8080] =	vst v63  }
0x7d: {  	_ = 	snop  }
0x7e: {  	[tilespmem:s15], [sflag:$0x1] =	stream.indirect_vreg.gather [hbm4b:s1+s3], $0x80, v3, vm0, $0xb8;
	[tilespmem:$0x8080] =	vst v63  }
0x7f: {  	v3 =	vld [tilespmem:$0x10];
	_ =	sdelay $0x4  }
0x80: {  	v41 =	vshll.u32 v3, $0x1  }
0x81: {  	v3 =	vand.u32 $0x7, v3;
	v4 =	vand.u32 $0xFFFFFFF0, v41  }
0x82: {  	v3 =	vor.u32 v3, v4  }
0x83: {  	v4 =	vperm.xlane v3, v0;
	_ =	sdelay $0x1  }
0x84: {  	v3 =	vperm.xlane v3, v2;
	v4 =	vadd.s32 v1, v4;
	_ =	sdelay $0x1  }
0x85: {  	v3 =	vadd.s32 v1, v3;
	_ =	sdelay $0x2  }
0x86: {  	[tilespmem:s16], [sflag:$0x1] =	stream.indirect_vreg.gather [hbm4b:s1+s3], $0x80, v4, vm0, $0xb8;
	[tilespmem:$0x8080] =	vst v63  }
0x87: {  	_ = 	snop  }
0x88: {  	[tilespmem:s17], [sflag:$0x1] =	stream.indirect_vreg.gather [hbm4b:s1+s3], $0x80, v3, vm0, $0xb8;
	[tilespmem:$0x8080] =	vst v63  }
0x89: {  	v3 =	vld [tilespmem:$0x20];
	_ =	sdelay $0x4  }
0x8a: {  	v42 =	vshll.u32 v3, $0x1  }
0x8b: {  	v3 =	vand.u32 $0x7, v3;
	v4 =	vand.u32 $0xFFFFFFF0, v42  }
0x8c: {  	v3 =	vor.u32 v3, v4  }
0x8d: {  	v4 =	vperm.xlane v3, v0;
	_ =	sdelay $0x1  }
0x8e: {  	v3 =	vperm.xlane v3, v2;
	v4 =	vadd.s32 v1, v4;
	_ =	sdelay $0x1  }
0x8f: {  	v3 =	vadd.s32 v1, v3;
	_ =	sdelay $0x2  }
0x90: {  	[tilespmem:s18], [sflag:$0x1] =	stream.indirect_vreg.gather [hbm4b:s1+s3], $0x80, v4, vm0, $0xb8;
	[tilespmem:$0x8080] =	vst v63  }
0x91: {  	_ = 	snop  }
0x92: {  	[tilespmem:s19], [sflag:$0x1] =	stream.indirect_vreg.gather [hbm4b:s1+s3], $0x80, v3, vm0, $0xb8;
	[tilespmem:$0x8080] =	vst v63  }
0x93: {  	v3 =	vld [tilespmem:$0x30];
	_ =	sdelay $0x4  }
0x94: {  	v43 =	vshll.u32 v3, $0x1  }
0x95: {  	v3 =	vand.u32 $0x7, v3;
	v4 =	vand.u32 $0xFFFFFFF0, v43  }
0x96: {  	v3 =	vor.u32 v3, v4  }
0x97: {  	v4 =	vperm.xlane v3, v0;
	_ =	sdelay $0x1  }
0x98: {  	v3 =	vperm.xlane v3, v2;
	v4 =	vadd.s32 v1, v4;
	_ =	sdelay $0x1  }
0x99: {  	v3 =	vadd.s32 v1, v3;
	_ =	sdelay $0x2  }
0x9a: {  	[tilespmem:s20], [sflag:$0x1] =	stream.indirect_vreg.gather [hbm4b:s1+s3], $0x80, v4, vm0, $0xb8;
	[tilespmem:$0x8080] =	vst v63  }
0x9b: {  	_ = 	snop  }
0x9c: {  	[tilespmem:s21], [sflag:$0x1] =	stream.indirect_vreg.gather [hbm4b:s1+s3], $0x80, v3, vm0, $0xb8;
	[tilespmem:$0x8080] =	vst v63  }
0x9d: {  	v3 =	vld [tilespmem:$0x40];
	_ =	sdelay $0x4  }
0x9e: {  	v44 =	vshll.u32 v3, $0x1  }
0x9f: {  	v3 =	vand.u32 $0x7, v3;
	v4 =	vand.u32 $0xFFFFFFF0, v44  }
0xa0: {  	v3 =	vor.u32 v3, v4  }
0xa1: {  	v4 =	vperm.xlane v3, v0;
	_ =	sdelay $0x1  }
0xa2: {  	v3 =	vperm.xlane v3, v2;
	v4 =	vadd.s32 v1, v4;
	_ =	sdelay $0x1  }
0xa3: {  	v3 =	vadd.s32 v1, v3;
	_ =	sdelay $0x2  }
0xa4: {  	[tilespmem:s22], [sflag:$0x1] =	stream.indirect_vreg.gather [hbm4b:s1+s3], $0x80, v4, vm0, $0xb8;
	[tilespmem:$0x8080] =	vst v63  }
0xa5: {  	_ = 	snop  }
0xa6: {  	[tilespmem:s23], [sflag:$0x1] =	stream.indirect_vreg.gather [hbm4b:s1+s3], $0x80, v3, vm0, $0xb8;
	[tilespmem:$0x8080] =	vst v63  }
0xa7: {  	v3 =	vld [tilespmem:$0x50];
	_ =	sdelay $0x4  }
0xa8: {  	v45 =	vshll.u32 v3, $0x1  }
0xa9: {  	v3 =	vand.u32 $0x7, v3;
	v4 =	vand.u32 $0xFFFFFFF0, v45  }
0xaa: {  	v3 =	vor.u32 v3, v4  }
0xab: {  	v4 =	vperm.xlane v3, v0;
	_ =	sdelay $0x1  }
0xac: {  	v3 =	vperm.xlane v3, v2;
	v4 =	vadd.s32 v1, v4;
	_ =	sdelay $0x1  }
0xad: {  	v3 =	vadd.s32 v1, v3;
	_ =	sdelay $0x2  }
0xae: {  	[tilespmem:s24], [sflag:$0x1] =	stream.indirect_vreg.gather [hbm4b:s1+s3], $0x80, v4, vm0, $0xb8;
	[tilespmem:$0x8080] =	vst v63  }
0xaf: {  	_ = 	snop  }
0xb0: {  	[tilespmem:s25], [sflag:$0x1] =	stream.indirect_vreg.gather [hbm4b:s1+s3], $0x80, v3, vm0, $0xb8;
	[tilespmem:$0x8080] =	vst v63  }
0xb1: {  	v3 =	vld [tilespmem:$0x60];
	_ =	sdelay $0x4  }
0xb2: {  	v46 =	vshll.u32 v3, $0x1  }
0xb3: {  	v3 =	vand.u32 $0x7, v3;
	v4 =	vand.u32 $0xFFFFFFF0, v46  }
0xb4: {  	v3 =	vor.u32 v3, v4  }
0xb5: {  	v4 =	vperm.xlane v3, v0;
	_ =	sdelay $0x1  }
0xb6: {  	v3 =	vperm.xlane v3, v2;
	v4 =	vadd.s32 v1, v4;
	_ =	sdelay $0x1  }
0xb7: {  	v3 =	vadd.s32 v1, v3;
	_ =	sdelay $0x2  }
0xb8: {  	[tilespmem:s26], [sflag:$0x1] =	stream.indirect_vreg.gather [hbm4b:s1+s3], $0x80, v4, vm0, $0xb8;
	[tilespmem:$0x8080] =	vst v63  }
0xb9: {  	_ = 	snop  }
0xba: {  	[tilespmem:s28], [sflag:$0x1] =	stream.indirect_vreg.gather [hbm4b:s1+s3], $0x80, v3, vm0, $0xb8;
	[tilespmem:$0x8080] =	vst v63  }
0xbb: {  	v3 =	vld [tilespmem:$0x70];
	_ =	sdelay $0x4  }
0xbc: {  	v47 =	vshll.u32 v3, $0x1  }
0xbd: {  	v3 =	vand.u32 $0x7, v3;
	v4 =	vand.u32 $0xFFFFFFF0, v47  }
0xbe: {  	v3 =	vor.u32 v3, v4  }
0xbf: {  	v4 =	vperm.xlane v3, v0;
	_ =	sdelay $0x1  }
0xc0: {  	v3 =	vperm.xlane v3, v2;
	v4 =	vadd.s32 v1, v4;
	_ =	sdelay $0x1  }
0xc1: {  	v3 =	vadd.s32 v1, v3;
	_ =	sdelay $0x2  }
0xc2: {  	[tilespmem:s29], [sflag:$0x1] =	stream.indirect_vreg.gather [hbm4b:s1+s3], $0x80, v4, vm0, $0xb8;
	[tilespmem:$0x8080] =	vst v63  }
0xc3: {  	_ = 	snop  }
0xc4: {  	[tilespmem:s30], [sflag:$0x1] =	stream.indirect_vreg.gather [hbm4b:s1+s3], $0x80, v3, vm0, $0xb8;
	[tilespmem:$0x8080] =	vst v63  }
0xc5: {  	_ =	swait.ge [sflag:s31], $0x8000  }
0xc6: {  	[sflag:s31] =	ssyncset.done $0x0  }
0xc7: {  	[sflag:s31] =	ssyncadd.s32 $0xFFFF8000  }
0xc8: {  	[hbm4b:s7+s3] =	stream.linear.scatter [tilespmem:s14], [sflag:$0x2], $0x8000, $0x38;
	[tilespmem:$0x8080] =	vst v63  }
0xc9: {  	_ =	swait.ge [sflag:s13], $0x8000  }
0xca: {  	[sflag:s13] =	ssyncset.done $0x0  }
0xcb: {  	[sflag:s13] =	ssyncadd.s32 $0xFFFF8000  }
0xcc: {  	[tilespmem:s3], [sflag:$0x2] =	stream.linear.gather [hbm4b:s8+s3], $0x80, $0x38;
	[tilespmem:$0x8080] =	vst v63  }
0xcd: {  	_ =	swait.ge [sflag:s13], $0x80  }
0xce: {  	[sflag:s13] =	ssyncset.done $0x0  }
0xcf: {  	[sflag:s13] =	ssyncadd.s32 $0xFFFFFF80  }
0xd0: {  	v3 =	vld [tilespmem:$0x0];
	_ =	sdelay $0x4  }
0xd1: {  	v48 =	vshll.u32 v3, $0x1  }
0xd2: {  	v3 =	vand.u32 $0x7, v3;
	v4 =	vand.u32 $0xFFFFFFF0, v48  }
0xd3: {  	v3 =	vor.u32 v3, v4  }
0xd4: {  	v4 =	vperm.xlane v3, v0;
	_ =	sdelay $0x1  }
0xd5: {  	v3 =	vperm.xlane v3, v2;
	v4 =	vadd.s32 v1, v4;
	_ =	sdelay $0x1  }
0xd6: {  	v3 =	vadd.s32 v1, v3;
	_ =	sdelay $0x2  }
0xd7: {  	[tilespmem:s14], [sflag:$0x1] =	stream.indirect_vreg.gather [hbm4b:s1+s3], $0x80, v4, vm0, $0xb8;
	[tilespmem:$0x8080] =	vst v63  }
0xd8: {  	_ = 	snop  }
0xd9: {  	[tilespmem:s15], [sflag:$0x1] =	stream.indirect_vreg.gather [hbm4b:s1+s3], $0x80, v3, vm0, $0xb8;
	[tilespmem:$0x8080] =	vst v63  }
0xda: {  	v3 =	vld [tilespmem:$0x10];
	_ =	sdelay $0x4  }
0xdb: {  	v49 =	vshll.u32 v3, $0x1  }
0xdc: {  	v3 =	vand.u32 $0x7, v3;
	v4 =	vand.u32 $0xFFFFFFF0, v49  }
0xdd: {  	v3 =	vor.u32 v3, v4  }
0xde: {  	v4 =	vperm.xlane v3, v0;
	_ =	sdelay $0x1  }
0xdf: {  	v3 =	vperm.xlane v3, v2;
	v4 =	vadd.s32 v1, v4;
	_ =	sdelay $0x1  }
0xe0: {  	v3 =	vadd.s32 v1, v3;
	_ =	sdelay $0x2  }
0xe1: {  	[tilespmem:s16], [sflag:$0x1] =	stream.indirect_vreg.gather [hbm4b:s1+s3], $0x80, v4, vm0, $0xb8;
	[tilespmem:$0x8080] =	vst v63  }
0xe2: {  	_ = 	snop  }
0xe3: {  	[tilespmem:s17], [sflag:$0x1] =	stream.indirect_vreg.gather [hbm4b:s1+s3], $0x80, v3, vm0, $0xb8;
	[tilespmem:$0x8080] =	vst v63  }
0xe4: {  	v3 =	vld [tilespmem:$0x20];
	_ =	sdelay $0x4  }
0xe5: {  	v50 =	vshll.u32 v3, $0x1  }
0xe6: {  	v3 =	vand.u32 $0x7, v3;
	v4 =	vand.u32 $0xFFFFFFF0, v50  }
0xe7: {  	v3 =	vor.u32 v3, v4  }
0xe8: {  	v4 =	vperm.xlane v3, v0;
	_ =	sdelay $0x1  }
0xe9: {  	v3 =	vperm.xlane v3, v2;
	v4 =	vadd.s32 v1, v4;
	_ =	sdelay $0x1  }
0xea: {  	v3 =	vadd.s32 v1, v3;
	_ =	sdelay $0x2  }
0xeb: {  	[tilespmem:s18], [sflag:$0x1] =	stream.indirect_vreg.gather [hbm4b:s1+s3], $0x80, v4, vm0, $0xb8;
	[tilespmem:$0x8080] =	vst v63  }
0xec: {  	_ = 	snop  }
0xed: {  	[tilespmem:s19], [sflag:$0x1] =	stream.indirect_vreg.gather [hbm4b:s1+s3], $0x80, v3, vm0, $0xb8;
	[tilespmem:$0x8080] =	vst v63  }
0xee: {  	v3 =	vld [tilespmem:$0x30];
	_ =	sdelay $0x4  }
0xef: {  	v51 =	vshll.u32 v3, $0x1  }
0xf0: {  	v3 =	vand.u32 $0x7, v3;
	v4 =	vand.u32 $0xFFFFFFF0, v51  }
0xf1: {  	v3 =	vor.u32 v3, v4  }
0xf2: {  	v4 =	vperm.xlane v3, v0;
	_ =	sdelay $0x1  }
0xf3: {  	v3 =	vperm.xlane v3, v2;
	v4 =	vadd.s32 v1, v4;
	_ =	sdelay $0x1  }
0xf4: {  	v3 =	vadd.s32 v1, v3;
	_ =	sdelay $0x2  }
0xf5: {  	[tilespmem:s20], [sflag:$0x1] =	stream.indirect_vreg.gather [hbm4b:s1+s3], $0x80, v4, vm0, $0xb8;
	[tilespmem:$0x8080] =	vst v63  }
0xf6: {  	_ = 	snop  }
0xf7: {  	[tilespmem:s21], [sflag:$0x1] =	stream.indirect_vreg.gather [hbm4b:s1+s3], $0x80, v3, vm0, $0xb8;
	[tilespmem:$0x8080] =	vst v63  }
0xf8: {  	v3 =	vld [tilespmem:$0x40];
	_ =	sdelay $0x4  }
0xf9: {  	v52 =	vshll.u32 v3, $0x1  }
0xfa: {  	v3 =	vand.u32 $0x7, v3;
	v4 =	vand.u32 $0xFFFFFFF0, v52  }
0xfb: {  	v3 =	vor.u32 v3, v4  }
0xfc: {  	v4 =	vperm.xlane v3, v0;
	_ =	sdelay $0x1  }
0xfd: {  	v3 =	vperm.xlane v3, v2;
	v4 =	vadd.s32 v1, v4;
	_ =	sdelay $0x1  }
0xfe: {  	v3 =	vadd.s32 v1, v3;
	_ =	sdelay $0x2  }
0xff: {  	[tilespmem:s22], [sflag:$0x1] =	stream.indirect_vreg.gather [hbm4b:s1+s3], $0x80, v4, vm0, $0xb8;
	[tilespmem:$0x8080] =	vst v63  }
0x100: {  	_ = 	snop  }
0x101: {  	[tilespmem:s23], [sflag:$0x1] =	stream.indirect_vreg.gather [hbm4b:s1+s3], $0x80, v3, vm0, $0xb8;
	[tilespmem:$0x8080] =	vst v63  }
0x102: {  	v3 =	vld [tilespmem:$0x50];
	_ =	sdelay $0x4  }
0x103: {  	v53 =	vshll.u32 v3, $0x1  }
0x104: {  	v3 =	vand.u32 $0x7, v3;
	v4 =	vand.u32 $0xFFFFFFF0, v53  }
0x105: {  	v3 =	vor.u32 v3, v4  }
0x106: {  	v4 =	vperm.xlane v3, v0;
	_ =	sdelay $0x1  }
0x107: {  	v3 =	vperm.xlane v3, v2;
	v4 =	vadd.s32 v1, v4;
	_ =	sdelay $0x1  }
0x108: {  	v3 =	vadd.s32 v1, v3;
	_ =	sdelay $0x2  }
0x109: {  	[tilespmem:s24], [sflag:$0x1] =	stream.indirect_vreg.gather [hbm4b:s1+s3], $0x80, v4, vm0, $0xb8;
	[tilespmem:$0x8080] =	vst v63  }
0x10a: {  	_ = 	snop  }
0x10b: {  	[tilespmem:s25], [sflag:$0x1] =	stream.indirect_vreg.gather [hbm4b:s1+s3], $0x80, v3, vm0, $0xb8;
	[tilespmem:$0x8080] =	vst v63  }
0x10c: {  	v3 =	vld [tilespmem:$0x60];
	_ =	sdelay $0x4  }
0x10d: {  	v54 =	vshll.u32 v3, $0x1  }
0x10e: {  	v3 =	vand.u32 $0x7, v3;
	v4 =	vand.u32 $0xFFFFFFF0, v54  }
0x10f: {  	v3 =	vor.u32 v3, v4  }
0x110: {  	v4 =	vperm.xlane v3, v0;
	_ =	sdelay $0x1  }
0x111: {  	v3 =	vperm.xlane v3, v2;
	v4 =	vadd.s32 v1, v4;
	_ =	sdelay $0x1  }
0x112: {  	v3 =	vadd.s32 v1, v3;
	_ =	sdelay $0x2  }
0x113: {  	[tilespmem:s26], [sflag:$0x1] =	stream.indirect_vreg.gather [hbm4b:s1+s3], $0x80, v4, vm0, $0xb8;
	[tilespmem:$0x8080] =	vst v63  }
0x114: {  	_ = 	snop  }
0x115: {  	[tilespmem:s28], [sflag:$0x1] =	stream.indirect_vreg.gather [hbm4b:s1+s3], $0x80, v3, vm0, $0xb8;
	[tilespmem:$0x8080] =	vst v63  }
0x116: {  	v3 =	vld [tilespmem:$0x70];
	_ =	sdelay $0x4  }
0x117: {  	v55 =	vshll.u32 v3, $0x1  }
0x118: {  	v3 =	vand.u32 $0x7, v3;
	v4 =	vand.u32 $0xFFFFFFF0, v55  }
0x119: {  	v3 =	vor.u32 v3, v4  }
0x11a: {  	v4 =	vperm.xlane v3, v0;
	_ =	sdelay $0x1  }
0x11b: {  	v3 =	vperm.xlane v3, v2;
	v4 =	vadd.s32 v1, v4;
	_ =	sdelay $0x1  }
0x11c: {  	v3 =	vadd.s32 v1, v3;
	_ =	sdelay $0x2  }
0x11d: {  	[tilespmem:s29], [sflag:$0x1] =	stream.indirect_vreg.gather [hbm4b:s1+s3], $0x80, v4, vm0, $0xb8;
	[tilespmem:$0x8080] =	vst v63  }
0x11e: {  	_ = 	snop  }
0x11f: {  	[tilespmem:s30], [sflag:$0x1] =	stream.indirect_vreg.gather [hbm4b:s1+s3], $0x80, v3, vm0, $0xb8;
	[tilespmem:$0x8080] =	vst v63  }
0x120: {  	_ =	swait.ge [sflag:s31], $0x8000  }
0x121: {  	[sflag:s31] =	ssyncset.done $0x0  }
0x122: {  	[sflag:s31] =	ssyncadd.s32 $0xFFFF8000  }
0x123: {  	[hbm4b:s9+s3] =	stream.linear.scatter [tilespmem:s14], [sflag:$0x2], $0x8000, $0x38;
	[tilespmem:$0x8080] =	vst v63  }
0x124: {  	_ =	swait.ge [sflag:s13], $0x8000  }
0x125: {  	[sflag:s13] =	ssyncset.done $0x0  }
0x126: {  	[sflag:s13] =	ssyncadd.s32 $0xFFFF8000  }
0x127: {  	[tilespmem:s3], [sflag:$0x2] =	stream.linear.gather [hbm4b:s10+s3], $0x80, $0x38;
	[tilespmem:$0x8080] =	vst v63  }
0x128: {  	_ =	swait.ge [sflag:s13], $0x80  }
0x129: {  	[sflag:s13] =	ssyncset.done $0x0  }
0x12a: {  	[sflag:s13] =	ssyncadd.s32 $0xFFFFFF80  }
0x12b: {  	v3 =	vld [tilespmem:$0x0];
	_ =	sdelay $0x4  }
0x12c: {  	v56 =	vshll.u32 v3, $0x1  }
0x12d: {  	v3 =	vand.u32 $0x7, v3;
	v4 =	vand.u32 $0xFFFFFFF0, v56  }
0x12e: {  	v3 =	vor.u32 v3, v4  }
0x12f: {  	v4 =	vperm.xlane v3, v0;
	_ =	sdelay $0x1  }
0x130: {  	v3 =	vperm.xlane v3, v2;
	v4 =	vadd.s32 v1, v4;
	_ =	sdelay $0x1  }
0x131: {  	v3 =	vadd.s32 v1, v3;
	_ =	sdelay $0x2  }
0x132: {  	[tilespmem:s14], [sflag:$0x1] =	stream.indirect_vreg.gather [hbm4b:s1+s3], $0x80, v4, vm0, $0xb8;
	[tilespmem:$0x8080] =	vst v63  }
0x133: {  	_ = 	snop  }
0x134: {  	[tilespmem:s15], [sflag:$0x1] =	stream.indirect_vreg.gather [hbm4b:s1+s3], $0x80, v3, vm0, $0xb8;
	[tilespmem:$0x8080] =	vst v63  }
0x135: {  	v3 =	vld [tilespmem:$0x10];
	_ =	sdelay $0x4  }
0x136: {  	v57 =	vshll.u32 v3, $0x1  }
0x137: {  	v3 =	vand.u32 $0x7, v3;
	v4 =	vand.u32 $0xFFFFFFF0, v57  }
0x138: {  	v3 =	vor.u32 v3, v4  }
0x139: {  	v4 =	vperm.xlane v3, v0;
	_ =	sdelay $0x1  }
0x13a: {  	v3 =	vperm.xlane v3, v2;
	v4 =	vadd.s32 v1, v4;
	_ =	sdelay $0x1  }
0x13b: {  	v3 =	vadd.s32 v1, v3;
	_ =	sdelay $0x2  }
0x13c: {  	[tilespmem:s16], [sflag:$0x1] =	stream.indirect_vreg.gather [hbm4b:s1+s3], $0x80, v4, vm0, $0xb8;
	[tilespmem:$0x8080] =	vst v63  }
0x13d: {  	_ = 	snop  }
0x13e: {  	[tilespmem:s17], [sflag:$0x1] =	stream.indirect_vreg.gather [hbm4b:s1+s3], $0x80, v3, vm0, $0xb8;
	[tilespmem:$0x8080] =	vst v63  }
0x13f: {  	v3 =	vld [tilespmem:$0x20];
	_ =	sdelay $0x4  }
0x140: {  	v58 =	vshll.u32 v3, $0x1  }
0x141: {  	v3 =	vand.u32 $0x7, v3;
	v4 =	vand.u32 $0xFFFFFFF0, v58  }
0x142: {  	v3 =	vor.u32 v3, v4  }
0x143: {  	v4 =	vperm.xlane v3, v0;
	_ =	sdelay $0x1  }
0x144: {  	v3 =	vperm.xlane v3, v2;
	v4 =	vadd.s32 v1, v4;
	_ =	sdelay $0x1  }
0x145: {  	v3 =	vadd.s32 v1, v3;
	_ =	sdelay $0x2  }
0x146: {  	[tilespmem:s18], [sflag:$0x1] =	stream.indirect_vreg.gather [hbm4b:s1+s3], $0x80, v4, vm0, $0xb8;
	[tilespmem:$0x8080] =	vst v63  }
0x147: {  	_ = 	snop  }
0x148: {  	[tilespmem:s19], [sflag:$0x1] =	stream.indirect_vreg.gather [hbm4b:s1+s3], $0x80, v3, vm0, $0xb8;
	[tilespmem:$0x8080] =	vst v63  }
0x149: {  	v3 =	vld [tilespmem:$0x30];
	_ =	sdelay $0x4  }
0x14a: {  	v59 =	vshll.u32 v3, $0x1  }
0x14b: {  	v3 =	vand.u32 $0x7, v3;
	v4 =	vand.u32 $0xFFFFFFF0, v59  }
0x14c: {  	v3 =	vor.u32 v3, v4  }
0x14d: {  	v4 =	vperm.xlane v3, v0;
	_ =	sdelay $0x1  }
0x14e: {  	v3 =	vperm.xlane v3, v2;
	v4 =	vadd.s32 v1, v4;
	_ =	sdelay $0x1  }
0x14f: {  	v3 =	vadd.s32 v1, v3;
	_ =	sdelay $0x2  }
0x150: {  	[tilespmem:s20], [sflag:$0x1] =	stream.indirect_vreg.gather [hbm4b:s1+s3], $0x80, v4, vm0, $0xb8;
	[tilespmem:$0x8080] =	vst v63  }
0x151: {  	_ = 	snop  }
0x152: {  	[tilespmem:s21], [sflag:$0x1] =	stream.indirect_vreg.gather [hbm4b:s1+s3], $0x80, v3, vm0, $0xb8;
	[tilespmem:$0x8080] =	vst v63  }
0x153: {  	v3 =	vld [tilespmem:$0x40];
	_ =	sdelay $0x4  }
0x154: {  	v60 =	vshll.u32 v3, $0x1  }
0x155: {  	v3 =	vand.u32 $0x7, v3;
	v4 =	vand.u32 $0xFFFFFFF0, v60  }
0x156: {  	v3 =	vor.u32 v3, v4  }
0x157: {  	v4 =	vperm.xlane v3, v0;
	_ =	sdelay $0x1  }
0x158: {  	v3 =	vperm.xlane v3, v2;
	v4 =	vadd.s32 v1, v4;
	_ =	sdelay $0x1  }
0x159: {  	v3 =	vadd.s32 v1, v3;
	_ =	sdelay $0x2  }
0x15a: {  	[tilespmem:s22], [sflag:$0x1] =	stream.indirect_vreg.gather [hbm4b:s1+s3], $0x80, v4, vm0, $0xb8;
	[tilespmem:$0x8080] =	vst v63  }
0x15b: {  	_ = 	snop  }
0x15c: {  	[tilespmem:s23], [sflag:$0x1] =	stream.indirect_vreg.gather [hbm4b:s1+s3], $0x80, v3, vm0, $0xb8;
	[tilespmem:$0x8080] =	vst v63  }
0x15d: {  	v3 =	vld [tilespmem:$0x50];
	_ =	sdelay $0x4  }
0x15e: {  	v61 =	vshll.u32 v3, $0x1  }
0x15f: {  	v3 =	vand.u32 $0x7, v3;
	v4 =	vand.u32 $0xFFFFFFF0, v61  }
0x160: {  	v3 =	vor.u32 v3, v4  }
0x161: {  	v4 =	vperm.xlane v3, v0;
	_ =	sdelay $0x1  }
0x162: {  	v3 =	vperm.xlane v3, v2;
	v4 =	vadd.s32 v1, v4;
	_ =	sdelay $0x1  }
0x163: {  	v3 =	vadd.s32 v1, v3;
	_ =	sdelay $0x2  }
0x164: {  	[tilespmem:s24], [sflag:$0x1] =	stream.indirect_vreg.gather [hbm4b:s1+s3], $0x80, v4, vm0, $0xb8;
	[tilespmem:$0x8080] =	vst v63  }
0x165: {  	_ = 	snop  }
0x166: {  	[tilespmem:s25], [sflag:$0x1] =	stream.indirect_vreg.gather [hbm4b:s1+s3], $0x80, v3, vm0, $0xb8;
	[tilespmem:$0x8080] =	vst v63  }
0x167: {  	v3 =	vld [tilespmem:$0x60];
	_ =	sdelay $0x4  }
0x168: {  	v62 =	vshll.u32 v3, $0x1  }
0x169: {  	v3 =	vand.u32 $0x7, v3;
	v4 =	vand.u32 $0xFFFFFFF0, v62  }
0x16a: {  	v3 =	vor.u32 v3, v4  }
0x16b: {  	v4 =	vperm.xlane v3, v0;
	_ =	sdelay $0x1  }
0x16c: {  	v3 =	vperm.xlane v3, v2;
	v4 =	vadd.s32 v1, v4;
	_ =	sdelay $0x1  }
0x16d: {  	v3 =	vadd.s32 v1, v3;
	_ =	sdelay $0x2  }
0x16e: {  	[tilespmem:s26], [sflag:$0x1] =	stream.indirect_vreg.gather [hbm4b:s1+s3], $0x80, v4, vm0, $0xb8;
	[tilespmem:$0x8080] =	vst v63  }
0x16f: {  	_ = 	snop  }
0x170: {  	[tilespmem:s28], [sflag:$0x1] =	stream.indirect_vreg.gather [hbm4b:s1+s3], $0x80, v3, vm0, $0xb8;
	[tilespmem:$0x8080] =	vst v63  }
0x171: {  	v3 =	vld [tilespmem:$0x70];
	_ =	sdelay $0x4  }
0x172: {  	v63 =	vshll.u32 v3, $0x1  }
0x173: {  	v3 =	vand.u32 $0x7, v3;
	v4 =	vand.u32 $0xFFFFFFF0, v63  }
0x174: {  	v3 =	vor.u32 v3, v4  }
0x175: {  	v4 =	vperm.xlane v3, v0;
	_ =	sdelay $0x1  }
0x176: {  	v3 =	vperm.xlane v3, v2;
	v4 =	vadd.s32 v1, v4;
	_ =	sdelay $0x1  }
0x177: {  	v3 =	vadd.s32 v1, v3;
	_ =	sdelay $0x2  }
0x178: {  	[tilespmem:s29], [sflag:$0x1] =	stream.indirect_vreg.gather [hbm4b:s1+s3], $0x80, v4, vm0, $0xb8;
	[tilespmem:$0x8080] =	vst v63  }
0x179: {  	_ = 	snop  }
0x17a: {  	[tilespmem:s30], [sflag:$0x1] =	stream.indirect_vreg.gather [hbm4b:s1+s3], $0x80, v3, vm0, $0xb8;
	[tilespmem:$0x8080] =	vst v63  }
0x17b: {  	_ =	swait.ge [sflag:s31], $0x8000  }
0x17c: {  	p0 =	sne.s32 s12, $0x1;
	[sflag:s31] =	ssyncset.done $0x0  }
.Ltmp0:
0x17d: {  	[sflag:s31] =	ssyncadd.s32 $0xFFFF8000;
	(pc) =	sbr.rel @p0 .LBB2_1-.Ltmp0, $4  }
0x17e: {  	[hbm4b:s11+s3] =	stream.linear.scatter [tilespmem:s14], [sflag:$0x2], $0x8000, $0x38;
	[tilespmem:$0x8080] =	vst v63  }
0x17f: {  	_ =	swait.ge [sflag:s13], $0x8000  }
0x180: {  	[sflag:s13] =	ssyncset.done $0x0  }
0x181: {  	s12 =	sadd.s32 $0xFFFFFFFF, s12;
	[sflag:s13] =	ssyncadd.s32 $0xFFFF8000  }
0x182: {  	_ =	sfence.sel $0x180000  }
0x183: {  	[bflag:$0x0] =	sbarrier.arrive $0xFFFF  }
0x184: {  	p0 =	sne.s32 s2, $0x0;
	_ =	strace $0x90000047  }
0x185: {  	s0 =	sadd.s32 @!p0 $0x100000, s0;
	[bflag:$0x2] =	sbarrier.arrive $0xFFFF  }
0x186: {  	[sflag:s0] =	ssyncadd.tile.s32 @!p0 $0x1;
	_ =	shalt  }
.Lfunc_end2:
_tile_overlayer_lowered:
.L_overlay_start_2:
0x187: {  	(tag) =	ssettag $0x2  }
0x188: {  	s0 =	rddreg [dreg:$0x0];
	s2 =	stileid.u32  }
0x189: {  	s1 =	rddreg [dreg:$0x1];
	p0 =	sne.s32 s2, $0x0  }
0x18a: {  	s3 =	rddreg [dreg:$0x2];
	[bflag:$0x3] =	sbarrier.arrive $0xFFFF;
	s2 =	simm.s32 @!p0 $0x1C02  }
0x18b: {  	[timem:s3], [sflag:s2] =	dma.local @!p0 [hbm:s0], s1  }
0x18c: {  	s0 =	simm.s32 @!p0 $0x2  }
0x18d: {  	_ =	swait.ge @!p0 [sflag:s0], s1  }
0x18e: {  	s1 =	ssub.s32 @!p0 $0x0, s1;
	[sflag:s0] =	ssyncset.done @!p0 $0x0  }
0x18f: {  	[sflag:s0] =	ssyncadd.s32 @!p0 s1  }
0x190: {  	[bflag:$0x3] =	sbarrier.arrive $0xFFFF  }
0x191: {  	_ =	shalt  }

</sc_bundles>
